<compile_context>
chip_gen: v7x
topology: tpu7x:2x2x1
jax: 0.10.2.dev20260603
libtpu: 0.0.44.dev20260713+nightly
codegen_flags: <defaults>
</compile_context>

<pallas_src>
import dataclasses
import functools

import jax
import jax.numpy as jnp
from jax import lax
from jax.experimental import pallas as pl
from jax.experimental.pallas import tpu as pltpu
from jax.experimental.pallas import tpu_sc as plsc

B, N, M, C = 4, 8192, 2048, 128
NS = 32
RADIUS2 = 0.2 * 0.2
NC, NSUB, L = 2, 16, 16
NTILE = NC * NSUB
QT = (B * M) // NTILE
TW = 384
CHUNK = 16
HITCAP = 32 + CHUNK * L


def _sc_compiler_params():
    cp = pltpu.CompilerParams()
    if "needs_layout_passes" in pltpu.CompilerParams.__dataclass_fields__:
        cp = dataclasses.replace(cp, needs_layout_passes=False)
    return cp


def _mlp_body(f_ref, x_ref, w1_ref, b1_ref, w2_ref, b2_ref, wx_ref, t_ref):
    f = f_ref[0]
    h = jnp.maximum(
        jnp.dot(f, w1_ref[...], preferred_element_type=jnp.float32,
                precision=lax.Precision.HIGHEST)
        + b1_ref[...], 0.0)
    h = jnp.maximum(
        jnp.dot(h, w2_ref[...], preferred_element_type=jnp.float32,
                precision=lax.Precision.HIGHEST)
        + b2_ref[...], 0.0)
    u = jnp.dot(x_ref[0], wx_ref[...], preferred_element_type=jnp.float32,
                precision=lax.Precision.HIGHEST)
    t_ref[0, :, :256] = h
    t_ref[0, :, 256:288] = u
    t_ref[0, :, 288:] = jnp.zeros_like(t_ref[0, :, 288:])


def _mlp_table(feats_t, xyz_pad, w1t, b1r, w2t, b2r, wxt):
    bn = 512
    return pl.pallas_call(
        _mlp_body,
        grid=(B, N // bn),
        in_specs=[
            pl.BlockSpec((1, bn, C), lambda b, i: (b, i, 0)),
            pl.BlockSpec((1, bn, 4), lambda b, i: (b, i, 0)),
            pl.BlockSpec((C, 256), lambda b, i: (0, 0)),
            pl.BlockSpec((1, 256), lambda b, i: (0, 0)),
            pl.BlockSpec((256, 256), lambda b, i: (0, 0)),
            pl.BlockSpec((1, 256), lambda b, i: (0, 0)),
            pl.BlockSpec((4, 32), lambda b, i: (0, 0)),
        ],
        out_specs=pl.BlockSpec((1, bn, TW), lambda b, i: (b, i, 0)),
        out_shape=jax.ShapeDtypeStruct((B, N, TW), jnp.float32),
    )(feats_t, xyz_pad, w1t, b1r, w2t, b2r, wxt)


def _bf16_rne(x):
    i = plsc.bitcast(x, jnp.int32)
    r = (i + jnp.int32(0x7FFF) + ((i >> 16) & 1)) & jnp.int32(-65536)
    return plsc.bitcast(r, jnp.float32)


def _newton_rsqrt(s):
    i = plsc.bitcast(s, jnp.int32)
    y = plsc.bitcast(jnp.int32(0x5F3759DF) - (i >> 1), jnp.float32)
    for _ in range(3):
        y = y * (1.5 - 0.5 * s * y * y)
    return y


def _ballq_body(xyz_hbm, new_hbm, idx_hbm, w_hbm,
                xv, yv, zv, xbv, ybv, zbv, x2v, qxv, qyv, qzv, ibuf,
                oidx, ow):
    wid = lax.axis_index("s") * NC + lax.axis_index("c")
    q0 = wid * QT
    b = q0 // M
    m0 = q0 - b * M
    pltpu.sync_copy(xyz_hbm.at[pl.ds((b * 3 + 0) * N, N)], xv)
    pltpu.sync_copy(xyz_hbm.at[pl.ds((b * 3 + 1) * N, N)], yv)
    pltpu.sync_copy(xyz_hbm.at[pl.ds((b * 3 + 2) * N, N)], zv)
    pltpu.sync_copy(new_hbm.at[pl.ds((b * 3 + 0) * M + m0, QT)], qxv)
    pltpu.sync_copy(new_hbm.at[pl.ds((b * 3 + 1) * M + m0, QT)], qyv)
    pltpu.sync_copy(new_hbm.at[pl.ds((b * 3 + 2) * M + m0, QT)], qzv)

    lane = lax.iota(jnp.int32, L)
    zeros16 = jnp.zeros((L,), jnp.int32)

    @pl.loop(0, N // L)
    def _pre(i):
        base = i * L
        x = xv[pl.ds(base, L)]
        y = yv[pl.ds(base, L)]
        z = zv[pl.ds(base, L)]
        xbv[pl.ds(base, L)] = _bf16_rne(x)
        ybv[pl.ds(base, L)] = _bf16_rne(y)
        zbv[pl.ds(base, L)] = _bf16_rne(z)
        x2v[pl.ds(base, L)] = x * x + y * y + z * z

    @pl.loop(0, QT)
    def _per_query(j):
        jj = jnp.full((L,), j, jnp.int32)
        qx = plsc.load_gather(qxv, [jj])
        qy = plsc.load_gather(qyv, [jj])
        qz = plsc.load_gather(qzv, [jj])
        q2 = qx * qx + qy * qy + qz * qz
        qxb = _bf16_rne(qx)
        qyb = _bf16_rne(qy)
        qzb = _bf16_rne(qz)

        def cond(carry):
            n, cnt = carry
            return (n < N) & jnp.all(cnt < NS)

        def body(carry):
            n, cnt = carry
            for v in range(CHUNK):
                base = n + v * L
                dot = qxb * xbv[pl.ds(base, L)] \
                    + qyb * ybv[pl.ds(base, L)] \
                    + qzb * zbv[pl.ds(base, L)]
                d2s = (q2 + x2v[pl.ds(base, L)]) - 2.0 * dot
                hit = d2s < RADIUS2
                pos = cnt + plsc.cumsum(hit.astype(jnp.int32)) - 1
                plsc.store_scatter(ibuf, [pos], base + lane, mask=hit)
                cnt = cnt + plsc.all_reduce_population_count(hit)
            return n + CHUNK * L, cnt

        _, cnt_vec = lax.while_loop(cond, body, (jnp.int32(0), zeros16))
        cnt = jnp.minimum(jnp.min(cnt_vec), NS)
        cntv = jnp.full((L,), cnt, jnp.int32)
        nonempty = cntv > 0
        dupf = (NS + 1 - cntv).astype(jnp.float32)
        first_i = plsc.load_gather(ibuf, [zeros16])
        first_i = jnp.where(nonempty, first_i, 0)
        rs_tot = jnp.zeros((L,), jnp.float32)
        halves = []
        for h in range(2):
            k = lane + h * L
            valid = k < cntv
            idx_h = jnp.where(valid, ibuf[pl.ds(h * L, L)], first_i)
            idx_h = jnp.where(nonempty, idx_h, 0)
            dx = plsc.load_gather(xv, [idx_h]) - qx
            dy = plsc.load_gather(yv, [idx_h]) - qy
            dz = plsc.load_gather(zv, [idx_h]) - qz
            d2_h = dx * dx + dy * dy + dz * dz
            t = _newton_rsqrt(d2_h + 1e-12)
            r = t / (1.0 + 1e-8 * t)
            idn = jnp.where((k >= 1) & valid, 1.0, dupf)
            r = r / idn
            rs_tot = rs_tot + r
            halves.append((idx_h, r))
        norm = jnp.sum(rs_tot)
        for h, (idx_h, r) in enumerate(halves):
            w = jnp.where(nonempty, r / norm, 0.0)
            oidx[pl.ds(j * NS + h * L, L)] = idx_h + b * N
            ow[pl.ds(j * NS + h * L, L)] = w

    pltpu.sync_copy(oidx, idx_hbm.at[pl.ds(q0 * NS, QT * NS)])
    pltpu.sync_copy(ow, w_hbm.at[pl.ds(q0 * NS, QT * NS)])


def _ballq(xyz_t, new_t):
    mesh = plsc.VectorSubcoreMesh(core_axis_name="c", subcore_axis_name="s")
    kern = pl.kernel(
        _ballq_body,
        out_type=(
            jax.ShapeDtypeStruct((B * M * NS,), jnp.int32),
            jax.ShapeDtypeStruct((B * M * NS,), jnp.float32),
        ),
        mesh=mesh,
        compiler_params=_sc_compiler_params(),
        scratch_types=[
            pltpu.VMEM((N,), jnp.float32),
            pltpu.VMEM((N,), jnp.float32),
            pltpu.VMEM((N,), jnp.float32),
            pltpu.VMEM((N,), jnp.float32),
            pltpu.VMEM((N,), jnp.float32),
            pltpu.VMEM((N,), jnp.float32),
            pltpu.VMEM((N,), jnp.float32),
            pltpu.VMEM((QT,), jnp.float32),
            pltpu.VMEM((QT,), jnp.float32),
            pltpu.VMEM((QT,), jnp.float32),
            pltpu.VMEM((HITCAP,), jnp.int32),
            pltpu.VMEM((QT * NS,), jnp.int32),
            pltpu.VMEM((QT * NS,), jnp.float32),
        ],
    )
    return kern(xyz_t, new_t)


NRING = 4
OB = 32


def _agg_body(t_hbm, idx_hbm, w_hbm, nfu_hbm, sidx, sw,
              hbuf0, hbuf1, hbuf2, hbuf3, obuf,
              sem0, sem1, sem2, sem3):
    wid = lax.axis_index("s") * NC + lax.axis_index("c")
    q0 = wid * QT
    pltpu.sync_copy(idx_hbm.at[pl.ds(q0 * NS, QT * NS)], sidx)
    pltpu.sync_copy(w_hbm.at[pl.ds(q0 * NS, QT * NS)], sw)

    hbufs = [hbuf0, hbuf1, hbuf2, hbuf3]
    sems = [sem0, sem1, sem2, sem3]
    for rb in range(NRING):
        pltpu.async_copy(t_hbm.at[sidx.at[pl.ds(rb * NS, NS)]],
                         hbufs[rb], sems[rb])

    @pl.loop(0, QT, step=NRING)
    def _quad(j0):
        for rb in range(NRING):
            j = j0 + rb
            pltpu.make_async_copy(t_hbm.at[pl.ds(0, NS)],
                                  hbufs[rb], sems[rb]).wait()
            hbuf = hbufs[rb]

            def nb(k, carry):
                accs, u0, u1 = carry
                wk = plsc.load_gather(
                    sw, [jnp.full((L,), j * NS + k, jnp.int32)])
                accs = tuple(
                    accs[c] + wk * hbuf[k, pl.ds(c * L, L)]
                    for c in range(16))
                u0 = jnp.maximum(u0, hbuf[k, pl.ds(256, L)])
                u1 = jnp.maximum(u1, hbuf[k, pl.ds(256 + L, L)])
                return accs, u0, u1

            accs, u0, u1 = lax.fori_loop(
                0, NS, nb,
                (tuple(jnp.zeros((L,), jnp.float32) for _ in range(16)),
                 jnp.full((L,), -jnp.inf, jnp.float32),
                 jnp.full((L,), -jnp.inf, jnp.float32)))
            o0 = (j & (OB - 1)) * 288
            for c in range(16):
                obuf[pl.ds(o0 + c * L, L)] = accs[c]
            obuf[pl.ds(o0 + 256, L)] = u0
            obuf[pl.ds(o0 + 256 + L, L)] = u1
            jn = jnp.minimum(j + NRING, QT - 1)
            pltpu.async_copy(t_hbm.at[sidx.at[pl.ds(jn * NS, NS)]],
                             hbufs[rb], sems[rb])

        @pl.when((j0 & (OB - 1)) == OB - NRING)
        def _flush():
            pltpu.sync_copy(
                obuf,
                nfu_hbm.at[pl.ds((q0 + j0 - (OB - NRING)) * 288, OB * 288)])

    for rb in range(NRING):
        pltpu.make_async_copy(t_hbm.at[pl.ds(0, NS)],
                              hbufs[rb], sems[rb]).wait()


def _aggregate(table, idxg, wsel):
    mesh = plsc.VectorSubcoreMesh(core_axis_name="c", subcore_axis_name="s")
    kern = pl.kernel(
        _agg_body,
        out_type=jax.ShapeDtypeStruct((B * M * 288,), jnp.float32),
        mesh=mesh,
        compiler_params=_sc_compiler_params(),
        scratch_types=[
            pltpu.VMEM((QT * NS,), jnp.int32),
            pltpu.VMEM((QT * NS,), jnp.float32),
            pltpu.VMEM((NS, TW), jnp.float32),
            pltpu.VMEM((NS, TW), jnp.float32),
            pltpu.VMEM((NS, TW), jnp.float32),
            pltpu.VMEM((NS, TW), jnp.float32),
            pltpu.VMEM((OB * 288,), jnp.float32),
            pltpu.SemaphoreType.DMA,
            pltpu.SemaphoreType.DMA,
            pltpu.SemaphoreType.DMA,
            pltpu.SemaphoreType.DMA,
        ],
    )
    return kern(table, idxg, wsel)


def _asm_body(nfu_ref, q_ref, wx_ref, bx_ref, o_ref):
    x = nfu_ref[0]
    v = bx_ref[...] - jnp.dot(q_ref[0], wx_ref[...],
                              preferred_element_type=jnp.float32,
                              precision=lax.Precision.HIGHEST)
    hx = jnp.maximum(x[:, 256:288] + v, 0.0)
    o_ref[0, :32, :] = hx.T
    o_ref[0, 32:, :] = x[:, :256].T


def _assemble(nfu, new_pad, wxt, bxr):
    bm = 512
    return pl.pallas_call(
        _asm_body,
        grid=(B, M // bm),
        in_specs=[
            pl.BlockSpec((1, bm, 288), lambda b, i: (b, i, 0)),
            pl.BlockSpec((1, bm, 4), lambda b, i: (b, i, 0)),
            pl.BlockSpec((4, 32), lambda b, i: (0, 0)),
            pl.BlockSpec((1, 32), lambda b, i: (0, 0)),
        ],
        out_specs=pl.BlockSpec((1, 288, bm), lambda b, i: (b, 0, i)),
        out_shape=jax.ShapeDtypeStruct((B, 288, M), jnp.float32),
    )(nfu, new_pad, wxt, bxr)


def kernel(xyz, new_xyz, features, W1, b1, W2, b2, Wxyz, bxyz):
    feats_t = features.transpose(0, 2, 1)
    xyz_pad = jnp.pad(xyz, ((0, 0), (0, 0), (0, 1)))
    new_pad = jnp.pad(new_xyz, ((0, 0), (0, 0), (0, 1)))
    xyz_t = xyz.transpose(0, 2, 1).reshape(-1)
    new_t = new_xyz.transpose(0, 2, 1).reshape(-1)
    wxt = jnp.pad(Wxyz.T, ((0, 1), (0, 0)))

    table = _mlp_table(feats_t, xyz_pad, W1.T, b1[None], W2.T, b2[None], wxt)
    idxg, wsel = _ballq(xyz_t, new_t)
    nfu = _aggregate(table.reshape(B * N, TW), idxg, wsel)
    out = _assemble(nfu.reshape(B, M, 288), new_pad, wxt, bxyz[None])
    return (new_xyz, out)

# --- scband reference (transcript-rebuilt; emitter-appended) ---
"""Pipeline reference for scband-grouper-dis-attention-89369679495205 (READ-ONLY COPY).

The authoritative reference and input builder live on the scoring server;
editing this copy changes nothing except your own understanding.
"""

import jax, jax.numpy as jnp
import numpy as np

RADIUS = 0.2
NSAMPLES = 32

def setup_inputs(seed: int = 0):
    key = jax.random.key(seed)
    ks = jax.random.split(key, 8)
    B, N, M, C = 4, 8192, 2048, 128
    xyz = jax.random.uniform(ks[0], (B, N, 3), dtype=jnp.float32)
    new_xyz = jax.random.uniform(ks[1], (B, M, 3), dtype=jnp.float32)
    features = jax.random.normal(ks[2], (B, C, N), dtype=jnp.float32)
    W1 = jax.random.normal(ks[3], (256, C), dtype=jnp.float32) * 0.05
    b1 = jnp.zeros((256,), jnp.float32)
    W2 = jax.random.normal(ks[4], (256, 256), dtype=jnp.float32) * 0.05
    b2 = jnp.zeros((256,), jnp.float32)
    Wxyz = jax.random.normal(ks[5], (32, 3), dtype=jnp.float32) * 0.05
    bxyz = jnp.zeros((32,), jnp.float32)
    return {"xyz": xyz, "new_xyz": new_xyz, "features": features, "W1": W1, "b1": b1, "W2": W2, "b2": b2, "Wxyz": Wxyz, "bxyz": bxyz}

def _ball_query(xyz, new_xyz, radius, nsamples):
    B, N, _ = xyz.shape
    x2 = jnp.sum(xyz * xyz, axis=-1)
    q2 = jnp.sum(new_xyz * new_xyz, axis=-1)
    d2 = q2[:, :, None] + x2[:, None, :] - 2.0 * jnp.einsum('bmd,bnd->bmn', new_xyz, xyz)
    within = d2 < radius * radius
    skey = jnp.where(within, jnp.arange(N)[None, None, :], N)
    skey = jnp.sort(skey, axis=-1)[:, :, :nsamples]
    cnt = jnp.minimum(jnp.sum(within, axis=-1), nsamples)
    valid_slot = skey < N
    first = jnp.where(skey[:, :, :1] >= N, 0, skey[:, :, :1])
    idx = jnp.where(valid_slot, skey, first)
    idx = jnp.where(cnt[:, :, None] > 0, idx, 0)
    karr = jnp.arange(nsamples)[None, None, :]
    dup = (nsamples - cnt + 1)[:, :, None]
    idn = jnp.where((karr >= 1) & (karr < cnt[:, :, None]), 1, dup)
    idn = jnp.where(cnt[:, :, None] > 0, idn, 0).astype(jnp.int32)
    return idx, idn

def _forward(idx, idn, xyz, new_xyz, features, W1, b1, W2, b2, Wxyz, bxyz):
    B = xyz.shape[0]
    bidx = jnp.arange(B)[:, None, None]
    grouped_xyz = xyz[bidx, idx] - new_xyz[:, :, None, :]
    feats = jnp.transpose(features, (0, 2, 1))
    grouped_feat = feats[bidx, idx]
    nf_xyz = jnp.transpose(grouped_xyz, (0, 3, 1, 2))
    nf = jnp.transpose(grouped_feat, (0, 3, 1, 2))
    idn_sum = jnp.sum(idn, axis=2)
    idn_mask = (idn_sum > 0)[:, :, None].astype(jnp.float32)
    _idn = jnp.where((idn_sum > 0)[:, :, None], idn, 1).astype(jnp.float32)[:, None, :, :]
    dist = jnp.sqrt(jnp.sum(nf_xyz * nf_xyz, axis=1, keepdims=True) + 1e-12)
    dist_recip = 1.0 / (dist + 1e-08)
    dist_recip = dist_recip / _idn
    norm = jnp.sum(dist_recip, axis=3, keepdims=True)
    weights = dist_recip / norm
    weights = weights * idn_mask[:, None, :, :]
    h = jax.nn.relu(jnp.einsum('oc,bcmn->bomn', W1, nf) + b1[None, :, None, None])
    h = jax.nn.relu(jnp.einsum('oc,bcmn->bomn', W2, h) + b2[None, :, None, None])
    nf = weights * h
    hx = jax.nn.relu(jnp.einsum('oc,bcmn->bomn', Wxyz, nf_xyz) + bxyz[None, :, None, None])
    hx = jnp.max(hx, axis=3, keepdims=True)
    nf = jnp.sum(nf, axis=3, keepdims=True)
    nf = jnp.squeeze(nf, axis=-1)
    hx = jnp.squeeze(hx, axis=-1)
    return jnp.concatenate([hx, nf], axis=1)

def reference(xyz, new_xyz, features, W1, b1, W2, b2, Wxyz, bxyz):
    idx, idn = _ball_query(xyz, new_xyz, RADIUS, NSAMPLES)
    out = _forward(idx, idn, xyz, new_xyz, features, W1, b1, W2, b2, Wxyz, bxyz)
    return (new_xyz, out)

if __name__ == "__main__":
    import jax
    _d = setup_inputs()
    print(jax.jit(kernel)(*tuple(_d.values())))

</pallas_src>

<mosaic_0001>
#map = affine_map<(d0, d1) -> (0, 0)>
#map1 = affine_map<(d0, d1) -> (0)>
module attributes {stable_mosaic.version = 14 : i64} {
  func.func @_agg_body(%arg0: i32, %arg1: i32, %arg2: memref<32768x384xf32, #tpu.memory_space<hbm>>, %arg3: memref<262144xi32, #tpu.memory_space<hbm>>, %arg4: memref<262144xf32, #tpu.memory_space<hbm>>, %arg5: memref<2359296xf32, #tpu.memory_space<hbm>>, %arg6: memref<8192xi32, #tpu.memory_space<vmem>>, %arg7: memref<8192xf32, #tpu.memory_space<vmem>>, %arg8: memref<32x384xf32, #tpu.memory_space<vmem>>, %arg9: memref<32x384xf32, #tpu.memory_space<vmem>>, %arg10: memref<32x384xf32, #tpu.memory_space<vmem>>, %arg11: memref<32x384xf32, #tpu.memory_space<vmem>>, %arg12: memref<9216xf32, #tpu.memory_space<vmem>>, %arg13: memref<!tpu.dma_semaphore, #tpu.memory_space<semaphore_mem>>, %arg14: memref<!tpu.dma_semaphore, #tpu.memory_space<semaphore_mem>>, %arg15: memref<!tpu.dma_semaphore, #tpu.memory_space<semaphore_mem>>, %arg16: memref<!tpu.dma_semaphore, #tpu.memory_space<semaphore_mem>>) attributes {dimension_semantics = [#tpu.dimension_semantics<core_parallel>, #tpu.dimension_semantics<subcore_parallel>], iteration_bounds = array<i64: 2, 16>, scalar_prefetch = 0 : i64, scratch_operands = 11 : i64, tpu.core_type = #tpu.core_type<sc_vector_subcore>, window_params = [{transform_indices = #map}, {transform_indices = #map1}, {transform_indices = #map1}, {transform_indices = #map1}]} {
    %mul3A = arith.constant 2 : i32
    %mul3A_0 = arith.muli %arg1, %mul3A : i32
    %add3A = arith.addi %mul3A_0, %arg0 : i32
    %mul3A_1 = arith.constant 256 : i32
    %mul3A_2 = arith.muli %add3A, %mul3A_1 : i32
    %mul3A_3 = arith.constant 32 : i32
    %mul3A_4 = arith.muli %mul3A_2, %mul3A_3 : i32
    "tpu.region"() ({
      %run_scoped3A = tpu.sem_alloc : memref<!tpu.dma_semaphore, #tpu.memory_space<semaphore_mem>>
      %dma_start3A_53 = tpu.memref_slice %arg3[%mul3A_4] : memref<262144xi32, #tpu.memory_space<hbm>> -> memref<8192xi32, #tpu.memory_space<hbm>>
      %dma_start3A_54 = tpu.memref_slice %arg3[%mul3A_4] : memref<262144xi32, #tpu.memory_space<hbm>> -> memref<8192xi32, #tpu.memory_space<hbm>>
      tpu.enqueue_dma source(%dma_start3A_54 : memref<8192xi32, #tpu.memory_space<hbm>>) target(%arg6 : memref<8192xi32, #tpu.memory_space<vmem>>) target_semaphore(%run_scoped3A : memref<!tpu.dma_semaphore, #tpu.memory_space<semaphore_mem>>)
      %dma_wait3A_55 = tpu.memref_slice %arg3[%mul3A_4] : memref<262144xi32, #tpu.memory_space<hbm>> -> memref<8192xi32, #tpu.memory_space<hbm>>
      %dma_wait3A_56 = tpu.memref_slice %arg3[%mul3A_4] : memref<262144xi32, #tpu.memory_space<hbm>> -> memref<8192xi32, #tpu.memory_space<hbm>>
      tpu.wait_dma2 semaphore(%run_scoped3A : memref<!tpu.dma_semaphore, #tpu.memory_space<semaphore_mem>>) src(%dma_wait3A_56 : memref<8192xi32, #tpu.memory_space<hbm>>) dst(%arg6 : memref<8192xi32, #tpu.memory_space<vmem>>)
      tpu.yield
    }) : () -> ()
    %mul3A_5 = arith.constant 32 : i32
    %mul3A_6 = arith.muli %mul3A_2, %mul3A_5 : i32
    "tpu.region"() ({
      %run_scoped3A = tpu.sem_alloc : memref<!tpu.dma_semaphore, #tpu.memory_space<semaphore_mem>>
      %dma_start3A_53 = tpu.memref_slice %arg4[%mul3A_6] : memref<262144xf32, #tpu.memory_space<hbm>> -> memref<8192xf32, #tpu.memory_space<hbm>>
      %dma_start3A_54 = tpu.memref_slice %arg4[%mul3A_6] : memref<262144xf32, #tpu.memory_space<hbm>> -> memref<8192xf32, #tpu.memory_space<hbm>>
      tpu.enqueue_dma source(%dma_start3A_54 : memref<8192xf32, #tpu.memory_space<hbm>>) target(%arg7 : memref<8192xf32, #tpu.memory_space<vmem>>) target_semaphore(%run_scoped3A : memref<!tpu.dma_semaphore, #tpu.memory_space<semaphore_mem>>)
      %dma_wait3A_55 = tpu.memref_slice %arg4[%mul3A_6] : memref<262144xf32, #tpu.memory_space<hbm>> -> memref<8192xf32, #tpu.memory_space<hbm>>
      %dma_wait3A_56 = tpu.memref_slice %arg4[%mul3A_6] : memref<262144xf32, #tpu.memory_space<hbm>> -> memref<8192xf32, #tpu.memory_space<hbm>>
      tpu.wait_dma2 semaphore(%run_scoped3A : memref<!tpu.dma_semaphore, #tpu.memory_space<semaphore_mem>>) src(%dma_wait3A_56 : memref<8192xf32, #tpu.memory_space<hbm>>) dst(%arg7 : memref<8192xf32, #tpu.memory_space<vmem>>)
      tpu.yield
    }) : () -> ()
    %dma_start3A = arith.constant 0 : i32
    %dma_start3A_7 = tpu.memref_slice %arg6[%dma_start3A] : memref<8192xi32, #tpu.memory_space<vmem>> -> memref<32xi32, #tpu.memory_space<vmem>>
    %dma_start3A_8 = arith.constant 0 : i32
    %dma_start3A_9 = arith.constant 0 : i32
    %dma_start3A_10 = tpu.memref_slice %arg2[%dma_start3A_8, %dma_start3A_9] : memref<32768x384xf32, #tpu.memory_space<hbm>> -> memref<32768x384xf32, #tpu.memory_space<hbm>>
    tpu.enqueue_indirect_dma source(%dma_start3A_10 : memref<32768x384xf32, #tpu.memory_space<hbm>>) target(%arg8 : memref<32x384xf32, #tpu.memory_space<vmem>>) offsets(%dma_start3A_7 : memref<32xi32, #tpu.memory_space<vmem>>) semaphore(%arg13 : memref<!tpu.dma_semaphore, #tpu.memory_space<semaphore_mem>>)
    %dma_start3A_11 = arith.constant 32 : i32
    %dma_start3A_12 = tpu.memref_slice %arg6[%dma_start3A_11] : memref<8192xi32, #tpu.memory_space<vmem>> -> memref<32xi32, #tpu.memory_space<vmem>>
    %dma_start3A_13 = arith.constant 0 : i32
    %dma_start3A_14 = arith.constant 0 : i32
    %dma_start3A_15 = tpu.memref_slice %arg2[%dma_start3A_13, %dma_start3A_14] : memref<32768x384xf32, #tpu.memory_space<hbm>> -> memref<32768x384xf32, #tpu.memory_space<hbm>>
    tpu.enqueue_indirect_dma source(%dma_start3A_15 : memref<32768x384xf32, #tpu.memory_space<hbm>>) target(%arg9 : memref<32x384xf32, #tpu.memory_space<vmem>>) offsets(%dma_start3A_12 : memref<32xi32, #tpu.memory_space<vmem>>) semaphore(%arg14 : memref<!tpu.dma_semaphore, #tpu.memory_space<semaphore_mem>>)
    %dma_start3A_16 = arith.constant 64 : i32
    %dma_start3A_17 = tpu.memref_slice %arg6[%dma_start3A_16] : memref<8192xi32, #tpu.memory_space<vmem>> -> memref<32xi32, #tpu.memory_space<vmem>>
    %dma_start3A_18 = arith.constant 0 : i32
    %dma_start3A_19 = arith.constant 0 : i32
    %dma_start3A_20 = tpu.memref_slice %arg2[%dma_start3A_18, %dma_start3A_19] : memref<32768x384xf32, #tpu.memory_space<hbm>> -> memref<32768x384xf32, #tpu.memory_space<hbm>>
    tpu.enqueue_indirect_dma source(%dma_start3A_20 : memref<32768x384xf32, #tpu.memory_space<hbm>>) target(%arg10 : memref<32x384xf32, #tpu.memory_space<vmem>>) offsets(%dma_start3A_17 : memref<32xi32, #tpu.memory_space<vmem>>) semaphore(%arg15 : memref<!tpu.dma_semaphore, #tpu.memory_space<semaphore_mem>>)
    %dma_start3A_21 = arith.constant 96 : i32
    %dma_start3A_22 = tpu.memref_slice %arg6[%dma_start3A_21] : memref<8192xi32, #tpu.memory_space<vmem>> -> memref<32xi32, #tpu.memory_space<vmem>>
    %dma_start3A_23 = arith.constant 0 : i32
    %dma_start3A_24 = arith.constant 0 : i32
    %dma_start3A_25 = tpu.memref_slice %arg2[%dma_start3A_23, %dma_start3A_24] : memref<32768x384xf32, #tpu.memory_space<hbm>> -> memref<32768x384xf32, #tpu.memory_space<hbm>>
    tpu.enqueue_indirect_dma source(%dma_start3A_25 : memref<32768x384xf32, #tpu.memory_space<hbm>>) target(%arg11 : memref<32x384xf32, #tpu.memory_space<vmem>>) offsets(%dma_start3A_22 : memref<32xi32, #tpu.memory_space<vmem>>) semaphore(%arg16 : memref<!tpu.dma_semaphore, #tpu.memory_space<semaphore_mem>>)
    %scan3A = arith.constant 0 : i32
    %scan3A_26 = arith.constant 64 : i32
    %scan3A_27 = arith.addi %scan3A, %scan3A_26 : i32
    %scan3A_28 = arith.constant 1 : i32
    scf.for %scan3A_53 = %scan3A to %scan3A_27 step %scan3A_28  : i32 {
      %mul3A_54 = arith.constant 4 : i32
      %mul3A_55 = arith.muli %scan3A_53, %mul3A_54 : i32
      %add3A_56 = arith.constant 0 : i32
      %add3A_57 = arith.addi %add3A_56, %mul3A_55 : i32
      %add3A_58 = arith.constant 0 : i32
      %add3A_59 = arith.addi %add3A_57, %add3A_58 : i32
      %dma_wait3A_60 = arith.constant 0 : i32
      %dma_wait3A_61 = arith.constant 0 : i32
      %dma_wait3A_62 = tpu.memref_slice %arg2[%dma_wait3A_60, %dma_wait3A_61] : memref<32768x384xf32, #tpu.memory_space<hbm>> -> memref<32x384xf32, #tpu.memory_space<hbm>>
      %dma_wait3A_63 = arith.constant 0 : i32
      %dma_wait3A_64 = arith.constant 0 : i32
      %dma_wait3A_65 = tpu.memref_slice %arg2[%dma_wait3A_63, %dma_wait3A_64] : memref<32768x384xf32, #tpu.memory_space<hbm>> -> memref<32x384xf32, #tpu.memory_space<hbm>>
      tpu.wait_dma2 semaphore(%arg13 : memref<!tpu.dma_semaphore, #tpu.memory_space<semaphore_mem>>) src(%dma_wait3A_65 : memref<32x384xf32, #tpu.memory_space<hbm>>) dst(%arg8 : memref<32x384xf32, #tpu.memory_space<vmem>>)
      %broadcast_in_dim3A = arith.constant 0.000000e+00 : f32
      %broadcast_in_dim3A_66 = vector.broadcast %broadcast_in_dim3A : f32 to vector<16xf32>
      %broadcast_in_dim3A_67 = arith.constant 0.000000e+00 : f32
      %broadcast_in_dim3A_68 = vector.broadcast %broadcast_in_dim3A_67 : f32 to vector<16xf32>
      %broadcast_in_dim3A_69 = arith.constant 0.000000e+00 : f32
      %broadcast_in_dim3A_70 = vector.broadcast %broadcast_in_dim3A_69 : f32 to vector<16xf32>
      %broadcast_in_dim3A_71 = arith.constant 0.000000e+00 : f32
      %broadcast_in_dim3A_72 = vector.broadcast %broadcast_in_dim3A_71 : f32 to vector<16xf32>
      %broadcast_in_dim3A_73 = arith.constant 0.000000e+00 : f32
      %broadcast_in_dim3A_74 = vector.broadcast %broadcast_in_dim3A_73 : f32 to vector<16xf32>
      %broadcast_in_dim3A_75 = arith.constant 0.000000e+00 : f32
      %broadcast_in_dim3A_76 = vector.broadcast %broadcast_in_dim3A_75 : f32 to vector<16xf32>
      %broadcast_in_dim3A_77 = arith.constant 0.000000e+00 : f32
      %broadcast_in_dim3A_78 = vector.broadcast %broadcast_in_dim3A_77 : f32 to vector<16xf32>
      %broadcast_in_dim3A_79 = arith.constant 0.000000e+00 : f32
      %broadcast_in_dim3A_80 = vector.broadcast %broadcast_in_dim3A_79 : f32 to vector<16xf32>
      %broadcast_in_dim3A_81 = arith.constant 0.000000e+00 : f32
      %broadcast_in_dim3A_82 = vector.broadcast %broadcast_in_dim3A_81 : f32 to vector<16xf32>
      %broadcast_in_dim3A_83 = arith.constant 0.000000e+00 : f32
      %broadcast_in_dim3A_84 = vector.broadcast %broadcast_in_dim3A_83 : f32 to vector<16xf32>
      %broadcast_in_dim3A_85 = arith.constant 0.000000e+00 : f32
      %broadcast_in_dim3A_86 = vector.broadcast %broadcast_in_dim3A_85 : f32 to vector<16xf32>
      %broadcast_in_dim3A_87 = arith.constant 0.000000e+00 : f32
      %broadcast_in_dim3A_88 = vector.broadcast %broadcast_in_dim3A_87 : f32 to vector<16xf32>
      %broadcast_in_dim3A_89 = arith.constant 0.000000e+00 : f32
      %broadcast_in_dim3A_90 = vector.broadcast %broadcast_in_dim3A_89 : f32 to vector<16xf32>
      %broadcast_in_dim3A_91 = arith.constant 0.000000e+00 : f32
      %broadcast_in_dim3A_92 = vector.broadcast %broadcast_in_dim3A_91 : f32 to vector<16xf32>
      %broadcast_in_dim3A_93 = arith.constant 0.000000e+00 : f32
      %broadcast_in_dim3A_94 = vector.broadcast %broadcast_in_dim3A_93 : f32 to vector<16xf32>
      %broadcast_in_dim3A_95 = arith.constant 0.000000e+00 : f32
      %broadcast_in_dim3A_96 = vector.broadcast %broadcast_in_dim3A_95 : f32 to vector<16xf32>
      %broadcast_in_dim3A_97 = arith.constant 0xFF800000 : f32
      %broadcast_in_dim3A_98 = vector.broadcast %broadcast_in_dim3A_97 : f32 to vector<16xf32>
      %broadcast_in_dim3A_99 = arith.constant 0xFF800000 : f32
      %broadcast_in_dim3A_100 = vector.broadcast %broadcast_in_dim3A_99 : f32 to vector<16xf32>
      %scan3A_101 = arith.constant 0 : i32
      %scan3A_102 = arith.constant 32 : i32
      %scan3A_103 = arith.addi %scan3A_101, %scan3A_102 : i32
      %scan3A_104 = arith.constant 1 : i32
      %scan3A_105:18 = scf.for %scan3A_610 = %scan3A_101 to %scan3A_103 step %scan3A_104 iter_args(%scan3A_611 = %broadcast_in_dim3A_66, %scan3A_612 = %broadcast_in_dim3A_68, %scan3A_613 = %broadcast_in_dim3A_70, %scan3A_614 = %broadcast_in_dim3A_72, %scan3A_615 = %broadcast_in_dim3A_74, %scan3A_616 = %broadcast_in_dim3A_76, %scan3A_617 = %broadcast_in_dim3A_78, %scan3A_618 = %broadcast_in_dim3A_80, %scan3A_619 = %broadcast_in_dim3A_82, %scan3A_620 = %broadcast_in_dim3A_84, %scan3A_621 = %broadcast_in_dim3A_86, %scan3A_622 = %broadcast_in_dim3A_88, %scan3A_623 = %broadcast_in_dim3A_90, %scan3A_624 = %broadcast_in_dim3A_92, %scan3A_625 = %broadcast_in_dim3A_94, %scan3A_626 = %broadcast_in_dim3A_96, %scan3A_627 = %broadcast_in_dim3A_98, %scan3A_628 = %broadcast_in_dim3A_100) -> (vector<16xf32>, vector<16xf32>, vector<16xf32>, vector<16xf32>, vector<16xf32>, vector<16xf32>, vector<16xf32>, vector<16xf32>, vector<16xf32>, vector<16xf32>, vector<16xf32>, vector<16xf32>, vector<16xf32>, vector<16xf32>, vector<16xf32>, vector<16xf32>, vector<16xf32>, vector<16xf32>)  : i32 {
        %mul3A_629 = arith.constant 32 : i32
        %mul3A_630 = arith.muli %add3A_59, %mul3A_629 : i32
        %add3A_631 = arith.addi %mul3A_630, %scan3A_610 : i32
        %broadcast_in_dim3A_632 = vector.broadcast %add3A_631 : i32 to vector<16xi32>
        %gather3A = tpu.vector_load_idx %arg7[%broadcast_in_dim3A_632] : memref<8192xf32, #tpu.memory_space<vmem>>[vector<16xi32>], vector<16xf32>,
        %get3A = arith.index_cast %scan3A_610 : i32 to index
        %get3A_633 = arith.constant 0 : index
        %get3A_634 = tpu.vector_load %arg8[%get3A, %get3A_633] {strides = array<i32>} : memref<32x384xf32, #tpu.memory_space<vmem>>, vector<16xf32>,
        %mul3A_635 = arith.mulf %gather3A, %get3A_634 : vector<16xf32>
        %add3A_636 = arith.addf %scan3A_611, %mul3A_635 : vector<16xf32>
        %get3A_637 = arith.index_cast %scan3A_610 : i32 to index
        %get3A_638 = arith.constant 16 : index
        %get3A_639 = tpu.vector_load %arg8[%get3A_637, %get3A_638] {strides = array<i32>} : memref<32x384xf32, #tpu.memory_space<vmem>>, vector<16xf32>,
        %mul3A_640 = arith.mulf %gather3A, %get3A_639 : vector<16xf32>
        %add3A_641 = arith.addf %scan3A_612, %mul3A_640 : vector<16xf32>
        %get3A_642 = arith.index_cast %scan3A_610 : i32 to index
        %get3A_643 = arith.constant 32 : index
        %get3A_644 = tpu.vector_load %arg8[%get3A_642, %get3A_643] {strides = array<i32>} : memref<32x384xf32, #tpu.memory_space<vmem>>, vector<16xf32>,
        %mul3A_645 = arith.mulf %gather3A, %get3A_644 : vector<16xf32>
        %add3A_646 = arith.addf %scan3A_613, %mul3A_645 : vector<16xf32>
        %get3A_647 = arith.index_cast %scan3A_610 : i32 to index
        %get3A_648 = arith.constant 48 : index
        %get3A_649 = tpu.vector_load %arg8[%get3A_647, %get3A_648] {strides = array<i32>} : memref<32x384xf32, #tpu.memory_space<vmem>>, vector<16xf32>,
        %mul3A_650 = arith.mulf %gather3A, %get3A_649 : vector<16xf32>
        %add3A_651 = arith.addf %scan3A_614, %mul3A_650 : vector<16xf32>
        %get3A_652 = arith.index_cast %scan3A_610 : i32 to index
        %get3A_653 = arith.constant 64 : index
        %get3A_654 = tpu.vector_load %arg8[%get3A_652, %get3A_653] {strides = array<i32>} : memref<32x384xf32, #tpu.memory_space<vmem>>, vector<16xf32>,
        %mul3A_655 = arith.mulf %gather3A, %get3A_654 : vector<16xf32>
        %add3A_656 = arith.addf %scan3A_615, %mul3A_655 : vector<16xf32>
        %get3A_657 = arith.index_cast %scan3A_610 : i32 to index
        %get3A_658 = arith.constant 80 : index
        %get3A_659 = tpu.vector_load %arg8[%get3A_657, %get3A_658] {strides = array<i32>} : memref<32x384xf32, #tpu.memory_space<vmem>>, vector<16xf32>,
        %mul3A_660 = arith.mulf %gather3A, %get3A_659 : vector<16xf32>
        %add3A_661 = arith.addf %scan3A_616, %mul3A_660 : vector<16xf32>
        %get3A_662 = arith.index_cast %scan3A_610 : i32 to index
        %get3A_663 = arith.constant 96 : index
        %get3A_664 = tpu.vector_load %arg8[%get3A_662, %get3A_663] {strides = array<i32>} : memref<32x384xf32, #tpu.memory_space<vmem>>, vector<16xf32>,
        %mul3A_665 = arith.mulf %gather3A, %get3A_664 : vector<16xf32>
        %add3A_666 = arith.addf %scan3A_617, %mul3A_665 : vector<16xf32>
        %get3A_667 = arith.index_cast %scan3A_610 : i32 to index
        %get3A_668 = arith.constant 112 : index
        %get3A_669 = tpu.vector_load %arg8[%get3A_667, %get3A_668] {strides = array<i32>} : memref<32x384xf32, #tpu.memory_space<vmem>>, vector<16xf32>,
        %mul3A_670 = arith.mulf %gather3A, %get3A_669 : vector<16xf32>
        %add3A_671 = arith.addf %scan3A_618, %mul3A_670 : vector<16xf32>
        %get3A_672 = arith.index_cast %scan3A_610 : i32 to index
        %get3A_673 = arith.constant 128 : index
        %get3A_674 = tpu.vector_load %arg8[%get3A_672, %get3A_673] {strides = array<i32>} : memref<32x384xf32, #tpu.memory_space<vmem>>, vector<16xf32>,
        %mul3A_675 = arith.mulf %gather3A, %get3A_674 : vector<16xf32>
        %add3A_676 = arith.addf %scan3A_619, %mul3A_675 : vector<16xf32>
        %get3A_677 = arith.index_cast %scan3A_610 : i32 to index
        %get3A_678 = arith.constant 144 : index
        %get3A_679 = tpu.vector_load %arg8[%get3A_677, %get3A_678] {strides = array<i32>} : memref<32x384xf32, #tpu.memory_space<vmem>>, vector<16xf32>,
        %mul3A_680 = arith.mulf %gather3A, %get3A_679 : vector<16xf32>
        %add3A_681 = arith.addf %scan3A_620, %mul3A_680 : vector<16xf32>
        %get3A_682 = arith.index_cast %scan3A_610 : i32 to index
        %get3A_683 = arith.constant 160 : index
        %get3A_684 = tpu.vector_load %arg8[%get3A_682, %get3A_683] {strides = array<i32>} : memref<32x384xf32, #tpu.memory_space<vmem>>, vector<16xf32>,
        %mul3A_685 = arith.mulf %gather3A, %get3A_684 : vector<16xf32>
        %add3A_686 = arith.addf %scan3A_621, %mul3A_685 : vector<16xf32>
        %get3A_687 = arith.index_cast %scan3A_610 : i32 to index
        %get3A_688 = arith.constant 176 : index
        %get3A_689 = tpu.vector_load %arg8[%get3A_687, %get3A_688] {strides = array<i32>} : memref<32x384xf32, #tpu.memory_space<vmem>>, vector<16xf32>,
        %mul3A_690 = arith.mulf %gather3A, %get3A_689 : vector<16xf32>
        %add3A_691 = arith.addf %scan3A_622, %mul3A_690 : vector<16xf32>
        %get3A_692 = arith.index_cast %scan3A_610 : i32 to index
        %get3A_693 = arith.constant 192 : index
        %get3A_694 = tpu.vector_load %arg8[%get3A_692, %get3A_693] {strides = array<i32>} : memref<32x384xf32, #tpu.memory_space<vmem>>, vector<16xf32>,
        %mul3A_695 = arith.mulf %gather3A, %get3A_694 : vector<16xf32>
        %add3A_696 = arith.addf %scan3A_623, %mul3A_695 : vector<16xf32>
        %get3A_697 = arith.index_cast %scan3A_610 : i32 to index
        %get3A_698 = arith.constant 208 : index
        %get3A_699 = tpu.vector_load %arg8[%get3A_697, %get3A_698] {strides = array<i32>} : memref<32x384xf32, #tpu.memory_space<vmem>>, vector<16xf32>,
        %mul3A_700 = arith.mulf %gather3A, %get3A_699 : vector<16xf32>
        %add3A_701 = arith.addf %scan3A_624, %mul3A_700 : vector<16xf32>
        %get3A_702 = arith.index_cast %scan3A_610 : i32 to index
        %get3A_703 = arith.constant 224 : index
        %get3A_704 = tpu.vector_load %arg8[%get3A_702, %get3A_703] {strides = array<i32>} : memref<32x384xf32, #tpu.memory_space<vmem>>, vector<16xf32>,
        %mul3A_705 = arith.mulf %gather3A, %get3A_704 : vector<16xf32>
        %add3A_706 = arith.addf %scan3A_625, %mul3A_705 : vector<16xf32>
        %get3A_707 = arith.index_cast %scan3A_610 : i32 to index
        %get3A_708 = arith.constant 240 : index
        %get3A_709 = tpu.vector_load %arg8[%get3A_707, %get3A_708] {strides = array<i32>} : memref<32x384xf32, #tpu.memory_space<vmem>>, vector<16xf32>,
        %mul3A_710 = arith.mulf %gather3A, %get3A_709 : vector<16xf32>
        %add3A_711 = arith.addf %scan3A_626, %mul3A_710 : vector<16xf32>
        %get3A_712 = arith.index_cast %scan3A_610 : i32 to index
        %get3A_713 = arith.constant 256 : index
        %get3A_714 = tpu.vector_load %arg8[%get3A_712, %get3A_713] {strides = array<i32>} : memref<32x384xf32, #tpu.memory_space<vmem>>, vector<16xf32>,
        %max3A = arith.maximumf %scan3A_627, %get3A_714 : vector<16xf32>
        %get3A_715 = arith.index_cast %scan3A_610 : i32 to index
        %get3A_716 = arith.constant 272 : index
        %get3A_717 = tpu.vector_load %arg8[%get3A_715, %get3A_716] {strides = array<i32>} : memref<32x384xf32, #tpu.memory_space<vmem>>, vector<16xf32>,
        %max3A_718 = arith.maximumf %scan3A_628, %get3A_717 : vector<16xf32>
        scf.yield %add3A_636, %add3A_641, %add3A_646, %add3A_651, %add3A_656, %add3A_661, %add3A_666, %add3A_671, %add3A_676, %add3A_681, %add3A_686, %add3A_691, %add3A_696, %add3A_701, %add3A_706, %add3A_711, %max3A, %max3A_718 : vector<16xf32>, vector<16xf32>, vector<16xf32>, vector<16xf32>, vector<16xf32>, vector<16xf32>, vector<16xf32>, vector<16xf32>, vector<16xf32>, vector<16xf32>, vector<16xf32>, vector<16xf32>, vector<16xf32>, vector<16xf32>, vector<16xf32>, vector<16xf32>, vector<16xf32>, vector<16xf32>
      }
      %scan3A_106 = arith.constant 32 : i32
      %and3A = arith.constant 31 : i32
      %and3A_107 = arith.andi %add3A_59, %and3A : i32
      %mul3A_108 = arith.constant 288 : i32
      %mul3A_109 = arith.muli %and3A_107, %mul3A_108 : i32
      %add3A_110 = arith.constant 0 : i32
      %add3A_111 = arith.addi %mul3A_109, %add3A_110 : i32
      %swap3A = arith.index_cast %add3A_111 : i32 to index
      %swap3A_112 = tpu.vector_load %arg12[%swap3A] {strides = array<i32>} : memref<9216xf32, #tpu.memory_space<vmem>>, vector<16xf32>,
      tpu.vector_store %arg12[%swap3A], %scan3A_105#0 {strides = array<i32>} : memref<9216xf32, #tpu.memory_space<vmem>>, vector<16xf32>,
      %add3A_113 = arith.constant 16 : i32
      %add3A_114 = arith.addi %mul3A_109, %add3A_113 : i32
      %swap3A_115 = arith.index_cast %add3A_114 : i32 to index
      %swap3A_116 = tpu.vector_load %arg12[%swap3A_115] {strides = array<i32>} : memref<9216xf32, #tpu.memory_space<vmem>>, vector<16xf32>,
      tpu.vector_store %arg12[%swap3A_115], %scan3A_105#1 {strides = array<i32>} : memref<9216xf32, #tpu.memory_space<vmem>>, vector<16xf32>,
      %add3A_117 = arith.constant 32 : i32
      %add3A_118 = arith.addi %mul3A_109, %add3A_117 : i32
      %swap3A_119 = arith.index_cast %add3A_118 : i32 to index
      %swap3A_120 = tpu.vector_load %arg12[%swap3A_119] {strides = array<i32>} : memref<9216xf32, #tpu.memory_space<vmem>>, vector<16xf32>,
      tpu.vector_store %arg12[%swap3A_119], %scan3A_105#2 {strides = array<i32>} : memref<9216xf32, #tpu.memory_space<vmem>>, vector<16xf32>,
      %add3A_121 = arith.constant 48 : i32
      %add3A_122 = arith.addi %mul3A_109, %add3A_121 : i32
      %swap3A_123 = arith.index_cast %add3A_122 : i32 to index
      %swap3A_124 = tpu.vector_load %arg12[%swap3A_123] {strides = array<i32>} : memref<9216xf32, #tpu.memory_space<vmem>>, vector<16xf32>,
      tpu.vector_store %arg12[%swap3A_123], %scan3A_105#3 {strides = array<i32>} : memref<9216xf32, #tpu.memory_space<vmem>>, vector<16xf32>,
      %add3A_125 = arith.constant 64 : i32
      %add3A_126 = arith.addi %mul3A_109, %add3A_125 : i32
      %swap3A_127 = arith.index_cast %add3A_126 : i32 to index
      %swap3A_128 = tpu.vector_load %arg12[%swap3A_127] {strides = array<i32>} : memref<9216xf32, #tpu.memory_space<vmem>>, vector<16xf32>,
      tpu.vector_store %arg12[%swap3A_127], %scan3A_105#4 {strides = array<i32>} : memref<9216xf32, #tpu.memory_space<vmem>>, vector<16xf32>,
      %add3A_129 = arith.constant 80 : i32
      %add3A_130 = arith.addi %mul3A_109, %add3A_129 : i32
      %swap3A_131 = arith.index_cast %add3A_130 : i32 to index
      %swap3A_132 = tpu.vector_load %arg12[%swap3A_131] {strides = array<i32>} : memref<9216xf32, #tpu.memory_space<vmem>>, vector<16xf32>,
      tpu.vector_store %arg12[%swap3A_131], %scan3A_105#5 {strides = array<i32>} : memref<9216xf32, #tpu.memory_space<vmem>>, vector<16xf32>,
      %add3A_133 = arith.constant 96 : i32
      %add3A_134 = arith.addi %mul3A_109, %add3A_133 : i32
      %swap3A_135 = arith.index_cast %add3A_134 : i32 to index
      %swap3A_136 = tpu.vector_load %arg12[%swap3A_135] {strides = array<i32>} : memref<9216xf32, #tpu.memory_space<vmem>>, vector<16xf32>,
      tpu.vector_store %arg12[%swap3A_135], %scan3A_105#6 {strides = array<i32>} : memref<9216xf32, #tpu.memory_space<vmem>>, vector<16xf32>,
      %add3A_137 = arith.constant 112 : i32
      %add3A_138 = arith.addi %mul3A_109, %add3A_137 : i32
      %swap3A_139 = arith.index_cast %add3A_138 : i32 to index
      %swap3A_140 = tpu.vector_load %arg12[%swap3A_139] {strides = array<i32>} : memref<9216xf32, #tpu.memory_space<vmem>>, vector<16xf32>,
      tpu.vector_store %arg12[%swap3A_139], %scan3A_105#7 {strides = array<i32>} : memref<9216xf32, #tpu.memory_space<vmem>>, vector<16xf32>,
      %add3A_141 = arith.constant 128 : i32
      %add3A_142 = arith.addi %mul3A_109, %add3A_141 : i32
      %swap3A_143 = arith.index_cast %add3A_142 : i32 to index
      %swap3A_144 = tpu.vector_load %arg12[%swap3A_143] {strides = array<i32>} : memref<9216xf32, #tpu.memory_space<vmem>>, vector<16xf32>,
      tpu.vector_store %arg12[%swap3A_143], %scan3A_105#8 {strides = array<i32>} : memref<9216xf32, #tpu.memory_space<vmem>>, vector<16xf32>,
      %add3A_145 = arith.constant 144 : i32
      %add3A_146 = arith.addi %mul3A_109, %add3A_145 : i32
      %swap3A_147 = arith.index_cast %add3A_146 : i32 to index
      %swap3A_148 = tpu.vector_load %arg12[%swap3A_147] {strides = array<i32>} : memref<9216xf32, #tpu.memory_space<vmem>>, vector<16xf32>,
      tpu.vector_store %arg12[%swap3A_147], %scan3A_105#9 {strides = array<i32>} : memref<9216xf32, #tpu.memory_space<vmem>>, vector<16xf32>,
      %add3A_149 = arith.constant 160 : i32
      %add3A_150 = arith.addi %mul3A_109, %add3A_149 : i32
      %swap3A_151 = arith.index_cast %add3A_150 : i32 to index
      %swap3A_152 = tpu.vector_load %arg12[%swap3A_151] {strides = array<i32>} : memref<9216xf32, #tpu.memory_space<vmem>>, vector<16xf32>,
      tpu.vector_store %arg12[%swap3A_151], %scan3A_105#10 {strides = array<i32>} : memref<9216xf32, #tpu.memory_space<vmem>>, vector<16xf32>,
      %add3A_153 = arith.constant 176 : i32
      %add3A_154 = arith.addi %mul3A_109, %add3A_153 : i32
      %swap3A_155 = arith.index_cast %add3A_154 : i32 to index
      %swap3A_156 = tpu.vector_load %arg12[%swap3A_155] {strides = array<i32>} : memref<9216xf32, #tpu.memory_space<vmem>>, vector<16xf32>,
      tpu.vector_store %arg12[%swap3A_155], %scan3A_105#11 {strides = array<i32>} : memref<9216xf32, #tpu.memory_space<vmem>>, vector<16xf32>,
      %add3A_157 = arith.constant 192 : i32
      %add3A_158 = arith.addi %mul3A_109, %add3A_157 : i32
      %swap3A_159 = arith.index_cast %add3A_158 : i32 to index
      %swap3A_160 = tpu.vector_load %arg12[%swap3A_159] {strides = array<i32>} : memref<9216xf32, #tpu.memory_space<vmem>>, vector<16xf32>,
      tpu.vector_store %arg12[%swap3A_159], %scan3A_105#12 {strides = array<i32>} : memref<9216xf32, #tpu.memory_space<vmem>>, vector<16xf32>,
      %add3A_161 = arith.constant 208 : i32
      %add3A_162 = arith.addi %mul3A_109, %add3A_161 : i32
      %swap3A_163 = arith.index_cast %add3A_162 : i32 to index
      %swap3A_164 = tpu.vector_load %arg12[%swap3A_163] {strides = array<i32>} : memref<9216xf32, #tpu.memory_space<vmem>>, vector<16xf32>,
      tpu.vector_store %arg12[%swap3A_163], %scan3A_105#13 {strides = array<i32>} : memref<9216xf32, #tpu.memory_space<vmem>>, vector<16xf32>,
      %add3A_165 = arith.constant 224 : i32
      %add3A_166 = arith.addi %mul3A_109, %add3A_165 : i32
      %swap3A_167 = arith.index_cast %add3A_166 : i32 to index
      %swap3A_168 = tpu.vector_load %arg12[%swap3A_167] {strides = array<i32>} : memref<9216xf32, #tpu.memory_space<vmem>>, vector<16xf32>,
      tpu.vector_store %arg12[%swap3A_167], %scan3A_105#14 {strides = array<i32>} : memref<9216xf32, #tpu.memory_space<vmem>>, vector<16xf32>,
      %add3A_169 = arith.constant 240 : i32
      %add3A_170 = arith.addi %mul3A_109, %add3A_169 : i32
      %swap3A_171 = arith.index_cast %add3A_170 : i32 to index
      %swap3A_172 = tpu.vector_load %arg12[%swap3A_171] {strides = array<i32>} : memref<9216xf32, #tpu.memory_space<vmem>>, vector<16xf32>,
      tpu.vector_store %arg12[%swap3A_171], %scan3A_105#15 {strides = array<i32>} : memref<9216xf32, #tpu.memory_space<vmem>>, vector<16xf32>,
      %add3A_173 = arith.constant 256 : i32
      %add3A_174 = arith.addi %mul3A_109, %add3A_173 : i32
      %swap3A_175 = arith.index_cast %add3A_174 : i32 to index
      %swap3A_176 = tpu.vector_load %arg12[%swap3A_175] {strides = array<i32>} : memref<9216xf32, #tpu.memory_space<vmem>>, vector<16xf32>,
      tpu.vector_store %arg12[%swap3A_175], %scan3A_105#16 {strides = array<i32>} : memref<9216xf32, #tpu.memory_space<vmem>>, vector<16xf32>,
      %add3A_177 = arith.constant 256 : i32
      %add3A_178 = arith.addi %mul3A_109, %add3A_177 : i32
      %add3A_179 = arith.constant 16 : i32
      %add3A_180 = arith.addi %add3A_178, %add3A_179 : i32
      %swap3A_181 = arith.index_cast %add3A_180 : i32 to index
      %swap3A_182 = tpu.vector_load %arg12[%swap3A_181] {strides = array<i32>} : memref<9216xf32, #tpu.memory_space<vmem>>, vector<16xf32>,
      tpu.vector_store %arg12[%swap3A_181], %scan3A_105#17 {strides = array<i32>} : memref<9216xf32, #tpu.memory_space<vmem>>, vector<16xf32>,
      %add3A_183 = arith.constant 4 : i32
      %add3A_184 = arith.addi %add3A_59, %add3A_183 : i32
      %min3A = arith.constant 255 : i32
      %min3A_185 = arith.minsi %add3A_184, %min3A : i32
      %mul3A_186 = arith.constant 32 : i32
      %mul3A_187 = arith.muli %min3A_185, %mul3A_186 : i32
      %dma_start3A_188 = tpu.memref_slice %arg6[%mul3A_187] : memref<8192xi32, #tpu.memory_space<vmem>> -> memref<32xi32, #tpu.memory_space<vmem>>
      %dma_start3A_189 = arith.constant 0 : i32
      %dma_start3A_190 = arith.constant 0 : i32
      %dma_start3A_191 = tpu.memref_slice %arg2[%dma_start3A_189, %dma_start3A_190] : memref<32768x384xf32, #tpu.memory_space<hbm>> -> memref<32768x384xf32, #tpu.memory_space<hbm>>
      tpu.enqueue_indirect_dma source(%dma_start3A_191 : memref<32768x384xf32, #tpu.memory_space<hbm>>) target(%arg8 : memref<32x384xf32, #tpu.memory_space<vmem>>) offsets(%dma_start3A_188 : memref<32xi32, #tpu.memory_space<vmem>>) semaphore(%arg13 : memref<!tpu.dma_semaphore, #tpu.memory_space<semaphore_mem>>)
      %add3A_192 = arith.constant 1 : i32
      %add3A_193 = arith.addi %add3A_57, %add3A_192 : i32
      %dma_wait3A_194 = arith.constant 0 : i32
      %dma_wait3A_195 = arith.constant 0 : i32
      %dma_wait3A_196 = tpu.memref_slice %arg2[%dma_wait3A_194, %dma_wait3A_195] : memref<32768x384xf32, #tpu.memory_space<hbm>> -> memref<32x384xf32, #tpu.memory_space<hbm>>
      %dma_wait3A_197 = arith.constant 0 : i32
      %dma_wait3A_198 = arith.constant 0 : i32
      %dma_wait3A_199 = tpu.memref_slice %arg2[%dma_wait3A_197, %dma_wait3A_198] : memref<32768x384xf32, #tpu.memory_space<hbm>> -> memref<32x384xf32, #tpu.memory_space<hbm>>
      tpu.wait_dma2 semaphore(%arg14 : memref<!tpu.dma_semaphore, #tpu.memory_space<semaphore_mem>>) src(%dma_wait3A_199 : memref<32x384xf32, #tpu.memory_space<hbm>>) dst(%arg9 : memref<32x384xf32, #tpu.memory_space<vmem>>)
      %broadcast_in_dim3A_200 = arith.constant 0.000000e+00 : f32
      %broadcast_in_dim3A_201 = vector.broadcast %broadcast_in_dim3A_200 : f32 to vector<16xf32>
      %broadcast_in_dim3A_202 = arith.constant 0.000000e+00 : f32
      %broadcast_in_dim3A_203 = vector.broadcast %broadcast_in_dim3A_202 : f32 to vector<16xf32>
      %broadcast_in_dim3A_204 = arith.constant 0.000000e+00 : f32
      %broadcast_in_dim3A_205 = vector.broadcast %broadcast_in_dim3A_204 : f32 to vector<16xf32>
      %broadcast_in_dim3A_206 = arith.constant 0.000000e+00 : f32
      %broadcast_in_dim3A_207 = vector.broadcast %broadcast_in_dim3A_206 : f32 to vector<16xf32>
      %broadcast_in_dim3A_208 = arith.constant 0.000000e+00 : f32
      %broadcast_in_dim3A_209 = vector.broadcast %broadcast_in_dim3A_208 : f32 to vector<16xf32>
      %broadcast_in_dim3A_210 = arith.constant 0.000000e+00 : f32
      %broadcast_in_dim3A_211 = vector.broadcast %broadcast_in_dim3A_210 : f32 to vector<16xf32>
      %broadcast_in_dim3A_212 = arith.constant 0.000000e+00 : f32
      %broadcast_in_dim3A_213 = vector.broadcast %broadcast_in_dim3A_212 : f32 to vector<16xf32>
      %broadcast_in_dim3A_214 = arith.constant 0.000000e+00 : f32
      %broadcast_in_dim3A_215 = vector.broadcast %broadcast_in_dim3A_214 : f32 to vector<16xf32>
      %broadcast_in_dim3A_216 = arith.constant 0.000000e+00 : f32
      %broadcast_in_dim3A_217 = vector.broadcast %broadcast_in_dim3A_216 : f32 to vector<16xf32>
      %broadcast_in_dim3A_218 = arith.constant 0.000000e+00 : f32
      %broadcast_in_dim3A_219 = vector.broadcast %broadcast_in_dim3A_218 : f32 to vector<16xf32>
      %broadcast_in_dim3A_220 = arith.constant 0.000000e+00 : f32
      %broadcast_in_dim3A_221 = vector.broadcast %broadcast_in_dim3A_220 : f32 to vector<16xf32>
      %broadcast_in_dim3A_222 = arith.constant 0.000000e+00 : f32
      %broadcast_in_dim3A_223 = vector.broadcast %broadcast_in_dim3A_222 : f32 to vector<16xf32>
      %broadcast_in_dim3A_224 = arith.constant 0.000000e+00 : f32
      %broadcast_in_dim3A_225 = vector.broadcast %broadcast_in_dim3A_224 : f32 to vector<16xf32>
      %broadcast_in_dim3A_226 = arith.constant 0.000000e+00 : f32
      %broadcast_in_dim3A_227 = vector.broadcast %broadcast_in_dim3A_226 : f32 to vector<16xf32>
      %broadcast_in_dim3A_228 = arith.constant 0.000000e+00 : f32
      %broadcast_in_dim3A_229 = vector.broadcast %broadcast_in_dim3A_228 : f32 to vector<16xf32>
      %broadcast_in_dim3A_230 = arith.constant 0.000000e+00 : f32
      %broadcast_in_dim3A_231 = vector.broadcast %broadcast_in_dim3A_230 : f32 to vector<16xf32>
      %broadcast_in_dim3A_232 = arith.constant 0xFF800000 : f32
      %broadcast_in_dim3A_233 = vector.broadcast %broadcast_in_dim3A_232 : f32 to vector<16xf32>
      %broadcast_in_dim3A_234 = arith.constant 0xFF800000 : f32
      %broadcast_in_dim3A_235 = vector.broadcast %broadcast_in_dim3A_234 : f32 to vector<16xf32>
      %scan3A_236 = arith.constant 0 : i32
      %scan3A_237 = arith.constant 32 : i32
      %scan3A_238 = arith.addi %scan3A_236, %scan3A_237 : i32
      %scan3A_239 = arith.constant 1 : i32
      %scan3A_240:18 = scf.for %scan3A_610 = %scan3A_236 to %scan3A_238 step %scan3A_239 iter_args(%scan3A_611 = %broadcast_in_dim3A_201, %scan3A_612 = %broadcast_in_dim3A_203, %scan3A_613 = %broadcast_in_dim3A_205, %scan3A_614 = %broadcast_in_dim3A_207, %scan3A_615 = %broadcast_in_dim3A_209, %scan3A_616 = %broadcast_in_dim3A_211, %scan3A_617 = %broadcast_in_dim3A_213, %scan3A_618 = %broadcast_in_dim3A_215, %scan3A_619 = %broadcast_in_dim3A_217, %scan3A_620 = %broadcast_in_dim3A_219, %scan3A_621 = %broadcast_in_dim3A_221, %scan3A_622 = %broadcast_in_dim3A_223, %scan3A_623 = %broadcast_in_dim3A_225, %scan3A_624 = %broadcast_in_dim3A_227, %scan3A_625 = %broadcast_in_dim3A_229, %scan3A_626 = %broadcast_in_dim3A_231, %scan3A_627 = %broadcast_in_dim3A_233, %scan3A_628 = %broadcast_in_dim3A_235) -> (vector<16xf32>, vector<16xf32>, vector<16xf32>, vector<16xf32>, vector<16xf32>, vector<16xf32>, vector<16xf32>, vector<16xf32>, vector<16xf32>, vector<16xf32>, vector<16xf32>, vector<16xf32>, vector<16xf32>, vector<16xf32>, vector<16xf32>, vector<16xf32>, vector<16xf32>, vector<16xf32>)  : i32 {
        %mul3A_629 = arith.constant 32 : i32
        %mul3A_630 = arith.muli %add3A_193, %mul3A_629 : i32
        %add3A_631 = arith.addi %mul3A_630, %scan3A_610 : i32
        %broadcast_in_dim3A_632 = vector.broadcast %add3A_631 : i32 to vector<16xi32>
        %gather3A = tpu.vector_load_idx %arg7[%broadcast_in_dim3A_632] : memref<8192xf32, #tpu.memory_space<vmem>>[vector<16xi32>], vector<16xf32>,
        %get3A = arith.index_cast %scan3A_610 : i32 to index
        %get3A_633 = arith.constant 0 : index
        %get3A_634 = tpu.vector_load %arg9[%get3A, %get3A_633] {strides = array<i32>} : memref<32x384xf32, #tpu.memory_space<vmem>>, vector<16xf32>,
        %mul3A_635 = arith.mulf %gather3A, %get3A_634 : vector<16xf32>
        %add3A_636 = arith.addf %scan3A_611, %mul3A_635 : vector<16xf32>
        %get3A_637 = arith.index_cast %scan3A_610 : i32 to index
        %get3A_638 = arith.constant 16 : index
        %get3A_639 = tpu.vector_load %arg9[%get3A_637, %get3A_638] {strides = array<i32>} : memref<32x384xf32, #tpu.memory_space<vmem>>, vector<16xf32>,
        %mul3A_640 = arith.mulf %gather3A, %get3A_639 : vector<16xf32>
        %add3A_641 = arith.addf %scan3A_612, %mul3A_640 : vector<16xf32>
        %get3A_642 = arith.index_cast %scan3A_610 : i32 to index
        %get3A_643 = arith.constant 32 : index
        %get3A_644 = tpu.vector_load %arg9[%get3A_642, %get3A_643] {strides = array<i32>} : memref<32x384xf32, #tpu.memory_space<vmem>>, vector<16xf32>,
        %mul3A_645 = arith.mulf %gather3A, %get3A_644 : vector<16xf32>
        %add3A_646 = arith.addf %scan3A_613, %mul3A_645 : vector<16xf32>
        %get3A_647 = arith.index_cast %scan3A_610 : i32 to index
        %get3A_648 = arith.constant 48 : index
        %get3A_649 = tpu.vector_load %arg9[%get3A_647, %get3A_648] {strides = array<i32>} : memref<32x384xf32, #tpu.memory_space<vmem>>, vector<16xf32>,
        %mul3A_650 = arith.mulf %gather3A, %get3A_649 : vector<16xf32>
        %add3A_651 = arith.addf %scan3A_614, %mul3A_650 : vector<16xf32>
        %get3A_652 = arith.index_cast %scan3A_610 : i32 to index
        %get3A_653 = arith.constant 64 : index
        %get3A_654 = tpu.vector_load %arg9[%get3A_652, %get3A_653] {strides = array<i32>} : memref<32x384xf32, #tpu.memory_space<vmem>>, vector<16xf32>,
        %mul3A_655 = arith.mulf %gather3A, %get3A_654 : vector<16xf32>
        %add3A_656 = arith.addf %scan3A_615, %mul3A_655 : vector<16xf32>
        %get3A_657 = arith.index_cast %scan3A_610 : i32 to index
        %get3A_658 = arith.constant 80 : index
        %get3A_659 = tpu.vector_load %arg9[%get3A_657, %get3A_658] {strides = array<i32>} : memref<32x384xf32, #tpu.memory_space<vmem>>, vector<16xf32>,
        %mul3A_660 = arith.mulf %gather3A, %get3A_659 : vector<16xf32>
        %add3A_661 = arith.addf %scan3A_616, %mul3A_660 : vector<16xf32>
        %get3A_662 = arith.index_cast %scan3A_610 : i32 to index
        %get3A_663 = arith.constant 96 : index
        %get3A_664 = tpu.vector_load %arg9[%get3A_662, %get3A_663] {strides = array<i32>} : memref<32x384xf32, #tpu.memory_space<vmem>>, vector<16xf32>,
        %mul3A_665 = arith.mulf %gather3A, %get3A_664 : vector<16xf32>
        %add3A_666 = arith.addf %scan3A_617, %mul3A_665 : vector<16xf32>
        %get3A_667 = arith.index_cast %scan3A_610 : i32 to index
        %get3A_668 = arith.constant 112 : index
        %get3A_669 = tpu.vector_load %arg9[%get3A_667, %get3A_668] {strides = array<i32>} : memref<32x384xf32, #tpu.memory_space<vmem>>, vector<16xf32>,
        %mul3A_670 = arith.mulf %gather3A, %get3A_669 : vector<16xf32>
        %add3A_671 = arith.addf %scan3A_618, %mul3A_670 : vector<16xf32>
        %get3A_672 = arith.index_cast %scan3A_610 : i32 to index
        %get3A_673 = arith.constant 128 : index
        %get3A_674 = tpu.vector_load %arg9[%get3A_672, %get3A_673] {strides = array<i32>} : memref<32x384xf32, #tpu.memory_space<vmem>>, vector<16xf32>,
        %mul3A_675 = arith.mulf %gather3A, %get3A_674 : vector<16xf32>
        %add3A_676 = arith.addf %scan3A_619, %mul3A_675 : vector<16xf32>
        %get3A_677 = arith.index_cast %scan3A_610 : i32 to index
        %get3A_678 = arith.constant 144 : index
        %get3A_679 = tpu.vector_load %arg9[%get3A_677, %get3A_678] {strides = array<i32>} : memref<32x384xf32, #tpu.memory_space<vmem>>, vector<16xf32>,
        %mul3A_680 = arith.mulf %gather3A, %get3A_679 : vector<16xf32>
        %add3A_681 = arith.addf %scan3A_620, %mul3A_680 : vector<16xf32>
        %get3A_682 = arith.index_cast %scan3A_610 : i32 to index
        %get3A_683 = arith.constant 160 : index
        %get3A_684 = tpu.vector_load %arg9[%get3A_682, %get3A_683] {strides = array<i32>} : memref<32x384xf32, #tpu.memory_space<vmem>>, vector<16xf32>,
        %mul3A_685 = arith.mulf %gather3A, %get3A_684 : vector<16xf32>
        %add3A_686 = arith.addf %scan3A_621, %mul3A_685 : vector<16xf32>
        %get3A_687 = arith.index_cast %scan3A_610 : i32 to index
        %get3A_688 = arith.constant 176 : index
        %get3A_689 = tpu.vector_load %arg9[%get3A_687, %get3A_688] {strides = array<i32>} : memref<32x384xf32, #tpu.memory_space<vmem>>, vector<16xf32>,
        %mul3A_690 = arith.mulf %gather3A, %get3A_689 : vector<16xf32>
        %add3A_691 = arith.addf %scan3A_622, %mul3A_690 : vector<16xf32>
        %get3A_692 = arith.index_cast %scan3A_610 : i32 to index
        %get3A_693 = arith.constant 192 : index
        %get3A_694 = tpu.vector_load %arg9[%get3A_692, %get3A_693] {strides = array<i32>} : memref<32x384xf32, #tpu.memory_space<vmem>>, vector<16xf32>,
        %mul3A_695 = arith.mulf %gather3A, %get3A_694 : vector<16xf32>
        %add3A_696 = arith.addf %scan3A_623, %mul3A_695 : vector<16xf32>
        %get3A_697 = arith.index_cast %scan3A_610 : i32 to index
        %get3A_698 = arith.constant 208 : index
        %get3A_699 = tpu.vector_load %arg9[%get3A_697, %get3A_698] {strides = array<i32>} : memref<32x384xf32, #tpu.memory_space<vmem>>, vector<16xf32>,
        %mul3A_700 = arith.mulf %gather3A, %get3A_699 : vector<16xf32>
        %add3A_701 = arith.addf %scan3A_624, %mul3A_700 : vector<16xf32>
        %get3A_702 = arith.index_cast %scan3A_610 : i32 to index
        %get3A_703 = arith.constant 224 : index
        %get3A_704 = tpu.vector_load %arg9[%get3A_702, %get3A_703] {strides = array<i32>} : memref<32x384xf32, #tpu.memory_space<vmem>>, vector<16xf32>,
        %mul3A_705 = arith.mulf %gather3A, %get3A_704 : vector<16xf32>
        %add3A_706 = arith.addf %scan3A_625, %mul3A_705 : vector<16xf32>
        %get3A_707 = arith.index_cast %scan3A_610 : i32 to index
        %get3A_708 = arith.constant 240 : index
        %get3A_709 = tpu.vector_load %arg9[%get3A_707, %get3A_708] {strides = array<i32>} : memref<32x384xf32, #tpu.memory_space<vmem>>, vector<16xf32>,
        %mul3A_710 = arith.mulf %gather3A, %get3A_709 : vector<16xf32>
        %add3A_711 = arith.addf %scan3A_626, %mul3A_710 : vector<16xf32>
        %get3A_712 = arith.index_cast %scan3A_610 : i32 to index
        %get3A_713 = arith.constant 256 : index
        %get3A_714 = tpu.vector_load %arg9[%get3A_712, %get3A_713] {strides = array<i32>} : memref<32x384xf32, #tpu.memory_space<vmem>>, vector<16xf32>,
        %max3A = arith.maximumf %scan3A_627, %get3A_714 : vector<16xf32>
        %get3A_715 = arith.index_cast %scan3A_610 : i32 to index
        %get3A_716 = arith.constant 272 : index
        %get3A_717 = tpu.vector_load %arg9[%get3A_715, %get3A_716] {strides = array<i32>} : memref<32x384xf32, #tpu.memory_space<vmem>>, vector<16xf32>,
        %max3A_718 = arith.maximumf %scan3A_628, %get3A_717 : vector<16xf32>
        scf.yield %add3A_636, %add3A_641, %add3A_646, %add3A_651, %add3A_656, %add3A_661, %add3A_666, %add3A_671, %add3A_676, %add3A_681, %add3A_686, %add3A_691, %add3A_696, %add3A_701, %add3A_706, %add3A_711, %max3A, %max3A_718 : vector<16xf32>, vector<16xf32>, vector<16xf32>, vector<16xf32>, vector<16xf32>, vector<16xf32>, vector<16xf32>, vector<16xf32>, vector<16xf32>, vector<16xf32>, vector<16xf32>, vector<16xf32>, vector<16xf32>, vector<16xf32>, vector<16xf32>, vector<16xf32>, vector<16xf32>, vector<16xf32>
      }
      %scan3A_241 = arith.constant 32 : i32
      %and3A_242 = arith.constant 31 : i32
      %and3A_243 = arith.andi %add3A_193, %and3A_242 : i32
      %mul3A_244 = arith.constant 288 : i32
      %mul3A_245 = arith.muli %and3A_243, %mul3A_244 : i32
      %add3A_246 = arith.constant 0 : i32
      %add3A_247 = arith.addi %mul3A_245, %add3A_246 : i32
      %swap3A_248 = arith.index_cast %add3A_247 : i32 to index
      %swap3A_249 = tpu.vector_load %arg12[%swap3A_248] {strides = array<i32>} : memref<9216xf32, #tpu.memory_space<vmem>>, vector<16xf32>,
      tpu.vector_store %arg12[%swap3A_248], %scan3A_240#0 {strides = array<i32>} : memref<9216xf32, #tpu.memory_space<vmem>>, vector<16xf32>,
      %add3A_250 = arith.constant 16 : i32
      %add3A_251 = arith.addi %mul3A_245, %add3A_250 : i32
      %swap3A_252 = arith.index_cast %add3A_251 : i32 to index
      %swap3A_253 = tpu.vector_load %arg12[%swap3A_252] {strides = array<i32>} : memref<9216xf32, #tpu.memory_space<vmem>>, vector<16xf32>,
      tpu.vector_store %arg12[%swap3A_252], %scan3A_240#1 {strides = array<i32>} : memref<9216xf32, #tpu.memory_space<vmem>>, vector<16xf32>,
      %add3A_254 = arith.constant 32 : i32
      %add3A_255 = arith.addi %mul3A_245, %add3A_254 : i32
      %swap3A_256 = arith.index_cast %add3A_255 : i32 to index
      %swap3A_257 = tpu.vector_load %arg12[%swap3A_256] {strides = array<i32>} : memref<9216xf32, #tpu.memory_space<vmem>>, vector<16xf32>,
      tpu.vector_store %arg12[%swap3A_256], %scan3A_240#2 {strides = array<i32>} : memref<9216xf32, #tpu.memory_space<vmem>>, vector<16xf32>,
      %add3A_258 = arith.constant 48 : i32
      %add3A_259 = arith.addi %mul3A_245, %add3A_258 : i32
      %swap3A_260 = arith.index_cast %add3A_259 : i32 to index
      %swap3A_261 = tpu.vector_load %arg12[%swap3A_260] {strides = array<i32>} : memref<9216xf32, #tpu.memory_space<vmem>>, vector<16xf32>,
      tpu.vector_store %arg12[%swap3A_260], %scan3A_240#3 {strides = array<i32>} : memref<9216xf32, #tpu.memory_space<vmem>>, vector<16xf32>,
      %add3A_262 = arith.constant 64 : i32
      %add3A_263 = arith.addi %mul3A_245, %add3A_262 : i32
      %swap3A_264 = arith.index_cast %add3A_263 : i32 to index
      %swap3A_265 = tpu.vector_load %arg12[%swap3A_264] {strides = array<i32>} : memref<9216xf32, #tpu.memory_space<vmem>>, vector<16xf32>,
      tpu.vector_store %arg12[%swap3A_264], %scan3A_240#4 {strides = array<i32>} : memref<9216xf32, #tpu.memory_space<vmem>>, vector<16xf32>,
      %add3A_266 = arith.constant 80 : i32
      %add3A_267 = arith.addi %mul3A_245, %add3A_266 : i32
      %swap3A_268 = arith.index_cast %add3A_267 : i32 to index
      %swap3A_269 = tpu.vector_load %arg12[%swap3A_268] {strides = array<i32>} : memref<9216xf32, #tpu.memory_space<vmem>>, vector<16xf32>,
      tpu.vector_store %arg12[%swap3A_268], %scan3A_240#5 {strides = array<i32>} : memref<9216xf32, #tpu.memory_space<vmem>>, vector<16xf32>,
      %add3A_270 = arith.constant 96 : i32
      %add3A_271 = arith.addi %mul3A_245, %add3A_270 : i32
      %swap3A_272 = arith.index_cast %add3A_271 : i32 to index
      %swap3A_273 = tpu.vector_load %arg12[%swap3A_272] {strides = array<i32>} : memref<9216xf32, #tpu.memory_space<vmem>>, vector<16xf32>,
      tpu.vector_store %arg12[%swap3A_272], %scan3A_240#6 {strides = array<i32>} : memref<9216xf32, #tpu.memory_space<vmem>>, vector<16xf32>,
      %add3A_274 = arith.constant 112 : i32
      %add3A_275 = arith.addi %mul3A_245, %add3A_274 : i32
      %swap3A_276 = arith.index_cast %add3A_275 : i32 to index
      %swap3A_277 = tpu.vector_load %arg12[%swap3A_276] {strides = array<i32>} : memref<9216xf32, #tpu.memory_space<vmem>>, vector<16xf32>,
      tpu.vector_store %arg12[%swap3A_276], %scan3A_240#7 {strides = array<i32>} : memref<9216xf32, #tpu.memory_space<vmem>>, vector<16xf32>,
      %add3A_278 = arith.constant 128 : i32
      %add3A_279 = arith.addi %mul3A_245, %add3A_278 : i32
      %swap3A_280 = arith.index_cast %add3A_279 : i32 to index
      %swap3A_281 = tpu.vector_load %arg12[%swap3A_280] {strides = array<i32>} : memref<9216xf32, #tpu.memory_space<vmem>>, vector<16xf32>,
      tpu.vector_store %arg12[%swap3A_280], %scan3A_240#8 {strides = array<i32>} : memref<9216xf32, #tpu.memory_space<vmem>>, vector<16xf32>,
      %add3A_282 = arith.constant 144 : i32
      %add3A_283 = arith.addi %mul3A_245, %add3A_282 : i32
      %swap3A_284 = arith.index_cast %add3A_283 : i32 to index
      %swap3A_285 = tpu.vector_load %arg12[%swap3A_284] {strides = array<i32>} : memref<9216xf32, #tpu.memory_space<vmem>>, vector<16xf32>,
      tpu.vector_store %arg12[%swap3A_284], %scan3A_240#9 {strides = array<i32>} : memref<9216xf32, #tpu.memory_space<vmem>>, vector<16xf32>,
      %add3A_286 = arith.constant 160 : i32
      %add3A_287 = arith.addi %mul3A_245, %add3A_286 : i32
      %swap3A_288 = arith.index_cast %add3A_287 : i32 to index
      %swap3A_289 = tpu.vector_load %arg12[%swap3A_288] {strides = array<i32>} : memref<9216xf32, #tpu.memory_space<vmem>>, vector<16xf32>,
      tpu.vector_store %arg12[%swap3A_288], %scan3A_240#10 {strides = array<i32>} : memref<9216xf32, #tpu.memory_space<vmem>>, vector<16xf32>,
      %add3A_290 = arith.constant 176 : i32
      %add3A_291 = arith.addi %mul3A_245, %add3A_290 : i32
      %swap3A_292 = arith.index_cast %add3A_291 : i32 to index
      %swap3A_293 = tpu.vector_load %arg12[%swap3A_292] {strides = array<i32>} : memref<9216xf32, #tpu.memory_space<vmem>>, vector<16xf32>,
      tpu.vector_store %arg12[%swap3A_292], %scan3A_240#11 {strides = array<i32>} : memref<9216xf32, #tpu.memory_space<vmem>>, vector<16xf32>,
      %add3A_294 = arith.constant 192 : i32
      %add3A_295 = arith.addi %mul3A_245, %add3A_294 : i32
      %swap3A_296 = arith.index_cast %add3A_295 : i32 to index
      %swap3A_297 = tpu.vector_load %arg12[%swap3A_296] {strides = array<i32>} : memref<9216xf32, #tpu.memory_space<vmem>>, vector<16xf32>,
      tpu.vector_store %arg12[%swap3A_296], %scan3A_240#12 {strides = array<i32>} : memref<9216xf32, #tpu.memory_space<vmem>>, vector<16xf32>,
      %add3A_298 = arith.constant 208 : i32
      %add3A_299 = arith.addi %mul3A_245, %add3A_298 : i32
      %swap3A_300 = arith.index_cast %add3A_299 : i32 to index
      %swap3A_301 = tpu.vector_load %arg12[%swap3A_300] {strides = array<i32>} : memref<9216xf32, #tpu.memory_space<vmem>>, vector<16xf32>,
      tpu.vector_store %arg12[%swap3A_300], %scan3A_240#13 {strides = array<i32>} : memref<9216xf32, #tpu.memory_space<vmem>>, vector<16xf32>,
      %add3A_302 = arith.constant 224 : i32
      %add3A_303 = arith.addi %mul3A_245, %add3A_302 : i32
      %swap3A_304 = arith.index_cast %add3A_303 : i32 to index
      %swap3A_305 = tpu.vector_load %arg12[%swap3A_304] {strides = array<i32>} : memref<9216xf32, #tpu.memory_space<vmem>>, vector<16xf32>,
      tpu.vector_store %arg12[%swap3A_304], %scan3A_240#14 {strides = array<i32>} : memref<9216xf32, #tpu.memory_space<vmem>>, vector<16xf32>,
      %add3A_306 = arith.constant 240 : i32
      %add3A_307 = arith.addi %mul3A_245, %add3A_306 : i32
      %swap3A_308 = arith.index_cast %add3A_307 : i32 to index
      %swap3A_309 = tpu.vector_load %arg12[%swap3A_308] {strides = array<i32>} : memref<9216xf32, #tpu.memory_space<vmem>>, vector<16xf32>,
      tpu.vector_store %arg12[%swap3A_308], %scan3A_240#15 {strides = array<i32>} : memref<9216xf32, #tpu.memory_space<vmem>>, vector<16xf32>,
      %add3A_310 = arith.constant 256 : i32
      %add3A_311 = arith.addi %mul3A_245, %add3A_310 : i32
      %swap3A_312 = arith.index_cast %add3A_311 : i32 to index
      %swap3A_313 = tpu.vector_load %arg12[%swap3A_312] {strides = array<i32>} : memref<9216xf32, #tpu.memory_space<vmem>>, vector<16xf32>,
      tpu.vector_store %arg12[%swap3A_312], %scan3A_240#16 {strides = array<i32>} : memref<9216xf32, #tpu.memory_space<vmem>>, vector<16xf32>,
      %add3A_314 = arith.constant 256 : i32
      %add3A_315 = arith.addi %mul3A_245, %add3A_314 : i32
      %add3A_316 = arith.constant 16 : i32
      %add3A_317 = arith.addi %add3A_315, %add3A_316 : i32
      %swap3A_318 = arith.index_cast %add3A_317 : i32 to index
      %swap3A_319 = tpu.vector_load %arg12[%swap3A_318] {strides = array<i32>} : memref<9216xf32, #tpu.memory_space<vmem>>, vector<16xf32>,
      tpu.vector_store %arg12[%swap3A_318], %scan3A_240#17 {strides = array<i32>} : memref<9216xf32, #tpu.memory_space<vmem>>, vector<16xf32>,
      %add3A_320 = arith.constant 4 : i32
      %add3A_321 = arith.addi %add3A_193, %add3A_320 : i32
      %min3A_322 = arith.constant 255 : i32
      %min3A_323 = arith.minsi %add3A_321, %min3A_322 : i32
      %mul3A_324 = arith.constant 32 : i32
      %mul3A_325 = arith.muli %min3A_323, %mul3A_324 : i32
      %dma_start3A_326 = tpu.memref_slice %arg6[%mul3A_325] : memref<8192xi32, #tpu.memory_space<vmem>> -> memref<32xi32, #tpu.memory_space<vmem>>
      %dma_start3A_327 = arith.constant 0 : i32
      %dma_start3A_328 = arith.constant 0 : i32
      %dma_start3A_329 = tpu.memref_slice %arg2[%dma_start3A_327, %dma_start3A_328] : memref<32768x384xf32, #tpu.memory_space<hbm>> -> memref<32768x384xf32, #tpu.memory_space<hbm>>
      tpu.enqueue_indirect_dma source(%dma_start3A_329 : memref<32768x384xf32, #tpu.memory_space<hbm>>) target(%arg9 : memref<32x384xf32, #tpu.memory_space<vmem>>) offsets(%dma_start3A_326 : memref<32xi32, #tpu.memory_space<vmem>>) semaphore(%arg14 : memref<!tpu.dma_semaphore, #tpu.memory_space<semaphore_mem>>)
      %add3A_330 = arith.constant 2 : i32
      %add3A_331 = arith.addi %add3A_57, %add3A_330 : i32
      %dma_wait3A_332 = arith.constant 0 : i32
      %dma_wait3A_333 = arith.constant 0 : i32
      %dma_wait3A_334 = tpu.memref_slice %arg2[%dma_wait3A_332, %dma_wait3A_333] : memref<32768x384xf32, #tpu.memory_space<hbm>> -> memref<32x384xf32, #tpu.memory_space<hbm>>
      %dma_wait3A_335 = arith.constant 0 : i32
      %dma_wait3A_336 = arith.constant 0 : i32
      %dma_wait3A_337 = tpu.memref_slice %arg2[%dma_wait3A_335, %dma_wait3A_336] : memref<32768x384xf32, #tpu.memory_space<hbm>> -> memref<32x384xf32, #tpu.memory_space<hbm>>
      tpu.wait_dma2 semaphore(%arg15 : memref<!tpu.dma_semaphore, #tpu.memory_space<semaphore_mem>>) src(%dma_wait3A_337 : memref<32x384xf32, #tpu.memory_space<hbm>>) dst(%arg10 : memref<32x384xf32, #tpu.memory_space<vmem>>)
      %broadcast_in_dim3A_338 = arith.constant 0.000000e+00 : f32
      %broadcast_in_dim3A_339 = vector.broadcast %broadcast_in_dim3A_338 : f32 to vector<16xf32>
      %broadcast_in_dim3A_340 = arith.constant 0.000000e+00 : f32
      %broadcast_in_dim3A_341 = vector.broadcast %broadcast_in_dim3A_340 : f32 to vector<16xf32>
      %broadcast_in_dim3A_342 = arith.constant 0.000000e+00 : f32
      %broadcast_in_dim3A_343 = vector.broadcast %broadcast_in_dim3A_342 : f32 to vector<16xf32>
      %broadcast_in_dim3A_344 = arith.constant 0.000000e+00 : f32
      %broadcast_in_dim3A_345 = vector.broadcast %broadcast_in_dim3A_344 : f32 to vector<16xf32>
      %broadcast_in_dim3A_346 = arith.constant 0.000000e+00 : f32
      %broadcast_in_dim3A_347 = vector.broadcast %broadcast_in_dim3A_346 : f32 to vector<16xf32>
      %broadcast_in_dim3A_348 = arith.constant 0.000000e+00 : f32
      %broadcast_in_dim3A_349 = vector.broadcast %broadcast_in_dim3A_348 : f32 to vector<16xf32>
      %broadcast_in_dim3A_350 = arith.constant 0.000000e+00 : f32
      %broadcast_in_dim3A_351 = vector.broadcast %broadcast_in_dim3A_350 : f32 to vector<16xf32>
      %broadcast_in_dim3A_352 = arith.constant 0.000000e+00 : f32
      %broadcast_in_dim3A_353 = vector.broadcast %broadcast_in_dim3A_352 : f32 to vector<16xf32>
      %broadcast_in_dim3A_354 = arith.constant 0.000000e+00 : f32
      %broadcast_in_dim3A_355 = vector.broadcast %broadcast_in_dim3A_354 : f32 to vector<16xf32>
      %broadcast_in_dim3A_356 = arith.constant 0.000000e+00 : f32
      %broadcast_in_dim3A_357 = vector.broadcast %broadcast_in_dim3A_356 : f32 to vector<16xf32>
      %broadcast_in_dim3A_358 = arith.constant 0.000000e+00 : f32
      %broadcast_in_dim3A_359 = vector.broadcast %broadcast_in_dim3A_358 : f32 to vector<16xf32>
      %broadcast_in_dim3A_360 = arith.constant 0.000000e+00 : f32
      %broadcast_in_dim3A_361 = vector.broadcast %broadcast_in_dim3A_360 : f32 to vector<16xf32>
      %broadcast_in_dim3A_362 = arith.constant 0.000000e+00 : f32
      %broadcast_in_dim3A_363 = vector.broadcast %broadcast_in_dim3A_362 : f32 to vector<16xf32>
      %broadcast_in_dim3A_364 = arith.constant 0.000000e+00 : f32
      %broadcast_in_dim3A_365 = vector.broadcast %broadcast_in_dim3A_364 : f32 to vector<16xf32>
      %broadcast_in_dim3A_366 = arith.constant 0.000000e+00 : f32
      %broadcast_in_dim3A_367 = vector.broadcast %broadcast_in_dim3A_366 : f32 to vector<16xf32>
      %broadcast_in_dim3A_368 = arith.constant 0.000000e+00 : f32
      %broadcast_in_dim3A_369 = vector.broadcast %broadcast_in_dim3A_368 : f32 to vector<16xf32>
      %broadcast_in_dim3A_370 = arith.constant 0xFF800000 : f32
      %broadcast_in_dim3A_371 = vector.broadcast %broadcast_in_dim3A_370 : f32 to vector<16xf32>
      %broadcast_in_dim3A_372 = arith.constant 0xFF800000 : f32
      %broadcast_in_dim3A_373 = vector.broadcast %broadcast_in_dim3A_372 : f32 to vector<16xf32>
      %scan3A_374 = arith.constant 0 : i32
      %scan3A_375 = arith.constant 32 : i32
      %scan3A_376 = arith.addi %scan3A_374, %scan3A_375 : i32
      %scan3A_377 = arith.constant 1 : i32
      %scan3A_378:18 = scf.for %scan3A_610 = %scan3A_374 to %scan3A_376 step %scan3A_377 iter_args(%scan3A_611 = %broadcast_in_dim3A_339, %scan3A_612 = %broadcast_in_dim3A_341, %scan3A_613 = %broadcast_in_dim3A_343, %scan3A_614 = %broadcast_in_dim3A_345, %scan3A_615 = %broadcast_in_dim3A_347, %scan3A_616 = %broadcast_in_dim3A_349, %scan3A_617 = %broadcast_in_dim3A_351, %scan3A_618 = %broadcast_in_dim3A_353, %scan3A_619 = %broadcast_in_dim3A_355, %scan3A_620 = %broadcast_in_dim3A_357, %scan3A_621 = %broadcast_in_dim3A_359, %scan3A_622 = %broadcast_in_dim3A_361, %scan3A_623 = %broadcast_in_dim3A_363, %scan3A_624 = %broadcast_in_dim3A_365, %scan3A_625 = %broadcast_in_dim3A_367, %scan3A_626 = %broadcast_in_dim3A_369, %scan3A_627 = %broadcast_in_dim3A_371, %scan3A_628 = %broadcast_in_dim3A_373) -> (vector<16xf32>, vector<16xf32>, vector<16xf32>, vector<16xf32>, vector<16xf32>, vector<16xf32>, vector<16xf32>, vector<16xf32>, vector<16xf32>, vector<16xf32>, vector<16xf32>, vector<16xf32>, vector<16xf32>, vector<16xf32>, vector<16xf32>, vector<16xf32>, vector<16xf32>, vector<16xf32>)  : i32 {
        %mul3A_629 = arith.constant 32 : i32
        %mul3A_630 = arith.muli %add3A_331, %mul3A_629 : i32
        %add3A_631 = arith.addi %mul3A_630, %scan3A_610 : i32
        %broadcast_in_dim3A_632 = vector.broadcast %add3A_631 : i32 to vector<16xi32>
        %gather3A = tpu.vector_load_idx %arg7[%broadcast_in_dim3A_632] : memref<8192xf32, #tpu.memory_space<vmem>>[vector<16xi32>], vector<16xf32>,
        %get3A = arith.index_cast %scan3A_610 : i32 to index
        %get3A_633 = arith.constant 0 : index
        %get3A_634 = tpu.vector_load %arg10[%get3A, %get3A_633] {strides = array<i32>} : memref<32x384xf32, #tpu.memory_space<vmem>>, vector<16xf32>,
        %mul3A_635 = arith.mulf %gather3A, %get3A_634 : vector<16xf32>
        %add3A_636 = arith.addf %scan3A_611, %mul3A_635 : vector<16xf32>
        %get3A_637 = arith.index_cast %scan3A_610 : i32 to index
        %get3A_638 = arith.constant 16 : index
        %get3A_639 = tpu.vector_load %arg10[%get3A_637, %get3A_638] {strides = array<i32>} : memref<32x384xf32, #tpu.memory_space<vmem>>, vector<16xf32>,
        %mul3A_640 = arith.mulf %gather3A, %get3A_639 : vector<16xf32>
        %add3A_641 = arith.addf %scan3A_612, %mul3A_640 : vector<16xf32>
        %get3A_642 = arith.index_cast %scan3A_610 : i32 to index
        %get3A_643 = arith.constant 32 : index
        %get3A_644 = tpu.vector_load %arg10[%get3A_642, %get3A_643] {strides = array<i32>} : memref<32x384xf32, #tpu.memory_space<vmem>>, vector<16xf32>,
        %mul3A_645 = arith.mulf %gather3A, %get3A_644 : vector<16xf32>
        %add3A_646 = arith.addf %scan3A_613, %mul3A_645 : vector<16xf32>
        %get3A_647 = arith.index_cast %scan3A_610 : i32 to index
        %get3A_648 = arith.constant 48 : index
        %get3A_649 = tpu.vector_load %arg10[%get3A_647, %get3A_648] {strides = array<i32>} : memref<32x384xf32, #tpu.memory_space<vmem>>, vector<16xf32>,
        %mul3A_650 = arith.mulf %gather3A, %get3A_649 : vector<16xf32>
        %add3A_651 = arith.addf %scan3A_614, %mul3A_650 : vector<16xf32>
        %get3A_652 = arith.index_cast %scan3A_610 : i32 to index
        %get3A_653 = arith.constant 64 : index
        %get3A_654 = tpu.vector_load %arg10[%get3A_652, %get3A_653] {strides = array<i32>} : memref<32x384xf32, #tpu.memory_space<vmem>>, vector<16xf32>,
        %mul3A_655 = arith.mulf %gather3A, %get3A_654 : vector<16xf32>
        %add3A_656 = arith.addf %scan3A_615, %mul3A_655 : vector<16xf32>
        %get3A_657 = arith.index_cast %scan3A_610 : i32 to index
        %get3A_658 = arith.constant 80 : index
        %get3A_659 = tpu.vector_load %arg10[%get3A_657, %get3A_658] {strides = array<i32>} : memref<32x384xf32, #tpu.memory_space<vmem>>, vector<16xf32>,
        %mul3A_660 = arith.mulf %gather3A, %get3A_659 : vector<16xf32>
        %add3A_661 = arith.addf %scan3A_616, %mul3A_660 : vector<16xf32>
        %get3A_662 = arith.index_cast %scan3A_610 : i32 to index
        %get3A_663 = arith.constant 96 : index
        %get3A_664 = tpu.vector_load %arg10[%get3A_662, %get3A_663] {strides = array<i32>} : memref<32x384xf32, #tpu.memory_space<vmem>>, vector<16xf32>,
        %mul3A_665 = arith.mulf %gather3A, %get3A_664 : vector<16xf32>
        %add3A_666 = arith.addf %scan3A_617, %mul3A_665 : vector<16xf32>
        %get3A_667 = arith.index_cast %scan3A_610 : i32 to index
        %get3A_668 = arith.constant 112 : index
        %get3A_669 = tpu.vector_load %arg10[%get3A_667, %get3A_668] {strides = array<i32>} : memref<32x384xf32, #tpu.memory_space<vmem>>, vector<16xf32>,
        %mul3A_670 = arith.mulf %gather3A, %get3A_669 : vector<16xf32>
        %add3A_671 = arith.addf %scan3A_618, %mul3A_670 : vector<16xf32>
        %get3A_672 = arith.index_cast %scan3A_610 : i32 to index
        %get3A_673 = arith.constant 128 : index
        %get3A_674 = tpu.vector_load %arg10[%get3A_672, %get3A_673] {strides = array<i32>} : memref<32x384xf32, #tpu.memory_space<vmem>>, vector<16xf32>,
        %mul3A_675 = arith.mulf %gather3A, %get3A_674 : vector<16xf32>
        %add3A_676 = arith.addf %scan3A_619, %mul3A_675 : vector<16xf32>
        %get3A_677 = arith.index_cast %scan3A_610 : i32 to index
        %get3A_678 = arith.constant 144 : index
        %get3A_679 = tpu.vector_load %arg10[%get3A_677, %get3A_678] {strides = array<i32>} : memref<32x384xf32, #tpu.memory_space<vmem>>, vector<16xf32>,
        %mul3A_680 = arith.mulf %gather3A, %get3A_679 : vector<16xf32>
        %add3A_681 = arith.addf %scan3A_620, %mul3A_680 : vector<16xf32>
        %get3A_682 = arith.index_cast %scan3A_610 : i32 to index
        %get3A_683 = arith.constant 160 : index
        %get3A_684 = tpu.vector_load %arg10[%get3A_682, %get3A_683] {strides = array<i32>} : memref<32x384xf32, #tpu.memory_space<vmem>>, vector<16xf32>,
        %mul3A_685 = arith.mulf %gather3A, %get3A_684 : vector<16xf32>
        %add3A_686 = arith.addf %scan3A_621, %mul3A_685 : vector<16xf32>
        %get3A_687 = arith.index_cast %scan3A_610 : i32 to index
        %get3A_688 = arith.constant 176 : index
        %get3A_689 = tpu.vector_load %arg10[%get3A_687, %get3A_688] {strides = array<i32>} : memref<32x384xf32, #tpu.memory_space<vmem>>, vector<16xf32>,
        %mul3A_690 = arith.mulf %gather3A, %get3A_689 : vector<16xf32>
        %add3A_691 = arith.addf %scan3A_622, %mul3A_690 : vector<16xf32>
        %get3A_692 = arith.index_cast %scan3A_610 : i32 to index
        %get3A_693 = arith.constant 192 : index
        %get3A_694 = tpu.vector_load %arg10[%get3A_692, %get3A_693] {strides = array<i32>} : memref<32x384xf32, #tpu.memory_space<vmem>>, vector<16xf32>,
        %mul3A_695 = arith.mulf %gather3A, %get3A_694 : vector<16xf32>
        %add3A_696 = arith.addf %scan3A_623, %mul3A_695 : vector<16xf32>
        %get3A_697 = arith.index_cast %scan3A_610 : i32 to index
        %get3A_698 = arith.constant 208 : index
        %get3A_699 = tpu.vector_load %arg10[%get3A_697, %get3A_698] {strides = array<i32>} : memref<32x384xf32, #tpu.memory_space<vmem>>, vector<16xf32>,
        %mul3A_700 = arith.mulf %gather3A, %get3A_699 : vector<16xf32>
        %add3A_701 = arith.addf %scan3A_624, %mul3A_700 : vector<16xf32>
        %get3A_702 = arith.index_cast %scan3A_610 : i32 to index
        %get3A_703 = arith.constant 224 : index
        %get3A_704 = tpu.vector_load %arg10[%get3A_702, %get3A_703] {strides = array<i32>} : memref<32x384xf32, #tpu.memory_space<vmem>>, vector<16xf32>,
        %mul3A_705 = arith.mulf %gather3A, %get3A_704 : vector<16xf32>
        %add3A_706 = arith.addf %scan3A_625, %mul3A_705 : vector<16xf32>
        %get3A_707 = arith.index_cast %scan3A_610 : i32 to index
        %get3A_708 = arith.constant 240 : index
        %get3A_709 = tpu.vector_load %arg10[%get3A_707, %get3A_708] {strides = array<i32>} : memref<32x384xf32, #tpu.memory_space<vmem>>, vector<16xf32>,
        %mul3A_710 = arith.mulf %gather3A, %get3A_709 : vector<16xf32>
        %add3A_711 = arith.addf %scan3A_626, %mul3A_710 : vector<16xf32>
        %get3A_712 = arith.index_cast %scan3A_610 : i32 to index
        %get3A_713 = arith.constant 256 : index
        %get3A_714 = tpu.vector_load %arg10[%get3A_712, %get3A_713] {strides = array<i32>} : memref<32x384xf32, #tpu.memory_space<vmem>>, vector<16xf32>,
        %max3A = arith.maximumf %scan3A_627, %get3A_714 : vector<16xf32>
        %get3A_715 = arith.index_cast %scan3A_610 : i32 to index
        %get3A_716 = arith.constant 272 : index
        %get3A_717 = tpu.vector_load %arg10[%get3A_715, %get3A_716] {strides = array<i32>} : memref<32x384xf32, #tpu.memory_space<vmem>>, vector<16xf32>,
        %max3A_718 = arith.maximumf %scan3A_628, %get3A_717 : vector<16xf32>
        scf.yield %add3A_636, %add3A_641, %add3A_646, %add3A_651, %add3A_656, %add3A_661, %add3A_666, %add3A_671, %add3A_676, %add3A_681, %add3A_686, %add3A_691, %add3A_696, %add3A_701, %add3A_706, %add3A_711, %max3A, %max3A_718 : vector<16xf32>, vector<16xf32>, vector<16xf32>, vector<16xf32>, vector<16xf32>, vector<16xf32>, vector<16xf32>, vector<16xf32>, vector<16xf32>, vector<16xf32>, vector<16xf32>, vector<16xf32>, vector<16xf32>, vector<16xf32>, vector<16xf32>, vector<16xf32>, vector<16xf32>, vector<16xf32>
      }
      %scan3A_379 = arith.constant 32 : i32
      %and3A_380 = arith.constant 31 : i32
      %and3A_381 = arith.andi %add3A_331, %and3A_380 : i32
      %mul3A_382 = arith.constant 288 : i32
      %mul3A_383 = arith.muli %and3A_381, %mul3A_382 : i32
      %add3A_384 = arith.constant 0 : i32
      %add3A_385 = arith.addi %mul3A_383, %add3A_384 : i32
      %swap3A_386 = arith.index_cast %add3A_385 : i32 to index
      %swap3A_387 = tpu.vector_load %arg12[%swap3A_386] {strides = array<i32>} : memref<9216xf32, #tpu.memory_space<vmem>>, vector<16xf32>,
      tpu.vector_store %arg12[%swap3A_386], %scan3A_378#0 {strides = array<i32>} : memref<9216xf32, #tpu.memory_space<vmem>>, vector<16xf32>,
      %add3A_388 = arith.constant 16 : i32
      %add3A_389 = arith.addi %mul3A_383, %add3A_388 : i32
      %swap3A_390 = arith.index_cast %add3A_389 : i32 to index
      %swap3A_391 = tpu.vector_load %arg12[%swap3A_390] {strides = array<i32>} : memref<9216xf32, #tpu.memory_space<vmem>>, vector<16xf32>,
      tpu.vector_store %arg12[%swap3A_390], %scan3A_378#1 {strides = array<i32>} : memref<9216xf32, #tpu.memory_space<vmem>>, vector<16xf32>,
      %add3A_392 = arith.constant 32 : i32
      %add3A_393 = arith.addi %mul3A_383, %add3A_392 : i32
      %swap3A_394 = arith.index_cast %add3A_393 : i32 to index
      %swap3A_395 = tpu.vector_load %arg12[%swap3A_394] {strides = array<i32>} : memref<9216xf32, #tpu.memory_space<vmem>>, vector<16xf32>,
      tpu.vector_store %arg12[%swap3A_394], %scan3A_378#2 {strides = array<i32>} : memref<9216xf32, #tpu.memory_space<vmem>>, vector<16xf32>,
      %add3A_396 = arith.constant 48 : i32
      %add3A_397 = arith.addi %mul3A_383, %add3A_396 : i32
      %swap3A_398 = arith.index_cast %add3A_397 : i32 to index
      %swap3A_399 = tpu.vector_load %arg12[%swap3A_398] {strides = array<i32>} : memref<9216xf32, #tpu.memory_space<vmem>>, vector<16xf32>,
      tpu.vector_store %arg12[%swap3A_398], %scan3A_378#3 {strides = array<i32>} : memref<9216xf32, #tpu.memory_space<vmem>>, vector<16xf32>,
      %add3A_400 = arith.constant 64 : i32
      %add3A_401 = arith.addi %mul3A_383, %add3A_400 : i32
      %swap3A_402 = arith.index_cast %add3A_401 : i32 to index
      %swap3A_403 = tpu.vector_load %arg12[%swap3A_402] {strides = array<i32>} : memref<9216xf32, #tpu.memory_space<vmem>>, vector<16xf32>,
      tpu.vector_store %arg12[%swap3A_402], %scan3A_378#4 {strides = array<i32>} : memref<9216xf32, #tpu.memory_space<vmem>>, vector<16xf32>,
      %add3A_404 = arith.constant 80 : i32
      %add3A_405 = arith.addi %mul3A_383, %add3A_404 : i32
      %swap3A_406 = arith.index_cast %add3A_405 : i32 to index
      %swap3A_407 = tpu.vector_load %arg12[%swap3A_406] {strides = array<i32>} : memref<9216xf32, #tpu.memory_space<vmem>>, vector<16xf32>,
      tpu.vector_store %arg12[%swap3A_406], %scan3A_378#5 {strides = array<i32>} : memref<9216xf32, #tpu.memory_space<vmem>>, vector<16xf32>,
      %add3A_408 = arith.constant 96 : i32
      %add3A_409 = arith.addi %mul3A_383, %add3A_408 : i32
      %swap3A_410 = arith.index_cast %add3A_409 : i32 to index
      %swap3A_411 = tpu.vector_load %arg12[%swap3A_410] {strides = array<i32>} : memref<9216xf32, #tpu.memory_space<vmem>>, vector<16xf32>,
      tpu.vector_store %arg12[%swap3A_410], %scan3A_378#6 {strides = array<i32>} : memref<9216xf32, #tpu.memory_space<vmem>>, vector<16xf32>,
      %add3A_412 = arith.constant 112 : i32
      %add3A_413 = arith.addi %mul3A_383, %add3A_412 : i32
      %swap3A_414 = arith.index_cast %add3A_413 : i32 to index
      %swap3A_415 = tpu.vector_load %arg12[%swap3A_414] {strides = array<i32>} : memref<9216xf32, #tpu.memory_space<vmem>>, vector<16xf32>,
      tpu.vector_store %arg12[%swap3A_414], %scan3A_378#7 {strides = array<i32>} : memref<9216xf32, #tpu.memory_space<vmem>>, vector<16xf32>,
      %add3A_416 = arith.constant 128 : i32
      %add3A_417 = arith.addi %mul3A_383, %add3A_416 : i32
      %swap3A_418 = arith.index_cast %add3A_417 : i32 to index
      %swap3A_419 = tpu.vector_load %arg12[%swap3A_418] {strides = array<i32>} : memref<9216xf32, #tpu.memory_space<vmem>>, vector<16xf32>,
      tpu.vector_store %arg12[%swap3A_418], %scan3A_378#8 {strides = array<i32>} : memref<9216xf32, #tpu.memory_space<vmem>>, vector<16xf32>,
      %add3A_420 = arith.constant 144 : i32
      %add3A_421 = arith.addi %mul3A_383, %add3A_420 : i32
      %swap3A_422 = arith.index_cast %add3A_421 : i32 to index
      %swap3A_423 = tpu.vector_load %arg12[%swap3A_422] {strides = array<i32>} : memref<9216xf32, #tpu.memory_space<vmem>>, vector<16xf32>,
      tpu.vector_store %arg12[%swap3A_422], %scan3A_378#9 {strides = array<i32>} : memref<9216xf32, #tpu.memory_space<vmem>>, vector<16xf32>,
      %add3A_424 = arith.constant 160 : i32
      %add3A_425 = arith.addi %mul3A_383, %add3A_424 : i32
      %swap3A_426 = arith.index_cast %add3A_425 : i32 to index
      %swap3A_427 = tpu.vector_load %arg12[%swap3A_426] {strides = array<i32>} : memref<9216xf32, #tpu.memory_space<vmem>>, vector<16xf32>,
      tpu.vector_store %arg12[%swap3A_426], %scan3A_378#10 {strides = array<i32>} : memref<9216xf32, #tpu.memory_space<vmem>>, vector<16xf32>,
      %add3A_428 = arith.constant 176 : i32
      %add3A_429 = arith.addi %mul3A_383, %add3A_428 : i32
      %swap3A_430 = arith.index_cast %add3A_429 : i32 to index
      %swap3A_431 = tpu.vector_load %arg12[%swap3A_430] {strides = array<i32>} : memref<9216xf32, #tpu.memory_space<vmem>>, vector<16xf32>,
      tpu.vector_store %arg12[%swap3A_430], %scan3A_378#11 {strides = array<i32>} : memref<9216xf32, #tpu.memory_space<vmem>>, vector<16xf32>,
      %add3A_432 = arith.constant 192 : i32
      %add3A_433 = arith.addi %mul3A_383, %add3A_432 : i32
      %swap3A_434 = arith.index_cast %add3A_433 : i32 to index
      %swap3A_435 = tpu.vector_load %arg12[%swap3A_434] {strides = array<i32>} : memref<9216xf32, #tpu.memory_space<vmem>>, vector<16xf32>,
      tpu.vector_store %arg12[%swap3A_434], %scan3A_378#12 {strides = array<i32>} : memref<9216xf32, #tpu.memory_space<vmem>>, vector<16xf32>,
      %add3A_436 = arith.constant 208 : i32
      %add3A_437 = arith.addi %mul3A_383, %add3A_436 : i32
      %swap3A_438 = arith.index_cast %add3A_437 : i32 to index
      %swap3A_439 = tpu.vector_load %arg12[%swap3A_438] {strides = array<i32>} : memref<9216xf32, #tpu.memory_space<vmem>>, vector<16xf32>,
      tpu.vector_store %arg12[%swap3A_438], %scan3A_378#13 {strides = array<i32>} : memref<9216xf32, #tpu.memory_space<vmem>>, vector<16xf32>,
      %add3A_440 = arith.constant 224 : i32
      %add3A_441 = arith.addi %mul3A_383, %add3A_440 : i32
      %swap3A_442 = arith.index_cast %add3A_441 : i32 to index
      %swap3A_443 = tpu.vector_load %arg12[%swap3A_442] {strides = array<i32>} : memref<9216xf32, #tpu.memory_space<vmem>>, vector<16xf32>,
      tpu.vector_store %arg12[%swap3A_442], %scan3A_378#14 {strides = array<i32>} : memref<9216xf32, #tpu.memory_space<vmem>>, vector<16xf32>,
      %add3A_444 = arith.constant 240 : i32
      %add3A_445 = arith.addi %mul3A_383, %add3A_444 : i32
      %swap3A_446 = arith.index_cast %add3A_445 : i32 to index
      %swap3A_447 = tpu.vector_load %arg12[%swap3A_446] {strides = array<i32>} : memref<9216xf32, #tpu.memory_space<vmem>>, vector<16xf32>,
      tpu.vector_store %arg12[%swap3A_446], %scan3A_378#15 {strides = array<i32>} : memref<9216xf32, #tpu.memory_space<vmem>>, vector<16xf32>,
      %add3A_448 = arith.constant 256 : i32
      %add3A_449 = arith.addi %mul3A_383, %add3A_448 : i32
      %swap3A_450 = arith.index_cast %add3A_449 : i32 to index
      %swap3A_451 = tpu.vector_load %arg12[%swap3A_450] {strides = array<i32>} : memref<9216xf32, #tpu.memory_space<vmem>>, vector<16xf32>,
      tpu.vector_store %arg12[%swap3A_450], %scan3A_378#16 {strides = array<i32>} : memref<9216xf32, #tpu.memory_space<vmem>>, vector<16xf32>,
      %add3A_452 = arith.constant 256 : i32
      %add3A_453 = arith.addi %mul3A_383, %add3A_452 : i32
      %add3A_454 = arith.constant 16 : i32
      %add3A_455 = arith.addi %add3A_453, %add3A_454 : i32
      %swap3A_456 = arith.index_cast %add3A_455 : i32 to index
      %swap3A_457 = tpu.vector_load %arg12[%swap3A_456] {strides = array<i32>} : memref<9216xf32, #tpu.memory_space<vmem>>, vector<16xf32>,
      tpu.vector_store %arg12[%swap3A_456], %scan3A_378#17 {strides = array<i32>} : memref<9216xf32, #tpu.memory_space<vmem>>, vector<16xf32>,
      %add3A_458 = arith.constant 4 : i32
      %add3A_459 = arith.addi %add3A_331, %add3A_458 : i32
      %min3A_460 = arith.constant 255 : i32
      %min3A_461 = arith.minsi %add3A_459, %min3A_460 : i32
      %mul3A_462 = arith.constant 32 : i32
      %mul3A_463 = arith.muli %min3A_461, %mul3A_462 : i32
      %dma_start3A_464 = tpu.memref_slice %arg6[%mul3A_463] : memref<8192xi32, #tpu.memory_space<vmem>> -> memref<32xi32, #tpu.memory_space<vmem>>
      %dma_start3A_465 = arith.constant 0 : i32
      %dma_start3A_466 = arith.constant 0 : i32
      %dma_start3A_467 = tpu.memref_slice %arg2[%dma_start3A_465, %dma_start3A_466] : memref<32768x384xf32, #tpu.memory_space<hbm>> -> memref<32768x384xf32, #tpu.memory_space<hbm>>
      tpu.enqueue_indirect_dma source(%dma_start3A_467 : memref<32768x384xf32, #tpu.memory_space<hbm>>) target(%arg10 : memref<32x384xf32, #tpu.memory_space<vmem>>) offsets(%dma_start3A_464 : memref<32xi32, #tpu.memory_space<vmem>>) semaphore(%arg15 : memref<!tpu.dma_semaphore, #tpu.memory_space<semaphore_mem>>)
      %add3A_468 = arith.constant 3 : i32
      %add3A_469 = arith.addi %add3A_57, %add3A_468 : i32
      %dma_wait3A_470 = arith.constant 0 : i32
      %dma_wait3A_471 = arith.constant 0 : i32
      %dma_wait3A_472 = tpu.memref_slice %arg2[%dma_wait3A_470, %dma_wait3A_471] : memref<32768x384xf32, #tpu.memory_space<hbm>> -> memref<32x384xf32, #tpu.memory_space<hbm>>
      %dma_wait3A_473 = arith.constant 0 : i32
      %dma_wait3A_474 = arith.constant 0 : i32
      %dma_wait3A_475 = tpu.memref_slice %arg2[%dma_wait3A_473, %dma_wait3A_474] : memref<32768x384xf32, #tpu.memory_space<hbm>> -> memref<32x384xf32, #tpu.memory_space<hbm>>
      tpu.wait_dma2 semaphore(%arg16 : memref<!tpu.dma_semaphore, #tpu.memory_space<semaphore_mem>>) src(%dma_wait3A_475 : memref<32x384xf32, #tpu.memory_space<hbm>>) dst(%arg11 : memref<32x384xf32, #tpu.memory_space<vmem>>)
      %broadcast_in_dim3A_476 = arith.constant 0.000000e+00 : f32
      %broadcast_in_dim3A_477 = vector.broadcast %broadcast_in_dim3A_476 : f32 to vector<16xf32>
      %broadcast_in_dim3A_478 = arith.constant 0.000000e+00 : f32
      %broadcast_in_dim3A_479 = vector.broadcast %broadcast_in_dim3A_478 : f32 to vector<16xf32>
      %broadcast_in_dim3A_480 = arith.constant 0.000000e+00 : f32
      %broadcast_in_dim3A_481 = vector.broadcast %broadcast_in_dim3A_480 : f32 to vector<16xf32>
      %broadcast_in_dim3A_482 = arith.constant 0.000000e+00 : f32
      %broadcast_in_dim3A_483 = vector.broadcast %broadcast_in_dim3A_482 : f32 to vector<16xf32>
      %broadcast_in_dim3A_484 = arith.constant 0.000000e+00 : f32
      %broadcast_in_dim3A_485 = vector.broadcast %broadcast_in_dim3A_484 : f32 to vector<16xf32>
      %broadcast_in_dim3A_486 = arith.constant 0.000000e+00 : f32
      %broadcast_in_dim3A_487 = vector.broadcast %broadcast_in_dim3A_486 : f32 to vector<16xf32>
      %broadcast_in_dim3A_488 = arith.constant 0.000000e+00 : f32
      %broadcast_in_dim3A_489 = vector.broadcast %broadcast_in_dim3A_488 : f32 to vector<16xf32>
      %broadcast_in_dim3A_490 = arith.constant 0.000000e+00 : f32
      %broadcast_in_dim3A_491 = vector.broadcast %broadcast_in_dim3A_490 : f32 to vector<16xf32>
      %broadcast_in_dim3A_492 = arith.constant 0.000000e+00 : f32
      %broadcast_in_dim3A_493 = vector.broadcast %broadcast_in_dim3A_492 : f32 to vector<16xf32>
      %broadcast_in_dim3A_494 = arith.constant 0.000000e+00 : f32
      %broadcast_in_dim3A_495 = vector.broadcast %broadcast_in_dim3A_494 : f32 to vector<16xf32>
      %broadcast_in_dim3A_496 = arith.constant 0.000000e+00 : f32
      %broadcast_in_dim3A_497 = vector.broadcast %broadcast_in_dim3A_496 : f32 to vector<16xf32>
      %broadcast_in_dim3A_498 = arith.constant 0.000000e+00 : f32
      %broadcast_in_dim3A_499 = vector.broadcast %broadcast_in_dim3A_498 : f32 to vector<16xf32>
      %broadcast_in_dim3A_500 = arith.constant 0.000000e+00 : f32
      %broadcast_in_dim3A_501 = vector.broadcast %broadcast_in_dim3A_500 : f32 to vector<16xf32>
      %broadcast_in_dim3A_502 = arith.constant 0.000000e+00 : f32
      %broadcast_in_dim3A_503 = vector.broadcast %broadcast_in_dim3A_502 : f32 to vector<16xf32>
      %broadcast_in_dim3A_504 = arith.constant 0.000000e+00 : f32
      %broadcast_in_dim3A_505 = vector.broadcast %broadcast_in_dim3A_504 : f32 to vector<16xf32>
      %broadcast_in_dim3A_506 = arith.constant 0.000000e+00 : f32
      %broadcast_in_dim3A_507 = vector.broadcast %broadcast_in_dim3A_506 : f32 to vector<16xf32>
      %broadcast_in_dim3A_508 = arith.constant 0xFF800000 : f32
      %broadcast_in_dim3A_509 = vector.broadcast %broadcast_in_dim3A_508 : f32 to vector<16xf32>
      %broadcast_in_dim3A_510 = arith.constant 0xFF800000 : f32
      %broadcast_in_dim3A_511 = vector.broadcast %broadcast_in_dim3A_510 : f32 to vector<16xf32>
      %scan3A_512 = arith.constant 0 : i32
      %scan3A_513 = arith.constant 32 : i32
      %scan3A_514 = arith.addi %scan3A_512, %scan3A_513 : i32
      %scan3A_515 = arith.constant 1 : i32
      %scan3A_516:18 = scf.for %scan3A_610 = %scan3A_512 to %scan3A_514 step %scan3A_515 iter_args(%scan3A_611 = %broadcast_in_dim3A_477, %scan3A_612 = %broadcast_in_dim3A_479, %scan3A_613 = %broadcast_in_dim3A_481, %scan3A_614 = %broadcast_in_dim3A_483, %scan3A_615 = %broadcast_in_dim3A_485, %scan3A_616 = %broadcast_in_dim3A_487, %scan3A_617 = %broadcast_in_dim3A_489, %scan3A_618 = %broadcast_in_dim3A_491, %scan3A_619 = %broadcast_in_dim3A_493, %scan3A_620 = %broadcast_in_dim3A_495, %scan3A_621 = %broadcast_in_dim3A_497, %scan3A_622 = %broadcast_in_dim3A_499, %scan3A_623 = %broadcast_in_dim3A_501, %scan3A_624 = %broadcast_in_dim3A_503, %scan3A_625 = %broadcast_in_dim3A_505, %scan3A_626 = %broadcast_in_dim3A_507, %scan3A_627 = %broadcast_in_dim3A_509, %scan3A_628 = %broadcast_in_dim3A_511) -> (vector<16xf32>, vector<16xf32>, vector<16xf32>, vector<16xf32>, vector<16xf32>, vector<16xf32>, vector<16xf32>, vector<16xf32>, vector<16xf32>, vector<16xf32>, vector<16xf32>, vector<16xf32>, vector<16xf32>, vector<16xf32>, vector<16xf32>, vector<16xf32>, vector<16xf32>, vector<16xf32>)  : i32 {
        %mul3A_629 = arith.constant 32 : i32
        %mul3A_630 = arith.muli %add3A_469, %mul3A_629 : i32
        %add3A_631 = arith.addi %mul3A_630, %scan3A_610 : i32
        %broadcast_in_dim3A_632 = vector.broadcast %add3A_631 : i32 to vector<16xi32>
        %gather3A = tpu.vector_load_idx %arg7[%broadcast_in_dim3A_632] : memref<8192xf32, #tpu.memory_space<vmem>>[vector<16xi32>], vector<16xf32>,
        %get3A = arith.index_cast %scan3A_610 : i32 to index
        %get3A_633 = arith.constant 0 : index
        %get3A_634 = tpu.vector_load %arg11[%get3A, %get3A_633] {strides = array<i32>} : memref<32x384xf32, #tpu.memory_space<vmem>>, vector<16xf32>,
        %mul3A_635 = arith.mulf %gather3A, %get3A_634 : vector<16xf32>
        %add3A_636 = arith.addf %scan3A_611, %mul3A_635 : vector<16xf32>
        %get3A_637 = arith.index_cast %scan3A_610 : i32 to index
        %get3A_638 = arith.constant 16 : index
        %get3A_639 = tpu.vector_load %arg11[%get3A_637, %get3A_638] {strides = array<i32>} : memref<32x384xf32, #tpu.memory_space<vmem>>, vector<16xf32>,
        %mul3A_640 = arith.mulf %gather3A, %get3A_639 : vector<16xf32>
        %add3A_641 = arith.addf %scan3A_612, %mul3A_640 : vector<16xf32>
        %get3A_642 = arith.index_cast %scan3A_610 : i32 to index
        %get3A_643 = arith.constant 32 : index
        %get3A_644 = tpu.vector_load %arg11[%get3A_642, %get3A_643] {strides = array<i32>} : memref<32x384xf32, #tpu.memory_space<vmem>>, vector<16xf32>,
        %mul3A_645 = arith.mulf %gather3A, %get3A_644 : vector<16xf32>
        %add3A_646 = arith.addf %scan3A_613, %mul3A_645 : vector<16xf32>
        %get3A_647 = arith.index_cast %scan3A_610 : i32 to index
        %get3A_648 = arith.constant 48 : index
        %get3A_649 = tpu.vector_load %arg11[%get3A_647, %get3A_648] {strides = array<i32>} : memref<32x384xf32, #tpu.memory_space<vmem>>, vector<16xf32>,
        %mul3A_650 = arith.mulf %gather3A, %get3A_649 : vector<16xf32>
        %add3A_651 = arith.addf %scan3A_614, %mul3A_650 : vector<16xf32>
        %get3A_652 = arith.index_cast %scan3A_610 : i32 to index
        %get3A_653 = arith.constant 64 : index
        %get3A_654 = tpu.vector_load %arg11[%get3A_652, %get3A_653] {strides = array<i32>} : memref<32x384xf32, #tpu.memory_space<vmem>>, vector<16xf32>,
        %mul3A_655 = arith.mulf %gather3A, %get3A_654 : vector<16xf32>
        %add3A_656 = arith.addf %scan3A_615, %mul3A_655 : vector<16xf32>
        %get3A_657 = arith.index_cast %scan3A_610 : i32 to index
        %get3A_658 = arith.constant 80 : index
        %get3A_659 = tpu.vector_load %arg11[%get3A_657, %get3A_658] {strides = array<i32>} : memref<32x384xf32, #tpu.memory_space<vmem>>, vector<16xf32>,
        %mul3A_660 = arith.mulf %gather3A, %get3A_659 : vector<16xf32>
        %add3A_661 = arith.addf %scan3A_616, %mul3A_660 : vector<16xf32>
        %get3A_662 = arith.index_cast %scan3A_610 : i32 to index
        %get3A_663 = arith.constant 96 : index
        %get3A_664 = tpu.vector_load %arg11[%get3A_662, %get3A_663] {strides = array<i32>} : memref<32x384xf32, #tpu.memory_space<vmem>>, vector<16xf32>,
        %mul3A_665 = arith.mulf %gather3A, %get3A_664 : vector<16xf32>
        %add3A_666 = arith.addf %scan3A_617, %mul3A_665 : vector<16xf32>
        %get3A_667 = arith.index_cast %scan3A_610 : i32 to index
        %get3A_668 = arith.constant 112 : index
        %get3A_669 = tpu.vector_load %arg11[%get3A_667, %get3A_668] {strides = array<i32>} : memref<32x384xf32, #tpu.memory_space<vmem>>, vector<16xf32>,
        %mul3A_670 = arith.mulf %gather3A, %get3A_669 : vector<16xf32>
        %add3A_671 = arith.addf %scan3A_618, %mul3A_670 : vector<16xf32>
        %get3A_672 = arith.index_cast %scan3A_610 : i32 to index
        %get3A_673 = arith.constant 128 : index
        %get3A_674 = tpu.vector_load %arg11[%get3A_672, %get3A_673] {strides = array<i32>} : memref<32x384xf32, #tpu.memory_space<vmem>>, vector<16xf32>,
        %mul3A_675 = arith.mulf %gather3A, %get3A_674 : vector<16xf32>
        %add3A_676 = arith.addf %scan3A_619, %mul3A_675 : vector<16xf32>
        %get3A_677 = arith.index_cast %scan3A_610 : i32 to index
        %get3A_678 = arith.constant 144 : index
        %get3A_679 = tpu.vector_load %arg11[%get3A_677, %get3A_678] {strides = array<i32>} : memref<32x384xf32, #tpu.memory_space<vmem>>, vector<16xf32>,
        %mul3A_680 = arith.mulf %gather3A, %get3A_679 : vector<16xf32>
        %add3A_681 = arith.addf %scan3A_620, %mul3A_680 : vector<16xf32>
        %get3A_682 = arith.index_cast %scan3A_610 : i32 to index
        %get3A_683 = arith.constant 160 : index
        %get3A_684 = tpu.vector_load %arg11[%get3A_682, %get3A_683] {strides = array<i32>} : memref<32x384xf32, #tpu.memory_space<vmem>>, vector<16xf32>,
        %mul3A_685 = arith.mulf %gather3A, %get3A_684 : vector<16xf32>
        %add3A_686 = arith.addf %scan3A_621, %mul3A_685 : vector<16xf32>
        %get3A_687 = arith.index_cast %scan3A_610 : i32 to index
        %get3A_688 = arith.constant 176 : index
        %get3A_689 = tpu.vector_load %arg11[%get3A_687, %get3A_688] {strides = array<i32>} : memref<32x384xf32, #tpu.memory_space<vmem>>, vector<16xf32>,
        %mul3A_690 = arith.mulf %gather3A, %get3A_689 : vector<16xf32>
        %add3A_691 = arith.addf %scan3A_622, %mul3A_690 : vector<16xf32>
        %get3A_692 = arith.index_cast %scan3A_610 : i32 to index
        %get3A_693 = arith.constant 192 : index
        %get3A_694 = tpu.vector_load %arg11[%get3A_692, %get3A_693] {strides = array<i32>} : memref<32x384xf32, #tpu.memory_space<vmem>>, vector<16xf32>,
        %mul3A_695 = arith.mulf %gather3A, %get3A_694 : vector<16xf32>
        %add3A_696 = arith.addf %scan3A_623, %mul3A_695 : vector<16xf32>
        %get3A_697 = arith.index_cast %scan3A_610 : i32 to index
        %get3A_698 = arith.constant 208 : index
        %get3A_699 = tpu.vector_load %arg11[%get3A_697, %get3A_698] {strides = array<i32>} : memref<32x384xf32, #tpu.memory_space<vmem>>, vector<16xf32>,
        %mul3A_700 = arith.mulf %gather3A, %get3A_699 : vector<16xf32>
        %add3A_701 = arith.addf %scan3A_624, %mul3A_700 : vector<16xf32>
        %get3A_702 = arith.index_cast %scan3A_610 : i32 to index
        %get3A_703 = arith.constant 224 : index
        %get3A_704 = tpu.vector_load %arg11[%get3A_702, %get3A_703] {strides = array<i32>} : memref<32x384xf32, #tpu.memory_space<vmem>>, vector<16xf32>,
        %mul3A_705 = arith.mulf %gather3A, %get3A_704 : vector<16xf32>
        %add3A_706 = arith.addf %scan3A_625, %mul3A_705 : vector<16xf32>
        %get3A_707 = arith.index_cast %scan3A_610 : i32 to index
        %get3A_708 = arith.constant 240 : index
        %get3A_709 = tpu.vector_load %arg11[%get3A_707, %get3A_708] {strides = array<i32>} : memref<32x384xf32, #tpu.memory_space<vmem>>, vector<16xf32>,
        %mul3A_710 = arith.mulf %gather3A, %get3A_709 : vector<16xf32>
        %add3A_711 = arith.addf %scan3A_626, %mul3A_710 : vector<16xf32>
        %get3A_712 = arith.index_cast %scan3A_610 : i32 to index
        %get3A_713 = arith.constant 256 : index
        %get3A_714 = tpu.vector_load %arg11[%get3A_712, %get3A_713] {strides = array<i32>} : memref<32x384xf32, #tpu.memory_space<vmem>>, vector<16xf32>,
        %max3A = arith.maximumf %scan3A_627, %get3A_714 : vector<16xf32>
        %get3A_715 = arith.index_cast %scan3A_610 : i32 to index
        %get3A_716 = arith.constant 272 : index
        %get3A_717 = tpu.vector_load %arg11[%get3A_715, %get3A_716] {strides = array<i32>} : memref<32x384xf32, #tpu.memory_space<vmem>>, vector<16xf32>,
        %max3A_718 = arith.maximumf %scan3A_628, %get3A_717 : vector<16xf32>
        scf.yield %add3A_636, %add3A_641, %add3A_646, %add3A_651, %add3A_656, %add3A_661, %add3A_666, %add3A_671, %add3A_676, %add3A_681, %add3A_686, %add3A_691, %add3A_696, %add3A_701, %add3A_706, %add3A_711, %max3A, %max3A_718 : vector<16xf32>, vector<16xf32>, vector<16xf32>, vector<16xf32>, vector<16xf32>, vector<16xf32>, vector<16xf32>, vector<16xf32>, vector<16xf32>, vector<16xf32>, vector<16xf32>, vector<16xf32>, vector<16xf32>, vector<16xf32>, vector<16xf32>, vector<16xf32>, vector<16xf32>, vector<16xf32>
      }
      %scan3A_517 = arith.constant 32 : i32
      %and3A_518 = arith.constant 31 : i32
      %and3A_519 = arith.andi %add3A_469, %and3A_518 : i32
      %mul3A_520 = arith.constant 288 : i32
      %mul3A_521 = arith.muli %and3A_519, %mul3A_520 : i32
      %add3A_522 = arith.constant 0 : i32
      %add3A_523 = arith.addi %mul3A_521, %add3A_522 : i32
      %swap3A_524 = arith.index_cast %add3A_523 : i32 to index
      %swap3A_525 = tpu.vector_load %arg12[%swap3A_524] {strides = array<i32>} : memref<9216xf32, #tpu.memory_space<vmem>>, vector<16xf32>,
      tpu.vector_store %arg12[%swap3A_524], %scan3A_516#0 {strides = array<i32>} : memref<9216xf32, #tpu.memory_space<vmem>>, vector<16xf32>,
      %add3A_526 = arith.constant 16 : i32
      %add3A_527 = arith.addi %mul3A_521, %add3A_526 : i32
      %swap3A_528 = arith.index_cast %add3A_527 : i32 to index
      %swap3A_529 = tpu.vector_load %arg12[%swap3A_528] {strides = array<i32>} : memref<9216xf32, #tpu.memory_space<vmem>>, vector<16xf32>,
      tpu.vector_store %arg12[%swap3A_528], %scan3A_516#1 {strides = array<i32>} : memref<9216xf32, #tpu.memory_space<vmem>>, vector<16xf32>,
      %add3A_530 = arith.constant 32 : i32
      %add3A_531 = arith.addi %mul3A_521, %add3A_530 : i32
      %swap3A_532 = arith.index_cast %add3A_531 : i32 to index
      %swap3A_533 = tpu.vector_load %arg12[%swap3A_532] {strides = array<i32>} : memref<9216xf32, #tpu.memory_space<vmem>>, vector<16xf32>,
      tpu.vector_store %arg12[%swap3A_532], %scan3A_516#2 {strides = array<i32>} : memref<9216xf32, #tpu.memory_space<vmem>>, vector<16xf32>,
      %add3A_534 = arith.constant 48 : i32
      %add3A_535 = arith.addi %mul3A_521, %add3A_534 : i32
      %swap3A_536 = arith.index_cast %add3A_535 : i32 to index
      %swap3A_537 = tpu.vector_load %arg12[%swap3A_536] {strides = array<i32>} : memref<9216xf32, #tpu.memory_space<vmem>>, vector<16xf32>,
      tpu.vector_store %arg12[%swap3A_536], %scan3A_516#3 {strides = array<i32>} : memref<9216xf32, #tpu.memory_space<vmem>>, vector<16xf32>,
      %add3A_538 = arith.constant 64 : i32
      %add3A_539 = arith.addi %mul3A_521, %add3A_538 : i32
      %swap3A_540 = arith.index_cast %add3A_539 : i32 to index
      %swap3A_541 = tpu.vector_load %arg12[%swap3A_540] {strides = array<i32>} : memref<9216xf32, #tpu.memory_space<vmem>>, vector<16xf32>,
      tpu.vector_store %arg12[%swap3A_540], %scan3A_516#4 {strides = array<i32>} : memref<9216xf32, #tpu.memory_space<vmem>>, vector<16xf32>,
      %add3A_542 = arith.constant 80 : i32
      %add3A_543 = arith.addi %mul3A_521, %add3A_542 : i32
      %swap3A_544 = arith.index_cast %add3A_543 : i32 to index
      %swap3A_545 = tpu.vector_load %arg12[%swap3A_544] {strides = array<i32>} : memref<9216xf32, #tpu.memory_space<vmem>>, vector<16xf32>,
      tpu.vector_store %arg12[%swap3A_544], %scan3A_516#5 {strides = array<i32>} : memref<9216xf32, #tpu.memory_space<vmem>>, vector<16xf32>,
      %add3A_546 = arith.constant 96 : i32
      %add3A_547 = arith.addi %mul3A_521, %add3A_546 : i32
      %swap3A_548 = arith.index_cast %add3A_547 : i32 to index
      %swap3A_549 = tpu.vector_load %arg12[%swap3A_548] {strides = array<i32>} : memref<9216xf32, #tpu.memory_space<vmem>>, vector<16xf32>,
      tpu.vector_store %arg12[%swap3A_548], %scan3A_516#6 {strides = array<i32>} : memref<9216xf32, #tpu.memory_space<vmem>>, vector<16xf32>,
      %add3A_550 = arith.constant 112 : i32
      %add3A_551 = arith.addi %mul3A_521, %add3A_550 : i32
      %swap3A_552 = arith.index_cast %add3A_551 : i32 to index
      %swap3A_553 = tpu.vector_load %arg12[%swap3A_552] {strides = array<i32>} : memref<9216xf32, #tpu.memory_space<vmem>>, vector<16xf32>,
      tpu.vector_store %arg12[%swap3A_552], %scan3A_516#7 {strides = array<i32>} : memref<9216xf32, #tpu.memory_space<vmem>>, vector<16xf32>,
      %add3A_554 = arith.constant 128 : i32
      %add3A_555 = arith.addi %mul3A_521, %add3A_554 : i32
      %swap3A_556 = arith.index_cast %add3A_555 : i32 to index
      %swap3A_557 = tpu.vector_load %arg12[%swap3A_556] {strides = array<i32>} : memref<9216xf32, #tpu.memory_space<vmem>>, vector<16xf32>,
      tpu.vector_store %arg12[%swap3A_556], %scan3A_516#8 {strides = array<i32>} : memref<9216xf32, #tpu.memory_space<vmem>>, vector<16xf32>,
      %add3A_558 = arith.constant 144 : i32
      %add3A_559 = arith.addi %mul3A_521, %add3A_558 : i32
      %swap3A_560 = arith.index_cast %add3A_559 : i32 to index
      %swap3A_561 = tpu.vector_load %arg12[%swap3A_560] {strides = array<i32>} : memref<9216xf32, #tpu.memory_space<vmem>>, vector<16xf32>,
      tpu.vector_store %arg12[%swap3A_560], %scan3A_516#9 {strides = array<i32>} : memref<9216xf32, #tpu.memory_space<vmem>>, vector<16xf32>,
      %add3A_562 = arith.constant 160 : i32
      %add3A_563 = arith.addi %mul3A_521, %add3A_562 : i32
      %swap3A_564 = arith.index_cast %add3A_563 : i32 to index
      %swap3A_565 = tpu.vector_load %arg12[%swap3A_564] {strides = array<i32>} : memref<9216xf32, #tpu.memory_space<vmem>>, vector<16xf32>,
      tpu.vector_store %arg12[%swap3A_564], %scan3A_516#10 {strides = array<i32>} : memref<9216xf32, #tpu.memory_space<vmem>>, vector<16xf32>,
      %add3A_566 = arith.constant 176 : i32
      %add3A_567 = arith.addi %mul3A_521, %add3A_566 : i32
      %swap3A_568 = arith.index_cast %add3A_567 : i32 to index
      %swap3A_569 = tpu.vector_load %arg12[%swap3A_568] {strides = array<i32>} : memref<9216xf32, #tpu.memory_space<vmem>>, vector<16xf32>,
      tpu.vector_store %arg12[%swap3A_568], %scan3A_516#11 {strides = array<i32>} : memref<9216xf32, #tpu.memory_space<vmem>>, vector<16xf32>,
      %add3A_570 = arith.constant 192 : i32
      %add3A_571 = arith.addi %mul3A_521, %add3A_570 : i32
      %swap3A_572 = arith.index_cast %add3A_571 : i32 to index
      %swap3A_573 = tpu.vector_load %arg12[%swap3A_572] {strides = array<i32>} : memref<9216xf32, #tpu.memory_space<vmem>>, vector<16xf32>,
      tpu.vector_store %arg12[%swap3A_572], %scan3A_516#12 {strides = array<i32>} : memref<9216xf32, #tpu.memory_space<vmem>>, vector<16xf32>,
      %add3A_574 = arith.constant 208 : i32
      %add3A_575 = arith.addi %mul3A_521, %add3A_574 : i32
      %swap3A_576 = arith.index_cast %add3A_575 : i32 to index
      %swap3A_577 = tpu.vector_load %arg12[%swap3A_576] {strides = array<i32>} : memref<9216xf32, #tpu.memory_space<vmem>>, vector<16xf32>,
      tpu.vector_store %arg12[%swap3A_576], %scan3A_516#13 {strides = array<i32>} : memref<9216xf32, #tpu.memory_space<vmem>>, vector<16xf32>,
      %add3A_578 = arith.constant 224 : i32
      %add3A_579 = arith.addi %mul3A_521, %add3A_578 : i32
      %swap3A_580 = arith.index_cast %add3A_579 : i32 to index
      %swap3A_581 = tpu.vector_load %arg12[%swap3A_580] {strides = array<i32>} : memref<9216xf32, #tpu.memory_space<vmem>>, vector<16xf32>,
      tpu.vector_store %arg12[%swap3A_580], %scan3A_516#14 {strides = array<i32>} : memref<9216xf32, #tpu.memory_space<vmem>>, vector<16xf32>,
      %add3A_582 = arith.constant 240 : i32
      %add3A_583 = arith.addi %mul3A_521, %add3A_582 : i32
      %swap3A_584 = arith.index_cast %add3A_583 : i32 to index
      %swap3A_585 = tpu.vector_load %arg12[%swap3A_584] {strides = array<i32>} : memref<9216xf32, #tpu.memory_space<vmem>>, vector<16xf32>,
      tpu.vector_store %arg12[%swap3A_584], %scan3A_516#15 {strides = array<i32>} : memref<9216xf32, #tpu.memory_space<vmem>>, vector<16xf32>,
      %add3A_586 = arith.constant 256 : i32
      %add3A_587 = arith.addi %mul3A_521, %add3A_586 : i32
      %swap3A_588 = arith.index_cast %add3A_587 : i32 to index
      %swap3A_589 = tpu.vector_load %arg12[%swap3A_588] {strides = array<i32>} : memref<9216xf32, #tpu.memory_space<vmem>>, vector<16xf32>,
      tpu.vector_store %arg12[%swap3A_588], %scan3A_516#16 {strides = array<i32>} : memref<9216xf32, #tpu.memory_space<vmem>>, vector<16xf32>,
      %add3A_590 = arith.constant 256 : i32
      %add3A_591 = arith.addi %mul3A_521, %add3A_590 : i32
      %add3A_592 = arith.constant 16 : i32
      %add3A_593 = arith.addi %add3A_591, %add3A_592 : i32
      %swap3A_594 = arith.index_cast %add3A_593 : i32 to index
      %swap3A_595 = tpu.vector_load %arg12[%swap3A_594] {strides = array<i32>} : memref<9216xf32, #tpu.memory_space<vmem>>, vector<16xf32>,
      tpu.vector_store %arg12[%swap3A_594], %scan3A_516#17 {strides = array<i32>} : memref<9216xf32, #tpu.memory_space<vmem>>, vector<16xf32>,
      %add3A_596 = arith.constant 4 : i32
      %add3A_597 = arith.addi %add3A_469, %add3A_596 : i32
      %min3A_598 = arith.constant 255 : i32
      %min3A_599 = arith.minsi %add3A_597, %min3A_598 : i32
      %mul3A_600 = arith.constant 32 : i32
      %mul3A_601 = arith.muli %min3A_599, %mul3A_600 : i32
      %dma_start3A_602 = tpu.memref_slice %arg6[%mul3A_601] : memref<8192xi32, #tpu.memory_space<vmem>> -> memref<32xi32, #tpu.memory_space<vmem>>
      %dma_start3A_603 = arith.constant 0 : i32
      %dma_start3A_604 = arith.constant 0 : i32
      %dma_start3A_605 = tpu.memref_slice %arg2[%dma_start3A_603, %dma_start3A_604] : memref<32768x384xf32, #tpu.memory_space<hbm>> -> memref<32768x384xf32, #tpu.memory_space<hbm>>
      tpu.enqueue_indirect_dma source(%dma_start3A_605 : memref<32768x384xf32, #tpu.memory_space<hbm>>) target(%arg11 : memref<32x384xf32, #tpu.memory_space<vmem>>) offsets(%dma_start3A_602 : memref<32xi32, #tpu.memory_space<vmem>>) semaphore(%arg16 : memref<!tpu.dma_semaphore, #tpu.memory_space<semaphore_mem>>)
      %and3A_606 = arith.constant 31 : i32
      %and3A_607 = arith.andi %add3A_57, %and3A_606 : i32
      %eq3A = arith.constant 28 : i32
      %eq3A_608 = arith.cmpi eq, %and3A_607, %eq3A : i32
      %convert_element_type3A = arith.extui %eq3A_608 : i1 to i32
      %cond3A = arith.constant 0 : i32
      %cond3A_609 = arith.cmpi ne, %convert_element_type3A, %cond3A : i32
      scf.if %cond3A_609 {
        %add3A_610 = arith.addi %mul3A_2, %add3A_57 : i32
        %sub3A = arith.constant 28 : i32
        %sub3A_611 = arith.subi %add3A_610, %sub3A : i32
        %mul3A_612 = arith.constant 288 : i32
        %mul3A_613 = arith.muli %sub3A_611, %mul3A_612 : i32
        "tpu.region"() ({
          %run_scoped3A = tpu.sem_alloc : memref<!tpu.dma_semaphore, #tpu.memory_space<semaphore_mem>>
          %dma_start3A_614 = tpu.memref_slice %arg5[%mul3A_613] : memref<2359296xf32, #tpu.memory_space<hbm>> -> memref<9216xf32, #tpu.memory_space<hbm>>
          %dma_start3A_615 = tpu.memref_slice %arg5[%mul3A_613] : memref<2359296xf32, #tpu.memory_space<hbm>> -> memref<9216xf32, #tpu.memory_space<hbm>>
          tpu.enqueue_dma source(%arg12 : memref<9216xf32, #tpu.memory_space<vmem>>) target(%dma_start3A_615 : memref<9216xf32, #tpu.memory_space<hbm>>) target_semaphore(%run_scoped3A : memref<!tpu.dma_semaphore, #tpu.memory_space<semaphore_mem>>)
          %dma_wait3A_616 = tpu.memref_slice %arg5[%mul3A_613] : memref<2359296xf32, #tpu.memory_space<hbm>> -> memref<9216xf32, #tpu.memory_space<hbm>>
          %dma_wait3A_617 = tpu.memref_slice %arg5[%mul3A_613] : memref<2359296xf32, #tpu.memory_space<hbm>> -> memref<9216xf32, #tpu.memory_space<hbm>>
          tpu.wait_dma2 semaphore(%run_scoped3A : memref<!tpu.dma_semaphore, #tpu.memory_space<semaphore_mem>>) src(%arg12 : memref<9216xf32, #tpu.memory_space<vmem>>) dst(%dma_wait3A_617 : memref<9216xf32, #tpu.memory_space<hbm>>)
          tpu.yield
        }) : () -> ()
      } else {
      }
    }
    %scan3A_29 = arith.constant 64 : i32
    %dma_wait3A = arith.constant 0 : i32
    %dma_wait3A_30 = arith.constant 0 : i32
    %dma_wait3A_31 = tpu.memref_slice %arg2[%dma_wait3A, %dma_wait3A_30] : memref<32768x384xf32, #tpu.memory_space<hbm>> -> memref<32x384xf32, #tpu.memory_space<hbm>>
    %dma_wait3A_32 = arith.constant 0 : i32
    %dma_wait3A_33 = arith.constant 0 : i32
    %dma_wait3A_34 = tpu.memref_slice %arg2[%dma_wait3A_32, %dma_wait3A_33] : memref<32768x384xf32, #tpu.memory_space<hbm>> -> memref<32x384xf32, #tpu.memory_space<hbm>>
    tpu.wait_dma2 semaphore(%arg13 : memref<!tpu.dma_semaphore, #tpu.memory_space<semaphore_mem>>) src(%dma_wait3A_34 : memref<32x384xf32, #tpu.memory_space<hbm>>) dst(%arg8 : memref<32x384xf32, #tpu.memory_space<vmem>>)
    %dma_wait3A_35 = arith.constant 0 : i32
    %dma_wait3A_36 = arith.constant 0 : i32
    %dma_wait3A_37 = tpu.memref_slice %arg2[%dma_wait3A_35, %dma_wait3A_36] : memref<32768x384xf32, #tpu.memory_space<hbm>> -> memref<32x384xf32, #tpu.memory_space<hbm>>
    %dma_wait3A_38 = arith.constant 0 : i32
    %dma_wait3A_39 = arith.constant 0 : i32
    %dma_wait3A_40 = tpu.memref_slice %arg2[%dma_wait3A_38, %dma_wait3A_39] : memref<32768x384xf32, #tpu.memory_space<hbm>> -> memref<32x384xf32, #tpu.memory_space<hbm>>
    tpu.wait_dma2 semaphore(%arg14 : memref<!tpu.dma_semaphore, #tpu.memory_space<semaphore_mem>>) src(%dma_wait3A_40 : memref<32x384xf32, #tpu.memory_space<hbm>>) dst(%arg9 : memref<32x384xf32, #tpu.memory_space<vmem>>)
    %dma_wait3A_41 = arith.constant 0 : i32
    %dma_wait3A_42 = arith.constant 0 : i32
    %dma_wait3A_43 = tpu.memref_slice %arg2[%dma_wait3A_41, %dma_wait3A_42] : memref<32768x384xf32, #tpu.memory_space<hbm>> -> memref<32x384xf32, #tpu.memory_space<hbm>>
    %dma_wait3A_44 = arith.constant 0 : i32
    %dma_wait3A_45 = arith.constant 0 : i32
    %dma_wait3A_46 = tpu.memref_slice %arg2[%dma_wait3A_44, %dma_wait3A_45] : memref<32768x384xf32, #tpu.memory_space<hbm>> -> memref<32x384xf32, #tpu.memory_space<hbm>>
    tpu.wait_dma2 semaphore(%arg15 : memref<!tpu.dma_semaphore, #tpu.memory_space<semaphore_mem>>) src(%dma_wait3A_46 : memref<32x384xf32, #tpu.memory_space<hbm>>) dst(%arg10 : memref<32x384xf32, #tpu.memory_space<vmem>>)
    %dma_wait3A_47 = arith.constant 0 : i32
    %dma_wait3A_48 = arith.constant 0 : i32
    %dma_wait3A_49 = tpu.memref_slice %arg2[%dma_wait3A_47, %dma_wait3A_48] : memref<32768x384xf32, #tpu.memory_space<hbm>> -> memref<32x384xf32, #tpu.memory_space<hbm>>
    %dma_wait3A_50 = arith.constant 0 : i32
    %dma_wait3A_51 = arith.constant 0 : i32
    %dma_wait3A_52 = tpu.memref_slice %arg2[%dma_wait3A_50, %dma_wait3A_51] : memref<32768x384xf32, #tpu.memory_space<hbm>> -> memref<32x384xf32, #tpu.memory_space<hbm>>
    tpu.wait_dma2 semaphore(%arg16 : memref<!tpu.dma_semaphore, #tpu.memory_space<semaphore_mem>>) src(%dma_wait3A_52 : memref<32x384xf32, #tpu.memory_space<hbm>>) dst(%arg11 : memref<32x384xf32, #tpu.memory_space<vmem>>)
    return
  }
}

#map = affine_map<(d0, d1) -> (0)>
module attributes {stable_mosaic.version = 14 : i64} {
  func.func @_ballq_body(%arg0: i32, %arg1: i32, %arg2: memref<98304xf32, #tpu.memory_space<hbm>>, %arg3: memref<24576xf32, #tpu.memory_space<hbm>>, %arg4: memref<262144xi32, #tpu.memory_space<hbm>>, %arg5: memref<262144xf32, #tpu.memory_space<hbm>>, %arg6: memref<8192xf32, #tpu.memory_space<vmem>>, %arg7: memref<8192xf32, #tpu.memory_space<vmem>>, %arg8: memref<8192xf32, #tpu.memory_space<vmem>>, %arg9: memref<8192xf32, #tpu.memory_space<vmem>>, %arg10: memref<8192xf32, #tpu.memory_space<vmem>>, %arg11: memref<8192xf32, #tpu.memory_space<vmem>>, %arg12: memref<8192xf32, #tpu.memory_space<vmem>>, %arg13: memref<256xf32, #tpu.memory_space<vmem>>, %arg14: memref<256xf32, #tpu.memory_space<vmem>>, %arg15: memref<256xf32, #tpu.memory_space<vmem>>, %arg16: memref<288xi32, #tpu.memory_space<vmem>>, %arg17: memref<8192xi32, #tpu.memory_space<vmem>>, %arg18: memref<8192xf32, #tpu.memory_space<vmem>>) attributes {dimension_semantics = [#tpu.dimension_semantics<core_parallel>, #tpu.dimension_semantics<subcore_parallel>], iteration_bounds = array<i64: 2, 16>, scalar_prefetch = 0 : i64, scratch_operands = 13 : i64, tpu.core_type = #tpu.core_type<sc_vector_subcore>, window_params = [{transform_indices = #map}, {transform_indices = #map}, {transform_indices = #map}, {transform_indices = #map}]} {
    %mul3A = arith.constant 2 : i32
    %mul3A_0 = arith.muli %arg1, %mul3A : i32
    %add3A = arith.addi %mul3A_0, %arg0 : i32
    %mul3A_1 = arith.constant 256 : i32
    %mul3A_2 = arith.muli %add3A, %mul3A_1 : i32
    %jit3A = arith.constant 2048 : i32
    %div3A = arith.divsi %mul3A_2, %jit3A : i32
    %sign3A = arith.constant 0 : i32
    %sign3A_3 = arith.cmpi sgt, %mul3A_2, %sign3A : i32
    %sign3A_4 = arith.extui %sign3A_3 : i1 to i32
    %sign3A_5 = arith.constant 0 : i32
    %sign3A_6 = arith.cmpi slt, %mul3A_2, %sign3A_5 : i32
    %sign3A_7 = arith.extui %sign3A_6 : i1 to i32
    %sign3A_8 = arith.subi %sign3A_4, %sign3A_7 : i32
    %sign3A_9 = arith.constant 0 : i32
    %sign3A_10 = arith.cmpi sgt, %jit3A, %sign3A_9 : i32
    %sign3A_11 = arith.extui %sign3A_10 : i1 to i32
    %sign3A_12 = arith.constant 0 : i32
    %sign3A_13 = arith.cmpi slt, %jit3A, %sign3A_12 : i32
    %sign3A_14 = arith.extui %sign3A_13 : i1 to i32
    %sign3A_15 = arith.subi %sign3A_11, %sign3A_14 : i32
    %ne3A = arith.cmpi ne, %sign3A_8, %sign3A_15 : i32
    %rem3A = arith.remsi %mul3A_2, %jit3A : i32
    %ne3A_16 = arith.constant 0 : i32
    %ne3A_17 = arith.cmpi ne, %rem3A, %ne3A_16 : i32
    %and3A = arith.andi %ne3A, %ne3A_17 : i1
    %sub3A = arith.constant 1 : i32
    %sub3A_18 = arith.subi %div3A, %sub3A : i32
    %select_n3A = arith.select %and3A, %sub3A_18, %div3A : i32
    %mul3A_19 = arith.constant 2048 : i32
    %mul3A_20 = arith.muli %select_n3A, %mul3A_19 : i32
    %sub3A_21 = arith.subi %mul3A_2, %mul3A_20 : i32
    %mul3A_22 = arith.constant 3 : i32
    %mul3A_23 = arith.muli %select_n3A, %mul3A_22 : i32
    %add3A_24 = arith.constant 0 : i32
    %add3A_25 = arith.addi %mul3A_23, %add3A_24 : i32
    %mul3A_26 = arith.constant 8192 : i32
    %mul3A_27 = arith.muli %add3A_25, %mul3A_26 : i32
    "tpu.region"() ({
      %run_scoped3A = tpu.sem_alloc : memref<!tpu.dma_semaphore, #tpu.memory_space<semaphore_mem>>
      %dma_start3A = tpu.memref_slice %arg2[%mul3A_27] : memref<98304xf32, #tpu.memory_space<hbm>> -> memref<8192xf32, #tpu.memory_space<hbm>>
      %dma_start3A_75 = tpu.memref_slice %arg2[%mul3A_27] : memref<98304xf32, #tpu.memory_space<hbm>> -> memref<8192xf32, #tpu.memory_space<hbm>>
      tpu.enqueue_dma source(%dma_start3A_75 : memref<8192xf32, #tpu.memory_space<hbm>>) target(%arg6 : memref<8192xf32, #tpu.memory_space<vmem>>) target_semaphore(%run_scoped3A : memref<!tpu.dma_semaphore, #tpu.memory_space<semaphore_mem>>)
      %dma_wait3A = tpu.memref_slice %arg2[%mul3A_27] : memref<98304xf32, #tpu.memory_space<hbm>> -> memref<8192xf32, #tpu.memory_space<hbm>>
      %dma_wait3A_76 = tpu.memref_slice %arg2[%mul3A_27] : memref<98304xf32, #tpu.memory_space<hbm>> -> memref<8192xf32, #tpu.memory_space<hbm>>
      tpu.wait_dma2 semaphore(%run_scoped3A : memref<!tpu.dma_semaphore, #tpu.memory_space<semaphore_mem>>) src(%dma_wait3A_76 : memref<8192xf32, #tpu.memory_space<hbm>>) dst(%arg6 : memref<8192xf32, #tpu.memory_space<vmem>>)
      tpu.yield
    }) : () -> ()
    %mul3A_28 = arith.constant 3 : i32
    %mul3A_29 = arith.muli %select_n3A, %mul3A_28 : i32
    %add3A_30 = arith.constant 1 : i32
    %add3A_31 = arith.addi %mul3A_29, %add3A_30 : i32
    %mul3A_32 = arith.constant 8192 : i32
    %mul3A_33 = arith.muli %add3A_31, %mul3A_32 : i32
    "tpu.region"() ({
      %run_scoped3A = tpu.sem_alloc : memref<!tpu.dma_semaphore, #tpu.memory_space<semaphore_mem>>
      %dma_start3A = tpu.memref_slice %arg2[%mul3A_33] : memref<98304xf32, #tpu.memory_space<hbm>> -> memref<8192xf32, #tpu.memory_space<hbm>>
      %dma_start3A_75 = tpu.memref_slice %arg2[%mul3A_33] : memref<98304xf32, #tpu.memory_space<hbm>> -> memref<8192xf32, #tpu.memory_space<hbm>>
      tpu.enqueue_dma source(%dma_start3A_75 : memref<8192xf32, #tpu.memory_space<hbm>>) target(%arg7 : memref<8192xf32, #tpu.memory_space<vmem>>) target_semaphore(%run_scoped3A : memref<!tpu.dma_semaphore, #tpu.memory_space<semaphore_mem>>)
      %dma_wait3A = tpu.memref_slice %arg2[%mul3A_33] : memref<98304xf32, #tpu.memory_space<hbm>> -> memref<8192xf32, #tpu.memory_space<hbm>>
      %dma_wait3A_76 = tpu.memref_slice %arg2[%mul3A_33] : memref<98304xf32, #tpu.memory_space<hbm>> -> memref<8192xf32, #tpu.memory_space<hbm>>
      tpu.wait_dma2 semaphore(%run_scoped3A : memref<!tpu.dma_semaphore, #tpu.memory_space<semaphore_mem>>) src(%dma_wait3A_76 : memref<8192xf32, #tpu.memory_space<hbm>>) dst(%arg7 : memref<8192xf32, #tpu.memory_space<vmem>>)
      tpu.yield
    }) : () -> ()
    %mul3A_34 = arith.constant 3 : i32
    %mul3A_35 = arith.muli %select_n3A, %mul3A_34 : i32
    %add3A_36 = arith.constant 2 : i32
    %add3A_37 = arith.addi %mul3A_35, %add3A_36 : i32
    %mul3A_38 = arith.constant 8192 : i32
    %mul3A_39 = arith.muli %add3A_37, %mul3A_38 : i32
    "tpu.region"() ({
      %run_scoped3A = tpu.sem_alloc : memref<!tpu.dma_semaphore, #tpu.memory_space<semaphore_mem>>
      %dma_start3A = tpu.memref_slice %arg2[%mul3A_39] : memref<98304xf32, #tpu.memory_space<hbm>> -> memref<8192xf32, #tpu.memory_space<hbm>>
      %dma_start3A_75 = tpu.memref_slice %arg2[%mul3A_39] : memref<98304xf32, #tpu.memory_space<hbm>> -> memref<8192xf32, #tpu.memory_space<hbm>>
      tpu.enqueue_dma source(%dma_start3A_75 : memref<8192xf32, #tpu.memory_space<hbm>>) target(%arg8 : memref<8192xf32, #tpu.memory_space<vmem>>) target_semaphore(%run_scoped3A : memref<!tpu.dma_semaphore, #tpu.memory_space<semaphore_mem>>)
      %dma_wait3A = tpu.memref_slice %arg2[%mul3A_39] : memref<98304xf32, #tpu.memory_space<hbm>> -> memref<8192xf32, #tpu.memory_space<hbm>>
      %dma_wait3A_76 = tpu.memref_slice %arg2[%mul3A_39] : memref<98304xf32, #tpu.memory_space<hbm>> -> memref<8192xf32, #tpu.memory_space<hbm>>
      tpu.wait_dma2 semaphore(%run_scoped3A : memref<!tpu.dma_semaphore, #tpu.memory_space<semaphore_mem>>) src(%dma_wait3A_76 : memref<8192xf32, #tpu.memory_space<hbm>>) dst(%arg8 : memref<8192xf32, #tpu.memory_space<vmem>>)
      tpu.yield
    }) : () -> ()
    %mul3A_40 = arith.constant 3 : i32
    %mul3A_41 = arith.muli %select_n3A, %mul3A_40 : i32
    %add3A_42 = arith.constant 0 : i32
    %add3A_43 = arith.addi %mul3A_41, %add3A_42 : i32
    %mul3A_44 = arith.constant 2048 : i32
    %mul3A_45 = arith.muli %add3A_43, %mul3A_44 : i32
    %add3A_46 = arith.addi %mul3A_45, %sub3A_21 : i32
    "tpu.region"() ({
      %run_scoped3A = tpu.sem_alloc : memref<!tpu.dma_semaphore, #tpu.memory_space<semaphore_mem>>
      %dma_start3A = tpu.memref_slice %arg3[%add3A_46] : memref<24576xf32, #tpu.memory_space<hbm>> -> memref<256xf32, #tpu.memory_space<hbm>>
      %dma_start3A_75 = tpu.memref_slice %arg3[%add3A_46] : memref<24576xf32, #tpu.memory_space<hbm>> -> memref<256xf32, #tpu.memory_space<hbm>>
      tpu.enqueue_dma source(%dma_start3A_75 : memref<256xf32, #tpu.memory_space<hbm>>) target(%arg13 : memref<256xf32, #tpu.memory_space<vmem>>) target_semaphore(%run_scoped3A : memref<!tpu.dma_semaphore, #tpu.memory_space<semaphore_mem>>)
      %dma_wait3A = tpu.memref_slice %arg3[%add3A_46] : memref<24576xf32, #tpu.memory_space<hbm>> -> memref<256xf32, #tpu.memory_space<hbm>>
      %dma_wait3A_76 = tpu.memref_slice %arg3[%add3A_46] : memref<24576xf32, #tpu.memory_space<hbm>> -> memref<256xf32, #tpu.memory_space<hbm>>
      tpu.wait_dma2 semaphore(%run_scoped3A : memref<!tpu.dma_semaphore, #tpu.memory_space<semaphore_mem>>) src(%dma_wait3A_76 : memref<256xf32, #tpu.memory_space<hbm>>) dst(%arg13 : memref<256xf32, #tpu.memory_space<vmem>>)
      tpu.yield
    }) : () -> ()
    %mul3A_47 = arith.constant 3 : i32
    %mul3A_48 = arith.muli %select_n3A, %mul3A_47 : i32
    %add3A_49 = arith.constant 1 : i32
    %add3A_50 = arith.addi %mul3A_48, %add3A_49 : i32
    %mul3A_51 = arith.constant 2048 : i32
    %mul3A_52 = arith.muli %add3A_50, %mul3A_51 : i32
    %add3A_53 = arith.addi %mul3A_52, %sub3A_21 : i32
    "tpu.region"() ({
      %run_scoped3A = tpu.sem_alloc : memref<!tpu.dma_semaphore, #tpu.memory_space<semaphore_mem>>
      %dma_start3A = tpu.memref_slice %arg3[%add3A_53] : memref<24576xf32, #tpu.memory_space<hbm>> -> memref<256xf32, #tpu.memory_space<hbm>>
      %dma_start3A_75 = tpu.memref_slice %arg3[%add3A_53] : memref<24576xf32, #tpu.memory_space<hbm>> -> memref<256xf32, #tpu.memory_space<hbm>>
      tpu.enqueue_dma source(%dma_start3A_75 : memref<256xf32, #tpu.memory_space<hbm>>) target(%arg14 : memref<256xf32, #tpu.memory_space<vmem>>) target_semaphore(%run_scoped3A : memref<!tpu.dma_semaphore, #tpu.memory_space<semaphore_mem>>)
      %dma_wait3A = tpu.memref_slice %arg3[%add3A_53] : memref<24576xf32, #tpu.memory_space<hbm>> -> memref<256xf32, #tpu.memory_space<hbm>>
      %dma_wait3A_76 = tpu.memref_slice %arg3[%add3A_53] : memref<24576xf32, #tpu.memory_space<hbm>> -> memref<256xf32, #tpu.memory_space<hbm>>
      tpu.wait_dma2 semaphore(%run_scoped3A : memref<!tpu.dma_semaphore, #tpu.memory_space<semaphore_mem>>) src(%dma_wait3A_76 : memref<256xf32, #tpu.memory_space<hbm>>) dst(%arg14 : memref<256xf32, #tpu.memory_space<vmem>>)
      tpu.yield
    }) : () -> ()
    %mul3A_54 = arith.constant 3 : i32
    %mul3A_55 = arith.muli %select_n3A, %mul3A_54 : i32
    %add3A_56 = arith.constant 2 : i32
    %add3A_57 = arith.addi %mul3A_55, %add3A_56 : i32
    %mul3A_58 = arith.constant 2048 : i32
    %mul3A_59 = arith.muli %add3A_57, %mul3A_58 : i32
    %add3A_60 = arith.addi %mul3A_59, %sub3A_21 : i32
    "tpu.region"() ({
      %run_scoped3A = tpu.sem_alloc : memref<!tpu.dma_semaphore, #tpu.memory_space<semaphore_mem>>
      %dma_start3A = tpu.memref_slice %arg3[%add3A_60] : memref<24576xf32, #tpu.memory_space<hbm>> -> memref<256xf32, #tpu.memory_space<hbm>>
      %dma_start3A_75 = tpu.memref_slice %arg3[%add3A_60] : memref<24576xf32, #tpu.memory_space<hbm>> -> memref<256xf32, #tpu.memory_space<hbm>>
      tpu.enqueue_dma source(%dma_start3A_75 : memref<256xf32, #tpu.memory_space<hbm>>) target(%arg15 : memref<256xf32, #tpu.memory_space<vmem>>) target_semaphore(%run_scoped3A : memref<!tpu.dma_semaphore, #tpu.memory_space<semaphore_mem>>)
      %dma_wait3A = tpu.memref_slice %arg3[%add3A_60] : memref<24576xf32, #tpu.memory_space<hbm>> -> memref<256xf32, #tpu.memory_space<hbm>>
      %dma_wait3A_76 = tpu.memref_slice %arg3[%add3A_60] : memref<24576xf32, #tpu.memory_space<hbm>> -> memref<256xf32, #tpu.memory_space<hbm>>
      tpu.wait_dma2 semaphore(%run_scoped3A : memref<!tpu.dma_semaphore, #tpu.memory_space<semaphore_mem>>) src(%dma_wait3A_76 : memref<256xf32, #tpu.memory_space<hbm>>) dst(%arg15 : memref<256xf32, #tpu.memory_space<vmem>>)
      tpu.yield
    }) : () -> ()
    %iota3A = tpu.iota {dimensions = array<i32: 0>} : vector<16xi32>
    %broadcast_in_dim3A = arith.constant 0 : i32
    %broadcast_in_dim3A_61 = vector.broadcast %broadcast_in_dim3A : i32 to vector<16xi32>
    %scan3A = arith.constant 0 : i32
    %scan3A_62 = arith.constant 512 : i32
    %scan3A_63 = arith.addi %scan3A, %scan3A_62 : i32
    %scan3A_64 = arith.constant 1 : i32
    scf.for %scan3A_75 = %scan3A to %scan3A_63 step %scan3A_64  : i32 {
      %mul3A_76 = arith.constant 1 : i32
      %mul3A_77 = arith.muli %scan3A_75, %mul3A_76 : i32
      %add3A_78 = arith.constant 0 : i32
      %add3A_79 = arith.addi %add3A_78, %mul3A_77 : i32
      %mul3A_80 = arith.constant 16 : i32
      %mul3A_81 = arith.muli %add3A_79, %mul3A_80 : i32
      %get3A = arith.index_cast %mul3A_81 : i32 to index
      %get3A_82 = tpu.vector_load %arg6[%get3A] {strides = array<i32>} : memref<8192xf32, #tpu.memory_space<vmem>>, vector<16xf32>,
      %get3A_83 = arith.index_cast %mul3A_81 : i32 to index
      %get3A_84 = tpu.vector_load %arg7[%get3A_83] {strides = array<i32>} : memref<8192xf32, #tpu.memory_space<vmem>>, vector<16xf32>,
      %get3A_85 = arith.index_cast %mul3A_81 : i32 to index
      %get3A_86 = tpu.vector_load %arg8[%get3A_85] {strides = array<i32>} : memref<8192xf32, #tpu.memory_space<vmem>>, vector<16xf32>,
      %bitcast3A = vector.bitcast %get3A_82 : vector<16xf32> to vector<16xi32>
      %add3A_87 = arith.constant 32767 : i32
      %add3A_88 = vector.broadcast %add3A_87 : i32 to vector<16xi32>
      %add3A_89 = arith.addi %bitcast3A, %add3A_88 : vector<16xi32>
      %shift_right_arithmetic3A = arith.constant 16 : i32
      %shift_right_arithmetic3A_90 = vector.broadcast %shift_right_arithmetic3A : i32 to vector<16xi32>
      %shift_right_arithmetic3A_91 = arith.shrsi %bitcast3A, %shift_right_arithmetic3A_90 : vector<16xi32>
      %and3A_92 = arith.constant 1 : i32
      %and3A_93 = vector.broadcast %and3A_92 : i32 to vector<16xi32>
      %and3A_94 = arith.andi %shift_right_arithmetic3A_91, %and3A_93 : vector<16xi32>
      %add3A_95 = arith.addi %add3A_89, %and3A_94 : vector<16xi32>
      %and3A_96 = arith.constant -65536 : i32
      %and3A_97 = vector.broadcast %and3A_96 : i32 to vector<16xi32>
      %and3A_98 = arith.andi %add3A_95, %and3A_97 : vector<16xi32>
      %bitcast3A_99 = vector.bitcast %and3A_98 : vector<16xi32> to vector<16xf32>
      %swap3A = arith.index_cast %mul3A_81 : i32 to index
      %swap3A_100 = tpu.vector_load %arg9[%swap3A] {strides = array<i32>} : memref<8192xf32, #tpu.memory_space<vmem>>, vector<16xf32>,
      tpu.vector_store %arg9[%swap3A], %bitcast3A_99 {strides = array<i32>} : memref<8192xf32, #tpu.memory_space<vmem>>, vector<16xf32>,
      %bitcast3A_101 = vector.bitcast %get3A_84 : vector<16xf32> to vector<16xi32>
      %add3A_102 = arith.constant 32767 : i32
      %add3A_103 = vector.broadcast %add3A_102 : i32 to vector<16xi32>
      %add3A_104 = arith.addi %bitcast3A_101, %add3A_103 : vector<16xi32>
      %shift_right_arithmetic3A_105 = arith.constant 16 : i32
      %shift_right_arithmetic3A_106 = vector.broadcast %shift_right_arithmetic3A_105 : i32 to vector<16xi32>
      %shift_right_arithmetic3A_107 = arith.shrsi %bitcast3A_101, %shift_right_arithmetic3A_106 : vector<16xi32>
      %and3A_108 = arith.constant 1 : i32
      %and3A_109 = vector.broadcast %and3A_108 : i32 to vector<16xi32>
      %and3A_110 = arith.andi %shift_right_arithmetic3A_107, %and3A_109 : vector<16xi32>
      %add3A_111 = arith.addi %add3A_104, %and3A_110 : vector<16xi32>
      %and3A_112 = arith.constant -65536 : i32
      %and3A_113 = vector.broadcast %and3A_112 : i32 to vector<16xi32>
      %and3A_114 = arith.andi %add3A_111, %and3A_113 : vector<16xi32>
      %bitcast3A_115 = vector.bitcast %and3A_114 : vector<16xi32> to vector<16xf32>
      %swap3A_116 = arith.index_cast %mul3A_81 : i32 to index
      %swap3A_117 = tpu.vector_load %arg10[%swap3A_116] {strides = array<i32>} : memref<8192xf32, #tpu.memory_space<vmem>>, vector<16xf32>,
      tpu.vector_store %arg10[%swap3A_116], %bitcast3A_115 {strides = array<i32>} : memref<8192xf32, #tpu.memory_space<vmem>>, vector<16xf32>,
      %bitcast3A_118 = vector.bitcast %get3A_86 : vector<16xf32> to vector<16xi32>
      %add3A_119 = arith.constant 32767 : i32
      %add3A_120 = vector.broadcast %add3A_119 : i32 to vector<16xi32>
      %add3A_121 = arith.addi %bitcast3A_118, %add3A_120 : vector<16xi32>
      %shift_right_arithmetic3A_122 = arith.constant 16 : i32
      %shift_right_arithmetic3A_123 = vector.broadcast %shift_right_arithmetic3A_122 : i32 to vector<16xi32>
      %shift_right_arithmetic3A_124 = arith.shrsi %bitcast3A_118, %shift_right_arithmetic3A_123 : vector<16xi32>
      %and3A_125 = arith.constant 1 : i32
      %and3A_126 = vector.broadcast %and3A_125 : i32 to vector<16xi32>
      %and3A_127 = arith.andi %shift_right_arithmetic3A_124, %and3A_126 : vector<16xi32>
      %add3A_128 = arith.addi %add3A_121, %and3A_127 : vector<16xi32>
      %and3A_129 = arith.constant -65536 : i32
      %and3A_130 = vector.broadcast %and3A_129 : i32 to vector<16xi32>
      %and3A_131 = arith.andi %add3A_128, %and3A_130 : vector<16xi32>
      %bitcast3A_132 = vector.bitcast %and3A_131 : vector<16xi32> to vector<16xf32>
      %swap3A_133 = arith.index_cast %mul3A_81 : i32 to index
      %swap3A_134 = tpu.vector_load %arg11[%swap3A_133] {strides = array<i32>} : memref<8192xf32, #tpu.memory_space<vmem>>, vector<16xf32>,
      tpu.vector_store %arg11[%swap3A_133], %bitcast3A_132 {strides = array<i32>} : memref<8192xf32, #tpu.memory_space<vmem>>, vector<16xf32>,
      %mul3A_135 = arith.mulf %get3A_82, %get3A_82 : vector<16xf32>
      %mul3A_136 = arith.mulf %get3A_84, %get3A_84 : vector<16xf32>
      %add3A_137 = arith.addf %mul3A_135, %mul3A_136 : vector<16xf32>
      %mul3A_138 = arith.mulf %get3A_86, %get3A_86 : vector<16xf32>
      %add3A_139 = arith.addf %add3A_137, %mul3A_138 : vector<16xf32>
      %swap3A_140 = arith.index_cast %mul3A_81 : i32 to index
      %swap3A_141 = tpu.vector_load %arg12[%swap3A_140] {strides = array<i32>} : memref<8192xf32, #tpu.memory_space<vmem>>, vector<16xf32>,
      tpu.vector_store %arg12[%swap3A_140], %add3A_139 {strides = array<i32>} : memref<8192xf32, #tpu.memory_space<vmem>>, vector<16xf32>,
    }
    %scan3A_65 = arith.constant 512 : i32
    %scan3A_66 = arith.constant 0 : i32
    %scan3A_67 = arith.constant 256 : i32
    %scan3A_68 = arith.addi %scan3A_66, %scan3A_67 : i32
    %scan3A_69 = arith.constant 1 : i32
    scf.for %scan3A_75 = %scan3A_66 to %scan3A_68 step %scan3A_69  : i32 {
      %mul3A_76 = arith.constant 1 : i32
      %mul3A_77 = arith.muli %scan3A_75, %mul3A_76 : i32
      %add3A_78 = arith.constant 0 : i32
      %add3A_79 = arith.addi %add3A_78, %mul3A_77 : i32
      %broadcast_in_dim3A_80 = vector.broadcast %add3A_79 : i32 to vector<16xi32>
      %gather3A = tpu.vector_load_idx %arg13[%broadcast_in_dim3A_80] : memref<256xf32, #tpu.memory_space<vmem>>[vector<16xi32>], vector<16xf32>,
      %gather3A_81 = tpu.vector_load_idx %arg14[%broadcast_in_dim3A_80] : memref<256xf32, #tpu.memory_space<vmem>>[vector<16xi32>], vector<16xf32>,
      %gather3A_82 = tpu.vector_load_idx %arg15[%broadcast_in_dim3A_80] : memref<256xf32, #tpu.memory_space<vmem>>[vector<16xi32>], vector<16xf32>,
      %mul3A_83 = arith.mulf %gather3A, %gather3A : vector<16xf32>
      %mul3A_84 = arith.mulf %gather3A_81, %gather3A_81 : vector<16xf32>
      %add3A_85 = arith.addf %mul3A_83, %mul3A_84 : vector<16xf32>
      %mul3A_86 = arith.mulf %gather3A_82, %gather3A_82 : vector<16xf32>
      %add3A_87 = arith.addf %add3A_85, %mul3A_86 : vector<16xf32>
      %bitcast3A = vector.bitcast %gather3A : vector<16xf32> to vector<16xi32>
      %add3A_88 = arith.constant 32767 : i32
      %add3A_89 = vector.broadcast %add3A_88 : i32 to vector<16xi32>
      %add3A_90 = arith.addi %bitcast3A, %add3A_89 : vector<16xi32>
      %shift_right_arithmetic3A = arith.constant 16 : i32
      %shift_right_arithmetic3A_91 = vector.broadcast %shift_right_arithmetic3A : i32 to vector<16xi32>
      %shift_right_arithmetic3A_92 = arith.shrsi %bitcast3A, %shift_right_arithmetic3A_91 : vector<16xi32>
      %and3A_93 = arith.constant 1 : i32
      %and3A_94 = vector.broadcast %and3A_93 : i32 to vector<16xi32>
      %and3A_95 = arith.andi %shift_right_arithmetic3A_92, %and3A_94 : vector<16xi32>
      %add3A_96 = arith.addi %add3A_90, %and3A_95 : vector<16xi32>
      %and3A_97 = arith.constant -65536 : i32
      %and3A_98 = vector.broadcast %and3A_97 : i32 to vector<16xi32>
      %and3A_99 = arith.andi %add3A_96, %and3A_98 : vector<16xi32>
      %bitcast3A_100 = vector.bitcast %and3A_99 : vector<16xi32> to vector<16xf32>
      %bitcast3A_101 = vector.bitcast %gather3A_81 : vector<16xf32> to vector<16xi32>
      %add3A_102 = arith.constant 32767 : i32
      %add3A_103 = vector.broadcast %add3A_102 : i32 to vector<16xi32>
      %add3A_104 = arith.addi %bitcast3A_101, %add3A_103 : vector<16xi32>
      %shift_right_arithmetic3A_105 = arith.constant 16 : i32
      %shift_right_arithmetic3A_106 = vector.broadcast %shift_right_arithmetic3A_105 : i32 to vector<16xi32>
      %shift_right_arithmetic3A_107 = arith.shrsi %bitcast3A_101, %shift_right_arithmetic3A_106 : vector<16xi32>
      %and3A_108 = arith.constant 1 : i32
      %and3A_109 = vector.broadcast %and3A_108 : i32 to vector<16xi32>
      %and3A_110 = arith.andi %shift_right_arithmetic3A_107, %and3A_109 : vector<16xi32>
      %add3A_111 = arith.addi %add3A_104, %and3A_110 : vector<16xi32>
      %and3A_112 = arith.constant -65536 : i32
      %and3A_113 = vector.broadcast %and3A_112 : i32 to vector<16xi32>
      %and3A_114 = arith.andi %add3A_111, %and3A_113 : vector<16xi32>
      %bitcast3A_115 = vector.bitcast %and3A_114 : vector<16xi32> to vector<16xf32>
      %bitcast3A_116 = vector.bitcast %gather3A_82 : vector<16xf32> to vector<16xi32>
      %add3A_117 = arith.constant 32767 : i32
      %add3A_118 = vector.broadcast %add3A_117 : i32 to vector<16xi32>
      %add3A_119 = arith.addi %bitcast3A_116, %add3A_118 : vector<16xi32>
      %shift_right_arithmetic3A_120 = arith.constant 16 : i32
      %shift_right_arithmetic3A_121 = vector.broadcast %shift_right_arithmetic3A_120 : i32 to vector<16xi32>
      %shift_right_arithmetic3A_122 = arith.shrsi %bitcast3A_116, %shift_right_arithmetic3A_121 : vector<16xi32>
      %and3A_123 = arith.constant 1 : i32
      %and3A_124 = vector.broadcast %and3A_123 : i32 to vector<16xi32>
      %and3A_125 = arith.andi %shift_right_arithmetic3A_122, %and3A_124 : vector<16xi32>
      %add3A_126 = arith.addi %add3A_119, %and3A_125 : vector<16xi32>
      %and3A_127 = arith.constant -65536 : i32
      %and3A_128 = vector.broadcast %and3A_127 : i32 to vector<16xi32>
      %and3A_129 = arith.andi %add3A_126, %and3A_128 : vector<16xi32>
      %bitcast3A_130 = vector.bitcast %and3A_129 : vector<16xi32> to vector<16xf32>
      %while3A = arith.constant 0 : i32
      %while3A_131:2 = scf.while (%while3A_343 = %while3A, %while3A_344 = %broadcast_in_dim3A_61) : (i32, vector<16xi32>) -> (i32, vector<16xi32>) {
        %lt3A_345 = arith.constant 8192 : i32
        %lt3A_346 = arith.cmpi slt, %while3A_343, %lt3A_345 : i32
        %lt3A_347 = arith.constant 32 : i32
        %lt3A_348 = vector.broadcast %lt3A_347 : i32 to vector<16xi32>
        %lt3A_349 = arith.cmpi slt, %while3A_344, %lt3A_348 : vector<16xi32>
        %reduce_and3A = arith.constant 1.000000e+00 : f32
        %reduce_and3A_350 = arith.constant 0.000000e+00 : f32
        %reduce_and3A_351 = vector.broadcast %reduce_and3A : f32 to vector<16xf32>
        %reduce_and3A_352 = vector.broadcast %reduce_and3A_350 : f32 to vector<16xf32>
        %reduce_and3A_353 = arith.select %lt3A_349, %reduce_and3A_351, %reduce_and3A_352 : vector<16xi1>, vector<16xf32>
        %reduce_and3A_354 = arith.constant true
        %reduce_and3A_355 = vector.broadcast %reduce_and3A_354 : i1 to vector<16xi1>
        %reduce_and3A_356 = tpu.scan <min>, %reduce_and3A_353 masked %reduce_and3A_355 : vector<16xf32>, vector<16xi1> -> vector<16xf32>
        %reduce_and3A_357 = vector.extract %reduce_and3A_356[15] : f32 from vector<16xf32>
        %reduce_and3A_358 = arith.constant 0.000000e+00 : f32
        %reduce_and3A_359 = arith.cmpf ogt, %reduce_and3A_357, %reduce_and3A_358 : f32
        %and3A_360 = arith.andi %lt3A_346, %reduce_and3A_359 : i1
        scf.condition(%and3A_360) %while3A_343, %while3A_344 : i32, vector<16xi32>
      } do {
      ^bb0(%while3A_343: i32, %while3A_344: vector<16xi32>):
        %add3A_345 = arith.constant 0 : i32
        %add3A_346 = arith.addi %while3A_343, %add3A_345 : i32
        %get3A_347 = arith.index_cast %add3A_346 : i32 to index
        %get3A_348 = tpu.vector_load %arg9[%get3A_347] {strides = array<i32>} : memref<8192xf32, #tpu.memory_space<vmem>>, vector<16xf32>,
        %mul3A_349 = arith.mulf %bitcast3A_100, %get3A_348 : vector<16xf32>
        %get3A_350 = arith.index_cast %add3A_346 : i32 to index
        %get3A_351 = tpu.vector_load %arg10[%get3A_350] {strides = array<i32>} : memref<8192xf32, #tpu.memory_space<vmem>>, vector<16xf32>,
        %mul3A_352 = arith.mulf %bitcast3A_115, %get3A_351 : vector<16xf32>
        %add3A_353 = arith.addf %mul3A_349, %mul3A_352 : vector<16xf32>
        %get3A_354 = arith.index_cast %add3A_346 : i32 to index
        %get3A_355 = tpu.vector_load %arg11[%get3A_354] {strides = array<i32>} : memref<8192xf32, #tpu.memory_space<vmem>>, vector<16xf32>,
        %mul3A_356 = arith.mulf %bitcast3A_130, %get3A_355 : vector<16xf32>
        %add3A_357 = arith.addf %add3A_353, %mul3A_356 : vector<16xf32>
        %get3A_358 = arith.index_cast %add3A_346 : i32 to index
        %get3A_359 = tpu.vector_load %arg12[%get3A_358] {strides = array<i32>} : memref<8192xf32, #tpu.memory_space<vmem>>, vector<16xf32>,
        %add3A_360 = arith.addf %add3A_87, %get3A_359 : vector<16xf32>
        %mul3A_361 = arith.constant 2.000000e+00 : f32
        %mul3A_362 = vector.broadcast %mul3A_361 : f32 to vector<16xf32>
        %mul3A_363 = arith.mulf %mul3A_362, %add3A_357 : vector<16xf32>
        %sub3A_364 = arith.subf %add3A_360, %mul3A_363 : vector<16xf32>
        %lt3A_365 = arith.constant 4.000000e-02 : f32
        %lt3A_366 = vector.broadcast %lt3A_365 : f32 to vector<16xf32>
        %lt3A_367 = arith.cmpf olt, %sub3A_364, %lt3A_366 : vector<16xf32>
        %convert_element_type3A_368 = arith.extui %lt3A_367 : vector<16xi1> to vector<16xi32>
        %broadcast_in_dim3A_369 = arith.constant true
        %broadcast_in_dim3A_370 = vector.broadcast %broadcast_in_dim3A_369 : i1 to vector<16xi1>
        %masked_cumsum3A = tpu.scan <sum>, %convert_element_type3A_368 masked %broadcast_in_dim3A_370 : vector<16xi32>, vector<16xi1> -> vector<16xi32>
        %add3A_371 = arith.addi %while3A_344, %masked_cumsum3A : vector<16xi32>
        %sub3A_372 = arith.constant 1 : i32
        %sub3A_373 = vector.broadcast %sub3A_372 : i32 to vector<16xi32>
        %sub3A_374 = arith.subi %add3A_371, %sub3A_373 : vector<16xi32>
        %add3A_375 = vector.broadcast %add3A_346 : i32 to vector<16xi32>
        %add3A_376 = arith.addi %add3A_375, %iota3A : vector<16xi32>
        tpu.vector_store_idx %arg16[%sub3A_374], %add3A_376 masked %lt3A_367 : memref<288xi32, #tpu.memory_space<vmem>>[vector<16xi32>], vector<16xi32>, vector<16xi1>
        %all_reduce_population_count3A = tpu.all_reduce %lt3A_367 {dim = 0 : i64, kind = #tpu.reduction_kind<sum>} : vector<16xi1> -> vector<16xi32>
        %add3A_377 = arith.addi %while3A_344, %all_reduce_population_count3A : vector<16xi32>
        %add3A_378 = arith.constant 16 : i32
        %add3A_379 = arith.addi %while3A_343, %add3A_378 : i32
        %get3A_380 = arith.index_cast %add3A_379 : i32 to index
        %get3A_381 = tpu.vector_load %arg9[%get3A_380] {strides = array<i32>} : memref<8192xf32, #tpu.memory_space<vmem>>, vector<16xf32>,
        %mul3A_382 = arith.mulf %bitcast3A_100, %get3A_381 : vector<16xf32>
        %get3A_383 = arith.index_cast %add3A_379 : i32 to index
        %get3A_384 = tpu.vector_load %arg10[%get3A_383] {strides = array<i32>} : memref<8192xf32, #tpu.memory_space<vmem>>, vector<16xf32>,
        %mul3A_385 = arith.mulf %bitcast3A_115, %get3A_384 : vector<16xf32>
        %add3A_386 = arith.addf %mul3A_382, %mul3A_385 : vector<16xf32>
        %get3A_387 = arith.index_cast %add3A_379 : i32 to index
        %get3A_388 = tpu.vector_load %arg11[%get3A_387] {strides = array<i32>} : memref<8192xf32, #tpu.memory_space<vmem>>, vector<16xf32>,
        %mul3A_389 = arith.mulf %bitcast3A_130, %get3A_388 : vector<16xf32>
        %add3A_390 = arith.addf %add3A_386, %mul3A_389 : vector<16xf32>
        %get3A_391 = arith.index_cast %add3A_379 : i32 to index
        %get3A_392 = tpu.vector_load %arg12[%get3A_391] {strides = array<i32>} : memref<8192xf32, #tpu.memory_space<vmem>>, vector<16xf32>,
        %add3A_393 = arith.addf %add3A_87, %get3A_392 : vector<16xf32>
        %mul3A_394 = arith.constant 2.000000e+00 : f32
        %mul3A_395 = vector.broadcast %mul3A_394 : f32 to vector<16xf32>
        %mul3A_396 = arith.mulf %mul3A_395, %add3A_390 : vector<16xf32>
        %sub3A_397 = arith.subf %add3A_393, %mul3A_396 : vector<16xf32>
        %lt3A_398 = arith.constant 4.000000e-02 : f32
        %lt3A_399 = vector.broadcast %lt3A_398 : f32 to vector<16xf32>
        %lt3A_400 = arith.cmpf olt, %sub3A_397, %lt3A_399 : vector<16xf32>
        %convert_element_type3A_401 = arith.extui %lt3A_400 : vector<16xi1> to vector<16xi32>
        %broadcast_in_dim3A_402 = arith.constant true
        %broadcast_in_dim3A_403 = vector.broadcast %broadcast_in_dim3A_402 : i1 to vector<16xi1>
        %masked_cumsum3A_404 = tpu.scan <sum>, %convert_element_type3A_401 masked %broadcast_in_dim3A_403 : vector<16xi32>, vector<16xi1> -> vector<16xi32>
        %add3A_405 = arith.addi %add3A_377, %masked_cumsum3A_404 : vector<16xi32>
        %sub3A_406 = arith.constant 1 : i32
        %sub3A_407 = vector.broadcast %sub3A_406 : i32 to vector<16xi32>
        %sub3A_408 = arith.subi %add3A_405, %sub3A_407 : vector<16xi32>
        %add3A_409 = vector.broadcast %add3A_379 : i32 to vector<16xi32>
        %add3A_410 = arith.addi %add3A_409, %iota3A : vector<16xi32>
        tpu.vector_store_idx %arg16[%sub3A_408], %add3A_410 masked %lt3A_400 : memref<288xi32, #tpu.memory_space<vmem>>[vector<16xi32>], vector<16xi32>, vector<16xi1>
        %all_reduce_population_count3A_411 = tpu.all_reduce %lt3A_400 {dim = 0 : i64, kind = #tpu.reduction_kind<sum>} : vector<16xi1> -> vector<16xi32>
        %add3A_412 = arith.addi %add3A_377, %all_reduce_population_count3A_411 : vector<16xi32>
        %add3A_413 = arith.constant 32 : i32
        %add3A_414 = arith.addi %while3A_343, %add3A_413 : i32
        %get3A_415 = arith.index_cast %add3A_414 : i32 to index
        %get3A_416 = tpu.vector_load %arg9[%get3A_415] {strides = array<i32>} : memref<8192xf32, #tpu.memory_space<vmem>>, vector<16xf32>,
        %mul3A_417 = arith.mulf %bitcast3A_100, %get3A_416 : vector<16xf32>
        %get3A_418 = arith.index_cast %add3A_414 : i32 to index
        %get3A_419 = tpu.vector_load %arg10[%get3A_418] {strides = array<i32>} : memref<8192xf32, #tpu.memory_space<vmem>>, vector<16xf32>,
        %mul3A_420 = arith.mulf %bitcast3A_115, %get3A_419 : vector<16xf32>
        %add3A_421 = arith.addf %mul3A_417, %mul3A_420 : vector<16xf32>
        %get3A_422 = arith.index_cast %add3A_414 : i32 to index
        %get3A_423 = tpu.vector_load %arg11[%get3A_422] {strides = array<i32>} : memref<8192xf32, #tpu.memory_space<vmem>>, vector<16xf32>,
        %mul3A_424 = arith.mulf %bitcast3A_130, %get3A_423 : vector<16xf32>
        %add3A_425 = arith.addf %add3A_421, %mul3A_424 : vector<16xf32>
        %get3A_426 = arith.index_cast %add3A_414 : i32 to index
        %get3A_427 = tpu.vector_load %arg12[%get3A_426] {strides = array<i32>} : memref<8192xf32, #tpu.memory_space<vmem>>, vector<16xf32>,
        %add3A_428 = arith.addf %add3A_87, %get3A_427 : vector<16xf32>
        %mul3A_429 = arith.constant 2.000000e+00 : f32
        %mul3A_430 = vector.broadcast %mul3A_429 : f32 to vector<16xf32>
        %mul3A_431 = arith.mulf %mul3A_430, %add3A_425 : vector<16xf32>
        %sub3A_432 = arith.subf %add3A_428, %mul3A_431 : vector<16xf32>
        %lt3A_433 = arith.constant 4.000000e-02 : f32
        %lt3A_434 = vector.broadcast %lt3A_433 : f32 to vector<16xf32>
        %lt3A_435 = arith.cmpf olt, %sub3A_432, %lt3A_434 : vector<16xf32>
        %convert_element_type3A_436 = arith.extui %lt3A_435 : vector<16xi1> to vector<16xi32>
        %broadcast_in_dim3A_437 = arith.constant true
        %broadcast_in_dim3A_438 = vector.broadcast %broadcast_in_dim3A_437 : i1 to vector<16xi1>
        %masked_cumsum3A_439 = tpu.scan <sum>, %convert_element_type3A_436 masked %broadcast_in_dim3A_438 : vector<16xi32>, vector<16xi1> -> vector<16xi32>
        %add3A_440 = arith.addi %add3A_412, %masked_cumsum3A_439 : vector<16xi32>
        %sub3A_441 = arith.constant 1 : i32
        %sub3A_442 = vector.broadcast %sub3A_441 : i32 to vector<16xi32>
        %sub3A_443 = arith.subi %add3A_440, %sub3A_442 : vector<16xi32>
        %add3A_444 = vector.broadcast %add3A_414 : i32 to vector<16xi32>
        %add3A_445 = arith.addi %add3A_444, %iota3A : vector<16xi32>
        tpu.vector_store_idx %arg16[%sub3A_443], %add3A_445 masked %lt3A_435 : memref<288xi32, #tpu.memory_space<vmem>>[vector<16xi32>], vector<16xi32>, vector<16xi1>
        %all_reduce_population_count3A_446 = tpu.all_reduce %lt3A_435 {dim = 0 : i64, kind = #tpu.reduction_kind<sum>} : vector<16xi1> -> vector<16xi32>
        %add3A_447 = arith.addi %add3A_412, %all_reduce_population_count3A_446 : vector<16xi32>
        %add3A_448 = arith.constant 48 : i32
        %add3A_449 = arith.addi %while3A_343, %add3A_448 : i32
        %get3A_450 = arith.index_cast %add3A_449 : i32 to index
        %get3A_451 = tpu.vector_load %arg9[%get3A_450] {strides = array<i32>} : memref<8192xf32, #tpu.memory_space<vmem>>, vector<16xf32>,
        %mul3A_452 = arith.mulf %bitcast3A_100, %get3A_451 : vector<16xf32>
        %get3A_453 = arith.index_cast %add3A_449 : i32 to index
        %get3A_454 = tpu.vector_load %arg10[%get3A_453] {strides = array<i32>} : memref<8192xf32, #tpu.memory_space<vmem>>, vector<16xf32>,
        %mul3A_455 = arith.mulf %bitcast3A_115, %get3A_454 : vector<16xf32>
        %add3A_456 = arith.addf %mul3A_452, %mul3A_455 : vector<16xf32>
        %get3A_457 = arith.index_cast %add3A_449 : i32 to index
        %get3A_458 = tpu.vector_load %arg11[%get3A_457] {strides = array<i32>} : memref<8192xf32, #tpu.memory_space<vmem>>, vector<16xf32>,
        %mul3A_459 = arith.mulf %bitcast3A_130, %get3A_458 : vector<16xf32>
        %add3A_460 = arith.addf %add3A_456, %mul3A_459 : vector<16xf32>
        %get3A_461 = arith.index_cast %add3A_449 : i32 to index
        %get3A_462 = tpu.vector_load %arg12[%get3A_461] {strides = array<i32>} : memref<8192xf32, #tpu.memory_space<vmem>>, vector<16xf32>,
        %add3A_463 = arith.addf %add3A_87, %get3A_462 : vector<16xf32>
        %mul3A_464 = arith.constant 2.000000e+00 : f32
        %mul3A_465 = vector.broadcast %mul3A_464 : f32 to vector<16xf32>
        %mul3A_466 = arith.mulf %mul3A_465, %add3A_460 : vector<16xf32>
        %sub3A_467 = arith.subf %add3A_463, %mul3A_466 : vector<16xf32>
        %lt3A_468 = arith.constant 4.000000e-02 : f32
        %lt3A_469 = vector.broadcast %lt3A_468 : f32 to vector<16xf32>
        %lt3A_470 = arith.cmpf olt, %sub3A_467, %lt3A_469 : vector<16xf32>
        %convert_element_type3A_471 = arith.extui %lt3A_470 : vector<16xi1> to vector<16xi32>
        %broadcast_in_dim3A_472 = arith.constant true
        %broadcast_in_dim3A_473 = vector.broadcast %broadcast_in_dim3A_472 : i1 to vector<16xi1>
        %masked_cumsum3A_474 = tpu.scan <sum>, %convert_element_type3A_471 masked %broadcast_in_dim3A_473 : vector<16xi32>, vector<16xi1> -> vector<16xi32>
        %add3A_475 = arith.addi %add3A_447, %masked_cumsum3A_474 : vector<16xi32>
        %sub3A_476 = arith.constant 1 : i32
        %sub3A_477 = vector.broadcast %sub3A_476 : i32 to vector<16xi32>
        %sub3A_478 = arith.subi %add3A_475, %sub3A_477 : vector<16xi32>
        %add3A_479 = vector.broadcast %add3A_449 : i32 to vector<16xi32>
        %add3A_480 = arith.addi %add3A_479, %iota3A : vector<16xi32>
        tpu.vector_store_idx %arg16[%sub3A_478], %add3A_480 masked %lt3A_470 : memref<288xi32, #tpu.memory_space<vmem>>[vector<16xi32>], vector<16xi32>, vector<16xi1>
        %all_reduce_population_count3A_481 = tpu.all_reduce %lt3A_470 {dim = 0 : i64, kind = #tpu.reduction_kind<sum>} : vector<16xi1> -> vector<16xi32>
        %add3A_482 = arith.addi %add3A_447, %all_reduce_population_count3A_481 : vector<16xi32>
        %add3A_483 = arith.constant 64 : i32
        %add3A_484 = arith.addi %while3A_343, %add3A_483 : i32
        %get3A_485 = arith.index_cast %add3A_484 : i32 to index
        %get3A_486 = tpu.vector_load %arg9[%get3A_485] {strides = array<i32>} : memref<8192xf32, #tpu.memory_space<vmem>>, vector<16xf32>,
        %mul3A_487 = arith.mulf %bitcast3A_100, %get3A_486 : vector<16xf32>
        %get3A_488 = arith.index_cast %add3A_484 : i32 to index
        %get3A_489 = tpu.vector_load %arg10[%get3A_488] {strides = array<i32>} : memref<8192xf32, #tpu.memory_space<vmem>>, vector<16xf32>,
        %mul3A_490 = arith.mulf %bitcast3A_115, %get3A_489 : vector<16xf32>
        %add3A_491 = arith.addf %mul3A_487, %mul3A_490 : vector<16xf32>
        %get3A_492 = arith.index_cast %add3A_484 : i32 to index
        %get3A_493 = tpu.vector_load %arg11[%get3A_492] {strides = array<i32>} : memref<8192xf32, #tpu.memory_space<vmem>>, vector<16xf32>,
        %mul3A_494 = arith.mulf %bitcast3A_130, %get3A_493 : vector<16xf32>
        %add3A_495 = arith.addf %add3A_491, %mul3A_494 : vector<16xf32>
        %get3A_496 = arith.index_cast %add3A_484 : i32 to index
        %get3A_497 = tpu.vector_load %arg12[%get3A_496] {strides = array<i32>} : memref<8192xf32, #tpu.memory_space<vmem>>, vector<16xf32>,
        %add3A_498 = arith.addf %add3A_87, %get3A_497 : vector<16xf32>
        %mul3A_499 = arith.constant 2.000000e+00 : f32
        %mul3A_500 = vector.broadcast %mul3A_499 : f32 to vector<16xf32>
        %mul3A_501 = arith.mulf %mul3A_500, %add3A_495 : vector<16xf32>
        %sub3A_502 = arith.subf %add3A_498, %mul3A_501 : vector<16xf32>
        %lt3A_503 = arith.constant 4.000000e-02 : f32
        %lt3A_504 = vector.broadcast %lt3A_503 : f32 to vector<16xf32>
        %lt3A_505 = arith.cmpf olt, %sub3A_502, %lt3A_504 : vector<16xf32>
        %convert_element_type3A_506 = arith.extui %lt3A_505 : vector<16xi1> to vector<16xi32>
        %broadcast_in_dim3A_507 = arith.constant true
        %broadcast_in_dim3A_508 = vector.broadcast %broadcast_in_dim3A_507 : i1 to vector<16xi1>
        %masked_cumsum3A_509 = tpu.scan <sum>, %convert_element_type3A_506 masked %broadcast_in_dim3A_508 : vector<16xi32>, vector<16xi1> -> vector<16xi32>
        %add3A_510 = arith.addi %add3A_482, %masked_cumsum3A_509 : vector<16xi32>
        %sub3A_511 = arith.constant 1 : i32
        %sub3A_512 = vector.broadcast %sub3A_511 : i32 to vector<16xi32>
        %sub3A_513 = arith.subi %add3A_510, %sub3A_512 : vector<16xi32>
        %add3A_514 = vector.broadcast %add3A_484 : i32 to vector<16xi32>
        %add3A_515 = arith.addi %add3A_514, %iota3A : vector<16xi32>
        tpu.vector_store_idx %arg16[%sub3A_513], %add3A_515 masked %lt3A_505 : memref<288xi32, #tpu.memory_space<vmem>>[vector<16xi32>], vector<16xi32>, vector<16xi1>
        %all_reduce_population_count3A_516 = tpu.all_reduce %lt3A_505 {dim = 0 : i64, kind = #tpu.reduction_kind<sum>} : vector<16xi1> -> vector<16xi32>
        %add3A_517 = arith.addi %add3A_482, %all_reduce_population_count3A_516 : vector<16xi32>
        %add3A_518 = arith.constant 80 : i32
        %add3A_519 = arith.addi %while3A_343, %add3A_518 : i32
        %get3A_520 = arith.index_cast %add3A_519 : i32 to index
        %get3A_521 = tpu.vector_load %arg9[%get3A_520] {strides = array<i32>} : memref<8192xf32, #tpu.memory_space<vmem>>, vector<16xf32>,
        %mul3A_522 = arith.mulf %bitcast3A_100, %get3A_521 : vector<16xf32>
        %get3A_523 = arith.index_cast %add3A_519 : i32 to index
        %get3A_524 = tpu.vector_load %arg10[%get3A_523] {strides = array<i32>} : memref<8192xf32, #tpu.memory_space<vmem>>, vector<16xf32>,
        %mul3A_525 = arith.mulf %bitcast3A_115, %get3A_524 : vector<16xf32>
        %add3A_526 = arith.addf %mul3A_522, %mul3A_525 : vector<16xf32>
        %get3A_527 = arith.index_cast %add3A_519 : i32 to index
        %get3A_528 = tpu.vector_load %arg11[%get3A_527] {strides = array<i32>} : memref<8192xf32, #tpu.memory_space<vmem>>, vector<16xf32>,
        %mul3A_529 = arith.mulf %bitcast3A_130, %get3A_528 : vector<16xf32>
        %add3A_530 = arith.addf %add3A_526, %mul3A_529 : vector<16xf32>
        %get3A_531 = arith.index_cast %add3A_519 : i32 to index
        %get3A_532 = tpu.vector_load %arg12[%get3A_531] {strides = array<i32>} : memref<8192xf32, #tpu.memory_space<vmem>>, vector<16xf32>,
        %add3A_533 = arith.addf %add3A_87, %get3A_532 : vector<16xf32>
        %mul3A_534 = arith.constant 2.000000e+00 : f32
        %mul3A_535 = vector.broadcast %mul3A_534 : f32 to vector<16xf32>
        %mul3A_536 = arith.mulf %mul3A_535, %add3A_530 : vector<16xf32>
        %sub3A_537 = arith.subf %add3A_533, %mul3A_536 : vector<16xf32>
        %lt3A_538 = arith.constant 4.000000e-02 : f32
        %lt3A_539 = vector.broadcast %lt3A_538 : f32 to vector<16xf32>
        %lt3A_540 = arith.cmpf olt, %sub3A_537, %lt3A_539 : vector<16xf32>
        %convert_element_type3A_541 = arith.extui %lt3A_540 : vector<16xi1> to vector<16xi32>
        %broadcast_in_dim3A_542 = arith.constant true
        %broadcast_in_dim3A_543 = vector.broadcast %broadcast_in_dim3A_542 : i1 to vector<16xi1>
        %masked_cumsum3A_544 = tpu.scan <sum>, %convert_element_type3A_541 masked %broadcast_in_dim3A_543 : vector<16xi32>, vector<16xi1> -> vector<16xi32>
        %add3A_545 = arith.addi %add3A_517, %masked_cumsum3A_544 : vector<16xi32>
        %sub3A_546 = arith.constant 1 : i32
        %sub3A_547 = vector.broadcast %sub3A_546 : i32 to vector<16xi32>
        %sub3A_548 = arith.subi %add3A_545, %sub3A_547 : vector<16xi32>
        %add3A_549 = vector.broadcast %add3A_519 : i32 to vector<16xi32>
        %add3A_550 = arith.addi %add3A_549, %iota3A : vector<16xi32>
        tpu.vector_store_idx %arg16[%sub3A_548], %add3A_550 masked %lt3A_540 : memref<288xi32, #tpu.memory_space<vmem>>[vector<16xi32>], vector<16xi32>, vector<16xi1>
        %all_reduce_population_count3A_551 = tpu.all_reduce %lt3A_540 {dim = 0 : i64, kind = #tpu.reduction_kind<sum>} : vector<16xi1> -> vector<16xi32>
        %add3A_552 = arith.addi %add3A_517, %all_reduce_population_count3A_551 : vector<16xi32>
        %add3A_553 = arith.constant 96 : i32
        %add3A_554 = arith.addi %while3A_343, %add3A_553 : i32
        %get3A_555 = arith.index_cast %add3A_554 : i32 to index
        %get3A_556 = tpu.vector_load %arg9[%get3A_555] {strides = array<i32>} : memref<8192xf32, #tpu.memory_space<vmem>>, vector<16xf32>,
        %mul3A_557 = arith.mulf %bitcast3A_100, %get3A_556 : vector<16xf32>
        %get3A_558 = arith.index_cast %add3A_554 : i32 to index
        %get3A_559 = tpu.vector_load %arg10[%get3A_558] {strides = array<i32>} : memref<8192xf32, #tpu.memory_space<vmem>>, vector<16xf32>,
        %mul3A_560 = arith.mulf %bitcast3A_115, %get3A_559 : vector<16xf32>
        %add3A_561 = arith.addf %mul3A_557, %mul3A_560 : vector<16xf32>
        %get3A_562 = arith.index_cast %add3A_554 : i32 to index
        %get3A_563 = tpu.vector_load %arg11[%get3A_562] {strides = array<i32>} : memref<8192xf32, #tpu.memory_space<vmem>>, vector<16xf32>,
        %mul3A_564 = arith.mulf %bitcast3A_130, %get3A_563 : vector<16xf32>
        %add3A_565 = arith.addf %add3A_561, %mul3A_564 : vector<16xf32>
        %get3A_566 = arith.index_cast %add3A_554 : i32 to index
        %get3A_567 = tpu.vector_load %arg12[%get3A_566] {strides = array<i32>} : memref<8192xf32, #tpu.memory_space<vmem>>, vector<16xf32>,
        %add3A_568 = arith.addf %add3A_87, %get3A_567 : vector<16xf32>
        %mul3A_569 = arith.constant 2.000000e+00 : f32
        %mul3A_570 = vector.broadcast %mul3A_569 : f32 to vector<16xf32>
        %mul3A_571 = arith.mulf %mul3A_570, %add3A_565 : vector<16xf32>
        %sub3A_572 = arith.subf %add3A_568, %mul3A_571 : vector<16xf32>
        %lt3A_573 = arith.constant 4.000000e-02 : f32
        %lt3A_574 = vector.broadcast %lt3A_573 : f32 to vector<16xf32>
        %lt3A_575 = arith.cmpf olt, %sub3A_572, %lt3A_574 : vector<16xf32>
        %convert_element_type3A_576 = arith.extui %lt3A_575 : vector<16xi1> to vector<16xi32>
        %broadcast_in_dim3A_577 = arith.constant true
        %broadcast_in_dim3A_578 = vector.broadcast %broadcast_in_dim3A_577 : i1 to vector<16xi1>
        %masked_cumsum3A_579 = tpu.scan <sum>, %convert_element_type3A_576 masked %broadcast_in_dim3A_578 : vector<16xi32>, vector<16xi1> -> vector<16xi32>
        %add3A_580 = arith.addi %add3A_552, %masked_cumsum3A_579 : vector<16xi32>
        %sub3A_581 = arith.constant 1 : i32
        %sub3A_582 = vector.broadcast %sub3A_581 : i32 to vector<16xi32>
        %sub3A_583 = arith.subi %add3A_580, %sub3A_582 : vector<16xi32>
        %add3A_584 = vector.broadcast %add3A_554 : i32 to vector<16xi32>
        %add3A_585 = arith.addi %add3A_584, %iota3A : vector<16xi32>
        tpu.vector_store_idx %arg16[%sub3A_583], %add3A_585 masked %lt3A_575 : memref<288xi32, #tpu.memory_space<vmem>>[vector<16xi32>], vector<16xi32>, vector<16xi1>
        %all_reduce_population_count3A_586 = tpu.all_reduce %lt3A_575 {dim = 0 : i64, kind = #tpu.reduction_kind<sum>} : vector<16xi1> -> vector<16xi32>
        %add3A_587 = arith.addi %add3A_552, %all_reduce_population_count3A_586 : vector<16xi32>
        %add3A_588 = arith.constant 112 : i32
        %add3A_589 = arith.addi %while3A_343, %add3A_588 : i32
        %get3A_590 = arith.index_cast %add3A_589 : i32 to index
        %get3A_591 = tpu.vector_load %arg9[%get3A_590] {strides = array<i32>} : memref<8192xf32, #tpu.memory_space<vmem>>, vector<16xf32>,
        %mul3A_592 = arith.mulf %bitcast3A_100, %get3A_591 : vector<16xf32>
        %get3A_593 = arith.index_cast %add3A_589 : i32 to index
        %get3A_594 = tpu.vector_load %arg10[%get3A_593] {strides = array<i32>} : memref<8192xf32, #tpu.memory_space<vmem>>, vector<16xf32>,
        %mul3A_595 = arith.mulf %bitcast3A_115, %get3A_594 : vector<16xf32>
        %add3A_596 = arith.addf %mul3A_592, %mul3A_595 : vector<16xf32>
        %get3A_597 = arith.index_cast %add3A_589 : i32 to index
        %get3A_598 = tpu.vector_load %arg11[%get3A_597] {strides = array<i32>} : memref<8192xf32, #tpu.memory_space<vmem>>, vector<16xf32>,
        %mul3A_599 = arith.mulf %bitcast3A_130, %get3A_598 : vector<16xf32>
        %add3A_600 = arith.addf %add3A_596, %mul3A_599 : vector<16xf32>
        %get3A_601 = arith.index_cast %add3A_589 : i32 to index
        %get3A_602 = tpu.vector_load %arg12[%get3A_601] {strides = array<i32>} : memref<8192xf32, #tpu.memory_space<vmem>>, vector<16xf32>,
        %add3A_603 = arith.addf %add3A_87, %get3A_602 : vector<16xf32>
        %mul3A_604 = arith.constant 2.000000e+00 : f32
        %mul3A_605 = vector.broadcast %mul3A_604 : f32 to vector<16xf32>
        %mul3A_606 = arith.mulf %mul3A_605, %add3A_600 : vector<16xf32>
        %sub3A_607 = arith.subf %add3A_603, %mul3A_606 : vector<16xf32>
        %lt3A_608 = arith.constant 4.000000e-02 : f32
        %lt3A_609 = vector.broadcast %lt3A_608 : f32 to vector<16xf32>
        %lt3A_610 = arith.cmpf olt, %sub3A_607, %lt3A_609 : vector<16xf32>
        %convert_element_type3A_611 = arith.extui %lt3A_610 : vector<16xi1> to vector<16xi32>
        %broadcast_in_dim3A_612 = arith.constant true
        %broadcast_in_dim3A_613 = vector.broadcast %broadcast_in_dim3A_612 : i1 to vector<16xi1>
        %masked_cumsum3A_614 = tpu.scan <sum>, %convert_element_type3A_611 masked %broadcast_in_dim3A_613 : vector<16xi32>, vector<16xi1> -> vector<16xi32>
        %add3A_615 = arith.addi %add3A_587, %masked_cumsum3A_614 : vector<16xi32>
        %sub3A_616 = arith.constant 1 : i32
        %sub3A_617 = vector.broadcast %sub3A_616 : i32 to vector<16xi32>
        %sub3A_618 = arith.subi %add3A_615, %sub3A_617 : vector<16xi32>
        %add3A_619 = vector.broadcast %add3A_589 : i32 to vector<16xi32>
        %add3A_620 = arith.addi %add3A_619, %iota3A : vector<16xi32>
        tpu.vector_store_idx %arg16[%sub3A_618], %add3A_620 masked %lt3A_610 : memref<288xi32, #tpu.memory_space<vmem>>[vector<16xi32>], vector<16xi32>, vector<16xi1>
        %all_reduce_population_count3A_621 = tpu.all_reduce %lt3A_610 {dim = 0 : i64, kind = #tpu.reduction_kind<sum>} : vector<16xi1> -> vector<16xi32>
        %add3A_622 = arith.addi %add3A_587, %all_reduce_population_count3A_621 : vector<16xi32>
        %add3A_623 = arith.constant 128 : i32
        %add3A_624 = arith.addi %while3A_343, %add3A_623 : i32
        %get3A_625 = arith.index_cast %add3A_624 : i32 to index
        %get3A_626 = tpu.vector_load %arg9[%get3A_625] {strides = array<i32>} : memref<8192xf32, #tpu.memory_space<vmem>>, vector<16xf32>,
        %mul3A_627 = arith.mulf %bitcast3A_100, %get3A_626 : vector<16xf32>
        %get3A_628 = arith.index_cast %add3A_624 : i32 to index
        %get3A_629 = tpu.vector_load %arg10[%get3A_628] {strides = array<i32>} : memref<8192xf32, #tpu.memory_space<vmem>>, vector<16xf32>,
        %mul3A_630 = arith.mulf %bitcast3A_115, %get3A_629 : vector<16xf32>
        %add3A_631 = arith.addf %mul3A_627, %mul3A_630 : vector<16xf32>
        %get3A_632 = arith.index_cast %add3A_624 : i32 to index
        %get3A_633 = tpu.vector_load %arg11[%get3A_632] {strides = array<i32>} : memref<8192xf32, #tpu.memory_space<vmem>>, vector<16xf32>,
        %mul3A_634 = arith.mulf %bitcast3A_130, %get3A_633 : vector<16xf32>
        %add3A_635 = arith.addf %add3A_631, %mul3A_634 : vector<16xf32>
        %get3A_636 = arith.index_cast %add3A_624 : i32 to index
        %get3A_637 = tpu.vector_load %arg12[%get3A_636] {strides = array<i32>} : memref<8192xf32, #tpu.memory_space<vmem>>, vector<16xf32>,
        %add3A_638 = arith.addf %add3A_87, %get3A_637 : vector<16xf32>
        %mul3A_639 = arith.constant 2.000000e+00 : f32
        %mul3A_640 = vector.broadcast %mul3A_639 : f32 to vector<16xf32>
        %mul3A_641 = arith.mulf %mul3A_640, %add3A_635 : vector<16xf32>
        %sub3A_642 = arith.subf %add3A_638, %mul3A_641 : vector<16xf32>
        %lt3A_643 = arith.constant 4.000000e-02 : f32
        %lt3A_644 = vector.broadcast %lt3A_643 : f32 to vector<16xf32>
        %lt3A_645 = arith.cmpf olt, %sub3A_642, %lt3A_644 : vector<16xf32>
        %convert_element_type3A_646 = arith.extui %lt3A_645 : vector<16xi1> to vector<16xi32>
        %broadcast_in_dim3A_647 = arith.constant true
        %broadcast_in_dim3A_648 = vector.broadcast %broadcast_in_dim3A_647 : i1 to vector<16xi1>
        %masked_cumsum3A_649 = tpu.scan <sum>, %convert_element_type3A_646 masked %broadcast_in_dim3A_648 : vector<16xi32>, vector<16xi1> -> vector<16xi32>
        %add3A_650 = arith.addi %add3A_622, %masked_cumsum3A_649 : vector<16xi32>
        %sub3A_651 = arith.constant 1 : i32
        %sub3A_652 = vector.broadcast %sub3A_651 : i32 to vector<16xi32>
        %sub3A_653 = arith.subi %add3A_650, %sub3A_652 : vector<16xi32>
        %add3A_654 = vector.broadcast %add3A_624 : i32 to vector<16xi32>
        %add3A_655 = arith.addi %add3A_654, %iota3A : vector<16xi32>
        tpu.vector_store_idx %arg16[%sub3A_653], %add3A_655 masked %lt3A_645 : memref<288xi32, #tpu.memory_space<vmem>>[vector<16xi32>], vector<16xi32>, vector<16xi1>
        %all_reduce_population_count3A_656 = tpu.all_reduce %lt3A_645 {dim = 0 : i64, kind = #tpu.reduction_kind<sum>} : vector<16xi1> -> vector<16xi32>
        %add3A_657 = arith.addi %add3A_622, %all_reduce_population_count3A_656 : vector<16xi32>
        %add3A_658 = arith.constant 144 : i32
        %add3A_659 = arith.addi %while3A_343, %add3A_658 : i32
        %get3A_660 = arith.index_cast %add3A_659 : i32 to index
        %get3A_661 = tpu.vector_load %arg9[%get3A_660] {strides = array<i32>} : memref<8192xf32, #tpu.memory_space<vmem>>, vector<16xf32>,
        %mul3A_662 = arith.mulf %bitcast3A_100, %get3A_661 : vector<16xf32>
        %get3A_663 = arith.index_cast %add3A_659 : i32 to index
        %get3A_664 = tpu.vector_load %arg10[%get3A_663] {strides = array<i32>} : memref<8192xf32, #tpu.memory_space<vmem>>, vector<16xf32>,
        %mul3A_665 = arith.mulf %bitcast3A_115, %get3A_664 : vector<16xf32>
        %add3A_666 = arith.addf %mul3A_662, %mul3A_665 : vector<16xf32>
        %get3A_667 = arith.index_cast %add3A_659 : i32 to index
        %get3A_668 = tpu.vector_load %arg11[%get3A_667] {strides = array<i32>} : memref<8192xf32, #tpu.memory_space<vmem>>, vector<16xf32>,
        %mul3A_669 = arith.mulf %bitcast3A_130, %get3A_668 : vector<16xf32>
        %add3A_670 = arith.addf %add3A_666, %mul3A_669 : vector<16xf32>
        %get3A_671 = arith.index_cast %add3A_659 : i32 to index
        %get3A_672 = tpu.vector_load %arg12[%get3A_671] {strides = array<i32>} : memref<8192xf32, #tpu.memory_space<vmem>>, vector<16xf32>,
        %add3A_673 = arith.addf %add3A_87, %get3A_672 : vector<16xf32>
        %mul3A_674 = arith.constant 2.000000e+00 : f32
        %mul3A_675 = vector.broadcast %mul3A_674 : f32 to vector<16xf32>
        %mul3A_676 = arith.mulf %mul3A_675, %add3A_670 : vector<16xf32>
        %sub3A_677 = arith.subf %add3A_673, %mul3A_676 : vector<16xf32>
        %lt3A_678 = arith.constant 4.000000e-02 : f32
        %lt3A_679 = vector.broadcast %lt3A_678 : f32 to vector<16xf32>
        %lt3A_680 = arith.cmpf olt, %sub3A_677, %lt3A_679 : vector<16xf32>
        %convert_element_type3A_681 = arith.extui %lt3A_680 : vector<16xi1> to vector<16xi32>
        %broadcast_in_dim3A_682 = arith.constant true
        %broadcast_in_dim3A_683 = vector.broadcast %broadcast_in_dim3A_682 : i1 to vector<16xi1>
        %masked_cumsum3A_684 = tpu.scan <sum>, %convert_element_type3A_681 masked %broadcast_in_dim3A_683 : vector<16xi32>, vector<16xi1> -> vector<16xi32>
        %add3A_685 = arith.addi %add3A_657, %masked_cumsum3A_684 : vector<16xi32>
        %sub3A_686 = arith.constant 1 : i32
        %sub3A_687 = vector.broadcast %sub3A_686 : i32 to vector<16xi32>
        %sub3A_688 = arith.subi %add3A_685, %sub3A_687 : vector<16xi32>
        %add3A_689 = vector.broadcast %add3A_659 : i32 to vector<16xi32>
        %add3A_690 = arith.addi %add3A_689, %iota3A : vector<16xi32>
        tpu.vector_store_idx %arg16[%sub3A_688], %add3A_690 masked %lt3A_680 : memref<288xi32, #tpu.memory_space<vmem>>[vector<16xi32>], vector<16xi32>, vector<16xi1>
        %all_reduce_population_count3A_691 = tpu.all_reduce %lt3A_680 {dim = 0 : i64, kind = #tpu.reduction_kind<sum>} : vector<16xi1> -> vector<16xi32>
        %add3A_692 = arith.addi %add3A_657, %all_reduce_population_count3A_691 : vector<16xi32>
        %add3A_693 = arith.constant 160 : i32
        %add3A_694 = arith.addi %while3A_343, %add3A_693 : i32
        %get3A_695 = arith.index_cast %add3A_694 : i32 to index
        %get3A_696 = tpu.vector_load %arg9[%get3A_695] {strides = array<i32>} : memref<8192xf32, #tpu.memory_space<vmem>>, vector<16xf32>,
        %mul3A_697 = arith.mulf %bitcast3A_100, %get3A_696 : vector<16xf32>
        %get3A_698 = arith.index_cast %add3A_694 : i32 to index
        %get3A_699 = tpu.vector_load %arg10[%get3A_698] {strides = array<i32>} : memref<8192xf32, #tpu.memory_space<vmem>>, vector<16xf32>,
        %mul3A_700 = arith.mulf %bitcast3A_115, %get3A_699 : vector<16xf32>
        %add3A_701 = arith.addf %mul3A_697, %mul3A_700 : vector<16xf32>
        %get3A_702 = arith.index_cast %add3A_694 : i32 to index
        %get3A_703 = tpu.vector_load %arg11[%get3A_702] {strides = array<i32>} : memref<8192xf32, #tpu.memory_space<vmem>>, vector<16xf32>,
        %mul3A_704 = arith.mulf %bitcast3A_130, %get3A_703 : vector<16xf32>
        %add3A_705 = arith.addf %add3A_701, %mul3A_704 : vector<16xf32>
        %get3A_706 = arith.index_cast %add3A_694 : i32 to index
        %get3A_707 = tpu.vector_load %arg12[%get3A_706] {strides = array<i32>} : memref<8192xf32, #tpu.memory_space<vmem>>, vector<16xf32>,
        %add3A_708 = arith.addf %add3A_87, %get3A_707 : vector<16xf32>
        %mul3A_709 = arith.constant 2.000000e+00 : f32
        %mul3A_710 = vector.broadcast %mul3A_709 : f32 to vector<16xf32>
        %mul3A_711 = arith.mulf %mul3A_710, %add3A_705 : vector<16xf32>
        %sub3A_712 = arith.subf %add3A_708, %mul3A_711 : vector<16xf32>
        %lt3A_713 = arith.constant 4.000000e-02 : f32
        %lt3A_714 = vector.broadcast %lt3A_713 : f32 to vector<16xf32>
        %lt3A_715 = arith.cmpf olt, %sub3A_712, %lt3A_714 : vector<16xf32>
        %convert_element_type3A_716 = arith.extui %lt3A_715 : vector<16xi1> to vector<16xi32>
        %broadcast_in_dim3A_717 = arith.constant true
        %broadcast_in_dim3A_718 = vector.broadcast %broadcast_in_dim3A_717 : i1 to vector<16xi1>
        %masked_cumsum3A_719 = tpu.scan <sum>, %convert_element_type3A_716 masked %broadcast_in_dim3A_718 : vector<16xi32>, vector<16xi1> -> vector<16xi32>
        %add3A_720 = arith.addi %add3A_692, %masked_cumsum3A_719 : vector<16xi32>
        %sub3A_721 = arith.constant 1 : i32
        %sub3A_722 = vector.broadcast %sub3A_721 : i32 to vector<16xi32>
        %sub3A_723 = arith.subi %add3A_720, %sub3A_722 : vector<16xi32>
        %add3A_724 = vector.broadcast %add3A_694 : i32 to vector<16xi32>
        %add3A_725 = arith.addi %add3A_724, %iota3A : vector<16xi32>
        tpu.vector_store_idx %arg16[%sub3A_723], %add3A_725 masked %lt3A_715 : memref<288xi32, #tpu.memory_space<vmem>>[vector<16xi32>], vector<16xi32>, vector<16xi1>
        %all_reduce_population_count3A_726 = tpu.all_reduce %lt3A_715 {dim = 0 : i64, kind = #tpu.reduction_kind<sum>} : vector<16xi1> -> vector<16xi32>
        %add3A_727 = arith.addi %add3A_692, %all_reduce_population_count3A_726 : vector<16xi32>
        %add3A_728 = arith.constant 176 : i32
        %add3A_729 = arith.addi %while3A_343, %add3A_728 : i32
        %get3A_730 = arith.index_cast %add3A_729 : i32 to index
        %get3A_731 = tpu.vector_load %arg9[%get3A_730] {strides = array<i32>} : memref<8192xf32, #tpu.memory_space<vmem>>, vector<16xf32>,
        %mul3A_732 = arith.mulf %bitcast3A_100, %get3A_731 : vector<16xf32>
        %get3A_733 = arith.index_cast %add3A_729 : i32 to index
        %get3A_734 = tpu.vector_load %arg10[%get3A_733] {strides = array<i32>} : memref<8192xf32, #tpu.memory_space<vmem>>, vector<16xf32>,
        %mul3A_735 = arith.mulf %bitcast3A_115, %get3A_734 : vector<16xf32>
        %add3A_736 = arith.addf %mul3A_732, %mul3A_735 : vector<16xf32>
        %get3A_737 = arith.index_cast %add3A_729 : i32 to index
        %get3A_738 = tpu.vector_load %arg11[%get3A_737] {strides = array<i32>} : memref<8192xf32, #tpu.memory_space<vmem>>, vector<16xf32>,
        %mul3A_739 = arith.mulf %bitcast3A_130, %get3A_738 : vector<16xf32>
        %add3A_740 = arith.addf %add3A_736, %mul3A_739 : vector<16xf32>
        %get3A_741 = arith.index_cast %add3A_729 : i32 to index
        %get3A_742 = tpu.vector_load %arg12[%get3A_741] {strides = array<i32>} : memref<8192xf32, #tpu.memory_space<vmem>>, vector<16xf32>,
        %add3A_743 = arith.addf %add3A_87, %get3A_742 : vector<16xf32>
        %mul3A_744 = arith.constant 2.000000e+00 : f32
        %mul3A_745 = vector.broadcast %mul3A_744 : f32 to vector<16xf32>
        %mul3A_746 = arith.mulf %mul3A_745, %add3A_740 : vector<16xf32>
        %sub3A_747 = arith.subf %add3A_743, %mul3A_746 : vector<16xf32>
        %lt3A_748 = arith.constant 4.000000e-02 : f32
        %lt3A_749 = vector.broadcast %lt3A_748 : f32 to vector<16xf32>
        %lt3A_750 = arith.cmpf olt, %sub3A_747, %lt3A_749 : vector<16xf32>
        %convert_element_type3A_751 = arith.extui %lt3A_750 : vector<16xi1> to vector<16xi32>
        %broadcast_in_dim3A_752 = arith.constant true
        %broadcast_in_dim3A_753 = vector.broadcast %broadcast_in_dim3A_752 : i1 to vector<16xi1>
        %masked_cumsum3A_754 = tpu.scan <sum>, %convert_element_type3A_751 masked %broadcast_in_dim3A_753 : vector<16xi32>, vector<16xi1> -> vector<16xi32>
        %add3A_755 = arith.addi %add3A_727, %masked_cumsum3A_754 : vector<16xi32>
        %sub3A_756 = arith.constant 1 : i32
        %sub3A_757 = vector.broadcast %sub3A_756 : i32 to vector<16xi32>
        %sub3A_758 = arith.subi %add3A_755, %sub3A_757 : vector<16xi32>
        %add3A_759 = vector.broadcast %add3A_729 : i32 to vector<16xi32>
        %add3A_760 = arith.addi %add3A_759, %iota3A : vector<16xi32>
        tpu.vector_store_idx %arg16[%sub3A_758], %add3A_760 masked %lt3A_750 : memref<288xi32, #tpu.memory_space<vmem>>[vector<16xi32>], vector<16xi32>, vector<16xi1>
        %all_reduce_population_count3A_761 = tpu.all_reduce %lt3A_750 {dim = 0 : i64, kind = #tpu.reduction_kind<sum>} : vector<16xi1> -> vector<16xi32>
        %add3A_762 = arith.addi %add3A_727, %all_reduce_population_count3A_761 : vector<16xi32>
        %add3A_763 = arith.constant 192 : i32
        %add3A_764 = arith.addi %while3A_343, %add3A_763 : i32
        %get3A_765 = arith.index_cast %add3A_764 : i32 to index
        %get3A_766 = tpu.vector_load %arg9[%get3A_765] {strides = array<i32>} : memref<8192xf32, #tpu.memory_space<vmem>>, vector<16xf32>,
        %mul3A_767 = arith.mulf %bitcast3A_100, %get3A_766 : vector<16xf32>
        %get3A_768 = arith.index_cast %add3A_764 : i32 to index
        %get3A_769 = tpu.vector_load %arg10[%get3A_768] {strides = array<i32>} : memref<8192xf32, #tpu.memory_space<vmem>>, vector<16xf32>,
        %mul3A_770 = arith.mulf %bitcast3A_115, %get3A_769 : vector<16xf32>
        %add3A_771 = arith.addf %mul3A_767, %mul3A_770 : vector<16xf32>
        %get3A_772 = arith.index_cast %add3A_764 : i32 to index
        %get3A_773 = tpu.vector_load %arg11[%get3A_772] {strides = array<i32>} : memref<8192xf32, #tpu.memory_space<vmem>>, vector<16xf32>,
        %mul3A_774 = arith.mulf %bitcast3A_130, %get3A_773 : vector<16xf32>
        %add3A_775 = arith.addf %add3A_771, %mul3A_774 : vector<16xf32>
        %get3A_776 = arith.index_cast %add3A_764 : i32 to index
        %get3A_777 = tpu.vector_load %arg12[%get3A_776] {strides = array<i32>} : memref<8192xf32, #tpu.memory_space<vmem>>, vector<16xf32>,
        %add3A_778 = arith.addf %add3A_87, %get3A_777 : vector<16xf32>
        %mul3A_779 = arith.constant 2.000000e+00 : f32
        %mul3A_780 = vector.broadcast %mul3A_779 : f32 to vector<16xf32>
        %mul3A_781 = arith.mulf %mul3A_780, %add3A_775 : vector<16xf32>
        %sub3A_782 = arith.subf %add3A_778, %mul3A_781 : vector<16xf32>
        %lt3A_783 = arith.constant 4.000000e-02 : f32
        %lt3A_784 = vector.broadcast %lt3A_783 : f32 to vector<16xf32>
        %lt3A_785 = arith.cmpf olt, %sub3A_782, %lt3A_784 : vector<16xf32>
        %convert_element_type3A_786 = arith.extui %lt3A_785 : vector<16xi1> to vector<16xi32>
        %broadcast_in_dim3A_787 = arith.constant true
        %broadcast_in_dim3A_788 = vector.broadcast %broadcast_in_dim3A_787 : i1 to vector<16xi1>
        %masked_cumsum3A_789 = tpu.scan <sum>, %convert_element_type3A_786 masked %broadcast_in_dim3A_788 : vector<16xi32>, vector<16xi1> -> vector<16xi32>
        %add3A_790 = arith.addi %add3A_762, %masked_cumsum3A_789 : vector<16xi32>
        %sub3A_791 = arith.constant 1 : i32
        %sub3A_792 = vector.broadcast %sub3A_791 : i32 to vector<16xi32>
        %sub3A_793 = arith.subi %add3A_790, %sub3A_792 : vector<16xi32>
        %add3A_794 = vector.broadcast %add3A_764 : i32 to vector<16xi32>
        %add3A_795 = arith.addi %add3A_794, %iota3A : vector<16xi32>
        tpu.vector_store_idx %arg16[%sub3A_793], %add3A_795 masked %lt3A_785 : memref<288xi32, #tpu.memory_space<vmem>>[vector<16xi32>], vector<16xi32>, vector<16xi1>
        %all_reduce_population_count3A_796 = tpu.all_reduce %lt3A_785 {dim = 0 : i64, kind = #tpu.reduction_kind<sum>} : vector<16xi1> -> vector<16xi32>
        %add3A_797 = arith.addi %add3A_762, %all_reduce_population_count3A_796 : vector<16xi32>
        %add3A_798 = arith.constant 208 : i32
        %add3A_799 = arith.addi %while3A_343, %add3A_798 : i32
        %get3A_800 = arith.index_cast %add3A_799 : i32 to index
        %get3A_801 = tpu.vector_load %arg9[%get3A_800] {strides = array<i32>} : memref<8192xf32, #tpu.memory_space<vmem>>, vector<16xf32>,
        %mul3A_802 = arith.mulf %bitcast3A_100, %get3A_801 : vector<16xf32>
        %get3A_803 = arith.index_cast %add3A_799 : i32 to index
        %get3A_804 = tpu.vector_load %arg10[%get3A_803] {strides = array<i32>} : memref<8192xf32, #tpu.memory_space<vmem>>, vector<16xf32>,
        %mul3A_805 = arith.mulf %bitcast3A_115, %get3A_804 : vector<16xf32>
        %add3A_806 = arith.addf %mul3A_802, %mul3A_805 : vector<16xf32>
        %get3A_807 = arith.index_cast %add3A_799 : i32 to index
        %get3A_808 = tpu.vector_load %arg11[%get3A_807] {strides = array<i32>} : memref<8192xf32, #tpu.memory_space<vmem>>, vector<16xf32>,
        %mul3A_809 = arith.mulf %bitcast3A_130, %get3A_808 : vector<16xf32>
        %add3A_810 = arith.addf %add3A_806, %mul3A_809 : vector<16xf32>
        %get3A_811 = arith.index_cast %add3A_799 : i32 to index
        %get3A_812 = tpu.vector_load %arg12[%get3A_811] {strides = array<i32>} : memref<8192xf32, #tpu.memory_space<vmem>>, vector<16xf32>,
        %add3A_813 = arith.addf %add3A_87, %get3A_812 : vector<16xf32>
        %mul3A_814 = arith.constant 2.000000e+00 : f32
        %mul3A_815 = vector.broadcast %mul3A_814 : f32 to vector<16xf32>
        %mul3A_816 = arith.mulf %mul3A_815, %add3A_810 : vector<16xf32>
        %sub3A_817 = arith.subf %add3A_813, %mul3A_816 : vector<16xf32>
        %lt3A_818 = arith.constant 4.000000e-02 : f32
        %lt3A_819 = vector.broadcast %lt3A_818 : f32 to vector<16xf32>
        %lt3A_820 = arith.cmpf olt, %sub3A_817, %lt3A_819 : vector<16xf32>
        %convert_element_type3A_821 = arith.extui %lt3A_820 : vector<16xi1> to vector<16xi32>
        %broadcast_in_dim3A_822 = arith.constant true
        %broadcast_in_dim3A_823 = vector.broadcast %broadcast_in_dim3A_822 : i1 to vector<16xi1>
        %masked_cumsum3A_824 = tpu.scan <sum>, %convert_element_type3A_821 masked %broadcast_in_dim3A_823 : vector<16xi32>, vector<16xi1> -> vector<16xi32>
        %add3A_825 = arith.addi %add3A_797, %masked_cumsum3A_824 : vector<16xi32>
        %sub3A_826 = arith.constant 1 : i32
        %sub3A_827 = vector.broadcast %sub3A_826 : i32 to vector<16xi32>
        %sub3A_828 = arith.subi %add3A_825, %sub3A_827 : vector<16xi32>
        %add3A_829 = vector.broadcast %add3A_799 : i32 to vector<16xi32>
        %add3A_830 = arith.addi %add3A_829, %iota3A : vector<16xi32>
        tpu.vector_store_idx %arg16[%sub3A_828], %add3A_830 masked %lt3A_820 : memref<288xi32, #tpu.memory_space<vmem>>[vector<16xi32>], vector<16xi32>, vector<16xi1>
        %all_reduce_population_count3A_831 = tpu.all_reduce %lt3A_820 {dim = 0 : i64, kind = #tpu.reduction_kind<sum>} : vector<16xi1> -> vector<16xi32>
        %add3A_832 = arith.addi %add3A_797, %all_reduce_population_count3A_831 : vector<16xi32>
        %add3A_833 = arith.constant 224 : i32
        %add3A_834 = arith.addi %while3A_343, %add3A_833 : i32
        %get3A_835 = arith.index_cast %add3A_834 : i32 to index
        %get3A_836 = tpu.vector_load %arg9[%get3A_835] {strides = array<i32>} : memref<8192xf32, #tpu.memory_space<vmem>>, vector<16xf32>,
        %mul3A_837 = arith.mulf %bitcast3A_100, %get3A_836 : vector<16xf32>
        %get3A_838 = arith.index_cast %add3A_834 : i32 to index
        %get3A_839 = tpu.vector_load %arg10[%get3A_838] {strides = array<i32>} : memref<8192xf32, #tpu.memory_space<vmem>>, vector<16xf32>,
        %mul3A_840 = arith.mulf %bitcast3A_115, %get3A_839 : vector<16xf32>
        %add3A_841 = arith.addf %mul3A_837, %mul3A_840 : vector<16xf32>
        %get3A_842 = arith.index_cast %add3A_834 : i32 to index
        %get3A_843 = tpu.vector_load %arg11[%get3A_842] {strides = array<i32>} : memref<8192xf32, #tpu.memory_space<vmem>>, vector<16xf32>,
        %mul3A_844 = arith.mulf %bitcast3A_130, %get3A_843 : vector<16xf32>
        %add3A_845 = arith.addf %add3A_841, %mul3A_844 : vector<16xf32>
        %get3A_846 = arith.index_cast %add3A_834 : i32 to index
        %get3A_847 = tpu.vector_load %arg12[%get3A_846] {strides = array<i32>} : memref<8192xf32, #tpu.memory_space<vmem>>, vector<16xf32>,
        %add3A_848 = arith.addf %add3A_87, %get3A_847 : vector<16xf32>
        %mul3A_849 = arith.constant 2.000000e+00 : f32
        %mul3A_850 = vector.broadcast %mul3A_849 : f32 to vector<16xf32>
        %mul3A_851 = arith.mulf %mul3A_850, %add3A_845 : vector<16xf32>
        %sub3A_852 = arith.subf %add3A_848, %mul3A_851 : vector<16xf32>
        %lt3A_853 = arith.constant 4.000000e-02 : f32
        %lt3A_854 = vector.broadcast %lt3A_853 : f32 to vector<16xf32>
        %lt3A_855 = arith.cmpf olt, %sub3A_852, %lt3A_854 : vector<16xf32>
        %convert_element_type3A_856 = arith.extui %lt3A_855 : vector<16xi1> to vector<16xi32>
        %broadcast_in_dim3A_857 = arith.constant true
        %broadcast_in_dim3A_858 = vector.broadcast %broadcast_in_dim3A_857 : i1 to vector<16xi1>
        %masked_cumsum3A_859 = tpu.scan <sum>, %convert_element_type3A_856 masked %broadcast_in_dim3A_858 : vector<16xi32>, vector<16xi1> -> vector<16xi32>
        %add3A_860 = arith.addi %add3A_832, %masked_cumsum3A_859 : vector<16xi32>
        %sub3A_861 = arith.constant 1 : i32
        %sub3A_862 = vector.broadcast %sub3A_861 : i32 to vector<16xi32>
        %sub3A_863 = arith.subi %add3A_860, %sub3A_862 : vector<16xi32>
        %add3A_864 = vector.broadcast %add3A_834 : i32 to vector<16xi32>
        %add3A_865 = arith.addi %add3A_864, %iota3A : vector<16xi32>
        tpu.vector_store_idx %arg16[%sub3A_863], %add3A_865 masked %lt3A_855 : memref<288xi32, #tpu.memory_space<vmem>>[vector<16xi32>], vector<16xi32>, vector<16xi1>
        %all_reduce_population_count3A_866 = tpu.all_reduce %lt3A_855 {dim = 0 : i64, kind = #tpu.reduction_kind<sum>} : vector<16xi1> -> vector<16xi32>
        %add3A_867 = arith.addi %add3A_832, %all_reduce_population_count3A_866 : vector<16xi32>
        %add3A_868 = arith.constant 240 : i32
        %add3A_869 = arith.addi %while3A_343, %add3A_868 : i32
        %get3A_870 = arith.index_cast %add3A_869 : i32 to index
        %get3A_871 = tpu.vector_load %arg9[%get3A_870] {strides = array<i32>} : memref<8192xf32, #tpu.memory_space<vmem>>, vector<16xf32>,
        %mul3A_872 = arith.mulf %bitcast3A_100, %get3A_871 : vector<16xf32>
        %get3A_873 = arith.index_cast %add3A_869 : i32 to index
        %get3A_874 = tpu.vector_load %arg10[%get3A_873] {strides = array<i32>} : memref<8192xf32, #tpu.memory_space<vmem>>, vector<16xf32>,
        %mul3A_875 = arith.mulf %bitcast3A_115, %get3A_874 : vector<16xf32>
        %add3A_876 = arith.addf %mul3A_872, %mul3A_875 : vector<16xf32>
        %get3A_877 = arith.index_cast %add3A_869 : i32 to index
        %get3A_878 = tpu.vector_load %arg11[%get3A_877] {strides = array<i32>} : memref<8192xf32, #tpu.memory_space<vmem>>, vector<16xf32>,
        %mul3A_879 = arith.mulf %bitcast3A_130, %get3A_878 : vector<16xf32>
        %add3A_880 = arith.addf %add3A_876, %mul3A_879 : vector<16xf32>
        %get3A_881 = arith.index_cast %add3A_869 : i32 to index
        %get3A_882 = tpu.vector_load %arg12[%get3A_881] {strides = array<i32>} : memref<8192xf32, #tpu.memory_space<vmem>>, vector<16xf32>,
        %add3A_883 = arith.addf %add3A_87, %get3A_882 : vector<16xf32>
        %mul3A_884 = arith.constant 2.000000e+00 : f32
        %mul3A_885 = vector.broadcast %mul3A_884 : f32 to vector<16xf32>
        %mul3A_886 = arith.mulf %mul3A_885, %add3A_880 : vector<16xf32>
        %sub3A_887 = arith.subf %add3A_883, %mul3A_886 : vector<16xf32>
        %lt3A_888 = arith.constant 4.000000e-02 : f32
        %lt3A_889 = vector.broadcast %lt3A_888 : f32 to vector<16xf32>
        %lt3A_890 = arith.cmpf olt, %sub3A_887, %lt3A_889 : vector<16xf32>
        %convert_element_type3A_891 = arith.extui %lt3A_890 : vector<16xi1> to vector<16xi32>
        %broadcast_in_dim3A_892 = arith.constant true
        %broadcast_in_dim3A_893 = vector.broadcast %broadcast_in_dim3A_892 : i1 to vector<16xi1>
        %masked_cumsum3A_894 = tpu.scan <sum>, %convert_element_type3A_891 masked %broadcast_in_dim3A_893 : vector<16xi32>, vector<16xi1> -> vector<16xi32>
        %add3A_895 = arith.addi %add3A_867, %masked_cumsum3A_894 : vector<16xi32>
        %sub3A_896 = arith.constant 1 : i32
        %sub3A_897 = vector.broadcast %sub3A_896 : i32 to vector<16xi32>
        %sub3A_898 = arith.subi %add3A_895, %sub3A_897 : vector<16xi32>
        %add3A_899 = vector.broadcast %add3A_869 : i32 to vector<16xi32>
        %add3A_900 = arith.addi %add3A_899, %iota3A : vector<16xi32>
        tpu.vector_store_idx %arg16[%sub3A_898], %add3A_900 masked %lt3A_890 : memref<288xi32, #tpu.memory_space<vmem>>[vector<16xi32>], vector<16xi32>, vector<16xi1>
        %all_reduce_population_count3A_901 = tpu.all_reduce %lt3A_890 {dim = 0 : i64, kind = #tpu.reduction_kind<sum>} : vector<16xi1> -> vector<16xi32>
        %add3A_902 = arith.addi %add3A_867, %all_reduce_population_count3A_901 : vector<16xi32>
        %add3A_903 = arith.constant 256 : i32
        %add3A_904 = arith.addi %while3A_343, %add3A_903 : i32
        scf.yield %add3A_904, %add3A_902 : i32, vector<16xi32>
      }
      %reduce_min3A = arith.constant true
      %reduce_min3A_132 = vector.broadcast %reduce_min3A : i1 to vector<16xi1>
      %reduce_min3A_133 = arith.constant -2147483648 : i32
      %reduce_min3A_134 = vector.broadcast %reduce_min3A_133 : i32 to vector<16xi32>
      %reduce_min3A_135 = arith.xori %while3A_131#1, %reduce_min3A_134 : vector<16xi32>
      %reduce_min3A_136 = tpu.scan <min>, %reduce_min3A_135 masked %reduce_min3A_132 : vector<16xi32>, vector<16xi1> -> vector<16xi32>
      %reduce_min3A_137 = arith.xori %reduce_min3A_136, %reduce_min3A_134 : vector<16xi32>
      %reduce_min3A_138 = vector.extract %reduce_min3A_137[15] : i32 from vector<16xi32>
      %min3A = arith.constant 32 : i32
      %min3A_139 = arith.minsi %reduce_min3A_138, %min3A : i32
      %broadcast_in_dim3A_140 = vector.broadcast %min3A_139 : i32 to vector<16xi32>
      %gt3A = arith.constant 0 : i32
      %gt3A_141 = vector.broadcast %gt3A : i32 to vector<16xi32>
      %gt3A_142 = arith.cmpi sgt, %broadcast_in_dim3A_140, %gt3A_141 : vector<16xi32>
      %sub3A_143 = arith.constant 33 : i32
      %sub3A_144 = vector.broadcast %sub3A_143 : i32 to vector<16xi32>
      %sub3A_145 = arith.subi %sub3A_144, %broadcast_in_dim3A_140 : vector<16xi32>
      %convert_element_type3A = arith.sitofp %sub3A_145 : vector<16xi32> to vector<16xf32>
      %gather3A_146 = tpu.vector_load_idx %arg16[%broadcast_in_dim3A_61] : memref<288xi32, #tpu.memory_space<vmem>>[vector<16xi32>], vector<16xi32>,
      %jit3A_147 = arith.constant 0 : i32
      %broadcast_in_dim3A_148 = vector.broadcast %jit3A_147 : i32 to vector<16xi32>
      %select_n3A_149 = arith.select %gt3A_142, %gather3A_146, %broadcast_in_dim3A_148 : vector<16xi1>, vector<16xi32>
      %broadcast_in_dim3A_150 = arith.constant 0.000000e+00 : f32
      %broadcast_in_dim3A_151 = vector.broadcast %broadcast_in_dim3A_150 : f32 to vector<16xf32>
      %add3A_152 = arith.constant 0 : i32
      %add3A_153 = vector.broadcast %add3A_152 : i32 to vector<16xi32>
      %add3A_154 = arith.addi %iota3A, %add3A_153 : vector<16xi32>
      %lt3A = arith.cmpi slt, %add3A_154, %broadcast_in_dim3A_140 : vector<16xi32>
      %get3A = arith.constant 0 : index
      %get3A_155 = tpu.vector_load %arg16[%get3A] {strides = array<i32>} : memref<288xi32, #tpu.memory_space<vmem>>, vector<16xi32>,
      %select_n3A_156 = arith.select %lt3A, %get3A_155, %select_n3A_149 : vector<16xi1>, vector<16xi32>
      %jit3A_157 = arith.constant 0 : i32
      %broadcast_in_dim3A_158 = vector.broadcast %jit3A_157 : i32 to vector<16xi32>
      %select_n3A_159 = arith.select %gt3A_142, %select_n3A_156, %broadcast_in_dim3A_158 : vector<16xi1>, vector<16xi32>
      %gather3A_160 = tpu.vector_load_idx %arg6[%select_n3A_159] : memref<8192xf32, #tpu.memory_space<vmem>>[vector<16xi32>], vector<16xf32>,
      %sub3A_161 = arith.subf %gather3A_160, %gather3A : vector<16xf32>
      %gather3A_162 = tpu.vector_load_idx %arg7[%select_n3A_159] : memref<8192xf32, #tpu.memory_space<vmem>>[vector<16xi32>], vector<16xf32>,
      %sub3A_163 = arith.subf %gather3A_162, %gather3A_81 : vector<16xf32>
      %gather3A_164 = tpu.vector_load_idx %arg8[%select_n3A_159] : memref<8192xf32, #tpu.memory_space<vmem>>[vector<16xi32>], vector<16xf32>,
      %sub3A_165 = arith.subf %gather3A_164, %gather3A_82 : vector<16xf32>
      %mul3A_166 = arith.mulf %sub3A_161, %sub3A_161 : vector<16xf32>
      %mul3A_167 = arith.mulf %sub3A_163, %sub3A_163 : vector<16xf32>
      %add3A_168 = arith.addf %mul3A_166, %mul3A_167 : vector<16xf32>
      %mul3A_169 = arith.mulf %sub3A_165, %sub3A_165 : vector<16xf32>
      %add3A_170 = arith.addf %add3A_168, %mul3A_169 : vector<16xf32>
      %add3A_171 = arith.constant 9.99999996E-13 : f32
      %add3A_172 = vector.broadcast %add3A_171 : f32 to vector<16xf32>
      %add3A_173 = arith.addf %add3A_170, %add3A_172 : vector<16xf32>
      %bitcast3A_174 = vector.bitcast %add3A_173 : vector<16xf32> to vector<16xi32>
      %shift_right_arithmetic3A_175 = arith.constant 1 : i32
      %shift_right_arithmetic3A_176 = vector.broadcast %shift_right_arithmetic3A_175 : i32 to vector<16xi32>
      %shift_right_arithmetic3A_177 = arith.shrsi %bitcast3A_174, %shift_right_arithmetic3A_176 : vector<16xi32>
      %sub3A_178 = arith.constant 1597463007 : i32
      %sub3A_179 = vector.broadcast %sub3A_178 : i32 to vector<16xi32>
      %sub3A_180 = arith.subi %sub3A_179, %shift_right_arithmetic3A_177 : vector<16xi32>
      %bitcast3A_181 = vector.bitcast %sub3A_180 : vector<16xi32> to vector<16xf32>
      %mul3A_182 = arith.constant 5.000000e-01 : f32
      %mul3A_183 = vector.broadcast %mul3A_182 : f32 to vector<16xf32>
      %mul3A_184 = arith.mulf %mul3A_183, %add3A_173 : vector<16xf32>
      %mul3A_185 = arith.mulf %mul3A_184, %bitcast3A_181 : vector<16xf32>
      %mul3A_186 = arith.mulf %mul3A_185, %bitcast3A_181 : vector<16xf32>
      %sub3A_187 = arith.constant 1.500000e+00 : f32
      %sub3A_188 = vector.broadcast %sub3A_187 : f32 to vector<16xf32>
      %sub3A_189 = arith.subf %sub3A_188, %mul3A_186 : vector<16xf32>
      %mul3A_190 = arith.mulf %bitcast3A_181, %sub3A_189 : vector<16xf32>
      %mul3A_191 = arith.constant 5.000000e-01 : f32
      %mul3A_192 = vector.broadcast %mul3A_191 : f32 to vector<16xf32>
      %mul3A_193 = arith.mulf %mul3A_192, %add3A_173 : vector<16xf32>
      %mul3A_194 = arith.mulf %mul3A_193, %mul3A_190 : vector<16xf32>
      %mul3A_195 = arith.mulf %mul3A_194, %mul3A_190 : vector<16xf32>
      %sub3A_196 = arith.constant 1.500000e+00 : f32
      %sub3A_197 = vector.broadcast %sub3A_196 : f32 to vector<16xf32>
      %sub3A_198 = arith.subf %sub3A_197, %mul3A_195 : vector<16xf32>
      %mul3A_199 = arith.mulf %mul3A_190, %sub3A_198 : vector<16xf32>
      %mul3A_200 = arith.constant 5.000000e-01 : f32
      %mul3A_201 = vector.broadcast %mul3A_200 : f32 to vector<16xf32>
      %mul3A_202 = arith.mulf %mul3A_201, %add3A_173 : vector<16xf32>
      %mul3A_203 = arith.mulf %mul3A_202, %mul3A_199 : vector<16xf32>
      %mul3A_204 = arith.mulf %mul3A_203, %mul3A_199 : vector<16xf32>
      %sub3A_205 = arith.constant 1.500000e+00 : f32
      %sub3A_206 = vector.broadcast %sub3A_205 : f32 to vector<16xf32>
      %sub3A_207 = arith.subf %sub3A_206, %mul3A_204 : vector<16xf32>
      %mul3A_208 = arith.mulf %mul3A_199, %sub3A_207 : vector<16xf32>
      %mul3A_209 = arith.constant 9.99999993E-9 : f32
      %mul3A_210 = vector.broadcast %mul3A_209 : f32 to vector<16xf32>
      %mul3A_211 = arith.mulf %mul3A_210, %mul3A_208 : vector<16xf32>
      %add3A_212 = arith.constant 1.000000e+00 : f32
      %add3A_213 = vector.broadcast %add3A_212 : f32 to vector<16xf32>
      %add3A_214 = arith.addf %add3A_213, %mul3A_211 : vector<16xf32>
      %div3A_215 = arith.divf %mul3A_208, %add3A_214 : vector<16xf32>
      %ge3A = arith.constant 1 : i32
      %ge3A_216 = vector.broadcast %ge3A : i32 to vector<16xi32>
      %ge3A_217 = arith.cmpi sge, %add3A_154, %ge3A_216 : vector<16xi32>
      %and3A_218 = arith.andi %ge3A_217, %lt3A : vector<16xi1>
      %jit3A_219 = arith.constant 1.000000e+00 : f32
      %broadcast_in_dim3A_220 = vector.broadcast %jit3A_219 : f32 to vector<16xf32>
      %select_n3A_221 = arith.select %and3A_218, %broadcast_in_dim3A_220, %convert_element_type3A : vector<16xi1>, vector<16xf32>
      %div3A_222 = arith.divf %div3A_215, %select_n3A_221 : vector<16xf32>
      %add3A_223 = arith.addf %broadcast_in_dim3A_151, %div3A_222 : vector<16xf32>
      %add3A_224 = arith.constant 16 : i32
      %add3A_225 = vector.broadcast %add3A_224 : i32 to vector<16xi32>
      %add3A_226 = arith.addi %iota3A, %add3A_225 : vector<16xi32>
      %lt3A_227 = arith.cmpi slt, %add3A_226, %broadcast_in_dim3A_140 : vector<16xi32>
      %get3A_228 = arith.constant 16 : index
      %get3A_229 = tpu.vector_load %arg16[%get3A_228] {strides = array<i32>} : memref<288xi32, #tpu.memory_space<vmem>>, vector<16xi32>,
      %select_n3A_230 = arith.select %lt3A_227, %get3A_229, %select_n3A_149 : vector<16xi1>, vector<16xi32>
      %jit3A_231 = arith.constant 0 : i32
      %broadcast_in_dim3A_232 = vector.broadcast %jit3A_231 : i32 to vector<16xi32>
      %select_n3A_233 = arith.select %gt3A_142, %select_n3A_230, %broadcast_in_dim3A_232 : vector<16xi1>, vector<16xi32>
      %gather3A_234 = tpu.vector_load_idx %arg6[%select_n3A_233] : memref<8192xf32, #tpu.memory_space<vmem>>[vector<16xi32>], vector<16xf32>,
      %sub3A_235 = arith.subf %gather3A_234, %gather3A : vector<16xf32>
      %gather3A_236 = tpu.vector_load_idx %arg7[%select_n3A_233] : memref<8192xf32, #tpu.memory_space<vmem>>[vector<16xi32>], vector<16xf32>,
      %sub3A_237 = arith.subf %gather3A_236, %gather3A_81 : vector<16xf32>
      %gather3A_238 = tpu.vector_load_idx %arg8[%select_n3A_233] : memref<8192xf32, #tpu.memory_space<vmem>>[vector<16xi32>], vector<16xf32>,
      %sub3A_239 = arith.subf %gather3A_238, %gather3A_82 : vector<16xf32>
      %mul3A_240 = arith.mulf %sub3A_235, %sub3A_235 : vector<16xf32>
      %mul3A_241 = arith.mulf %sub3A_237, %sub3A_237 : vector<16xf32>
      %add3A_242 = arith.addf %mul3A_240, %mul3A_241 : vector<16xf32>
      %mul3A_243 = arith.mulf %sub3A_239, %sub3A_239 : vector<16xf32>
      %add3A_244 = arith.addf %add3A_242, %mul3A_243 : vector<16xf32>
      %add3A_245 = arith.constant 9.99999996E-13 : f32
      %add3A_246 = vector.broadcast %add3A_245 : f32 to vector<16xf32>
      %add3A_247 = arith.addf %add3A_244, %add3A_246 : vector<16xf32>
      %bitcast3A_248 = vector.bitcast %add3A_247 : vector<16xf32> to vector<16xi32>
      %shift_right_arithmetic3A_249 = arith.constant 1 : i32
      %shift_right_arithmetic3A_250 = vector.broadcast %shift_right_arithmetic3A_249 : i32 to vector<16xi32>
      %shift_right_arithmetic3A_251 = arith.shrsi %bitcast3A_248, %shift_right_arithmetic3A_250 : vector<16xi32>
      %sub3A_252 = arith.constant 1597463007 : i32
      %sub3A_253 = vector.broadcast %sub3A_252 : i32 to vector<16xi32>
      %sub3A_254 = arith.subi %sub3A_253, %shift_right_arithmetic3A_251 : vector<16xi32>
      %bitcast3A_255 = vector.bitcast %sub3A_254 : vector<16xi32> to vector<16xf32>
      %mul3A_256 = arith.constant 5.000000e-01 : f32
      %mul3A_257 = vector.broadcast %mul3A_256 : f32 to vector<16xf32>
      %mul3A_258 = arith.mulf %mul3A_257, %add3A_247 : vector<16xf32>
      %mul3A_259 = arith.mulf %mul3A_258, %bitcast3A_255 : vector<16xf32>
      %mul3A_260 = arith.mulf %mul3A_259, %bitcast3A_255 : vector<16xf32>
      %sub3A_261 = arith.constant 1.500000e+00 : f32
      %sub3A_262 = vector.broadcast %sub3A_261 : f32 to vector<16xf32>
      %sub3A_263 = arith.subf %sub3A_262, %mul3A_260 : vector<16xf32>
      %mul3A_264 = arith.mulf %bitcast3A_255, %sub3A_263 : vector<16xf32>
      %mul3A_265 = arith.constant 5.000000e-01 : f32
      %mul3A_266 = vector.broadcast %mul3A_265 : f32 to vector<16xf32>
      %mul3A_267 = arith.mulf %mul3A_266, %add3A_247 : vector<16xf32>
      %mul3A_268 = arith.mulf %mul3A_267, %mul3A_264 : vector<16xf32>
      %mul3A_269 = arith.mulf %mul3A_268, %mul3A_264 : vector<16xf32>
      %sub3A_270 = arith.constant 1.500000e+00 : f32
      %sub3A_271 = vector.broadcast %sub3A_270 : f32 to vector<16xf32>
      %sub3A_272 = arith.subf %sub3A_271, %mul3A_269 : vector<16xf32>
      %mul3A_273 = arith.mulf %mul3A_264, %sub3A_272 : vector<16xf32>
      %mul3A_274 = arith.constant 5.000000e-01 : f32
      %mul3A_275 = vector.broadcast %mul3A_274 : f32 to vector<16xf32>
      %mul3A_276 = arith.mulf %mul3A_275, %add3A_247 : vector<16xf32>
      %mul3A_277 = arith.mulf %mul3A_276, %mul3A_273 : vector<16xf32>
      %mul3A_278 = arith.mulf %mul3A_277, %mul3A_273 : vector<16xf32>
      %sub3A_279 = arith.constant 1.500000e+00 : f32
      %sub3A_280 = vector.broadcast %sub3A_279 : f32 to vector<16xf32>
      %sub3A_281 = arith.subf %sub3A_280, %mul3A_278 : vector<16xf32>
      %mul3A_282 = arith.mulf %mul3A_273, %sub3A_281 : vector<16xf32>
      %mul3A_283 = arith.constant 9.99999993E-9 : f32
      %mul3A_284 = vector.broadcast %mul3A_283 : f32 to vector<16xf32>
      %mul3A_285 = arith.mulf %mul3A_284, %mul3A_282 : vector<16xf32>
      %add3A_286 = arith.constant 1.000000e+00 : f32
      %add3A_287 = vector.broadcast %add3A_286 : f32 to vector<16xf32>
      %add3A_288 = arith.addf %add3A_287, %mul3A_285 : vector<16xf32>
      %div3A_289 = arith.divf %mul3A_282, %add3A_288 : vector<16xf32>
      %ge3A_290 = arith.constant 1 : i32
      %ge3A_291 = vector.broadcast %ge3A_290 : i32 to vector<16xi32>
      %ge3A_292 = arith.cmpi sge, %add3A_226, %ge3A_291 : vector<16xi32>
      %and3A_293 = arith.andi %ge3A_292, %lt3A_227 : vector<16xi1>
      %jit3A_294 = arith.constant 1.000000e+00 : f32
      %broadcast_in_dim3A_295 = vector.broadcast %jit3A_294 : f32 to vector<16xf32>
      %select_n3A_296 = arith.select %and3A_293, %broadcast_in_dim3A_295, %convert_element_type3A : vector<16xi1>, vector<16xf32>
      %div3A_297 = arith.divf %div3A_289, %select_n3A_296 : vector<16xf32>
      %add3A_298 = arith.addf %add3A_223, %div3A_297 : vector<16xf32>
      %reduce_sum3A = arith.constant true
      %reduce_sum3A_299 = vector.broadcast %reduce_sum3A : i1 to vector<16xi1>
      %reduce_sum3A_300 = tpu.scan <sum>, %add3A_298 masked %reduce_sum3A_299 : vector<16xf32>, vector<16xi1> -> vector<16xf32>
      %reduce_sum3A_301 = vector.extract %reduce_sum3A_300[15] : f32 from vector<16xf32>
      %div3A_302 = vector.broadcast %reduce_sum3A_301 : f32 to vector<16xf32>
      %div3A_303 = arith.divf %div3A_222, %div3A_302 : vector<16xf32>
      %jit3A_304 = arith.constant 0.000000e+00 : f32
      %broadcast_in_dim3A_305 = vector.broadcast %jit3A_304 : f32 to vector<16xf32>
      %select_n3A_306 = arith.select %gt3A_142, %div3A_303, %broadcast_in_dim3A_305 : vector<16xi1>, vector<16xf32>
      %mul3A_307 = arith.constant 8192 : i32
      %mul3A_308 = arith.muli %select_n3A, %mul3A_307 : i32
      %add3A_309 = vector.broadcast %mul3A_308 : i32 to vector<16xi32>
      %add3A_310 = arith.addi %select_n3A_159, %add3A_309 : vector<16xi32>
      %mul3A_311 = arith.constant 32 : i32
      %mul3A_312 = arith.muli %add3A_79, %mul3A_311 : i32
      %add3A_313 = arith.constant 0 : i32
      %add3A_314 = arith.addi %mul3A_312, %add3A_313 : i32
      %swap3A = arith.index_cast %add3A_314 : i32 to index
      %swap3A_315 = tpu.vector_load %arg17[%swap3A] {strides = array<i32>} : memref<8192xi32, #tpu.memory_space<vmem>>, vector<16xi32>,
      tpu.vector_store %arg17[%swap3A], %add3A_310 {strides = array<i32>} : memref<8192xi32, #tpu.memory_space<vmem>>, vector<16xi32>,
      %mul3A_316 = arith.constant 32 : i32
      %mul3A_317 = arith.muli %add3A_79, %mul3A_316 : i32
      %add3A_318 = arith.constant 0 : i32
      %add3A_319 = arith.addi %mul3A_317, %add3A_318 : i32
      %swap3A_320 = arith.index_cast %add3A_319 : i32 to index
      %swap3A_321 = tpu.vector_load %arg18[%swap3A_320] {strides = array<i32>} : memref<8192xf32, #tpu.memory_space<vmem>>, vector<16xf32>,
      tpu.vector_store %arg18[%swap3A_320], %select_n3A_306 {strides = array<i32>} : memref<8192xf32, #tpu.memory_space<vmem>>, vector<16xf32>,
      %div3A_322 = vector.broadcast %reduce_sum3A_301 : f32 to vector<16xf32>
      %div3A_323 = arith.divf %div3A_297, %div3A_322 : vector<16xf32>
      %jit3A_324 = arith.constant 0.000000e+00 : f32
      %broadcast_in_dim3A_325 = vector.broadcast %jit3A_324 : f32 to vector<16xf32>
      %select_n3A_326 = arith.select %gt3A_142, %div3A_323, %broadcast_in_dim3A_325 : vector<16xi1>, vector<16xf32>
      %mul3A_327 = arith.constant 8192 : i32
      %mul3A_328 = arith.muli %select_n3A, %mul3A_327 : i32
      %add3A_329 = vector.broadcast %mul3A_328 : i32 to vector<16xi32>
      %add3A_330 = arith.addi %select_n3A_233, %add3A_329 : vector<16xi32>
      %mul3A_331 = arith.constant 32 : i32
      %mul3A_332 = arith.muli %add3A_79, %mul3A_331 : i32
      %add3A_333 = arith.constant 16 : i32
      %add3A_334 = arith.addi %mul3A_332, %add3A_333 : i32
      %swap3A_335 = arith.index_cast %add3A_334 : i32 to index
      %swap3A_336 = tpu.vector_load %arg17[%swap3A_335] {strides = array<i32>} : memref<8192xi32, #tpu.memory_space<vmem>>, vector<16xi32>,
      tpu.vector_store %arg17[%swap3A_335], %add3A_330 {strides = array<i32>} : memref<8192xi32, #tpu.memory_space<vmem>>, vector<16xi32>,
      %mul3A_337 = arith.constant 32 : i32
      %mul3A_338 = arith.muli %add3A_79, %mul3A_337 : i32
      %add3A_339 = arith.constant 16 : i32
      %add3A_340 = arith.addi %mul3A_338, %add3A_339 : i32
      %swap3A_341 = arith.index_cast %add3A_340 : i32 to index
      %swap3A_342 = tpu.vector_load %arg18[%swap3A_341] {strides = array<i32>} : memref<8192xf32, #tpu.memory_space<vmem>>, vector<16xf32>,
      tpu.vector_store %arg18[%swap3A_341], %select_n3A_326 {strides = array<i32>} : memref<8192xf32, #tpu.memory_space<vmem>>, vector<16xf32>,
    }
    %scan3A_70 = arith.constant 256 : i32
    %mul3A_71 = arith.constant 32 : i32
    %mul3A_72 = arith.muli %mul3A_2, %mul3A_71 : i32
    "tpu.region"() ({
      %run_scoped3A = tpu.sem_alloc : memref<!tpu.dma_semaphore, #tpu.memory_space<semaphore_mem>>
      %dma_start3A = tpu.memref_slice %arg4[%mul3A_72] : memref<262144xi32, #tpu.memory_space<hbm>> -> memref<8192xi32, #tpu.memory_space<hbm>>
      %dma_start3A_75 = tpu.memref_slice %arg4[%mul3A_72] : memref<262144xi32, #tpu.memory_space<hbm>> -> memref<8192xi32, #tpu.memory_space<hbm>>
      tpu.enqueue_dma source(%arg17 : memref<8192xi32, #tpu.memory_space<vmem>>) target(%dma_start3A_75 : memref<8192xi32, #tpu.memory_space<hbm>>) target_semaphore(%run_scoped3A : memref<!tpu.dma_semaphore, #tpu.memory_space<semaphore_mem>>)
      %dma_wait3A = tpu.memref_slice %arg4[%mul3A_72] : memref<262144xi32, #tpu.memory_space<hbm>> -> memref<8192xi32, #tpu.memory_space<hbm>>
      %dma_wait3A_76 = tpu.memref_slice %arg4[%mul3A_72] : memref<262144xi32, #tpu.memory_space<hbm>> -> memref<8192xi32, #tpu.memory_space<hbm>>
      tpu.wait_dma2 semaphore(%run_scoped3A : memref<!tpu.dma_semaphore, #tpu.memory_space<semaphore_mem>>) src(%arg17 : memref<8192xi32, #tpu.memory_space<vmem>>) dst(%dma_wait3A_76 : memref<8192xi32, #tpu.memory_space<hbm>>)
      tpu.yield
    }) : () -> ()
    %mul3A_73 = arith.constant 32 : i32
    %mul3A_74 = arith.muli %mul3A_2, %mul3A_73 : i32
    "tpu.region"() ({
      %run_scoped3A = tpu.sem_alloc : memref<!tpu.dma_semaphore, #tpu.memory_space<semaphore_mem>>
      %dma_start3A = tpu.memref_slice %arg5[%mul3A_74] : memref<262144xf32, #tpu.memory_space<hbm>> -> memref<8192xf32, #tpu.memory_space<hbm>>
      %dma_start3A_75 = tpu.memref_slice %arg5[%mul3A_74] : memref<262144xf32, #tpu.memory_space<hbm>> -> memref<8192xf32, #tpu.memory_space<hbm>>
      tpu.enqueue_dma source(%arg18 : memref<8192xf32, #tpu.memory_space<vmem>>) target(%dma_start3A_75 : memref<8192xf32, #tpu.memory_space<hbm>>) target_semaphore(%run_scoped3A : memref<!tpu.dma_semaphore, #tpu.memory_space<semaphore_mem>>)
      %dma_wait3A = tpu.memref_slice %arg5[%mul3A_74] : memref<262144xf32, #tpu.memory_space<hbm>> -> memref<8192xf32, #tpu.memory_space<hbm>>
      %dma_wait3A_76 = tpu.memref_slice %arg5[%mul3A_74] : memref<262144xf32, #tpu.memory_space<hbm>> -> memref<8192xf32, #tpu.memory_space<hbm>>
      tpu.wait_dma2 semaphore(%run_scoped3A : memref<!tpu.dma_semaphore, #tpu.memory_space<semaphore_mem>>) src(%arg18 : memref<8192xf32, #tpu.memory_space<vmem>>) dst(%dma_wait3A_76 : memref<8192xf32, #tpu.memory_space<hbm>>)
      tpu.yield
    }) : () -> ()
    return
  }
}

module attributes {stable_mosaic.version = 14 : i64} {
  func.func @_mlp_body(%arg0: i32, %arg1: i32, %arg2: memref<1x512x128xf32, #tpu.memory_space<vmem>>, %arg3: memref<1x512x4xf32, #tpu.memory_space<vmem>>, %arg4: memref<128x256xf32, #tpu.memory_space<vmem>>, %arg5: memref<1x256xf32, #tpu.memory_space<vmem>>, %arg6: memref<256x256xf32, #tpu.memory_space<vmem>>, %arg7: memref<1x256xf32, #tpu.memory_space<vmem>>, %arg8: memref<4x32xf32, #tpu.memory_space<vmem>>, %arg9: memref<1x512x384xf32, #tpu.memory_space<vmem>>) attributes {dimension_semantics = [#tpu.dimension_semantics<arbitrary>, #tpu.dimension_semantics<arbitrary>], iteration_bounds = array<i64: 4, 16>, scalar_prefetch = 0 : i64, scratch_operands = 0 : i64, tpu.core_type = #tpu.core_type<tc>, window_params = [{transform_indices = @transform_0, window_bounds = array<i64: 1, 512, 128>}, {transform_indices = @transform_1, window_bounds = array<i64: 1, 512, 4>}, {pipeline_mode = #tpu.pipeline_mode<synchronous>, transform_indices = @transform_2, window_bounds = array<i64: 128, 256>}, {pipeline_mode = #tpu.pipeline_mode<synchronous>, transform_indices = @transform_3, window_bounds = array<i64: 1, 256>}, {pipeline_mode = #tpu.pipeline_mode<synchronous>, transform_indices = @transform_4, window_bounds = array<i64: 256, 256>}, {pipeline_mode = #tpu.pipeline_mode<synchronous>, transform_indices = @transform_5, window_bounds = array<i64: 1, 256>}, {pipeline_mode = #tpu.pipeline_mode<synchronous>, transform_indices = @transform_6, window_bounds = array<i64: 4, 32>}, {transform_indices = @transform_7, window_bounds = array<i64: 1, 512, 384>}]} {
    %get3A = arith.constant 0 : index
    %get3A_0 = arith.constant 0 : index
    %get3A_1 = arith.constant 0 : index
    %get3A_2 = vector.load %arg2[%get3A, %get3A_0, %get3A_1] : memref<1x512x128xf32, #tpu.memory_space<vmem>>, vector<1x512x128xf32>
    %get3A_3 = vector.shape_cast %get3A_2 : vector<1x512x128xf32> to vector<512x128xf32>
    %get3A_4 = arith.constant 0 : index
    %get3A_5 = arith.constant 0 : index
    %get3A_6 = vector.load %arg4[%get3A_4, %get3A_5] : memref<128x256xf32, #tpu.memory_space<vmem>>, vector<128x256xf32>
    %dot_general3A = arith.constant dense<0.000000e+00> : vector<512x256xf32>
    %dot_general3A_7 = tpu.matmul %get3A_3, %get3A_6, %dot_general3A {dimension_numbers = #tpu.dot_dimension_numbers<[1], [0], [0], [1], [0, 0, 1, 1], [], []>, precision = #tpu.contract_precision<fp32>, transpose_lhs_hint = false} : vector<512x128xf32>, vector<128x256xf32>, vector<512x256xf32> -> vector<512x256xf32>
    %get3A_8 = arith.constant 0 : index
    %get3A_9 = arith.constant 0 : index
    %get3A_10 = vector.load %arg5[%get3A_8, %get3A_9] : memref<1x256xf32, #tpu.memory_space<vmem>>, vector<1x256xf32>
    %add3A = vector.broadcast %get3A_10 : vector<1x256xf32> to vector<512x256xf32>
    %add3A_11 = arith.addf %dot_general3A_7, %add3A : vector<512x256xf32>
    %max3A = arith.constant 0.000000e+00 : f32
    %max3A_12 = vector.broadcast %max3A : f32 to vector<512x256xf32>
    %max3A_13 = arith.maximumf %add3A_11, %max3A_12 : vector<512x256xf32>
    %get3A_14 = arith.constant 0 : index
    %get3A_15 = arith.constant 0 : index
    %get3A_16 = vector.load %arg6[%get3A_14, %get3A_15] : memref<256x256xf32, #tpu.memory_space<vmem>>, vector<256x256xf32>
    %dot_general3A_17 = arith.constant dense<0.000000e+00> : vector<512x256xf32>
    %dot_general3A_18 = tpu.matmul %max3A_13, %get3A_16, %dot_general3A_17 {dimension_numbers = #tpu.dot_dimension_numbers<[1], [0], [0], [1], [0, 0, 1, 1], [], []>, precision = #tpu.contract_precision<fp32>, transpose_lhs_hint = false} : vector<512x256xf32>, vector<256x256xf32>, vector<512x256xf32> -> vector<512x256xf32>
    %get3A_19 = arith.constant 0 : index
    %get3A_20 = arith.constant 0 : index
    %get3A_21 = vector.load %arg7[%get3A_19, %get3A_20] : memref<1x256xf32, #tpu.memory_space<vmem>>, vector<1x256xf32>
    %add3A_22 = vector.broadcast %get3A_21 : vector<1x256xf32> to vector<512x256xf32>
    %add3A_23 = arith.addf %dot_general3A_18, %add3A_22 : vector<512x256xf32>
    %max3A_24 = arith.constant 0.000000e+00 : f32
    %max3A_25 = vector.broadcast %max3A_24 : f32 to vector<512x256xf32>
    %max3A_26 = arith.maximumf %add3A_23, %max3A_25 : vector<512x256xf32>
    %get3A_27 = arith.constant 0 : index
    %get3A_28 = arith.constant 0 : index
    %get3A_29 = arith.constant 0 : index
    %get3A_30 = vector.load %arg3[%get3A_27, %get3A_28, %get3A_29] : memref<1x512x4xf32, #tpu.memory_space<vmem>>, vector<1x512x4xf32>
    %get3A_31 = vector.shape_cast %get3A_30 : vector<1x512x4xf32> to vector<512x4xf32>
    %get3A_32 = arith.constant 0 : index
    %get3A_33 = arith.constant 0 : index
    %get3A_34 = vector.load %arg8[%get3A_32, %get3A_33] : memref<4x32xf32, #tpu.memory_space<vmem>>, vector<4x32xf32>
    %dot_general3A_35 = arith.constant dense<0.000000e+00> : vector<512x32xf32>
    %dot_general3A_36 = tpu.matmul %get3A_31, %get3A_34, %dot_general3A_35 {dimension_numbers = #tpu.dot_dimension_numbers<[1], [0], [0], [1], [0, 0, 1, 1], [], []>, precision = #tpu.contract_precision<fp32>, transpose_lhs_hint = false} : vector<512x4xf32>, vector<4x32xf32>, vector<512x32xf32> -> vector<512x32xf32>
    %swap3A = arith.constant 0 : index
    %swap3A_37 = arith.constant 0 : index
    %swap3A_38 = arith.constant 0 : index
    %swap3A_39 = vector.load %arg9[%swap3A, %swap3A_37, %swap3A_38] : memref<1x512x384xf32, #tpu.memory_space<vmem>>, vector<1x512x256xf32>
    %swap3A_40 = vector.shape_cast %swap3A_39 : vector<1x512x256xf32> to vector<512x256xf32>
    %swap3A_41 = vector.shape_cast %max3A_26 : vector<512x256xf32> to vector<1x512x256xf32>
    tpu.vector_store %arg9[%swap3A, %swap3A_37, %swap3A_38], %swap3A_41 {strides = array<i32>} : memref<1x512x384xf32, #tpu.memory_space<vmem>>, vector<1x512x256xf32>,
    %swap3A_42 = arith.constant 0 : index
    %swap3A_43 = arith.constant 0 : index
    %swap3A_44 = arith.constant 256 : index
    %swap3A_45 = vector.load %arg9[%swap3A_42, %swap3A_43, %swap3A_44] : memref<1x512x384xf32, #tpu.memory_space<vmem>>, vector<1x512x32xf32>
    %swap3A_46 = vector.shape_cast %swap3A_45 : vector<1x512x32xf32> to vector<512x32xf32>
    %swap3A_47 = vector.shape_cast %dot_general3A_36 : vector<512x32xf32> to vector<1x512x32xf32>
    tpu.vector_store %arg9[%swap3A_42, %swap3A_43, %swap3A_44], %swap3A_47 {strides = array<i32>} : memref<1x512x384xf32, #tpu.memory_space<vmem>>, vector<1x512x32xf32>,
    %broadcast_in_dim3A = arith.constant 0.000000e+00 : f32
    %broadcast_in_dim3A_48 = vector.broadcast %broadcast_in_dim3A : f32 to vector<512x96xf32>
    %swap3A_49 = arith.constant 0 : index
    %swap3A_50 = arith.constant 0 : index
    %swap3A_51 = arith.constant 288 : index
    %swap3A_52 = vector.load %arg9[%swap3A_49, %swap3A_50, %swap3A_51] : memref<1x512x384xf32, #tpu.memory_space<vmem>>, vector<1x512x96xf32>
    %swap3A_53 = vector.shape_cast %swap3A_52 : vector<1x512x96xf32> to vector<512x96xf32>
    %swap3A_54 = vector.shape_cast %broadcast_in_dim3A_48 : vector<512x96xf32> to vector<1x512x96xf32>
    tpu.vector_store %arg9[%swap3A_49, %swap3A_50, %swap3A_51], %swap3A_54 {strides = array<i32>} : memref<1x512x384xf32, #tpu.memory_space<vmem>>, vector<1x512x96xf32>,
    return
  }
  func.func @transform_0(%arg0: i32, %arg1: i32) -> (i32, i32, i32) {
    %c0_i32 = arith.constant 0 : i32
    %c0_i32_0 = arith.constant 0 : i32
    return %arg0, %arg1, %c0_i32 : i32, i32, i32
  }
  func.func @transform_1(%arg0: i32, %arg1: i32) -> (i32, i32, i32) {
    %c0_i32 = arith.constant 0 : i32
    %c0_i32_0 = arith.constant 0 : i32
    return %arg0, %arg1, %c0_i32 : i32, i32, i32
  }
  func.func @transform_2(%arg0: i32, %arg1: i32) -> (i32, i32) {
    %c0_i32 = arith.constant 0 : i32
    %c0_i32_0 = arith.constant 0 : i32
    %c0_i32_1 = arith.constant 0 : i32
    return %c0_i32, %c0_i32_0 : i32, i32
  }
  func.func @transform_3(%arg0: i32, %arg1: i32) -> (i32, i32) {
    %c0_i32 = arith.constant 0 : i32
    %c0_i32_0 = arith.constant 0 : i32
    %c0_i32_1 = arith.constant 0 : i32
    return %c0_i32, %c0_i32_0 : i32, i32
  }
  func.func @transform_4(%arg0: i32, %arg1: i32) -> (i32, i32) {
    %c0_i32 = arith.constant 0 : i32
    %c0_i32_0 = arith.constant 0 : i32
    %c0_i32_1 = arith.constant 0 : i32
    return %c0_i32, %c0_i32_0 : i32, i32
  }
  func.func @transform_5(%arg0: i32, %arg1: i32) -> (i32, i32) {
    %c0_i32 = arith.constant 0 : i32
    %c0_i32_0 = arith.constant 0 : i32
    %c0_i32_1 = arith.constant 0 : i32
    return %c0_i32, %c0_i32_0 : i32, i32
  }
  func.func @transform_6(%arg0: i32, %arg1: i32) -> (i32, i32) {
    %c0_i32 = arith.constant 0 : i32
    %c0_i32_0 = arith.constant 0 : i32
    %c0_i32_1 = arith.constant 0 : i32
    return %c0_i32, %c0_i32_0 : i32, i32
  }
  func.func @transform_7(%arg0: i32, %arg1: i32) -> (i32, i32, i32) {
    %c0_i32 = arith.constant 0 : i32
    %c0_i32_0 = arith.constant 0 : i32
    return %arg0, %arg1, %c0_i32 : i32, i32, i32
  }
}

module attributes {stable_mosaic.version = 14 : i64} {
  func.func @_asm_body(%arg0: i32, %arg1: i32, %arg2: memref<1x512x288xf32, #tpu.memory_space<vmem>>, %arg3: memref<1x512x4xf32, #tpu.memory_space<vmem>>, %arg4: memref<4x32xf32, #tpu.memory_space<vmem>>, %arg5: memref<1x32xf32, #tpu.memory_space<vmem>>, %arg6: memref<1x288x512xf32, #tpu.memory_space<vmem>>) attributes {dimension_semantics = [#tpu.dimension_semantics<arbitrary>, #tpu.dimension_semantics<arbitrary>], iteration_bounds = array<i64: 4, 4>, scalar_prefetch = 0 : i64, scratch_operands = 0 : i64, tpu.core_type = #tpu.core_type<tc>, window_params = [{transform_indices = @transform_0, window_bounds = array<i64: 1, 512, 288>}, {transform_indices = @transform_1, window_bounds = array<i64: 1, 512, 4>}, {pipeline_mode = #tpu.pipeline_mode<synchronous>, transform_indices = @transform_2, window_bounds = array<i64: 4, 32>}, {pipeline_mode = #tpu.pipeline_mode<synchronous>, transform_indices = @transform_3, window_bounds = array<i64: 1, 32>}, {transform_indices = @transform_4, window_bounds = array<i64: 1, 288, 512>}]} {
    %get3A = arith.constant 0 : index
    %get3A_0 = arith.constant 0 : index
    %get3A_1 = arith.constant 0 : index
    %get3A_2 = vector.load %arg2[%get3A, %get3A_0, %get3A_1] : memref<1x512x288xf32, #tpu.memory_space<vmem>>, vector<1x512x288xf32>
    %get3A_3 = vector.shape_cast %get3A_2 : vector<1x512x288xf32> to vector<512x288xf32>
    %get3A_4 = arith.constant 0 : index
    %get3A_5 = arith.constant 0 : index
    %get3A_6 = vector.load %arg5[%get3A_4, %get3A_5] : memref<1x32xf32, #tpu.memory_space<vmem>>, vector<1x32xf32>
    %get3A_7 = arith.constant 0 : index
    %get3A_8 = arith.constant 0 : index
    %get3A_9 = arith.constant 0 : index
    %get3A_10 = vector.load %arg3[%get3A_7, %get3A_8, %get3A_9] : memref<1x512x4xf32, #tpu.memory_space<vmem>>, vector<1x512x4xf32>
    %get3A_11 = vector.shape_cast %get3A_10 : vector<1x512x4xf32> to vector<512x4xf32>
    %get3A_12 = arith.constant 0 : index
    %get3A_13 = arith.constant 0 : index
    %get3A_14 = vector.load %arg4[%get3A_12, %get3A_13] : memref<4x32xf32, #tpu.memory_space<vmem>>, vector<4x32xf32>
    %dot_general3A = arith.constant dense<0.000000e+00> : vector<512x32xf32>
    %dot_general3A_15 = tpu.matmul %get3A_11, %get3A_14, %dot_general3A {dimension_numbers = #tpu.dot_dimension_numbers<[1], [0], [0], [1], [0, 0, 1, 1], [], []>, precision = #tpu.contract_precision<fp32>, transpose_lhs_hint = false} : vector<512x4xf32>, vector<4x32xf32>, vector<512x32xf32> -> vector<512x32xf32>
    %sub3A = vector.broadcast %get3A_6 : vector<1x32xf32> to vector<512x32xf32>
    %sub3A_16 = arith.subf %sub3A, %dot_general3A_15 : vector<512x32xf32>
    %slice3A = vector.extract_strided_slice %get3A_3 {offsets = [0, 256], sizes = [512, 32], strides = [1, 1]} : vector<512x288xf32> to vector<512x32xf32>
    %add3A = arith.addf %slice3A, %sub3A_16 : vector<512x32xf32>
    %max3A = arith.constant 0.000000e+00 : f32
    %max3A_17 = vector.broadcast %max3A : f32 to vector<512x32xf32>
    %max3A_18 = arith.maximumf %add3A, %max3A_17 : vector<512x32xf32>
    %transpose3A = tpu.transpose %max3A_18, [1, 0] : vector<512x32xf32> -> vector<32x512xf32>
    %swap3A = arith.constant 0 : index
    %swap3A_19 = arith.constant 0 : index
    %swap3A_20 = arith.constant 0 : index
    %swap3A_21 = vector.load %arg6[%swap3A, %swap3A_19, %swap3A_20] : memref<1x288x512xf32, #tpu.memory_space<vmem>>, vector<1x32x512xf32>
    %swap3A_22 = vector.shape_cast %swap3A_21 : vector<1x32x512xf32> to vector<32x512xf32>
    %swap3A_23 = vector.shape_cast %transpose3A : vector<32x512xf32> to vector<1x32x512xf32>
    tpu.vector_store %arg6[%swap3A, %swap3A_19, %swap3A_20], %swap3A_23 {strides = array<i32>} : memref<1x288x512xf32, #tpu.memory_space<vmem>>, vector<1x32x512xf32>,
    %slice3A_24 = vector.extract_strided_slice %get3A_3 {offsets = [0, 0], sizes = [512, 256], strides = [1, 1]} : vector<512x288xf32> to vector<512x256xf32>
    %transpose3A_25 = tpu.transpose %slice3A_24, [1, 0] : vector<512x256xf32> -> vector<256x512xf32>
    %swap3A_26 = arith.constant 0 : index
    %swap3A_27 = arith.constant 32 : index
    %swap3A_28 = arith.constant 0 : index
    %swap3A_29 = vector.load %arg6[%swap3A_26, %swap3A_27, %swap3A_28] : memref<1x288x512xf32, #tpu.memory_space<vmem>>, vector<1x256x512xf32>
    %swap3A_30 = vector.shape_cast %swap3A_29 : vector<1x256x512xf32> to vector<256x512xf32>
    %swap3A_31 = vector.shape_cast %transpose3A_25 : vector<256x512xf32> to vector<1x256x512xf32>
    tpu.vector_store %arg6[%swap3A_26, %swap3A_27, %swap3A_28], %swap3A_31 {strides = array<i32>} : memref<1x288x512xf32, #tpu.memory_space<vmem>>, vector<1x256x512xf32>,
    return
  }
  func.func @transform_0(%arg0: i32, %arg1: i32) -> (i32, i32, i32) {
    %c0_i32 = arith.constant 0 : i32
    %c0_i32_0 = arith.constant 0 : i32
    return %arg0, %arg1, %c0_i32 : i32, i32, i32
  }
  func.func @transform_1(%arg0: i32, %arg1: i32) -> (i32, i32, i32) {
    %c0_i32 = arith.constant 0 : i32
    %c0_i32_0 = arith.constant 0 : i32
    return %arg0, %arg1, %c0_i32 : i32, i32, i32
  }
  func.func @transform_2(%arg0: i32, %arg1: i32) -> (i32, i32) {
    %c0_i32 = arith.constant 0 : i32
    %c0_i32_0 = arith.constant 0 : i32
    %c0_i32_1 = arith.constant 0 : i32
    return %c0_i32, %c0_i32_0 : i32, i32
  }
  func.func @transform_3(%arg0: i32, %arg1: i32) -> (i32, i32) {
    %c0_i32 = arith.constant 0 : i32
    %c0_i32_0 = arith.constant 0 : i32
    %c0_i32_1 = arith.constant 0 : i32
    return %c0_i32, %c0_i32_0 : i32, i32
  }
  func.func @transform_4(%arg0: i32, %arg1: i32) -> (i32, i32, i32) {
    %c0_i32 = arith.constant 0 : i32
    %c0_i32_0 = arith.constant 0 : i32
    return %arg0, %c0_i32, %arg1 : i32, i32, i32
  }
}

</mosaic_0001>

<sc_bundles>
// kernel: kernel.6.cloned.1.call-start
scs
__scs_entry_jumppad:
0x0: {  	(pc) =	sbr.rel $0x88, $3  }
0x1: {  	(tag) =	ssettag $0x0;
	lr =	simm.s32 $0x1  }
0x2: {  	[smem:$0x3F98] =	sst lr;
	_ =	strace $0xD0000000  }
0x3: {  	_ = 	snop  }
0x4: {  	_ = 	snop  }
0x5: {  	_ = 	snop  }
0x6: {  	_ = 	snop  }
0x7: {  	_ = 	snop  }
__scs_overlays_trampoline_lowered:
0x8: {  	[smem:$0x3FA7] =	sst s0  }
0x9: {  	[smem:$0x3FA8] =	sst s1  }
0xa: {  	[smem:$0x3FA9] =	sst s2  }
0xb: {  	[smem:$0x3FAA] =	sst s3  }
0xc: {  	[smem:$0x3FAB] =	sst s4  }
0xd: {  	[smem:$0x3FAC] =	sst s5  }
0xe: {  	[smem:$0x3FAD] =	sst s6  }
0xf: {  	[smem:$0x3FAE] =	sst s7  }
0x10: {  	[smem:$0x3FAF] =	sst s8  }
0x11: {  	[smem:$0x3FB0] =	sst s9;
	s0 =	simm.s32 @!p0 $0x0  }
0x12: {  	s1 =	sld [smem:$0x3F96];
	s0 =	simm.s32 @p0 $0x1  }
0x13: {  	[smem:$0x3FB1] =	sst s0;
	s0 =	simm.s32 @!p1 $0x0  }
0x14: {  	s2 =	sld [smem:$0x3F95];
	s0 =	simm.s32 @p1 $0x1  }
0x15: {  	[smem:$0x3FB2] =	sst s0;
	s0 =	simm.s32 @!p2 $0x0  }
0x16: {  	s3 =	sld [smem:$0x3FDB];
	s0 =	simm.s32 @p2 $0x1  }
0x17: {  	s4 =	simm.s32 $0x1BF5;
	[smem:$0x3FB4] =	sst s0  }
0x18: {  	s0 =	sld [smem:$0x3F97];
	_ =	swait.ge [sflag:s4], $0x0  }
0x19: {  	s7 =	sld [smem:$0x3F98]  }
0x1a: {  	s8 =	sadd.s32 $0xFFFFE003, lr  }
0x1b: {  	s9 =	sadd.s32 $0xFFFFFEF7, lr;
	s5 =	simm.s32 $0xFFFFFFFF;
	p2 =	slt.u32 s8, $0xFFFFF086  }
0x1c: {  	p1 =	slt.u32 s9, $0xF7A;
	s5 =	simm.s32 @!p2 $0x0  }
0x1d: {  	s5 =	simm.s32 @p1 $0x1;
	p0 =	seq.s32 s7, s2  }
0x1e: {  	s7 =	smul.u32 @!p0 $0xF7A, s2;
	p2 =	seq.s32 @!p0 s5, $0x0  }
0x1f: {  	s9 =	smul.u32 $0xF7A, s1;
	s8 =	simm.s32 @!p0 $0x1BF5;
	p2 =	por !p2, p0  }
0x20: {  	[sflag:s8] =	ssyncset.s32 @!p0 $0xFFFFF086;
	s6 =	sadd.s32 @!p0 s3, s7;
	s7 =	simm.s32 @!p0 $0x108  }
0x21: {  	s3 =	sadd.s32 s3, s9;
	s6 =	sadd.s32 @!p0 $0x88, s6;
	s7 =	simm.s32 @p2 $0x1082  }
0x22: {  	[simem:s7], [sflag:s8] =	dma.local @!p0 [hbm:s6], $0xF7A  }
0x23: {  	s9 =	sor.u32 $0xD0000000, s2;
	s6 =	simm.s32 $0x108;
	_ =	swait.ge @!p0 [sflag:s8], $0x0  }
0x24: {  	s3 =	sadd.s32 $0x88, s3;
	s6 =	simm.s32 @!p1 $0x1082;
	[sflag:s4] =	ssyncset.s32 $0xFFFFF086  }
0x25: {  	[simem:s6], [sflag:s4] =	dma.local [hbm:s3], $0xF7A  }
0x26: {  	[smem:$0x3F98] =	sst s1;
	(tag) =	ssettag s2;
	_ =	strace s9  }
0x27: {  	s1 =	sld [smem:$0x3FA8]  }
0x28: {  	s2 =	sld [smem:$0x3FA9]  }
0x29: {  	s4 =	sld [smem:$0x3FAB]  }
0x2a: {  	p0 =	seq.s32 s5, $0x0;
	s5 =	sld [smem:$0x3FAC]  }
0x2b: {  	s6 =	sld [smem:$0x3FAD]  }
0x2c: {  	s7 =	sld [smem:$0x3FAE]  }
0x2d: {  	s3 =	simm.s32 $0x108;
	s8 =	sld [smem:$0x3FAF]  }
0x2e: {  	s3 =	simm.s32 @!p0 $0x1082;
	s9 =	sld [smem:$0x3FB0]  }
0x2f: {  	lr =	sadd.s32 s0, s3;
	s0 =	sld [smem:$0x3FA7]  }
0x30: {  	s3 =	sld [smem:$0x3FAA]  }
0x31: {  	[smem:$0x3FB3] =	sst s10  }
0x32: {  	s10 =	sld [smem:$0x3FB1];
	_ =	sdelay $0x3  }
0x33: {  	p0 =	seq.s32 s10, $0x1;
	s10 =	sld [smem:$0x3FB3];
	_ =	sdelay $0x3  }
0x34: {  	[smem:$0x3FB3] =	sst s10  }
0x35: {  	s10 =	sld [smem:$0x3FB2];
	_ =	sdelay $0x3  }
0x36: {  	p1 =	seq.s32 s10, $0x1;
	s10 =	sld [smem:$0x3FB3];
	_ =	sdelay $0x3  }
0x37: {  	[smem:$0x3FB3] =	sst s10  }
0x38: {  	s10 =	sld [smem:$0x3FB4]  }
0x39: {  	_ = 	snop;
	(pc) =	sbr.ind lr, $3  }
0x3a: {  	_ = 	snop  }
0x3b: {  	_ = 	snop  }
0x3c: {  	p2 =	seq.s32 s10, $0x1;
	s10 =	sld [smem:$0x3FB3]  }
0x3d: {  	_ =	shalt  }
0x3e: {  	_ =	shalt  }
0x3f: {  	_ =	shalt  }
0x40: {  	_ =	shalt  }
0x41: {  	_ =	shalt  }
0x42: {  	_ =	shalt  }
0x43: {  	_ =	shalt  }
0x44: {  	_ =	shalt  }
0x45: {  	_ =	shalt  }
0x46: {  	_ =	shalt  }
0x47: {  	_ =	shalt  }
0x48: {  	_ =	shalt  }
0x49: {  	_ =	shalt  }
0x4a: {  	_ =	shalt  }
0x4b: {  	_ =	shalt  }
0x4c: {  	_ =	shalt  }
0x4d: {  	_ =	shalt  }
0x4e: {  	_ =	shalt  }
0x4f: {  	_ =	shalt  }
0x50: {  	_ =	shalt  }
0x51: {  	_ =	shalt  }
0x52: {  	_ =	shalt  }
0x53: {  	_ =	shalt  }
0x54: {  	_ =	shalt  }
0x55: {  	_ =	shalt  }
0x56: {  	_ =	shalt  }
0x57: {  	_ =	shalt  }
0x58: {  	_ =	shalt  }
0x59: {  	_ =	shalt  }
0x5a: {  	_ =	shalt  }
0x5b: {  	_ =	shalt  }
0x5c: {  	_ =	shalt  }
0x5d: {  	_ =	shalt  }
0x5e: {  	_ =	shalt  }
0x5f: {  	_ =	shalt  }
0x60: {  	_ =	shalt  }
0x61: {  	_ =	shalt  }
0x62: {  	_ =	shalt  }
0x63: {  	_ =	shalt  }
0x64: {  	_ =	shalt  }
0x65: {  	_ =	shalt  }
0x66: {  	_ =	shalt  }
0x67: {  	_ =	shalt  }
0x68: {  	_ =	shalt  }
0x69: {  	_ =	shalt  }
0x6a: {  	_ =	shalt  }
0x6b: {  	_ =	shalt  }
0x6c: {  	_ =	shalt  }
0x6d: {  	_ =	shalt  }
0x6e: {  	_ =	shalt  }
0x6f: {  	_ =	shalt  }
0x70: {  	_ =	shalt  }
0x71: {  	_ =	shalt  }
0x72: {  	_ =	shalt  }
0x73: {  	_ =	shalt  }
0x74: {  	_ =	shalt  }
0x75: {  	_ =	shalt  }
0x76: {  	_ =	shalt  }
0x77: {  	_ =	shalt  }
0x78: {  	_ =	shalt  }
0x79: {  	_ =	shalt  }
0x7a: {  	_ =	shalt  }
0x7b: {  	_ =	shalt  }
0x7c: {  	_ =	shalt  }
0x7d: {  	_ =	shalt  }
0x7e: {  	_ =	shalt  }
0x7f: {  	_ =	shalt  }
0x80: {  	_ =	shalt  }
0x81: {  	_ =	shalt  }
0x82: {  	_ =	shalt  }
0x83: {  	_ =	shalt  }
0x84: {  	_ =	shalt  }
0x85: {  	_ =	shalt  }
0x86: {  	_ =	shalt  }
0x87: {  	_ =	shalt  }
.Lfunc_end0:
.L_simem_size_0:
called_computation_lowered:
.L_overlay_start_0:
0x88: {  	s2 =	sld [smem:$0x3FD9]  }
0x89: {  	s3 =	sld [smem:$0x3FFE];
	_ =	sdelay $0x1  }
0x8a: {  	s1 =	srdreg.scid  }
0x8b: {  	s0 =	sand.u32 $0x1, s1  }
0x8c: {  	s14 =	sshll.u32 s0, $0xA;
	s2 =	sadd.s32 s3, s2  }
0x8d: {  	s2 =	sadd.s32 s2, s14  }
0x8e: {  	[smem:$0x3FBF] =	sst s2  }
0x8f: {  	_ = 	snop  }
0x90: {  	s2 =	sld [smem:$0x3FD0];
	_ =	sdelay $0x2  }
0x91: {  	s15 =	simm.s32 $0xA;
	s4 =	simm.s32 $0x10  }
0x92: {  	[smem:s4], [sflag:s15] =	dma.local [hbm:s2], $0x1  }
0x93: {  	_ =	swait.eq [sflag:s15], $0x1  }
0x94: {  	[sflag:s15] =	ssyncset.done $0x0  }
0x95: {  	s16 =	sld [smem:$0x10];
	[sflag:s15] =	ssyncadd.s32 $0xFFFFFFFF  }
0x96: {  	s17 =	sld [smem:$0x11];
	(tm) =	ssettm $0x1  }
0x97: {  	s18 =	sld [smem:$0x3FFB];
	_ =	sdelay $0x3  }
0x98: {  	_ =	strace s18  }
0x99: {  	s4 =	sld [smem:$0x3FFC];
	_ =	sdelay $0x3  }
0x9a: {  	_ =	strace s4  }
0x9b: {  	s4 =	sld [smem:$0x3FFD];
	_ =	sdelay $0x3  }
0x9c: {  	_ =	strace s4  }
0x9d: {  	_ =	strace $0x8FFFFFFF  }
0x9e: {  	s19 =	sld [smem:$0x3FDB];
	_ =	sdelay $0x1  }
0x9f: {  	s5 =	simm.s32 $_scs_section_size  }
0xa0: {  	s6 =	simm.s32 $_size__tile_overlayer_lowered;
	s7 =	simm.s32 $_tile_overlayer_lowered  }
0xa1: {  	s22 =	simm.s32 $0x1BFF;
	s21 =	sshll.u32 s7, $0x1;
	s4 =	sadd.s32 s5, s19  }
0xa2: {  	s8 =	simm.s32 $0x0;
	s20 =	sshll.u32 s6, $0x1;
	s6 =	sadd.s32 s21, s4  }
0xa3: {  	[timem:s8], [sflag:s22] =	dma.local [hbm:s6], s20  }
0xa4: {  	_ =	swait.ge [sflag:s22], s20  }
0xa5: {  	s5 =	ssub.s32 $0x0, s20;
	[sflag:s22] =	ssyncset.done $0x0  }
0xa6: {  	[sflag:s22] =	ssyncadd.s32 s5;
	_ =	sdelay $0x1  }
0xa7: {  	s23 =	simm.s32 $0x1B8B  }
0xa8: {  	_ =	swait.ge [sflag:s23], $0x1  }
0xa9: {  	[sflag:s23] =	ssyncset.done $0x0  }
0xaa: {  	s25 =	simm.s32 $0x1B8E;
	s24 =	sld [smem:$0x3FFE];
	[sflag:s23] =	ssyncadd.s32 $0xFFFFFFFF  }
0xab: {  	s26 =	simm.s32 $execute0_lowered;
	[smem:$0x3FD2] =	sst s25  }
0xac: {  	s6 =	sshll.u32 s26, $0x1;
	_ =	strace $0x80000046;
	[dreg:$0x1] =	wrdreg $0xFFFFFFFF  }
0xad: {  	s28 =	simm.s32 $_size_execute0_lowered;
	s4 =	sadd.s32 s4, s6;
	[dreg:$0x0] =	wrdreg $0x0  }
0xae: {  	s6 =	sshll.u32 s28, $0x1;
	[dreg:$0x2] =	wrdreg s4  }
0xaf: {  	[dreg:$0x3] =	wrdreg s6  }
0xb0: {  	[dreg:$0x4] =	wrdreg $0xC0  }
0xb1: {  	_ =	task [dreg:s8], $0x5FFFF  }
0xb2: {  	[dreg:$0x1] =	wrdreg $0xFFFFFFFF  }
0xb3: {  	[dreg:$0x0] =	wrdreg $0x60  }
0xb4: {  	[dreg:$0x2] =	wrdreg s17  }
0xb5: {  	[dreg:$0x3] =	wrdreg s16  }
0xb6: {  	[dreg:$0x4] =	wrdreg s24  }
0xb7: {  	[dreg:$0x5] =	wrdreg $0x9  }
0xb8: {  	_ =	task.clear_ibuf [dreg:s8], $0x6FFFF;
	_ =	strace $0x90000046  }
0xb9: {  	s29 =	simm.s32 $0x9;
	_ =	strace $0x80000048  }
0xba: {  	_ =	swait.ge [sflag:s29], $0x1  }
0xbb: {  	[sflag:s29] =	ssyncadd.s32 $0xFFFFFFFF  }
0xbc: {  	_ =	strace $0x90000048  }
0xbd: {  	_ =	sfence  }
0xbe: {  	s30 =	sld [smem:$0x0];
	_ =	sdelay $0x2  }
0xbf: {  	s31 =	sshll.u32 s1, $0xD;
	s1 =	sshrl.u32 s1, $0x2  }
0xc0: {  	s3 =	sand.u32 $0x4000, s31;
	s1 =	sadd.s32 s1, s30  }
0xc1: {  	s0 =	sor.u32 s3, s0;
	s1 =	sshll.u32 s1, $0x11  }
0xc2: {  	s0 =	sor.u32 s1, s0  }
0xc3: {  	s0 =	sadd.s32 $0x8F2B, s0  }
0xc4: {  	[sflag:s0] =	ssyncadd.remote.s32 $0x1  }
0xc5: {  	_ =	sfence.sel $0xFFFF  }
0xc6: {  	[dreg:$0x0] =	wrdreg $0xFFFFFFFF;
	(pc) =	sbr.abs _section_cstart, $3  }
0xc7: {  	[dreg:$0x1] =	wrdreg $0xFFFFFFFF  }
0xc8: {  	_ =	task.clear_ibuf [dreg:s8], $0x2FFFF;
	_ =	strace $0x9FFFFFFF  }
0xc9: {  	(tm) =	ssettm $0x7FFFFFFF  }
tec
execute0_lowered:
.L_overlay_start_1:
0x0: {  	(tag) =	ssettag $0x1  }
0x1: {  	s5 =	rddreg [dreg:$0x0]  }
0x2: {  	s8 =	rddreg [dreg:$0x1]  }
0x3: {  	s3 =	rddreg [dreg:$0x2];
	s1 =	simm.s32 $0x0  }
0x4: {  	[smem:$0x7FF] =	sst s1  }
0x5: {  	s0 =	rddreg [dreg:$0x3];
	v0 =	vimm.f32 $1.000000000e+00;
	_ =	strace $0x80000047  }
0x6: {  	(xrf0) =	vmin.scan.msk.f32 $0xffff, v0;
	_ =	sdelay $0x5  }
0x7: {  	s4 =	srdreg.scid;
	v0, _, _ =	vpop (xrf0)  }
0x8: {  	s2 =	stileid.u32;
	s15 =	simm.s32 $0xE000;
	s16 =	simm.s32 $0xE100;
	(v2sf) =	vpush v0, $0xF  }
0x9: {  	s19 =	simm.s32 $0xE480;
	s20 =	simm.s32 $0x10480;
	s10 =	sshrl.u32 s2, $0x2  }
0xa: {  	s4 =	sand.u32 $0x1, s4;
	s6 =	sshll.u32 s2, $0x1;
	s12 =	smul.u32 $0x3, s10  }
0xb: {  	s21 =	simm.s32 $0x0;
	s6 =	sor.u32 s4, s6;
	s24 =	smul.u32 $0xC00, s10  }
0xc: {  	s4 =	ssub.s32 $0x2, s4;
	s11 =	sshll.u32 s10, $0xB;
	s30 =	smul.u32 $0x1800, s10  }
0xd: {  	s17 =	sshll.u32 s10, $0xD;
	s7 =	sshll.u32 s6, $0xA;
	s9 =	sshrl.u32 s4, $0x1  }
0xe: {  	s6 =	sshll.u32 s6, $0x8;
	s13 =	sadd.s32 s7, s3;
	s14 =	ssub.s32 s4, s9  }
0xf: {  	s6 =	ssub.s32 s6, s11;
	s25 =	sadd.s32 $0x1, s12;
	s26 =	sadd.s32 $0x2, s12  }
0x10: {  	s3 =	sadd.s32 s5, s24;
	s12 =	simm.s32 $0x1;
	s28 =	sshll.u32 s25, $0xA  }
0x11: {  	s29 =	sshll.u32 s26, $0xA;
	s31 =	sadd.s32 s30, s6;
	s7 =	sshll.u32 s25, $0xB  }
0x12: {  	s9 =	sshll.u32 s26, $0xB;
	s10 =	sadd.s32 $0x9A00, s13;
	s4 =	sadd.s32 s5, s28  }
0x13: {  	s5 =	sadd.s32 s5, s29;
	s11 =	sshrl.u32 s31, $0x3;
	s7 =	sadd.s32 s6, s7  }
.Ltmp0:
0x14: {  	s9 =	sadd.s32 s6, s9;
	s6 =	sadd.s32 s8, s11;
	(pc) =	sbr.rel .LBB2_1-.Ltmp0, $4  }
0x15: {  	s7 =	sshrl.u32 s7, $0x3;
	s9 =	sshrl.u32 s9, $0x3;
	s11 =	smax.u32 s14, $0x1  }
0x16: {  	s14 =	simm.s32 $0x4000;
	s7 =	sadd.s32 s8, s7;
	s8 =	sadd.s32 s8, s9  }
0x17: {  	v1 =	vimm.s32 $0x0;
	v2 =	vlaneseq.u32;
	s9 =	sadd.s32 $0x1A00, s13;
	s13 =	simm.s32 $0x2000;
	s18 =	spop (v2sf)  }
0x18: {  	v3 =	vimm.f32 $0.0e+00;
	vm0 =	vcmask $0x3F04;
	v0 =	vmov s17;
	s17 =	simm.s32 $0xE200;
	p0 =	sgt.f32 s18, $0.0e+00;
	s18 =	simm.s32 $0xE300  }
.LBB2_9:
0x19: {  	[hbm4b:s9+s1] =	stream.linear.scatter [tilespmem:s19], [sflag:$0x1], $0x2000, $0x38;
	[tilespmem:$0x12480] =	vst v63  }
0x1a: {  	s21 =	sadd.s32 $0x1, s21;
	_ =	swait.ge [sflag:s12], $0x2000  }
0x1b: {  	p1 =	sne.s32 s21, s11;
	[sflag:s12] =	ssyncset.done $0x0  }
.Ltmp1:
0x1c: {  	[sflag:s12] =	ssyncadd.s32 $0xFFFFE000;
	(pc) =	sbr.rel @!p1 .LBB2_10-.Ltmp1, $4  }
0x1d: {  	[hbm4b:s10+s1] =	stream.linear.scatter [tilespmem:s20], [sflag:$0x1], $0x2000, $0x38;
	[tilespmem:$0x12480] =	vst v63  }
0x1e: {  	_ =	swait.ge [sflag:s12], $0x2000  }
0x1f: {  	[sflag:s12] =	ssyncset.done $0x0  }
0x20: {  	[sflag:s12] =	ssyncadd.s32 $0xFFFFE000  }
.LBB2_1:
0x21: {  	[tilespmem:s1], [sflag:$0x1] =	stream.linear.gather [hbm4b:s3+s1], $0x2000, $0x38;
	[tilespmem:$0x12480] =	vst v63  }
0x22: {  	_ =	swait.ge [sflag:s12], $0x2000  }
0x23: {  	[sflag:s12] =	ssyncset.done $0x0  }
0x24: {  	[sflag:s12] =	ssyncadd.s32 $0xFFFFE000  }
0x25: {  	[tilespmem:s13], [sflag:$0x1] =	stream.linear.gather [hbm4b:s4+s1], $0x2000, $0x38;
	[tilespmem:$0x12480] =	vst v63  }
0x26: {  	_ =	swait.ge [sflag:s12], $0x2000  }
0x27: {  	[sflag:s12] =	ssyncset.done $0x0  }
0x28: {  	[sflag:s12] =	ssyncadd.s32 $0xFFFFE000  }
0x29: {  	[tilespmem:s14], [sflag:$0x1] =	stream.linear.gather [hbm4b:s5+s1], $0x2000, $0x38;
	[tilespmem:$0x12480] =	vst v63  }
0x2a: {  	_ =	swait.ge [sflag:s12], $0x2000  }
0x2b: {  	[sflag:s12] =	ssyncset.done $0x0  }
0x2c: {  	[sflag:s12] =	ssyncadd.s32 $0xFFFFE000  }
0x2d: {  	[tilespmem:s15], [sflag:$0x1] =	stream.linear.gather [hbm4b:s6+s1], $0x100, $0x38;
	[tilespmem:$0x12480] =	vst v63  }
0x2e: {  	_ =	swait.ge [sflag:s12], $0x100  }
0x2f: {  	[sflag:s12] =	ssyncset.done $0x0  }
0x30: {  	[sflag:s12] =	ssyncadd.s32 $0xFFFFFF00  }
0x31: {  	[tilespmem:s16], [sflag:$0x1] =	stream.linear.gather [hbm4b:s7+s1], $0x100, $0x38;
	[tilespmem:$0x12480] =	vst v63  }
0x32: {  	_ =	swait.ge [sflag:s12], $0x100  }
0x33: {  	[sflag:s12] =	ssyncset.done $0x0  }
0x34: {  	[sflag:s12] =	ssyncadd.s32 $0xFFFFFF00  }
0x35: {  	[tilespmem:s17], [sflag:$0x1] =	stream.linear.gather [hbm4b:s8+s1], $0x100, $0x38;
	[tilespmem:$0x12480] =	vst v63  }
0x36: {  	_ =	swait.ge [sflag:s12], $0x100  }
0x37: {  	[sflag:s12] =	ssyncset.done $0x0  }
0x38: {  	s23 =	simm.s32 $0x0;
	[sflag:s12] =	ssyncadd.s32 $0xFFFFFF00  }
0x39: {  	v4 =	vld [tilespmem:s23+$0x0]  }
0x3a: {  	v5 =	vld [tilespmem:s23+$0x2000]  }
0x3b: {  	v8 =	vld [tilespmem:s23+$0x4000];
	_ =	sdelay $0x3  }
0x3c: {  	s22 =	simm.s32 $0x10;
	v7 =	vmul.f32 v4, v4;
	v9 =	vmul.f32 v5, v5;
	v10 =	vshrl.u32 v4, $0x10  }
0x3d: {  	v6 =	vld [tilespmem:s22+$0x0];
	v11 =	vshrl.u32 v5, $0x10;
	v12 =	vmul.f32 v8, v8;
	v13 =	vshrl.u32 v8, $0x10  }
0x3e: {  	v10 =	vand.u32 $0x1, v10;
	v11 =	vand.u32 $0x1, v11;
	v9 =	vadd.f32 v9, v7;
	v7 =	vld [tilespmem:s22+$0x2000]  }
0x3f: {  	v4 =	vadd.s32 v10, v4;
	v10 =	vadd.s32 v11, v5;
	v11 =	vand.u32 $0x1, v13  }
0x40: {  	v5 =	vld [tilespmem:s22+$0x4000];
	v4 =	vadd.s32 $0x7FFF, v4;
	v8 =	vadd.s32 v11, v8  }
0x41: {  	v10 =	vadd.s32 $0x7FFF, v10;
	v9 =	vadd.f32 v12, v9;
	v4 =	vand.u32 $0xFFFF0000, v4  }
0x42: {  	v8 =	vadd.s32 $0x7FFF, v8;
	v12 =	vshrl.u32 v6, $0x10;
	v13 =	vand.u32 $0xFFFF0000, v10;
	[tilespmem:s23+$0x6000] =	vst v4  }
0x43: {  	s24 =	simm.s32 $0x20;
	[tilespmem:s23+$0xC000] =	vst v9;
	v9 =	vmul.f32 v6, v6;
	v10 =	vshrl.u32 v7, $0x10;
	v11 =	vmul.f32 v7, v7  }
0x44: {  	s25 =	simm.s32 $0xC0;
	v8 =	vand.u32 $0xFFFF0000, v8;
	v12 =	vand.u32 $0x1, v12;
	v4 =	vld [tilespmem:s24+$0x0];
	[tilespmem:s23+$0x8000] =	vst v13;
	v10 =	vand.u32 $0x1, v10  }
.LBB2_2:
0x45: {  	p1 =	sne.s32 s25, $0x7FC0;
	v13 =	vld [tilespmem:s24+$0x2000];
	v14 =	vshrl.u32 v5, $0x10;
	v9 =	vadd.f32 v11, v9;
	v11 =	vmul.f32 v5, v5;
	[tilespmem:s23+$0xA000] =	vst v8;
	s23 =	smov.u32 s22;
	s22 =	smov.u32 s24  }
0x46: {  	v6 =	vadd.s32 v12, v6;
	v7 =	vadd.s32 v10, v7;
	v8 =	vand.u32 $0x1, v14  }
.Ltmp2:
0x47: {  	v15 =	vadd.s32 $0x7FFF, v6;
	v8 =	vadd.s32 v8, v5;
	v5 =	vld [tilespmem:s22+$0x4000];
	v9 =	vadd.f32 v11, v9;
	(pc) =	sbr.rel @p1 .LBB2_2-.Ltmp2, $4  }
0x48: {  	v10 =	vand.u32 $0xFFFF0000, v15;
	v11 =	vadd.s32 $0x7FFF, v7;
	v16 =	vadd.s32 $0x7FFF, v8  }
0x49: {  	v14 =	vand.u32 $0xFFFF0000, v11;
	v12 =	vshrl.u32 v4, $0x10;
	v8 =	vand.u32 $0xFFFF0000, v16;
	[tilespmem:s23+$0xC000] =	vst v9;
	v6 =	vmovc v4  }
0x4a: {  	s24 =	sshra.s32 s25, $0x2;
	v15 =	vshrl.u32 v13, $0x10;
	v9 =	vmul.f32 v4, v6;
	v11 =	vmul.f32 v13, v13;
	[tilespmem:s23+$0x6000] =	vst v10;
	v7 =	vmovc v13  }
0x4b: {  	s25 =	sadd.s32 $0x40, s25;
	v12 =	vand.u32 $0x1, v12;
	v4 =	vld [tilespmem:s24+$0x0];
	v10 =	vand.u32 $0x1, v15;
	[tilespmem:s23+$0x8000] =	vst v14  }
0x4c: {  	v13 =	vld [tilespmem:s24+$0x2000];
	v14 =	vshrl.u32 v5, $0x10;
	[tilespmem:s23+$0xA000] =	vst v8;
	v51 =	vadd.f32 v11, v9  }
0x4d: {  	v52 =	vmul.f32 v5, v5;
	v6 =	vadd.s32 v12, v6;
	v7 =	vadd.s32 v10, v7;
	v53 =	vld [tilespmem:s24+$0x4000]  }
0x4e: {  	v54 =	vand.u32 $0x1, v14;
	v6 =	vadd.s32 $0x7FFF, v6;
	v7 =	vadd.s32 $0x7FFF, v7  }
0x4f: {  	v5 =	vadd.s32 v54, v5;
	v8 =	vadd.f32 v52, v51;
	v6 =	vand.u32 $0xFFFF0000, v6  }
0x50: {  	v7 =	vand.u32 $0xFFFF0000, v7;
	v5 =	vadd.s32 $0x7FFF, v5;
	v55 =	vmul.f32 v4, v4  }
0x51: {  	v57 =	vshrl.u32 v4, $0x10;
	v5 =	vand.u32 $0xFFFF0000, v5;
	v56 =	vmul.f32 v13, v13  }
0x52: {  	[tilespmem:s22+$0x6000] =	vst v6;
	v58 =	vshrl.u32 v13, $0x10;
	v60 =	vand.u32 $0x1, v57;
	v59 =	vmul.f32 v53, v53  }
0x53: {  	[tilespmem:s22+$0xC000] =	vst v8;
	v8 =	vand.u32 $0x1, v58;
	v61 =	vshrl.u32 v53, $0x10;
	v4 =	vadd.s32 v60, v4  }
0x54: {  	[tilespmem:s22+$0xA000] =	vst v5;
	v9 =	vadd.f32 v56, v55;
	v5 =	vadd.s32 v8, v13;
	v4 =	vadd.s32 $0x7FFF, v4  }
.Ltmp3:
0x55: {  	[tilespmem:s22+$0x8000] =	vst v7;
	v7 =	vand.u32 $0x1, v61;
	v4 =	vand.u32 $0xFFFF0000, v4;
	v5 =	vadd.s32 $0x7FFF, v5;
	(pc) =	sbr.rel .LBB2_4-.Ltmp3, $4  }
0x56: {  	v7 =	vadd.s32 v7, v53;
	v62 =	vadd.f32 v59, v9;
	v5 =	vand.u32 $0xFFFF0000, v5;
	[tilespmem:s24+$0x6000] =	vst v4  }
0x57: {  	v63 =	vadd.s32 $0x7FFF, v7;
	[tilespmem:s24+$0x8000] =	vst v5  }
0x58: {  	v4 =	vand.u32 $0xFFFF0000, v63;
	[tilespmem:s24+$0xC000] =	vst v62  }
0x59: {  	s22 =	simm.s32 $0x0;
	[tilespmem:s24+$0xA000] =	vst v4  }
.LBB2_7:
0x5a: {  	v7 =	vxor.u32 $0x80000000, v11  }
.LBB2_8:
0x5b: {  	(xrf0) =	vmin.scan.msk.u32 $0xffff, v7;
	_ =	sdelay $0x5  }
0x5c: {  	v7, _, _ =	vpop (xrf0)  }
0x5d: {  	(v2sf) =	vpush v7, $0xF;
	_ =	sdelay $0xe  }
0x5e: {  	s23 =	spop (v2sf)  }
0x5f: {  	v43 =	vld.msk [tilespmem:s18+$0x0], $0xffff;
	s23 =	sxor.u32 $0x80000000, s23  }
0x60: {  	v8 =	vld [tilespmem:$0xE300];
	p1 =	slt.s32 s23, $0x20  }
0x61: {  	s23 =	simm.s32 @!p1 $0x20  }
0x62: {  	v9 =	vmov s23  }
0x63: {  	v10 =	vld [tilespmem:$0xE310];
	vm1 =	vgt.s32 v9, $0x0  }
0x64: {  	vm3 =	vgt.s32 v9, v2;
	v7 =	vnsel vm1, $0x0, v43  }
0x65: {  	v8 =	vsel vm3, v8, v7  }
0x66: {  	v11 =	vor.u32 $0x10, v2;
	v8 =	vnsel vm1, $0x0, v8  }
0x67: {  	vm2 =	vgt.s32 v9, v11  }
0x68: {  	v7 =	vsel vm2, v10, v7  }
0x69: {  	v7 =	vnsel vm1, $0x0, v7;
	_ =	sdelay $0x1  }
0x6a: {  	v44 =	vld.idx.msk [tilespmem:v8+s1+$0x0], $0xffff  }
0x6b: {  	v45 =	vld.idx.msk [tilespmem:v8+s13+$0x0], $0xffff  }
0x6c: {  	v12 =	vld.idx.msk [tilespmem:v8+s14+$0x0], $0xffff  }
0x6d: {  	v13 =	vld.idx.msk [tilespmem:v7+s1+$0x0], $0xffff  }
0x6e: {  	v14 =	vld.idx.msk [tilespmem:v7+s13+$0x0], $0xffff  }
0x6f: {  	v15 =	vld.idx.msk [tilespmem:v7+s14+$0x0], $0xffff;
	_ =	sdelay $0x1  }
0x70: {  	v10 =	vsub.f32 v44, v5;
	v11 =	vsub.f32 v45, v6  }
0x71: {  	v12 =	vsub.f32 v12, v4;
	v5 =	vsub.f32 v13, v5  }
0x72: {  	v46 =	vsub.f32 v14, v6;
	v10 =	vmul.f32 v10, v10;
	v11 =	vmul.f32 v11, v11  }
0x73: {  	v4 =	vsub.f32 v15, v4;
	v47 =	vmul.f32 v12, v12  }
0x74: {  	v5 =	vmul.f32 v5, v5;
	v6 =	vmul.f32 v46, v46;
	v10 =	vadd.f32 v11, v10;
	_ =	sdelay $0x1  }
0x75: {  	v4 =	vmul.f32 v4, v4;
	v5 =	vadd.f32 v6, v5;
	v10 =	vadd.f32 v47, v10;
	_ =	sdelay $0x1  }
0x76: {  	v4 =	vadd.f32 v4, v5;
	v48 =	vadd.f32 $9.999999960e-13, v10;
	_ =	sdelay $0x1  }
0x77: {  	v4 =	vadd.f32 $9.999999960e-13, v4;
	v5 =	vshra.s32 v48, $0x1;
	v6 =	vmul.f32 $5.000000000e-01, v48  }
0x78: {  	v5 =	vsub.s32 $0x5F3759DF, v5  }
0x79: {  	v50 =	vshra.s32 v4, $0x1;
	v4 =	vmul.f32 $5.000000000e-01, v4;
	v49 =	vmul.f32 v5, v6  }
0x7a: {  	v11 =	vsub.s32 $0x5F3759DF, v50  }
0x7b: {  	v51 =	vmul.f32 v11, v4;
	v10 =	vmul.f32 v5, v49;
	_ =	sdelay $0x1  }
0x7c: {  	v12 =	vmul.f32 v11, v51;
	v10 =	vsub.f32 $1.500000000e+00, v10;
	_ =	sdelay $0x1  }
0x7d: {  	v52 =	vsub.f32 $1.500000000e+00, v12;
	v5 =	vmul.f32 v5, v10;
	_ =	sdelay $0x1  }
0x7e: {  	v10 =	vmul.f32 v11, v52;
	v53 =	vmul.f32 v5, v6;
	_ =	sdelay $0x1  }
0x7f: {  	v55 =	vmul.f32 v10, v4;
	v54 =	vmul.f32 v53, v5;
	_ =	sdelay $0x1  }
0x80: {  	v12 =	vmul.f32 v55, v10;
	v11 =	vsub.f32 $1.500000000e+00, v54;
	_ =	sdelay $0x1  }
0x81: {  	v56 =	vsub.f32 $1.500000000e+00, v12;
	v5 =	vmul.f32 v11, v5;
	_ =	sdelay $0x1  }
0x82: {  	v10 =	vmul.f32 v56, v10;
	v6 =	vmul.f32 v5, v6;
	_ =	sdelay $0x1  }
0x83: {  	v4 =	vmul.f32 v10, v4;
	v6 =	vmul.f32 v6, v5;
	_ =	sdelay $0x1  }
0x84: {  	v4 =	vmul.f32 v4, v10;
	v6 =	vsub.f32 $1.500000000e+00, v6;
	_ =	sdelay $0x1  }
0x85: {  	v4 =	vsub.f32 $1.500000000e+00, v4;
	v5 =	vmul.f32 v6, v5;
	_ =	sdelay $0x1  }
0x86: {  	v4 =	vmul.f32 v4, v10;
	v6 =	vmul.f32 $9.999999930e-09, v5  }
0x87: {  	v9 =	vsub.s32 $0x21, v9  }
0x88: {  	v9 =	vcvt.s32.f32 v9;
	v10 =	vmul.f32 $9.999999930e-09, v4;
	v6 =	vadd.f32 $1.000000000e+00, v6  }
0x89: {  	vm3 =	vmand vm3, vm0  }
0x8a: {  	v57 =	vsel vm3, $0x3F800000, v9;
	v58 =	vadd.f32 $1.000000000e+00, v10;
	(erf) = vrcp.f32 v6  }
0x8b: {  	(erf) = vrcp.f32 v57  }
0x8c: {  	(erf) = vrcp.f32 v58  }
0x8d: {  	v59 =	vsel vm2, $0x3F800000, v9  }
0x8e: {  	(erf) = vrcp.f32 v59;
	_ =	sdelay $0x4  }
0x8f: {  	v60 =	vpop (erf)  }
0x90: {  	v61 =	vpop (erf);
	v5 =	vmul.f32 v60, v5  }
0x91: {  	v62 =	vpop (erf)  }
0x92: {  	v5 =	vmul.f32 v5, v61;
	v4 =	vmul.f32 v62, v4  }
0x93: {  	v63 =	vpop (erf)  }
0x94: {  	v9 =	vadd.f32 $0.0e+00, v5;
	v4 =	vmul.f32 v4, v63;
	_ =	sdelay $0x1  }
0x95: {  	v6 =	vadd.f32 v4, v9;
	_ =	sdelay $0x1  }
0x96: {  	(xrf2) =	vadd.scan.msk.f32 $0xffff, v6;
	_ =	sdelay $0x9  }
0x97: {  	v6, _, _ =	vpop (xrf2)  }
0x98: {  	v6 =	vbroadcast v6, $0xF;
	_ =	sdelay $0x1  }
0x99: {  	(erf) = vrcp.f32 v6;
	_ =	sdelay $0x8  }
0x9a: {  	s31 =	sshll.u32 s22, $0x5;
	s22 =	sadd.s32 $0x1, s22;
	v6 =	vpop (erf)  }
0x9b: {  	p1 =	sne.s32 s22, $0x100;
	v5 =	vmul.f32 v6, v5  }
.Ltmp4:
0x9c: {  	v8 =	vadd.s32 v0, v8;
	v4 =	vmul.f32 v6, v4;
	(pc) =	sbr.rel @!p1 .LBB2_9-.Ltmp4, $4  }
0x9d: {  	[tilespmem:s31+$0xE480] =	vst v8;
	v5 =	vnsel vm1, $0x0, v5  }
0x9e: {  	v4 =	vnsel vm1, $0x0, v4;
	[tilespmem:s31+$0x10480] =	vst v5  }
0x9f: {  	v5 =	vadd.s32 v0, v7;
	[tilespmem:s31+$0x10490] =	vst v4  }
0xa0: {  	[tilespmem:s31+$0xE490] =	vst v5  }
.LBB2_4:
0xa1: {  	v4 =	vmov s22;
	_ =	sdelay $0x2  }
.Ltmp5:
0xa2: {  	_ = 	snop;
	(pc) =	sbr.rel @!p0 .LBB2_8-.Ltmp5, $4  }
0xa3: {  	_ = 	snop  }
0xa4: {  	v5 =	vld.idx.msk [tilespmem:v4+s15+$0x0], $0xffff  }
0xa5: {  	v6 =	vld.idx.msk [tilespmem:v4+s16+$0x0], $0xffff  }
0xa6: {  	v7 =	vimm.s32 $0x80000000;
	v4 =	vld.idx.msk [tilespmem:v4+s17+$0x0], $0xffff  }
0xa7: {  	_ =	sdelay $0x2  }
0xa8: {  	v7 =	vmul.f32 v5, v5;
	v8 =	vmul.f32 v6, v6;
	_ =	sdelay $0x1  }
0xa9: {  	v7 =	vadd.f32 v8, v7;
	v8 =	vmul.f32 v4, v4  }
0xaa: {  	v11 =	vimm.s32 $0x0;
	v9 =	vshrl.u32 v6, $0x10  }
0xab: {  	v10 =	vshrl.u32 v4, $0x10;
	v7 =	vadd.f32 v8, v7;
	v8 =	vshrl.u32 v5, $0x10  }
0xac: {  	v9 =	vand.u32 $0x1, v9;
	v10 =	vand.u32 $0x1, v10;
	v8 =	vand.u32 $0x1, v8  }
0xad: {  	v9 =	vadd.s32 v9, v6;
	v10 =	vadd.s32 v10, v4;
	v8 =	vadd.s32 v8, v5  }
0xae: {  	s23 =	simm.s32 $0xC080;
	s24 =	simm.s32 $0xA080;
	v9 =	vadd.s32 $0x7FFF, v9;
	v10 =	vadd.s32 $0x7FFF, v10;
	v8 =	vadd.s32 $0x7FFF, v8  }
0xaf: {  	s25 =	simm.s32 $0x8080;
	s26 =	simm.s32 $0x6080;
	s28 =	simm.s32 $0x0;
	v9 =	vand.u32 $0xFFFF0000, v9;
	v10 =	vand.u32 $0xFFFF0000, v10;
	v8 =	vand.u32 $0xFFFF0000, v8  }
.LBB2_6:
0xb0: {  	v12 =	vld [tilespmem:s26+$0xFFFFFF80]  }
0xb1: {  	v13 =	vld [tilespmem:s25+$0xFFFFFF80];
	_ =	sdelay $0x1  }
0xb2: {  	v14 =	vld [tilespmem:s24+$0xFFFFFF80];
	_ =	sdelay $0x2  }
0xb3: {  	v12 =	vmul.f32 v8, v12;
	v13 =	vmul.f32 v9, v13  }
0xb4: {  	v15 =	vld [tilespmem:s23+$0xFFFFFF80]  }
0xb5: {  	v51 =	vmul.f32 v10, v14;
	v12 =	vadd.f32 v13, v12;
	_ =	sdelay $0x1  }
0xb6: {  	v12 =	vadd.f32 v51, v12;
	_ =	sdelay $0x1  }
0xb7: {  	v52 =	vadd.f32 v15, v7;
	v12 =	vadd.f32 v12, v12;
	_ =	sdelay $0x1  }
0xb8: {  	v12 =	vsub.f32 v52, v12;
	_ =	sdelay $0x1  }
0xb9: {  	vm1 =	vlt.f32 v12, $3.999999910e-02  }
0xba: {  	v12 =	vsel vm1, $0x1, v1  }
0xbb: {  	(xrf0) =	vadd.scan.msk.s32 $0xffff, v12;
	_ =	sdelay $0x5  }
0xbc: {  	v12, _, _ =	vpop (xrf0)  }
0xbd: {  	v12 =	vadd.s32 v12, v11  }
0xbe: {  	v12 =	vadd.s32 $0xFFFFFFFF, v12;
	_ =	sdelay $0x3  }
0xbf: {  	v53 =	vor.u32 s28, v2  }
0xc0: {  	[tilespmem:v12+s18+$0x0] =	vst.idx.msk vm1, v53  }
0xc1: {  	v12 =	vld [tilespmem:s26+$0xFFFFFF90]  }
0xc2: {  	v13 =	vld [tilespmem:s25+$0xFFFFFF90];
	_ =	sdelay $0x1  }
0xc3: {  	v54 =	vld [tilespmem:s24+$0xFFFFFF90];
	_ =	sdelay $0x2  }
0xc4: {  	v12 =	vmul.f32 v8, v12;
	v13 =	vmul.f32 v9, v13  }
0xc5: {  	v55 =	vld [tilespmem:s23+$0xFFFFFF90]  }
0xc6: {  	v56 =	vmul.f32 v10, v54;
	v12 =	vadd.f32 v13, v12;
	_ =	sdelay $0x1  }
0xc7: {  	v12 =	vadd.f32 v56, v12;
	_ =	sdelay $0x1  }
0xc8: {  	v57 =	vadd.f32 v55, v7;
	v12 =	vadd.f32 v12, v12;
	_ =	sdelay $0x1  }
0xc9: {  	v12 =	vsub.f32 v57, v12;
	_ =	sdelay $0x1  }
0xca: {  	vm2 =	vlt.f32 v12, $3.999999910e-02  }
0xcb: {  	v12 =	vsel vm2, $0x1, v1  }
0xcc: {  	(xrf0) =	vadd.scan.msk.s32 $0xffff, v12;
	_ =	sdelay $0x3  }
0xcd: {  	v58 =	vmpcnt.ones.xlane vm1;
	_ =	sdelay $0x1  }
0xce: {  	v11 =	vadd.s32 v11, v58;
	v59, _, _ =	vpop (xrf0)  }
0xcf: {  	v12 =	vadd.s32 v59, v11  }
0xd0: {  	v12 =	vadd.s32 $0xFFFFFFFF, v12;
	_ =	sdelay $0x2  }
0xd1: {  	s29 =	sadd.s32 $0x10, s28  }
0xd2: {  	v60 =	vor.u32 s29, v2  }
0xd3: {  	[tilespmem:v12+s18+$0x0] =	vst.idx.msk vm2, v60  }
0xd4: {  	v12 =	vld [tilespmem:s26+$0xFFFFFFA0]  }
0xd5: {  	v13 =	vld [tilespmem:s25+$0xFFFFFFA0];
	_ =	sdelay $0x1  }
0xd6: {  	v61 =	vld [tilespmem:s24+$0xFFFFFFA0];
	_ =	sdelay $0x2  }
0xd7: {  	v12 =	vmul.f32 v8, v12;
	v13 =	vmul.f32 v9, v13  }
0xd8: {  	v62 =	vld [tilespmem:s23+$0xFFFFFFA0]  }
0xd9: {  	v63 =	vmul.f32 v10, v61;
	v12 =	vadd.f32 v13, v12;
	_ =	sdelay $0x1  }
0xda: {  	v12 =	vadd.f32 v63, v12;
	_ =	sdelay $0x1  }
0xdb: {  	v16 =	vadd.f32 v62, v7;
	v12 =	vadd.f32 v12, v12;
	_ =	sdelay $0x1  }
0xdc: {  	v12 =	vsub.f32 v16, v12;
	_ =	sdelay $0x1  }
0xdd: {  	vm1 =	vlt.f32 v12, $3.999999910e-02  }
0xde: {  	v12 =	vsel vm1, $0x1, v1  }
0xdf: {  	(xrf0) =	vadd.scan.msk.s32 $0xffff, v12;
	_ =	sdelay $0x3  }
0xe0: {  	v17 =	vmpcnt.ones.xlane vm2;
	_ =	sdelay $0x1  }
0xe1: {  	v11 =	vadd.s32 v11, v17;
	v18, _, _ =	vpop (xrf0)  }
0xe2: {  	v12 =	vadd.s32 v18, v11  }
0xe3: {  	v12 =	vadd.s32 $0xFFFFFFFF, v12;
	_ =	sdelay $0x2  }
0xe4: {  	s30 =	sadd.s32 $0x20, s28  }
0xe5: {  	v19 =	vor.u32 s30, v2  }
0xe6: {  	[tilespmem:v12+s18+$0x0] =	vst.idx.msk vm1, v19  }
0xe7: {  	v12 =	vld [tilespmem:s26+$0xFFFFFFB0]  }
0xe8: {  	v13 =	vld [tilespmem:s25+$0xFFFFFFB0];
	_ =	sdelay $0x1  }
0xe9: {  	v20 =	vld [tilespmem:s24+$0xFFFFFFB0];
	_ =	sdelay $0x2  }
0xea: {  	v12 =	vmul.f32 v8, v12;
	v13 =	vmul.f32 v9, v13  }
0xeb: {  	v21 =	vld [tilespmem:s23+$0xFFFFFFB0]  }
0xec: {  	v22 =	vmul.f32 v10, v20;
	v12 =	vadd.f32 v13, v12;
	_ =	sdelay $0x1  }
0xed: {  	v12 =	vadd.f32 v22, v12;
	_ =	sdelay $0x1  }
0xee: {  	v23 =	vadd.f32 v21, v7;
	v12 =	vadd.f32 v12, v12;
	_ =	sdelay $0x1  }
0xef: {  	v12 =	vsub.f32 v23, v12;
	_ =	sdelay $0x1  }
0xf0: {  	vm2 =	vlt.f32 v12, $3.999999910e-02  }
0xf1: {  	v12 =	vsel vm2, $0x1, v1  }
0xf2: {  	(xrf0) =	vadd.scan.msk.s32 $0xffff, v12;
	_ =	sdelay $0x3  }
0xf3: {  	v24 =	vmpcnt.ones.xlane vm1;
	_ =	sdelay $0x1  }
0xf4: {  	v11 =	vadd.s32 v11, v24;
	v25, _, _ =	vpop (xrf0)  }
0xf5: {  	v12 =	vadd.s32 v25, v11  }
0xf6: {  	v12 =	vadd.s32 $0xFFFFFFFF, v12;
	_ =	sdelay $0x2  }
0xf7: {  	s31 =	sadd.s32 $0x30, s28  }
0xf8: {  	v26 =	vor.u32 s31, v2  }
0xf9: {  	[tilespmem:v12+s18+$0x0] =	vst.idx.msk vm2, v26  }
0xfa: {  	v12 =	vld [tilespmem:s26+$0xFFFFFFC0]  }
0xfb: {  	v13 =	vld [tilespmem:s25+$0xFFFFFFC0];
	_ =	sdelay $0x1  }
0xfc: {  	v27 =	vld [tilespmem:s24+$0xFFFFFFC0];
	_ =	sdelay $0x2  }
0xfd: {  	v12 =	vmul.f32 v8, v12;
	v13 =	vmul.f32 v9, v13  }
0xfe: {  	v28 =	vld [tilespmem:s23+$0xFFFFFFC0]  }
0xff: {  	v29 =	vmul.f32 v10, v27;
	v12 =	vadd.f32 v13, v12;
	_ =	sdelay $0x1  }
0x100: {  	v12 =	vadd.f32 v29, v12;
	_ =	sdelay $0x1  }
0x101: {  	v30 =	vadd.f32 v28, v7;
	v12 =	vadd.f32 v12, v12;
	_ =	sdelay $0x1  }
0x102: {  	v12 =	vsub.f32 v30, v12;
	_ =	sdelay $0x1  }
0x103: {  	vm1 =	vlt.f32 v12, $3.999999910e-02  }
0x104: {  	v12 =	vsel vm1, $0x1, v1  }
0x105: {  	(xrf0) =	vadd.scan.msk.s32 $0xffff, v12;
	_ =	sdelay $0x3  }
0x106: {  	v31 =	vmpcnt.ones.xlane vm2;
	_ =	sdelay $0x1  }
0x107: {  	v11 =	vadd.s32 v11, v31;
	v32, _, _ =	vpop (xrf0)  }
0x108: {  	v12 =	vadd.s32 v32, v11  }
0x109: {  	v12 =	vadd.s32 $0xFFFFFFFF, v12;
	_ =	sdelay $0x2  }
0x10a: {  	s30 =	sadd.s32 $0x40, s28  }
0x10b: {  	v33 =	vor.u32 s30, v2  }
0x10c: {  	[tilespmem:v12+s18+$0x0] =	vst.idx.msk vm1, v33  }
0x10d: {  	v12 =	vld [tilespmem:s26+$0xFFFFFFD0]  }
0x10e: {  	v13 =	vld [tilespmem:s25+$0xFFFFFFD0];
	_ =	sdelay $0x1  }
0x10f: {  	v34 =	vld [tilespmem:s24+$0xFFFFFFD0];
	_ =	sdelay $0x2  }
0x110: {  	v12 =	vmul.f32 v8, v12;
	v13 =	vmul.f32 v9, v13  }
0x111: {  	v35 =	vld [tilespmem:s23+$0xFFFFFFD0]  }
0x112: {  	v36 =	vmul.f32 v10, v34;
	v12 =	vadd.f32 v13, v12;
	_ =	sdelay $0x1  }
0x113: {  	v12 =	vadd.f32 v36, v12;
	_ =	sdelay $0x1  }
0x114: {  	v37 =	vadd.f32 v35, v7;
	v12 =	vadd.f32 v12, v12;
	_ =	sdelay $0x1  }
0x115: {  	v12 =	vsub.f32 v37, v12;
	_ =	sdelay $0x1  }
0x116: {  	vm2 =	vlt.f32 v12, $3.999999910e-02  }
0x117: {  	v12 =	vsel vm2, $0x1, v1  }
0x118: {  	(xrf0) =	vadd.scan.msk.s32 $0xffff, v12;
	_ =	sdelay $0x3  }
0x119: {  	v38 =	vmpcnt.ones.xlane vm1;
	_ =	sdelay $0x1  }
0x11a: {  	v11 =	vadd.s32 v11, v38;
	v39, _, _ =	vpop (xrf0)  }
0x11b: {  	v12 =	vadd.s32 v39, v11  }
0x11c: {  	v12 =	vadd.s32 $0xFFFFFFFF, v12;
	_ =	sdelay $0x2  }
0x11d: {  	s31 =	sadd.s32 $0x50, s28  }
0x11e: {  	v40 =	vor.u32 s31, v2  }
0x11f: {  	[tilespmem:v12+s18+$0x0] =	vst.idx.msk vm2, v40  }
0x120: {  	v12 =	vld [tilespmem:s26+$0xFFFFFFE0]  }
0x121: {  	v13 =	vld [tilespmem:s25+$0xFFFFFFE0];
	_ =	sdelay $0x1  }
0x122: {  	v41 =	vld [tilespmem:s24+$0xFFFFFFE0];
	_ =	sdelay $0x2  }
0x123: {  	v12 =	vmul.f32 v8, v12;
	v13 =	vmul.f32 v9, v13  }
0x124: {  	v42 =	vld [tilespmem:s23+$0xFFFFFFE0]  }
0x125: {  	v43 =	vmul.f32 v10, v41;
	v12 =	vadd.f32 v13, v12;
	_ =	sdelay $0x1  }
0x126: {  	v12 =	vadd.f32 v43, v12;
	_ =	sdelay $0x1  }
0x127: {  	v44 =	vadd.f32 v42, v7;
	v12 =	vadd.f32 v12, v12;
	_ =	sdelay $0x1  }
0x128: {  	v12 =	vsub.f32 v44, v12;
	_ =	sdelay $0x1  }
0x129: {  	vm1 =	vlt.f32 v12, $3.999999910e-02  }
0x12a: {  	v12 =	vsel vm1, $0x1, v1  }
0x12b: {  	(xrf0) =	vadd.scan.msk.s32 $0xffff, v12;
	_ =	sdelay $0x3  }
0x12c: {  	v45 =	vmpcnt.ones.xlane vm2;
	_ =	sdelay $0x1  }
0x12d: {  	v11 =	vadd.s32 v11, v45;
	v46, _, _ =	vpop (xrf0)  }
0x12e: {  	v12 =	vadd.s32 v46, v11  }
0x12f: {  	v12 =	vadd.s32 $0xFFFFFFFF, v12;
	_ =	sdelay $0x2  }
0x130: {  	s30 =	sadd.s32 $0x60, s28  }
0x131: {  	v47 =	vor.u32 s30, v2  }
0x132: {  	[tilespmem:v12+s18+$0x0] =	vst.idx.msk vm1, v47  }
0x133: {  	v12 =	vld [tilespmem:s26+$0xFFFFFFF0]  }
0x134: {  	v13 =	vld [tilespmem:s25+$0xFFFFFFF0];
	_ =	sdelay $0x1  }
0x135: {  	v48 =	vld [tilespmem:s24+$0xFFFFFFF0];
	_ =	sdelay $0x2  }
0x136: {  	v12 =	vmul.f32 v8, v12;
	v13 =	vmul.f32 v9, v13  }
0x137: {  	v49 =	vld [tilespmem:s23+$0xFFFFFFF0]  }
0x138: {  	v50 =	vmul.f32 v10, v48;
	v12 =	vadd.f32 v13, v12;
	_ =	sdelay $0x1  }
0x139: {  	v12 =	vadd.f32 v50, v12;
	_ =	sdelay $0x1  }
0x13a: {  	v51 =	vadd.f32 v49, v7;
	v12 =	vadd.f32 v12, v12;
	_ =	sdelay $0x1  }
0x13b: {  	v12 =	vsub.f32 v51, v12;
	_ =	sdelay $0x1  }
0x13c: {  	vm2 =	vlt.f32 v12, $3.999999910e-02  }
0x13d: {  	v12 =	vsel vm2, $0x1, v1  }
0x13e: {  	(xrf0) =	vadd.scan.msk.s32 $0xffff, v12;
	_ =	sdelay $0x3  }
0x13f: {  	v52 =	vmpcnt.ones.xlane vm1;
	_ =	sdelay $0x1  }
0x140: {  	v11 =	vadd.s32 v11, v52;
	v53, _, _ =	vpop (xrf0)  }
0x141: {  	v12 =	vadd.s32 v53, v11  }
0x142: {  	v12 =	vadd.s32 $0xFFFFFFFF, v12;
	_ =	sdelay $0x2  }
0x143: {  	s31 =	sadd.s32 $0x70, s28  }
0x144: {  	v54 =	vor.u32 s31, v2  }
0x145: {  	[tilespmem:v12+s18+$0x0] =	vst.idx.msk vm2, v54  }
0x146: {  	v12 =	vld [tilespmem:s26+$0x0]  }
0x147: {  	v13 =	vld [tilespmem:s25+$0x0];
	_ =	sdelay $0x1  }
0x148: {  	v55 =	vld [tilespmem:s24+$0x0];
	_ =	sdelay $0x2  }
0x149: {  	v12 =	vmul.f32 v8, v12;
	v13 =	vmul.f32 v9, v13  }
0x14a: {  	v56 =	vld [tilespmem:s23+$0x0]  }
0x14b: {  	v57 =	vmul.f32 v10, v55;
	v12 =	vadd.f32 v13, v12;
	_ =	sdelay $0x1  }
0x14c: {  	v12 =	vadd.f32 v57, v12;
	_ =	sdelay $0x1  }
0x14d: {  	v58 =	vadd.f32 v56, v7;
	v12 =	vadd.f32 v12, v12;
	_ =	sdelay $0x1  }
0x14e: {  	v12 =	vsub.f32 v58, v12;
	_ =	sdelay $0x1  }
0x14f: {  	vm1 =	vlt.f32 v12, $3.999999910e-02  }
0x150: {  	v12 =	vsel vm1, $0x1, v1  }
0x151: {  	(xrf0) =	vadd.scan.msk.s32 $0xffff, v12;
	_ =	sdelay $0x3  }
0x152: {  	v59 =	vmpcnt.ones.xlane vm2;
	_ =	sdelay $0x1  }
0x153: {  	v11 =	vadd.s32 v11, v59;
	v60, _, _ =	vpop (xrf0)  }
0x154: {  	v12 =	vadd.s32 v60, v11  }
0x155: {  	v12 =	vadd.s32 $0xFFFFFFFF, v12;
	_ =	sdelay $0x2  }
0x156: {  	s30 =	sadd.s32 $0x80, s28  }
0x157: {  	v61 =	vor.u32 s30, v2  }
0x158: {  	[tilespmem:v12+s18+$0x0] =	vst.idx.msk vm1, v61  }
0x159: {  	v12 =	vld [tilespmem:s26+$0x10]  }
0x15a: {  	v13 =	vld [tilespmem:s25+$0x10];
	_ =	sdelay $0x1  }
0x15b: {  	v62 =	vld [tilespmem:s24+$0x10];
	_ =	sdelay $0x2  }
0x15c: {  	v12 =	vmul.f32 v8, v12;
	v13 =	vmul.f32 v9, v13  }
0x15d: {  	v63 =	vld [tilespmem:s23+$0x10]  }
0x15e: {  	v16 =	vmul.f32 v10, v62;
	v12 =	vadd.f32 v13, v12;
	_ =	sdelay $0x1  }
0x15f: {  	v12 =	vadd.f32 v16, v12;
	_ =	sdelay $0x1  }
0x160: {  	v17 =	vadd.f32 v63, v7;
	v12 =	vadd.f32 v12, v12;
	_ =	sdelay $0x1  }
0x161: {  	v12 =	vsub.f32 v17, v12;
	_ =	sdelay $0x1  }
0x162: {  	vm2 =	vlt.f32 v12, $3.999999910e-02  }
0x163: {  	v12 =	vsel vm2, $0x1, v1  }
0x164: {  	(xrf0) =	vadd.scan.msk.s32 $0xffff, v12;
	_ =	sdelay $0x3  }
0x165: {  	v18 =	vmpcnt.ones.xlane vm1;
	_ =	sdelay $0x1  }
0x166: {  	v11 =	vadd.s32 v11, v18;
	v19, _, _ =	vpop (xrf0)  }
0x167: {  	v12 =	vadd.s32 v19, v11  }
0x168: {  	v12 =	vadd.s32 $0xFFFFFFFF, v12;
	_ =	sdelay $0x2  }
0x169: {  	s31 =	sadd.s32 $0x90, s28  }
0x16a: {  	v20 =	vor.u32 s31, v2  }
0x16b: {  	[tilespmem:v12+s18+$0x0] =	vst.idx.msk vm2, v20  }
0x16c: {  	v12 =	vld [tilespmem:s26+$0x20]  }
0x16d: {  	v13 =	vld [tilespmem:s25+$0x20];
	_ =	sdelay $0x1  }
0x16e: {  	v21 =	vld [tilespmem:s24+$0x20];
	_ =	sdelay $0x2  }
0x16f: {  	v12 =	vmul.f32 v8, v12;
	v13 =	vmul.f32 v9, v13  }
0x170: {  	v22 =	vld [tilespmem:s23+$0x20]  }
0x171: {  	v23 =	vmul.f32 v10, v21;
	v12 =	vadd.f32 v13, v12;
	_ =	sdelay $0x1  }
0x172: {  	v12 =	vadd.f32 v23, v12;
	_ =	sdelay $0x1  }
0x173: {  	v24 =	vadd.f32 v22, v7;
	v12 =	vadd.f32 v12, v12;
	_ =	sdelay $0x1  }
0x174: {  	v12 =	vsub.f32 v24, v12;
	_ =	sdelay $0x1  }
0x175: {  	vm1 =	vlt.f32 v12, $3.999999910e-02  }
0x176: {  	v12 =	vsel vm1, $0x1, v1  }
0x177: {  	(xrf0) =	vadd.scan.msk.s32 $0xffff, v12;
	_ =	sdelay $0x3  }
0x178: {  	v25 =	vmpcnt.ones.xlane vm2;
	_ =	sdelay $0x1  }
0x179: {  	v11 =	vadd.s32 v11, v25;
	v26, _, _ =	vpop (xrf0)  }
0x17a: {  	v12 =	vadd.s32 v26, v11  }
0x17b: {  	v12 =	vadd.s32 $0xFFFFFFFF, v12;
	_ =	sdelay $0x2  }
0x17c: {  	s30 =	sadd.s32 $0xA0, s28  }
0x17d: {  	v27 =	vor.u32 s30, v2  }
0x17e: {  	[tilespmem:v12+s18+$0x0] =	vst.idx.msk vm1, v27  }
0x17f: {  	v12 =	vld [tilespmem:s26+$0x30]  }
0x180: {  	v13 =	vld [tilespmem:s25+$0x30];
	_ =	sdelay $0x1  }
0x181: {  	v28 =	vld [tilespmem:s24+$0x30];
	_ =	sdelay $0x2  }
0x182: {  	v12 =	vmul.f32 v8, v12;
	v13 =	vmul.f32 v9, v13  }
0x183: {  	v29 =	vld [tilespmem:s23+$0x30]  }
0x184: {  	v30 =	vmul.f32 v10, v28;
	v12 =	vadd.f32 v13, v12;
	_ =	sdelay $0x1  }
0x185: {  	v12 =	vadd.f32 v30, v12;
	_ =	sdelay $0x1  }
0x186: {  	v31 =	vadd.f32 v29, v7;
	v12 =	vadd.f32 v12, v12;
	_ =	sdelay $0x1  }
0x187: {  	v12 =	vsub.f32 v31, v12;
	_ =	sdelay $0x1  }
0x188: {  	vm2 =	vlt.f32 v12, $3.999999910e-02  }
0x189: {  	v12 =	vsel vm2, $0x1, v1  }
0x18a: {  	(xrf0) =	vadd.scan.msk.s32 $0xffff, v12;
	_ =	sdelay $0x3  }
0x18b: {  	v32 =	vmpcnt.ones.xlane vm1;
	_ =	sdelay $0x1  }
0x18c: {  	v11 =	vadd.s32 v11, v32;
	v33, _, _ =	vpop (xrf0)  }
0x18d: {  	v12 =	vadd.s32 v33, v11  }
0x18e: {  	v12 =	vadd.s32 $0xFFFFFFFF, v12;
	_ =	sdelay $0x2  }
0x18f: {  	s31 =	sadd.s32 $0xB0, s28  }
0x190: {  	v34 =	vor.u32 s31, v2  }
0x191: {  	[tilespmem:v12+s18+$0x0] =	vst.idx.msk vm2, v34  }
0x192: {  	v12 =	vld [tilespmem:s26+$0x40]  }
0x193: {  	v13 =	vld [tilespmem:s25+$0x40];
	_ =	sdelay $0x1  }
0x194: {  	v35 =	vld [tilespmem:s24+$0x40];
	_ =	sdelay $0x2  }
0x195: {  	v12 =	vmul.f32 v8, v12;
	v13 =	vmul.f32 v9, v13  }
0x196: {  	v36 =	vld [tilespmem:s23+$0x40]  }
0x197: {  	v37 =	vmul.f32 v10, v35;
	v12 =	vadd.f32 v13, v12;
	_ =	sdelay $0x1  }
0x198: {  	v12 =	vadd.f32 v37, v12;
	_ =	sdelay $0x1  }
0x199: {  	v38 =	vadd.f32 v36, v7;
	v12 =	vadd.f32 v12, v12;
	_ =	sdelay $0x1  }
0x19a: {  	v12 =	vsub.f32 v38, v12;
	_ =	sdelay $0x1  }
0x19b: {  	vm1 =	vlt.f32 v12, $3.999999910e-02  }
0x19c: {  	v12 =	vsel vm1, $0x1, v1  }
0x19d: {  	(xrf0) =	vadd.scan.msk.s32 $0xffff, v12;
	_ =	sdelay $0x3  }
0x19e: {  	v39 =	vmpcnt.ones.xlane vm2;
	_ =	sdelay $0x1  }
0x19f: {  	v11 =	vadd.s32 v11, v39;
	v40, _, _ =	vpop (xrf0)  }
0x1a0: {  	v12 =	vadd.s32 v40, v11  }
0x1a1: {  	v12 =	vadd.s32 $0xFFFFFFFF, v12;
	_ =	sdelay $0x2  }
0x1a2: {  	s30 =	sadd.s32 $0xC0, s28  }
0x1a3: {  	v41 =	vor.u32 s30, v2  }
0x1a4: {  	[tilespmem:v12+s18+$0x0] =	vst.idx.msk vm1, v41  }
0x1a5: {  	v12 =	vld [tilespmem:s26+$0x50]  }
0x1a6: {  	v13 =	vld [tilespmem:s25+$0x50];
	_ =	sdelay $0x1  }
0x1a7: {  	v42 =	vld [tilespmem:s24+$0x50];
	_ =	sdelay $0x2  }
0x1a8: {  	v12 =	vmul.f32 v8, v12;
	v13 =	vmul.f32 v9, v13  }
0x1a9: {  	v43 =	vld [tilespmem:s23+$0x50]  }
0x1aa: {  	v44 =	vmul.f32 v10, v42;
	v12 =	vadd.f32 v13, v12;
	_ =	sdelay $0x1  }
0x1ab: {  	v12 =	vadd.f32 v44, v12;
	_ =	sdelay $0x1  }
0x1ac: {  	v45 =	vadd.f32 v43, v7;
	v12 =	vadd.f32 v12, v12;
	_ =	sdelay $0x1  }
0x1ad: {  	v12 =	vsub.f32 v45, v12;
	_ =	sdelay $0x1  }
0x1ae: {  	vm2 =	vlt.f32 v12, $3.999999910e-02  }
0x1af: {  	v12 =	vsel vm2, $0x1, v1  }
0x1b0: {  	(xrf0) =	vadd.scan.msk.s32 $0xffff, v12;
	_ =	sdelay $0x3  }
0x1b1: {  	v46 =	vmpcnt.ones.xlane vm1;
	_ =	sdelay $0x1  }
0x1b2: {  	v11 =	vadd.s32 v11, v46;
	v47, _, _ =	vpop (xrf0)  }
0x1b3: {  	v12 =	vadd.s32 v47, v11  }
0x1b4: {  	v12 =	vadd.s32 $0xFFFFFFFF, v12;
	_ =	sdelay $0x2  }
0x1b5: {  	s31 =	sadd.s32 $0xD0, s28  }
0x1b6: {  	v48 =	vor.u32 s31, v2  }
0x1b7: {  	[tilespmem:v12+s18+$0x0] =	vst.idx.msk vm2, v48  }
0x1b8: {  	v12 =	vld [tilespmem:s26+$0x60]  }
0x1b9: {  	v13 =	vld [tilespmem:s25+$0x60];
	_ =	sdelay $0x1  }
0x1ba: {  	v49 =	vld [tilespmem:s24+$0x60];
	_ =	sdelay $0x2  }
0x1bb: {  	v12 =	vmul.f32 v8, v12;
	v13 =	vmul.f32 v9, v13  }
0x1bc: {  	v50 =	vld [tilespmem:s23+$0x60]  }
0x1bd: {  	v51 =	vmul.f32 v10, v49;
	v12 =	vadd.f32 v13, v12;
	_ =	sdelay $0x1  }
0x1be: {  	v12 =	vadd.f32 v51, v12;
	_ =	sdelay $0x1  }
0x1bf: {  	v52 =	vadd.f32 v50, v7;
	v12 =	vadd.f32 v12, v12;
	_ =	sdelay $0x1  }
0x1c0: {  	v12 =	vsub.f32 v52, v12;
	_ =	sdelay $0x1  }
0x1c1: {  	vm1 =	vlt.f32 v12, $3.999999910e-02  }
0x1c2: {  	v12 =	vsel vm1, $0x1, v1  }
0x1c3: {  	(xrf0) =	vadd.scan.msk.s32 $0xffff, v12;
	_ =	sdelay $0x3  }
0x1c4: {  	v53 =	vmpcnt.ones.xlane vm2;
	_ =	sdelay $0x1  }
0x1c5: {  	v11 =	vadd.s32 v11, v53;
	v54, _, _ =	vpop (xrf0)  }
0x1c6: {  	v12 =	vadd.s32 v54, v11  }
0x1c7: {  	v12 =	vadd.s32 $0xFFFFFFFF, v12;
	_ =	sdelay $0x2  }
0x1c8: {  	s30 =	sadd.s32 $0xE0, s28  }
0x1c9: {  	v55 =	vor.u32 s30, v2  }
0x1ca: {  	[tilespmem:v12+s18+$0x0] =	vst.idx.msk vm1, v55  }
0x1cb: {  	v12 =	vld [tilespmem:s26+$0x70]  }
0x1cc: {  	v13 =	vld [tilespmem:s25+$0x70];
	_ =	sdelay $0x1  }
0x1cd: {  	v56 =	vld [tilespmem:s24+$0x70];
	_ =	sdelay $0x2  }
0x1ce: {  	v12 =	vmul.f32 v8, v12;
	v13 =	vmul.f32 v9, v13  }
0x1cf: {  	v57 =	vld [tilespmem:s23+$0x70]  }
0x1d0: {  	v58 =	vmul.f32 v10, v56;
	v12 =	vadd.f32 v13, v12;
	_ =	sdelay $0x1  }
0x1d1: {  	v12 =	vadd.f32 v58, v12;
	_ =	sdelay $0x1  }
0x1d2: {  	v59 =	vadd.f32 v57, v7;
	v12 =	vadd.f32 v12, v12;
	_ =	sdelay $0x1  }
0x1d3: {  	v12 =	vsub.f32 v59, v12;
	_ =	sdelay $0x1  }
0x1d4: {  	v60 =	vmpcnt.ones.xlane vm1;
	vm1 =	vlt.f32 v12, $3.999999910e-02  }
0x1d5: {  	v12 =	vmpcnt.ones.xlane vm1  }
0x1d6: {  	v13 =	vadd.s32 v11, v60  }
0x1d7: {  	v11 =	vadd.s32 v13, v12  }
0x1d8: {  	v61 =	vsel vm1, $0x1, v1;
	vm2 =	vlt.s32 v11, $0x20  }
0x1d9: {  	(xrf0) =	vadd.scan.msk.s32 $0xffff, v61;
	v62 =	vsel vm2, $0x3F800000, v3  }
0x1da: {  	(xrf0) =	vmin.scan.msk.f32 $0xffff, v62;
	_ =	sdelay $0x4  }
0x1db: {  	v12, _, _ =	vpop (xrf0)  }
0x1dc: {  	v14, _, _ =	vpop (xrf0)  }
0x1dd: {  	(v2sf) =	vpush v14, $0xF;
	_ =	sdelay $0xe  }
0x1de: {  	p1 =	sgt.u32 s28, $0x1EFF;
	s29 =	spop (v2sf)  }
0x1df: {  	p2 =	sgt.f32 @!p1 s29, $0.0e+00  }
0x1e0: {  	v12 =	vadd.s32 v12, v13  }
0x1e1: {  	v12 =	vadd.s32 $0xFFFFFFFF, v12;
	p1 =	por p1, !p2  }
.Ltmp6:
0x1e2: {  	_ = 	snop;
	(pc) =	sbr.rel @!p1 .LBB2_6-.Ltmp6, $4  }
0x1e3: {  	_ = 	snop  }
0x1e4: {  	s31 =	sadd.s32 $0xF0, s28  }
0x1e5: {  	s28 =	sadd.s32 $0x100, s28;
	v63 =	vor.u32 s31, v2;
	s23 =	sadd.s32 $0x100, s23  }
0x1e6: {  	s24 =	sadd.s32 $0x100, s24;
	s25 =	sadd.s32 $0x100, s25;
	s26 =	sadd.s32 $0x100, s26;
	[tilespmem:v12+s18+$0x0] =	vst.idx.msk vm1, v63  }
.Ltmp7:
0x1e7: {  	_ = 	snop;
	(pc) =	sbr.rel .LBB2_7-.Ltmp7, $1  }
0x1e8: {  	_ =	sdelay $0x3  }
.LBB2_10:
0x1e9: {  	_ =	sfence.sel $0x180000  }
0x1ea: {  	[bflag:$0x0] =	sbarrier.arrive $0xFFFF  }
0x1eb: {  	p0 =	sne.s32 s2, $0x0;
	_ =	strace $0x90000047  }
0x1ec: {  	s0 =	sadd.s32 @!p0 $0x100000, s0;
	[bflag:$0x2] =	sbarrier.arrive $0xFFFF  }
0x1ed: {  	[sflag:s0] =	ssyncadd.tile.s32 @!p0 $0x1;
	_ =	shalt  }
.Lfunc_end2:
_tile_overlayer_lowered:
.L_overlay_start_2:
0x1ee: {  	(tag) =	ssettag $0x2  }
0x1ef: {  	s0 =	rddreg [dreg:$0x0];
	s2 =	stileid.u32  }
0x1f0: {  	s1 =	rddreg [dreg:$0x1];
	p0 =	sne.s32 s2, $0x0  }
0x1f1: {  	s3 =	rddreg [dreg:$0x2];
	[bflag:$0x3] =	sbarrier.arrive $0xFFFF;
	s2 =	simm.s32 @!p0 $0x1C01  }
0x1f2: {  	[timem:s3], [sflag:s2] =	dma.local @!p0 [hbm:s0], s1  }
0x1f3: {  	s0 =	simm.s32 @!p0 $0x1  }
0x1f4: {  	_ =	swait.ge @!p0 [sflag:s0], s1  }
0x1f5: {  	s1 =	ssub.s32 @!p0 $0x0, s1;
	[sflag:s0] =	ssyncset.done @!p0 $0x0  }
0x1f6: {  	[sflag:s0] =	ssyncadd.s32 @!p0 s1  }
0x1f7: {  	[bflag:$0x3] =	sbarrier.arrive $0xFFFF  }
0x1f8: {  	_ =	shalt  }

// kernel: kernel.9.cloned.1.call-start
scs
__scs_entry_jumppad:
0x0: {  	(pc) =	sbr.rel $0x88, $3  }
0x1: {  	(tag) =	ssettag $0x0;
	lr =	simm.s32 $0x1  }
0x2: {  	[smem:$0x3F98] =	sst lr;
	_ =	strace $0xD0000000  }
0x3: {  	_ = 	snop  }
0x4: {  	_ = 	snop  }
0x5: {  	_ = 	snop  }
0x6: {  	_ = 	snop  }
0x7: {  	_ = 	snop  }
__scs_overlays_trampoline_lowered:
0x8: {  	[smem:$0x3FA7] =	sst s0  }
0x9: {  	[smem:$0x3FA8] =	sst s1  }
0xa: {  	[smem:$0x3FA9] =	sst s2  }
0xb: {  	[smem:$0x3FAA] =	sst s3  }
0xc: {  	[smem:$0x3FAB] =	sst s4  }
0xd: {  	[smem:$0x3FAC] =	sst s5  }
0xe: {  	[smem:$0x3FAD] =	sst s6  }
0xf: {  	[smem:$0x3FAE] =	sst s7  }
0x10: {  	[smem:$0x3FAF] =	sst s8  }
0x11: {  	[smem:$0x3FB0] =	sst s9;
	s0 =	simm.s32 @!p0 $0x0  }
0x12: {  	s1 =	sld [smem:$0x3F96];
	s0 =	simm.s32 @p0 $0x1  }
0x13: {  	[smem:$0x3FB1] =	sst s0;
	s0 =	simm.s32 @!p1 $0x0  }
0x14: {  	s2 =	sld [smem:$0x3F95];
	s0 =	simm.s32 @p1 $0x1  }
0x15: {  	[smem:$0x3FB2] =	sst s0;
	s0 =	simm.s32 @!p2 $0x0  }
0x16: {  	s3 =	sld [smem:$0x3FDB];
	s0 =	simm.s32 @p2 $0x1  }
0x17: {  	s4 =	simm.s32 $0x1BF5;
	[smem:$0x3FB4] =	sst s0  }
0x18: {  	s0 =	sld [smem:$0x3F97];
	_ =	swait.ge [sflag:s4], $0x0  }
0x19: {  	s7 =	sld [smem:$0x3F98]  }
0x1a: {  	s8 =	sadd.s32 $0xFFFFE003, lr  }
0x1b: {  	s9 =	sadd.s32 $0xFFFFFEF7, lr;
	s5 =	simm.s32 $0xFFFFFFFF;
	p2 =	slt.u32 s8, $0xFFFFF086  }
0x1c: {  	p1 =	slt.u32 s9, $0xF7A;
	s5 =	simm.s32 @!p2 $0x0  }
0x1d: {  	s5 =	simm.s32 @p1 $0x1;
	p0 =	seq.s32 s7, s2  }
0x1e: {  	s7 =	smul.u32 @!p0 $0xF7A, s2;
	p2 =	seq.s32 @!p0 s5, $0x0  }
0x1f: {  	s9 =	smul.u32 $0xF7A, s1;
	s8 =	simm.s32 @!p0 $0x1BF5;
	p2 =	por !p2, p0  }
0x20: {  	[sflag:s8] =	ssyncset.s32 @!p0 $0xFFFFF086;
	s6 =	sadd.s32 @!p0 s3, s7;
	s7 =	simm.s32 @!p0 $0x108  }
0x21: {  	s3 =	sadd.s32 s3, s9;
	s6 =	sadd.s32 @!p0 $0x88, s6;
	s7 =	simm.s32 @p2 $0x1082  }
0x22: {  	[simem:s7], [sflag:s8] =	dma.local @!p0 [hbm:s6], $0xF7A  }
0x23: {  	s9 =	sor.u32 $0xD0000000, s2;
	s6 =	simm.s32 $0x108;
	_ =	swait.ge @!p0 [sflag:s8], $0x0  }
0x24: {  	s3 =	sadd.s32 $0x88, s3;
	s6 =	simm.s32 @!p1 $0x1082;
	[sflag:s4] =	ssyncset.s32 $0xFFFFF086  }
0x25: {  	[simem:s6], [sflag:s4] =	dma.local [hbm:s3], $0xF7A  }
0x26: {  	[smem:$0x3F98] =	sst s1;
	(tag) =	ssettag s2;
	_ =	strace s9  }
0x27: {  	s1 =	sld [smem:$0x3FA8]  }
0x28: {  	s2 =	sld [smem:$0x3FA9]  }
0x29: {  	s4 =	sld [smem:$0x3FAB]  }
0x2a: {  	p0 =	seq.s32 s5, $0x0;
	s5 =	sld [smem:$0x3FAC]  }
0x2b: {  	s6 =	sld [smem:$0x3FAD]  }
0x2c: {  	s7 =	sld [smem:$0x3FAE]  }
0x2d: {  	s3 =	simm.s32 $0x108;
	s8 =	sld [smem:$0x3FAF]  }
0x2e: {  	s3 =	simm.s32 @!p0 $0x1082;
	s9 =	sld [smem:$0x3FB0]  }
0x2f: {  	lr =	sadd.s32 s0, s3;
	s0 =	sld [smem:$0x3FA7]  }
0x30: {  	s3 =	sld [smem:$0x3FAA]  }
0x31: {  	[smem:$0x3FB3] =	sst s10  }
0x32: {  	s10 =	sld [smem:$0x3FB1];
	_ =	sdelay $0x3  }
0x33: {  	p0 =	seq.s32 s10, $0x1;
	s10 =	sld [smem:$0x3FB3];
	_ =	sdelay $0x3  }
0x34: {  	[smem:$0x3FB3] =	sst s10  }
0x35: {  	s10 =	sld [smem:$0x3FB2];
	_ =	sdelay $0x3  }
0x36: {  	p1 =	seq.s32 s10, $0x1;
	s10 =	sld [smem:$0x3FB3];
	_ =	sdelay $0x3  }
0x37: {  	[smem:$0x3FB3] =	sst s10  }
0x38: {  	s10 =	sld [smem:$0x3FB4]  }
0x39: {  	_ = 	snop;
	(pc) =	sbr.ind lr, $3  }
0x3a: {  	_ = 	snop  }
0x3b: {  	_ = 	snop  }
0x3c: {  	p2 =	seq.s32 s10, $0x1;
	s10 =	sld [smem:$0x3FB3]  }
0x3d: {  	_ =	shalt  }
0x3e: {  	_ =	shalt  }
0x3f: {  	_ =	shalt  }
0x40: {  	_ =	shalt  }
0x41: {  	_ =	shalt  }
0x42: {  	_ =	shalt  }
0x43: {  	_ =	shalt  }
0x44: {  	_ =	shalt  }
0x45: {  	_ =	shalt  }
0x46: {  	_ =	shalt  }
0x47: {  	_ =	shalt  }
0x48: {  	_ =	shalt  }
0x49: {  	_ =	shalt  }
0x4a: {  	_ =	shalt  }
0x4b: {  	_ =	shalt  }
0x4c: {  	_ =	shalt  }
0x4d: {  	_ =	shalt  }
0x4e: {  	_ =	shalt  }
0x4f: {  	_ =	shalt  }
0x50: {  	_ =	shalt  }
0x51: {  	_ =	shalt  }
0x52: {  	_ =	shalt  }
0x53: {  	_ =	shalt  }
0x54: {  	_ =	shalt  }
0x55: {  	_ =	shalt  }
0x56: {  	_ =	shalt  }
0x57: {  	_ =	shalt  }
0x58: {  	_ =	shalt  }
0x59: {  	_ =	shalt  }
0x5a: {  	_ =	shalt  }
0x5b: {  	_ =	shalt  }
0x5c: {  	_ =	shalt  }
0x5d: {  	_ =	shalt  }
0x5e: {  	_ =	shalt  }
0x5f: {  	_ =	shalt  }
0x60: {  	_ =	shalt  }
0x61: {  	_ =	shalt  }
0x62: {  	_ =	shalt  }
0x63: {  	_ =	shalt  }
0x64: {  	_ =	shalt  }
0x65: {  	_ =	shalt  }
0x66: {  	_ =	shalt  }
0x67: {  	_ =	shalt  }
0x68: {  	_ =	shalt  }
0x69: {  	_ =	shalt  }
0x6a: {  	_ =	shalt  }
0x6b: {  	_ =	shalt  }
0x6c: {  	_ =	shalt  }
0x6d: {  	_ =	shalt  }
0x6e: {  	_ =	shalt  }
0x6f: {  	_ =	shalt  }
0x70: {  	_ =	shalt  }
0x71: {  	_ =	shalt  }
0x72: {  	_ =	shalt  }
0x73: {  	_ =	shalt  }
0x74: {  	_ =	shalt  }
0x75: {  	_ =	shalt  }
0x76: {  	_ =	shalt  }
0x77: {  	_ =	shalt  }
0x78: {  	_ =	shalt  }
0x79: {  	_ =	shalt  }
0x7a: {  	_ =	shalt  }
0x7b: {  	_ =	shalt  }
0x7c: {  	_ =	shalt  }
0x7d: {  	_ =	shalt  }
0x7e: {  	_ =	shalt  }
0x7f: {  	_ =	shalt  }
0x80: {  	_ =	shalt  }
0x81: {  	_ =	shalt  }
0x82: {  	_ =	shalt  }
0x83: {  	_ =	shalt  }
0x84: {  	_ =	shalt  }
0x85: {  	_ =	shalt  }
0x86: {  	_ =	shalt  }
0x87: {  	_ =	shalt  }
.Lfunc_end0:
.L_simem_size_0:
called_computation.1_lowered:
.L_overlay_start_0:
0x88: {  	s2 =	sld [smem:$0x3FD9]  }
0x89: {  	s3 =	sld [smem:$0x3FFE];
	_ =	sdelay $0x1  }
0x8a: {  	s1 =	srdreg.scid  }
0x8b: {  	s0 =	sand.u32 $0x1, s1  }
0x8c: {  	s14 =	sshll.u32 s0, $0xA;
	s2 =	sadd.s32 s3, s2  }
0x8d: {  	s2 =	sadd.s32 s2, s14  }
0x8e: {  	[smem:$0x3FBF] =	sst s2  }
0x8f: {  	_ = 	snop  }
0x90: {  	s2 =	sld [smem:$0x3FD0];
	_ =	sdelay $0x2  }
0x91: {  	s15 =	simm.s32 $0xA;
	s4 =	simm.s32 $0x10  }
0x92: {  	[smem:s4], [sflag:s15] =	dma.local [hbm:s2], $0x1  }
0x93: {  	_ =	swait.eq [sflag:s15], $0x1  }
0x94: {  	[sflag:s15] =	ssyncset.done $0x0  }
0x95: {  	[sflag:s15] =	ssyncadd.s32 $0xFFFFFFFF  }
0x96: {  	s16 =	sld [smem:$0x11];
	(tm) =	ssettm $0x1  }
0x97: {  	s17 =	sld [smem:$0x3FFB];
	_ =	sdelay $0x3  }
0x98: {  	_ =	strace s17  }
0x99: {  	s3 =	sld [smem:$0x3FFC];
	_ =	sdelay $0x3  }
0x9a: {  	_ =	strace s3  }
0x9b: {  	s3 =	sld [smem:$0x3FFD];
	_ =	sdelay $0x3  }
0x9c: {  	_ =	strace s3  }
0x9d: {  	_ =	strace $0x8FFFFFFF  }
0x9e: {  	s18 =	sld [smem:$0x3FDB];
	_ =	sdelay $0x1  }
0x9f: {  	s19 =	simm.s32 $_scs_section_size  }
0xa0: {  	s5 =	simm.s32 $_size__tile_overlayer_lowered;
	s6 =	simm.s32 $_tile_overlayer_lowered  }
0xa1: {  	s22 =	simm.s32 $0x1BFF;
	s21 =	sshll.u32 s6, $0x1;
	s3 =	sadd.s32 s19, s18  }
0xa2: {  	s7 =	simm.s32 $0x0;
	s20 =	sshll.u32 s5, $0x1;
	s5 =	sadd.s32 s21, s3  }
0xa3: {  	[timem:s7], [sflag:s22] =	dma.local [hbm:s5], s20  }
0xa4: {  	_ =	swait.ge [sflag:s22], s20  }
0xa5: {  	s4 =	ssub.s32 $0x0, s20;
	[sflag:s22] =	ssyncset.done $0x0  }
0xa6: {  	[sflag:s22] =	ssyncadd.s32 s4;
	_ =	sdelay $0x1  }
0xa7: {  	s23 =	simm.s32 $0x1B8B  }
0xa8: {  	_ =	swait.ge [sflag:s23], $0x1  }
0xa9: {  	[sflag:s23] =	ssyncset.done $0x0  }
0xaa: {  	s25 =	simm.s32 $0x1B8E;
	s24 =	sld [smem:$0x3FFE];
	[sflag:s23] =	ssyncadd.s32 $0xFFFFFFFF  }
0xab: {  	s26 =	simm.s32 $execute0_lowered;
	[smem:$0x3FD2] =	sst s25  }
0xac: {  	s5 =	sshll.u32 s26, $0x1;
	_ =	strace $0x80000049;
	[dreg:$0x1] =	wrdreg $0xFFFFFFFF  }
0xad: {  	s28 =	simm.s32 $_size_execute0_lowered;
	s3 =	sadd.s32 s3, s5;
	[dreg:$0x0] =	wrdreg $0x0  }
0xae: {  	s5 =	sshll.u32 s28, $0x1;
	[dreg:$0x2] =	wrdreg s3  }
0xaf: {  	[dreg:$0x3] =	wrdreg s5  }
0xb0: {  	[dreg:$0x4] =	wrdreg $0xC0  }
0xb1: {  	_ =	task [dreg:s7], $0x5FFFF  }
0xb2: {  	[dreg:$0x1] =	wrdreg $0xFFFFFFFF  }
0xb3: {  	[dreg:$0x0] =	wrdreg $0x60  }
0xb4: {  	[dreg:$0x2] =	wrdreg s24  }
0xb5: {  	[dreg:$0x3] =	wrdreg s16  }
0xb6: {  	[dreg:$0x4] =	wrdreg $0x9  }
0xb7: {  	_ =	task.clear_ibuf [dreg:s7], $0x5FFFF;
	_ =	strace $0x90000049  }
0xb8: {  	s29 =	simm.s32 $0x9;
	_ =	strace $0x8000004B  }
0xb9: {  	_ =	swait.ge [sflag:s29], $0x1  }
0xba: {  	[sflag:s29] =	ssyncadd.s32 $0xFFFFFFFF  }
0xbb: {  	_ =	strace $0x9000004B  }
0xbc: {  	_ =	sfence  }
0xbd: {  	s30 =	sld [smem:$0x0];
	_ =	sdelay $0x2  }
0xbe: {  	s31 =	sshll.u32 s1, $0xD;
	s1 =	sshrl.u32 s1, $0x2  }
0xbf: {  	s3 =	sand.u32 $0x4000, s31;
	s1 =	sadd.s32 s1, s30  }
0xc0: {  	s0 =	sor.u32 s3, s0;
	s1 =	sshll.u32 s1, $0x11  }
0xc1: {  	s0 =	sor.u32 s1, s0  }
0xc2: {  	s0 =	sadd.s32 $0x8F2B, s0  }
0xc3: {  	[sflag:s0] =	ssyncadd.remote.s32 $0x1  }
0xc4: {  	_ =	sfence.sel $0xFFFF  }
0xc5: {  	[dreg:$0x0] =	wrdreg $0xFFFFFFFF;
	(pc) =	sbr.abs _section_cstart, $3  }
0xc6: {  	[dreg:$0x1] =	wrdreg $0xFFFFFFFF  }
0xc7: {  	_ =	task.clear_ibuf [dreg:s7], $0x2FFFF;
	_ =	strace $0x9FFFFFFF  }
0xc8: {  	(tm) =	ssettm $0x7FFFFFFF  }
0xc9: {  	_ =	shalt  }
tec
execute0_lowered:
.L_overlay_start_1:
0x0: {  	(tag) =	ssettag $0x1  }
0x1: {  	s0 =	rddreg [dreg:$0x0]  }
0x2: {  	s1 =	srdreg.scid;
	s2 =	stileid.u32;
	s3 =	simm.s32 $0x0  }
0x3: {  	s11 =	simm.s32 $0x2000;
	s10 =	simm.s32 $0xD000;
	s12 =	simm.s32 $0xDC00  }
0x4: {  	s13 =	simm.s32 $0xE400;
	s14 =	simm.s32 $0xE800;
	s15 =	simm.s32 $0xF000  }
0x5: {  	s16 =	simm.s32 $0xF400;
	s17 =	simm.s32 $0xFC00;
	s18 =	simm.s32 $0x1  }
0x6: {  	s19 =	simm.s32 $0x2;
	s1 =	sand.u32 $0x1, s1;
	s2 =	sshll.u32 s2, $0x1  }
0x7: {  	s20 =	simm.s32 $0x3;
	s21 =	simm.s32 $0x4;
	s2 =	sor.u32 s1, s2  }
0x8: {  	[smem:$0x7FF] =	sst s3;
	s4 =	sadd.s32 $0x91A00, s0;
	s5 =	sshll.u32 s2, $0xA  }
0x9: {  	s8 =	sadd.s32 $0x91B00, s0;
	s1 =	ssub.s32 $0x2, s1;
	s6 =	sadd.s32 s5, s0  }
0xa: {  	_ =	strace $0x8000004A;
	s28 =	sshrl.u32 s1, $0x1;
	s29 =	sadd.s32 $0x1A00, s6  }
0xb: {  	v2 =	vlaneseq.u32;
	s1 =	ssub.s32 s1, s28;
	s30 =	sadd.s32 $0x9A00, s6;
	[dreg:$0x3] =	wrdreg s29  }
0xc: {  	vm0 =	vmmov $0xffff;
	vm1 =	vmmov $0xff;
	v1 =	vshrl.u32 v2, $0x3;
	s5 =	sshll.u32 s2, $0x8;
	s31 =	smax.u32 s1, $0x1;
	[dreg:$0x4] =	wrdreg s30  }
0xd: {  	v0 =	vand.u32 $0x7, v2;
	v2 =	vor.u32 $0x8, v2;
	v1 =	vmul.u32 $0x8, v1;
	s2 =	simm.s32 $0xD800;
	s1 =	simm.s32 $0x0;
	[dreg:$0x5] =	wrdreg s31  }
.LBB2_1:
0xe: {  	[dreg:$0x6] =	wrdreg s1  }
0xf: {  	s0 =	rddreg [dreg:$0x3];
	s31 =	simm.s32 $0x5  }
0x10: {  	[tilespmem:s3], [sflag:$0x5] =	stream.linear.gather [hbm4b:s0+s3], $0x2000, $0x38;
	[tilespmem:$0x12400] =	vst v63  }
0x11: {  	_ =	swait.ge [sflag:s31], $0x2000  }
0x12: {  	[sflag:s31] =	ssyncset.done $0x0  }
0x13: {  	s6 =	rddreg [dreg:$0x4];
	[sflag:s31] =	ssyncadd.s32 $0xFFFFE000  }
0x14: {  	[tilespmem:s11], [sflag:$0x5] =	stream.linear.gather [hbm4b:s6+s3], $0x2000, $0x38;
	[tilespmem:$0x12400] =	vst v63  }
0x15: {  	_ =	swait.ge [sflag:s31], $0x2000  }
0x16: {  	[sflag:s31] =	ssyncset.done $0x0  }
0x17: {  	[sflag:s31] =	ssyncadd.s32 $0xFFFFE000  }
0x18: {  	v3 =	vld [tilespmem:$0x0];
	_ =	sdelay $0x4  }
0x19: {  	v4 =	vshrl.u32 v3, $0x3  }
0x1a: {  	v4 =	vmul.u32 $0x18, v4  }
0x1b: {  	v3 =	vand.u32 $0x7, v3  }
0x1c: {  	v3 =	vor.u32 v3, v4  }
0x1d: {  	v4 =	vperm.xlane v3, v0;
	_ =	sdelay $0x1  }
0x1e: {  	v4 =	vadd.s32 v1, v4;
	_ =	sdelay $0x1  }
0x1f: {  	v3 =	vperm.xlane v3, v2;
	_ =	sdelay $0x1  }
0x20: {  	s7 =	simm.s32 $0x4000;
	v3 =	vadd.s32 v1, v3  }
0x21: {  	[tilespmem:s7], [sflag:$0x1] =	stream.indirect_vreg.gather [hbm4b:s4+s3], $0x80, v4, vm0, $0xb8;
	[tilespmem:$0x12400] =	vst v63  }
0x22: {  	s9 =	simm.s32 $0x4800  }
0x23: {  	[tilespmem:s9], [sflag:$0x1] =	stream.indirect_vreg.gather [hbm4b:s8+s3], $0x80, v4, vm1, $0xb8;
	[tilespmem:$0x12400] =	vst v63  }
0x24: {  	s22 =	simm.s32 $0x4C00  }
0x25: {  	[tilespmem:s22], [sflag:$0x1] =	stream.indirect_vreg.gather [hbm4b:s4+s3], $0x80, v3, vm0, $0xb8;
	[tilespmem:$0x12400] =	vst v63  }
0x26: {  	s23 =	simm.s32 $0x5400  }
0x27: {  	[tilespmem:s23], [sflag:$0x1] =	stream.indirect_vreg.gather [hbm4b:s8+s3], $0x80, v3, vm1, $0xb8;
	[tilespmem:$0x12400] =	vst v63  }
0x28: {  	v3 =	vld [tilespmem:$0x10];
	_ =	sdelay $0x4  }
0x29: {  	v57 =	vshrl.u32 v3, $0x3  }
0x2a: {  	v4 =	vmul.u32 $0x18, v57  }
0x2b: {  	v3 =	vand.u32 $0x7, v3  }
0x2c: {  	v3 =	vor.u32 v3, v4  }
0x2d: {  	v4 =	vperm.xlane v3, v0;
	_ =	sdelay $0x1  }
0x2e: {  	v4 =	vadd.s32 v1, v4;
	_ =	sdelay $0x1  }
0x2f: {  	v3 =	vperm.xlane v3, v2;
	_ =	sdelay $0x1  }
0x30: {  	s24 =	simm.s32 $0x5800;
	v3 =	vadd.s32 v1, v3  }
0x31: {  	[tilespmem:s24], [sflag:$0x1] =	stream.indirect_vreg.gather [hbm4b:s4+s3], $0x80, v4, vm0, $0xb8;
	[tilespmem:$0x12400] =	vst v63  }
0x32: {  	s25 =	simm.s32 $0x6000  }
0x33: {  	[tilespmem:s25], [sflag:$0x1] =	stream.indirect_vreg.gather [hbm4b:s8+s3], $0x80, v4, vm1, $0xb8;
	[tilespmem:$0x12400] =	vst v63  }
0x34: {  	s26 =	simm.s32 $0x6400  }
0x35: {  	[tilespmem:s26], [sflag:$0x1] =	stream.indirect_vreg.gather [hbm4b:s4+s3], $0x80, v3, vm0, $0xb8;
	[tilespmem:$0x12400] =	vst v63  }
0x36: {  	s28 =	simm.s32 $0x6C00  }
0x37: {  	[tilespmem:s28], [sflag:$0x1] =	stream.indirect_vreg.gather [hbm4b:s8+s3], $0x80, v3, vm1, $0xb8;
	[tilespmem:$0x12400] =	vst v63  }
0x38: {  	v3 =	vld [tilespmem:$0x20];
	_ =	sdelay $0x4  }
0x39: {  	v58 =	vshrl.u32 v3, $0x3  }
0x3a: {  	v4 =	vmul.u32 $0x18, v58  }
0x3b: {  	v3 =	vand.u32 $0x7, v3  }
0x3c: {  	v3 =	vor.u32 v3, v4  }
0x3d: {  	v4 =	vperm.xlane v3, v0;
	_ =	sdelay $0x1  }
0x3e: {  	v4 =	vadd.s32 v1, v4;
	_ =	sdelay $0x1  }
0x3f: {  	v3 =	vperm.xlane v3, v2;
	_ =	sdelay $0x1  }
0x40: {  	s29 =	simm.s32 $0x7000;
	v3 =	vadd.s32 v1, v3  }
0x41: {  	[tilespmem:s29], [sflag:$0x2] =	stream.indirect_vreg.gather [hbm4b:s4+s3], $0x80, v4, vm0, $0xb8;
	[tilespmem:$0x12400] =	vst v63  }
0x42: {  	s30 =	simm.s32 $0x7800  }
0x43: {  	[tilespmem:s30], [sflag:$0x2] =	stream.indirect_vreg.gather [hbm4b:s8+s3], $0x80, v4, vm1, $0xb8;
	[tilespmem:$0x12400] =	vst v63  }
0x44: {  	s31 =	simm.s32 $0x7C00  }
0x45: {  	[tilespmem:s31], [sflag:$0x2] =	stream.indirect_vreg.gather [hbm4b:s4+s3], $0x80, v3, vm0, $0xb8;
	[tilespmem:$0x12400] =	vst v63  }
0x46: {  	s1 =	simm.s32 $0x8400  }
0x47: {  	[tilespmem:s1], [sflag:$0x2] =	stream.indirect_vreg.gather [hbm4b:s8+s3], $0x80, v3, vm1, $0xb8;
	[tilespmem:$0x12400] =	vst v63  }
0x48: {  	v3 =	vld [tilespmem:$0x30];
	_ =	sdelay $0x4  }
0x49: {  	v59 =	vshrl.u32 v3, $0x3  }
0x4a: {  	v4 =	vmul.u32 $0x18, v59  }
0x4b: {  	v3 =	vand.u32 $0x7, v3  }
0x4c: {  	v3 =	vor.u32 v3, v4  }
0x4d: {  	v4 =	vperm.xlane v3, v0;
	_ =	sdelay $0x1  }
0x4e: {  	v4 =	vadd.s32 v1, v4;
	_ =	sdelay $0x1  }
0x4f: {  	v3 =	vperm.xlane v3, v2;
	_ =	sdelay $0x1  }
0x50: {  	s6 =	simm.s32 $0x8800;
	v3 =	vadd.s32 v1, v3  }
0x51: {  	[tilespmem:s6], [sflag:$0x2] =	stream.indirect_vreg.gather [hbm4b:s4+s3], $0x80, v4, vm0, $0xb8;
	[tilespmem:$0x12400] =	vst v63  }
0x52: {  	s7 =	simm.s32 $0x9000  }
0x53: {  	[tilespmem:s7], [sflag:$0x2] =	stream.indirect_vreg.gather [hbm4b:s8+s3], $0x80, v4, vm1, $0xb8;
	[tilespmem:$0x12400] =	vst v63  }
0x54: {  	s9 =	simm.s32 $0x9400  }
0x55: {  	[tilespmem:s9], [sflag:$0x2] =	stream.indirect_vreg.gather [hbm4b:s4+s3], $0x80, v3, vm0, $0xb8;
	[tilespmem:$0x12400] =	vst v63  }
0x56: {  	s22 =	simm.s32 $0x9C00  }
0x57: {  	[tilespmem:s22], [sflag:$0x2] =	stream.indirect_vreg.gather [hbm4b:s8+s3], $0x80, v3, vm1, $0xb8;
	[tilespmem:$0x12400] =	vst v63  }
0x58: {  	v3 =	vld [tilespmem:$0x40];
	_ =	sdelay $0x4  }
0x59: {  	v60 =	vshrl.u32 v3, $0x3  }
0x5a: {  	v4 =	vmul.u32 $0x18, v60  }
0x5b: {  	v3 =	vand.u32 $0x7, v3  }
0x5c: {  	v3 =	vor.u32 v3, v4  }
0x5d: {  	v4 =	vperm.xlane v3, v0;
	_ =	sdelay $0x1  }
0x5e: {  	v4 =	vadd.s32 v1, v4;
	_ =	sdelay $0x1  }
0x5f: {  	v3 =	vperm.xlane v3, v2;
	_ =	sdelay $0x1  }
0x60: {  	s23 =	simm.s32 $0xA000;
	v3 =	vadd.s32 v1, v3  }
0x61: {  	[tilespmem:s23], [sflag:$0x3] =	stream.indirect_vreg.gather [hbm4b:s4+s3], $0x80, v4, vm0, $0xb8;
	[tilespmem:$0x12400] =	vst v63  }
0x62: {  	s24 =	simm.s32 $0xA800  }
0x63: {  	[tilespmem:s24], [sflag:$0x3] =	stream.indirect_vreg.gather [hbm4b:s8+s3], $0x80, v4, vm1, $0xb8;
	[tilespmem:$0x12400] =	vst v63  }
0x64: {  	s25 =	simm.s32 $0xAC00  }
0x65: {  	[tilespmem:s25], [sflag:$0x3] =	stream.indirect_vreg.gather [hbm4b:s4+s3], $0x80, v3, vm0, $0xb8;
	[tilespmem:$0x12400] =	vst v63  }
0x66: {  	s26 =	simm.s32 $0xB400  }
0x67: {  	[tilespmem:s26], [sflag:$0x3] =	stream.indirect_vreg.gather [hbm4b:s8+s3], $0x80, v3, vm1, $0xb8;
	[tilespmem:$0x12400] =	vst v63  }
0x68: {  	v3 =	vld [tilespmem:$0x50];
	_ =	sdelay $0x4  }
0x69: {  	v61 =	vshrl.u32 v3, $0x3  }
0x6a: {  	v4 =	vmul.u32 $0x18, v61  }
0x6b: {  	v3 =	vand.u32 $0x7, v3  }
0x6c: {  	v3 =	vor.u32 v3, v4  }
0x6d: {  	v4 =	vperm.xlane v3, v0;
	_ =	sdelay $0x1  }
0x6e: {  	v4 =	vadd.s32 v1, v4;
	_ =	sdelay $0x1  }
0x6f: {  	v3 =	vperm.xlane v3, v2;
	_ =	sdelay $0x1  }
0x70: {  	s28 =	simm.s32 $0xB800;
	v3 =	vadd.s32 v1, v3  }
0x71: {  	[tilespmem:s28], [sflag:$0x3] =	stream.indirect_vreg.gather [hbm4b:s4+s3], $0x80, v4, vm0, $0xb8;
	[tilespmem:$0x12400] =	vst v63  }
0x72: {  	s29 =	simm.s32 $0xC000  }
0x73: {  	[tilespmem:s29], [sflag:$0x3] =	stream.indirect_vreg.gather [hbm4b:s8+s3], $0x80, v4, vm1, $0xb8;
	[tilespmem:$0x12400] =	vst v63  }
0x74: {  	s30 =	simm.s32 $0xC400  }
0x75: {  	[tilespmem:s30], [sflag:$0x3] =	stream.indirect_vreg.gather [hbm4b:s4+s3], $0x80, v3, vm0, $0xb8;
	[tilespmem:$0x12400] =	vst v63  }
0x76: {  	s31 =	simm.s32 $0xCC00  }
0x77: {  	[tilespmem:s31], [sflag:$0x3] =	stream.indirect_vreg.gather [hbm4b:s8+s3], $0x80, v3, vm1, $0xb8;
	[tilespmem:$0x12400] =	vst v63  }
0x78: {  	v3 =	vld [tilespmem:$0x60];
	_ =	sdelay $0x4  }
0x79: {  	v62 =	vshrl.u32 v3, $0x3  }
0x7a: {  	v4 =	vmul.u32 $0x18, v62  }
0x7b: {  	v3 =	vand.u32 $0x7, v3  }
0x7c: {  	v3 =	vor.u32 v3, v4  }
0x7d: {  	v4 =	vperm.xlane v3, v0;
	_ =	sdelay $0x1  }
0x7e: {  	v4 =	vadd.s32 v1, v4;
	_ =	sdelay $0x1  }
0x7f: {  	v3 =	vperm.xlane v3, v2;
	_ =	sdelay $0x1  }
0x80: {  	v3 =	vadd.s32 v1, v3  }
0x81: {  	[tilespmem:s10], [sflag:$0x4] =	stream.indirect_vreg.gather [hbm4b:s4+s3], $0x80, v4, vm0, $0xb8;
	[tilespmem:$0x12400] =	vst v63  }
0x82: {  	_ = 	snop  }
0x83: {  	[tilespmem:s2], [sflag:$0x4] =	stream.indirect_vreg.gather [hbm4b:s8+s3], $0x80, v4, vm1, $0xb8;
	[tilespmem:$0x12400] =	vst v63  }
0x84: {  	_ = 	snop  }
0x85: {  	[tilespmem:s12], [sflag:$0x4] =	stream.indirect_vreg.gather [hbm4b:s4+s3], $0x80, v3, vm0, $0xb8;
	[tilespmem:$0x12400] =	vst v63  }
0x86: {  	_ = 	snop  }
0x87: {  	[tilespmem:s13], [sflag:$0x4] =	stream.indirect_vreg.gather [hbm4b:s8+s3], $0x80, v3, vm1, $0xb8;
	[tilespmem:$0x12400] =	vst v63  }
0x88: {  	v3 =	vld [tilespmem:$0x70];
	_ =	sdelay $0x4  }
0x89: {  	v63 =	vshrl.u32 v3, $0x3  }
0x8a: {  	v4 =	vmul.u32 $0x18, v63  }
0x8b: {  	v3 =	vand.u32 $0x7, v3  }
0x8c: {  	v3 =	vor.u32 v3, v4  }
0x8d: {  	v4 =	vperm.xlane v3, v0;
	_ =	sdelay $0x1  }
0x8e: {  	v4 =	vadd.s32 v1, v4;
	_ =	sdelay $0x1  }
0x8f: {  	v3 =	vperm.xlane v3, v2;
	_ =	sdelay $0x1  }
0x90: {  	v3 =	vadd.s32 v1, v3  }
0x91: {  	[tilespmem:s14], [sflag:$0x4] =	stream.indirect_vreg.gather [hbm4b:s4+s3], $0x80, v4, vm0, $0xb8;
	[tilespmem:$0x12400] =	vst v63  }
0x92: {  	_ = 	snop  }
0x93: {  	[tilespmem:s15], [sflag:$0x4] =	stream.indirect_vreg.gather [hbm4b:s8+s3], $0x80, v4, vm1, $0xb8;
	[tilespmem:$0x12400] =	vst v63  }
0x94: {  	s22 =	simm.s32 $0x20;
	s23 =	simm.s32 $0x40  }
0x95: {  	[tilespmem:s16], [sflag:$0x4] =	stream.indirect_vreg.gather [hbm4b:s4+s3], $0x80, v3, vm0, $0xb8;
	[tilespmem:$0x12400] =	vst v63  }
0x96: {  	s24 =	simm.s32 $0x60;
	s25 =	simm.s32 $0x0;
	s26 =	simm.s32 $0x0  }
0x97: {  	[tilespmem:s17], [sflag:$0x4] =	stream.indirect_vreg.gather [hbm4b:s8+s3], $0x80, v3, vm1, $0xb8;
	[tilespmem:$0x12400] =	vst v63  }
.LBB2_2:
0x98: {  	s0 =	sadd.s32 $0x0, s25;
	s31 =	simm.s32 $0x0  }
0x99: {  	v3 =	vmov s0;
	s0 =	smul.u32 $0x3000, s31  }
0x9a: {  	_ =	swait.ge [sflag:s18], $0x3000;
	s28 =	simm.s32 $0x0  }
0x9b: {  	[sflag:s18] =	ssyncset.done $0x0;
	s1 =	sand.u32 $0x380, s28;
	s0 =	sshra.s32 s0, $0x2  }
0x9c: {  	[sflag:s18] =	ssyncadd.s32 $0xFFFFD000;
	s29 =	sor.u32 s1, s0  }
0x9d: {  	v4 =	vld [tilespmem:s29+$0x4000]  }
0x9e: {  	v6 =	vld [tilespmem:s29+$0x4010]  }
0x9f: {  	v7 =	vld [tilespmem:s29+$0x4020]  }
0xa0: {  	v5 =	vld.idx.msk [tilespmem:v3+s11+$0x0], $0xffff  }
0xa1: {  	v3 =	vld [tilespmem:s29+$0x4470]  }
0xa2: {  	v8 =	vld [tilespmem:s29+$0x4030]  }
0xa3: {  	v10 =	vld [tilespmem:s29+$0x4050]  }
0xa4: {  	v14 =	vld [tilespmem:s29+$0x4060]  }
0xa5: {  	v17 =	vimm.f32 $0.0e+00;
	v21 =	vimm.f32 $0.0e+00  }
0xa6: {  	v20 =	vimm.f32 $0.0e+00;
	v19 =	vimm.f32 $0.0e+00;
	v9 =	vld [tilespmem:s29+$0x4040];
	v11 =	vmul.f32 v3, v5  }
0xa7: {  	v18 =	vimm.f32 $0.0e+00;
	v12 =	vmul.f32 v4, v5;
	v6 =	vmul.f32 v6, v5  }
0xa8: {  	v3 =	vimm.f32 $-Inf;
	v7 =	vmul.f32 v7, v5;
	v8 =	vmul.f32 v8, v5  }
0xa9: {  	v26 =	vld [tilespmem:s29+$0x4070];
	v27 =	vmul.f32 v10, v5;
	v28 =	vmul.f32 v14, v5;
	v4 =	vadd.f32 v11, v17  }
0xaa: {  	v25 =	vld [tilespmem:s29+$0x4400];
	v14 =	vimm.f32 $0.0e+00;
	v16 =	vadd.f32 v12, v17;
	v15 =	vadd.f32 v6, v17  }
0xab: {  	v24 =	vld [tilespmem:s29+$0x4410];
	v6 =	vmul.f32 v9, v5;
	v13 =	vadd.f32 v7, v17;
	v12 =	vadd.f32 v8, v17  }
0xac: {  	v22 =	vld [tilespmem:s29+$0x4420];
	v11 =	vimm.f32 $0.0e+00;
	v9 =	vimm.f32 $0.0e+00;
	v8 =	vimm.f32 $0.0e+00  }
0xad: {  	s6 =	sadd.s32 $0x1, s25;
	s0 =	simm.s32 $0x1;
	s1 =	simm.s32 $0x2;
	v23 =	vld [tilespmem:s29+$0x4430];
	v7 =	vimm.f32 $0.0e+00;
	v10 =	vadd.f32 v6, v17;
	v6 =	vimm.f32 $-Inf  }
.LBB2_3:
0xae: {  	p0 =	sne.s32 s1, $0x1F;
	v29 =	vmov s6;
	v17 =	vadd.f32 v27, v17;
	v26 =	vmul.f32 v26, v5;
	v27 =	vld [tilespmem:s29+$0x4440]  }
0xaf: {  	s6 =	sshrl.u32 s0, $0x3;
	s0 =	smov.u32 s1;
	v21 =	vadd.f32 v28, v21;
	v25 =	vmul.f32 v25, v5;
	v28 =	vld [tilespmem:s29+$0x4450]  }
0xb0: {  	s6 =	smul.u32 $0x3000, s6;
	v20 =	vadd.f32 v26, v20;
	v24 =	vmul.f32 v24, v5;
	v26 =	vld [tilespmem:s29+$0x4460]  }
0xb1: {  	s28 =	sadd.s32 $0x80, s28;
	v19 =	vadd.f32 v25, v19;
	v22 =	vmul.f32 v22, v5;
	v25 =	vld [tilespmem:s29+$0x4800]  }
0xb2: {  	s7 =	sand.u32 $0x380, s28;
	s6 =	sshra.s32 s6, $0x2;
	v18 =	vadd.f32 v24, v18;
	v23 =	vmul.f32 v23, v5;
	v24 =	vld [tilespmem:s29+$0x4810]  }
0xb3: {  	s29 =	sor.u32 s7, s6;
	v29 =	vld.idx.msk [tilespmem:v29+s11+$0x0], $0xffff;
	v14 =	vadd.f32 v22, v14;
	v22 =	vmul.f32 v27, v5  }
0xb4: {  	v27 =	vld [tilespmem:s29+$0x4470];
	v11 =	vadd.f32 v23, v11;
	v23 =	vmul.f32 v28, v5  }
0xb5: {  	v28 =	vld [tilespmem:s29+$0x4000];
	v9 =	vadd.f32 v22, v9;
	v5 =	vmul.f32 v26, v5  }
0xb6: {  	v22 =	vld [tilespmem:s29+$0x4010];
	v8 =	vadd.f32 v23, v8;
	v3 =	vmax.f32 v3, v25  }
0xb7: {  	v23 =	vld [tilespmem:s29+$0x4020];
	v7 =	vadd.f32 v5, v7;
	v6 =	vmax.f32 v6, v24  }
0xb8: {  	v24 =	vld [tilespmem:s29+$0x4030]  }
0xb9: {  	v30 =	vld [tilespmem:s29+$0x4040];
	v25 =	vmul.f32 v27, v29;
	v5 =	vmov v29  }
0xba: {  	v26 =	vmul.f32 v28, v5;
	v27 =	vld [tilespmem:s29+$0x4050]  }
0xbb: {  	v22 =	vmul.f32 v22, v5;
	v28 =	vld [tilespmem:s29+$0x4060];
	v4 =	vadd.f32 v25, v4  }
.Ltmp0:
0xbc: {  	v16 =	vadd.f32 v26, v16;
	v23 =	vmul.f32 v23, v5;
	v26 =	vld [tilespmem:s29+$0x4070];
	(pc) =	sbr.rel @p0 .LBB2_3-.Ltmp0, $4  }
0xbd: {  	v15 =	vadd.f32 v22, v15;
	v22 =	vmul.f32 v24, v5;
	v25 =	vld [tilespmem:s29+$0x4400]  }
0xbe: {  	v13 =	vadd.f32 v23, v13;
	v23 =	vmul.f32 v30, v5;
	v24 =	vld [tilespmem:s29+$0x4410]  }
0xbf: {  	v12 =	vadd.f32 v22, v12;
	v27 =	vmul.f32 v27, v5;
	v22 =	vld [tilespmem:s29+$0x4420]  }
0xc0: {  	s1 =	sadd.s32 $0x1, s1;
	s6 =	sadd.s32 s0, s25;
	v10 =	vadd.f32 v23, v10;
	v28 =	vmul.f32 v28, v5;
	v23 =	vld [tilespmem:s29+$0x4430]  }
0xc1: {  	v29 =	vmov s6;
	v30 =	vld [tilespmem:s29+$0x4440]  }
0xc2: {  	s0 =	sshrl.u32 s0, $0x3;
	v31 =	vld [tilespmem:s29+$0x4450]  }
0xc3: {  	v32 =	vld [tilespmem:s29+$0x4460];
	s0 =	smul.u32 $0x3000, s0  }
0xc4: {  	v33 =	vld [tilespmem:s29+$0x4800];
	s1 =	sadd.s32 $0x80, s28  }
0xc5: {  	v34 =	vld [tilespmem:s29+$0x4810];
	s1 =	sand.u32 $0x380, s1;
	s0 =	sshra.s32 s0, $0x2  }
0xc6: {  	s0 =	sor.u32 s1, s0;
	v29 =	vld.idx.msk [tilespmem:v29+s11+$0x0], $0xffff  }
0xc7: {  	v35 =	vld [tilespmem:s0+$0x4470]  }
0xc8: {  	v36 =	vld [tilespmem:s0+$0x4000]  }
0xc9: {  	v37 =	vld [tilespmem:s0+$0x4010]  }
0xca: {  	v38 =	vld [tilespmem:s0+$0x4020]  }
0xcb: {  	v39 =	vld [tilespmem:s0+$0x4030]  }
0xcc: {  	v40 =	vld [tilespmem:s0+$0x4040]  }
0xcd: {  	v41 =	vld [tilespmem:s0+$0x4050]  }
0xce: {  	v42 =	vld [tilespmem:s0+$0x4060]  }
0xcf: {  	v43 =	vld [tilespmem:s0+$0x4070]  }
0xd0: {  	v44 =	vld [tilespmem:s0+$0x4400]  }
0xd1: {  	v45 =	vld [tilespmem:s0+$0x4410]  }
0xd2: {  	v46 =	vld [tilespmem:s0+$0x4420]  }
0xd3: {  	v26 =	vmul.f32 v26, v5;
	s28 =	sshll.u32 s26, $0x2;
	v17 =	vadd.f32 v27, v17;
	v47 =	vld [tilespmem:s0+$0x4430]  }
0xd4: {  	v21 =	vadd.f32 v28, v21;
	s29 =	sand.u32 $0x1C, s28;
	v25 =	vmul.f32 v25, v5;
	v48 =	vld [tilespmem:s0+$0x4440];
	v27 =	vmul.f32 v36, v29  }
0xd5: {  	v20 =	vadd.f32 v26, v20;
	s9 =	smul.u32 $0x480, s29;
	v24 =	vmul.f32 v24, v5;
	v63 =	vld [tilespmem:s0+$0x4800];
	v26 =	vmul.f32 v37, v29  }
0xd6: {  	v19 =	vadd.f32 v25, v19;
	v28 =	vld [tilespmem:s0+$0x4450];
	v25 =	vmul.f32 v39, v29;
	v16 =	vadd.f32 v27, v16  }
0xd7: {  	s6 =	sshrl.u32 s9, $0x2;
	v62 =	vld [tilespmem:s0+$0x4460];
	v27 =	vmul.f32 v38, v29;
	v15 =	vadd.f32 v26, v15  }
0xd8: {  	v18 =	vadd.f32 v24, v18;
	v3 =	vmax.f32 v3, v33;
	v26 =	vld [tilespmem:s0+$0x4810];
	v12 =	vadd.f32 v25, v12;
	[tilespmem:s6+$0x10000] =	vst v16  }
0xd9: {  	v13 =	vadd.f32 v27, v13;
	v16 =	vmul.f32 v40, v29;
	[tilespmem:s6+$0x10010] =	vst v15;
	v15 =	vmul.f32 v22, v5  }
0xda: {  	v3 =	vmax.f32 v3, v63;
	v22 =	vmul.f32 v41, v29;
	[tilespmem:s6+$0x10030] =	vst v12;
	v12 =	vmul.f32 v43, v29  }
0xdb: {  	v10 =	vadd.f32 v16, v10;
	[tilespmem:s6+$0x10020] =	vst v13;
	v13 =	vmul.f32 v23, v5;
	v14 =	vadd.f32 v15, v14  }
0xdc: {  	[tilespmem:s6+$0x10100] =	vst v3;
	v16 =	vmul.f32 v42, v29;
	v15 =	vadd.f32 v22, v17;
	v12 =	vadd.f32 v12, v20  }
0xdd: {  	v17 =	vmul.f32 v46, v29;
	v11 =	vadd.f32 v13, v11;
	[tilespmem:s6+$0x10040] =	vst v10;
	v10 =	vmul.f32 v44, v29  }
0xde: {  	v13 =	vadd.f32 v16, v21;
	[tilespmem:s6+$0x10050] =	vst v15;
	v15 =	vmul.f32 v30, v5;
	v16 =	vmul.f32 v45, v29  }
0xdf: {  	[tilespmem:s6+$0x10070] =	vst v12;
	v12 =	vadd.f32 v17, v14;
	v14 =	vmul.f32 v48, v29;
	v10 =	vadd.f32 v10, v19  }
0xe0: {  	[tilespmem:s6+$0x10060] =	vst v13;
	v9 =	vadd.f32 v15, v9;
	v15 =	vadd.f32 v16, v18;
	v16 =	vmul.f32 v47, v29  }
0xe1: {  	v13 =	vmul.f32 v31, v5;
	v5 =	vmul.f32 v32, v5;
	[tilespmem:s6+$0x100A0] =	vst v12  }
0xe2: {  	v12 =	vmul.f32 v35, v29;
	[tilespmem:s6+$0x10080] =	vst v10;
	v10 =	vadd.f32 v16, v11  }
0xe3: {  	[tilespmem:s6+$0x10090] =	vst v15;
	v5 =	vadd.f32 v5, v7;
	v7 =	vadd.f32 v14, v9;
	v9 =	vmul.f32 v62, v29  }
0xe4: {  	v8 =	vadd.f32 v13, v8;
	v11 =	vmul.f32 v28, v29;
	v4 =	vadd.f32 v12, v4;
	[tilespmem:s6+$0x100B0] =	vst v10  }
0xe5: {  	v5 =	vadd.f32 v9, v5;
	[tilespmem:s6+$0x100C0] =	vst v7  }
0xe6: {  	v8 =	vadd.f32 v11, v8;
	[tilespmem:s6+$0x100F0] =	vst v4  }
0xe7: {  	[tilespmem:s6+$0x100E0] =	vst v5;
	v5 =	vmax.f32 v6, v34  }
0xe8: {  	s7 =	smin.u32 s28, $0xFB;
	[tilespmem:s6+$0x100D0] =	vst v8;
	v4 =	vmax.f32 v5, v26  }
0xe9: {  	s0 =	sshll.u32 s7, $0x5;
	[tilespmem:s6+$0x10110] =	vst v4  }
0xea: {  	v3 =	vld [tilespmem:s0+$0x80];
	_ =	sdelay $0x4  }
0xeb: {  	v4 =	vshrl.u32 v3, $0x3  }
0xec: {  	v4 =	vmul.u32 $0x18, v4  }
0xed: {  	v3 =	vand.u32 $0x7, v3  }
0xee: {  	v3 =	vor.u32 v3, v4  }
0xef: {  	v4 =	vperm.xlane v3, v0;
	_ =	sdelay $0x1  }
0xf0: {  	v4 =	vadd.s32 v1, v4;
	_ =	sdelay $0x1  }
0xf1: {  	v3 =	vperm.xlane v3, v2;
	_ =	sdelay $0x1  }
0xf2: {  	s30 =	simm.s32 $0x0;
	s9 =	simm.s32 $0x4000;
	v3 =	vadd.s32 v1, v3  }
0xf3: {  	[tilespmem:s9], [sflag:$0x1] =	stream.indirect_vreg.gather [hbm4b:s4+s30], $0x80, v4, vm0, $0xb8;
	[tilespmem:$0x12400] =	vst v63  }
0xf4: {  	s6 =	simm.s32 $0x4800  }
0xf5: {  	[tilespmem:s6], [sflag:$0x1] =	stream.indirect_vreg.gather [hbm4b:s8+s30], $0x80, v4, vm1, $0xb8;
	[tilespmem:$0x12400] =	vst v63  }
0xf6: {  	s7 =	simm.s32 $0x4C00  }
0xf7: {  	[tilespmem:s7], [sflag:$0x1] =	stream.indirect_vreg.gather [hbm4b:s4+s30], $0x80, v3, vm0, $0xb8;
	[tilespmem:$0x12400] =	vst v63  }
0xf8: {  	s9 =	simm.s32 $0x5400  }
0xf9: {  	[tilespmem:s9], [sflag:$0x1] =	stream.indirect_vreg.gather [hbm4b:s8+s30], $0x80, v3, vm1, $0xb8;
	[tilespmem:$0x12400] =	vst v63  }
0xfa: {  	v3 =	vld [tilespmem:s0+$0x90];
	_ =	sdelay $0x4  }
0xfb: {  	v4 =	vshrl.u32 v3, $0x3  }
0xfc: {  	v4 =	vmul.u32 $0x18, v4  }
0xfd: {  	v3 =	vand.u32 $0x7, v3  }
0xfe: {  	v3 =	vor.u32 v3, v4  }
0xff: {  	v4 =	vperm.xlane v3, v0;
	_ =	sdelay $0x1  }
0x100: {  	v4 =	vadd.s32 v1, v4;
	_ =	sdelay $0x1  }
0x101: {  	v3 =	vperm.xlane v3, v2;
	_ =	sdelay $0x1  }
0x102: {  	s1 =	simm.s32 $0x5800;
	v3 =	vadd.s32 v1, v3  }
0x103: {  	[tilespmem:s1], [sflag:$0x1] =	stream.indirect_vreg.gather [hbm4b:s4+s30], $0x80, v4, vm0, $0xb8;
	[tilespmem:$0x12400] =	vst v63  }
0x104: {  	s6 =	simm.s32 $0x6000  }
0x105: {  	[tilespmem:s6], [sflag:$0x1] =	stream.indirect_vreg.gather [hbm4b:s8+s30], $0x80, v4, vm1, $0xb8;
	[tilespmem:$0x12400] =	vst v63  }
0x106: {  	s7 =	simm.s32 $0x6400  }
0x107: {  	[tilespmem:s7], [sflag:$0x1] =	stream.indirect_vreg.gather [hbm4b:s4+s30], $0x80, v3, vm0, $0xb8;
	[tilespmem:$0x12400] =	vst v63  }
0x108: {  	s7 =	simm.s32 $0x0  }
0x109: {  	s6 =	simm.s32 $0x6C00;
	s0 =	smul.u32 $0x3000, s7  }
0x10a: {  	[tilespmem:s6], [sflag:$0x1] =	stream.indirect_vreg.gather [hbm4b:s8+s30], $0x80, v3, vm1, $0xb8;
	[tilespmem:$0x12400] =	vst v63  }
0x10b: {  	s9 =	sadd.s32 $0x0, s22;
	_ =	swait.ge [sflag:s19], $0x3000  }
0x10c: {  	v3 =	vmov s9;
	s9 =	sand.u32 $0x380, s30;
	s0 =	sshra.s32 s0, $0x2;
	[sflag:s19] =	ssyncset.done $0x0  }
0x10d: {  	s31 =	sor.u32 s9, s0;
	[sflag:s19] =	ssyncadd.s32 $0xFFFFD000  }
0x10e: {  	v4 =	vld [tilespmem:s31+$0x7000]  }
0x10f: {  	v6 =	vld [tilespmem:s31+$0x7010]  }
0x110: {  	v7 =	vld [tilespmem:s31+$0x7020]  }
0x111: {  	v5 =	vld.idx.msk [tilespmem:v3+s11+$0x0], $0xffff  }
0x112: {  	v3 =	vld [tilespmem:s31+$0x7470]  }
0x113: {  	v8 =	vld [tilespmem:s31+$0x7030]  }
0x114: {  	v10 =	vld [tilespmem:s31+$0x7050]  }
0x115: {  	v13 =	vld [tilespmem:s31+$0x7060]  }
0x116: {  	v20 =	vimm.f32 $0.0e+00;
	v17 =	vimm.f32 $0.0e+00  }
0x117: {  	v21 =	vimm.f32 $0.0e+00;
	v19 =	vimm.f32 $0.0e+00;
	v9 =	vld [tilespmem:s31+$0x7040];
	v11 =	vmul.f32 v3, v5  }
0x118: {  	v18 =	vimm.f32 $0.0e+00;
	v12 =	vmul.f32 v4, v5;
	v6 =	vmul.f32 v6, v5  }
0x119: {  	v3 =	vimm.f32 $-Inf;
	v7 =	vmul.f32 v7, v5;
	v8 =	vmul.f32 v8, v5  }
0x11a: {  	v26 =	vld [tilespmem:s31+$0x7070];
	v27 =	vmul.f32 v10, v5;
	v28 =	vmul.f32 v13, v5;
	v13 =	vimm.f32 $0.0e+00  }
0x11b: {  	v25 =	vld [tilespmem:s31+$0x7400];
	v10 =	vimm.f32 $0.0e+00;
	v4 =	vadd.f32 v11, v17;
	v16 =	vadd.f32 v12, v17  }
0x11c: {  	v24 =	vld [tilespmem:s31+$0x7410];
	v15 =	vadd.f32 v6, v17;
	v6 =	vmul.f32 v9, v5;
	v14 =	vadd.f32 v7, v17  }
0x11d: {  	s1 =	simm.s32 $0x1;
	v22 =	vld [tilespmem:s31+$0x7420];
	v12 =	vadd.f32 v8, v17;
	v9 =	vimm.f32 $0.0e+00;
	v8 =	vimm.f32 $0.0e+00  }
0x11e: {  	s7 =	sadd.s32 $0x1, s22;
	s6 =	simm.s32 $0x2;
	s0 =	sor.u32 $0x1, s28;
	v23 =	vld [tilespmem:s31+$0x7430];
	v7 =	vimm.f32 $0.0e+00;
	v11 =	vadd.f32 v6, v17;
	v6 =	vimm.f32 $-Inf  }
.LBB2_5:
0x11f: {  	p0 =	sne.s32 s6, $0x1F;
	v29 =	vmov s7;
	v17 =	vadd.f32 v27, v17;
	v26 =	vmul.f32 v26, v5;
	v27 =	vld [tilespmem:s31+$0x7440]  }
0x120: {  	s7 =	sshrl.u32 s1, $0x3;
	s1 =	smov.u32 s6;
	v21 =	vadd.f32 v28, v21;
	v25 =	vmul.f32 v25, v5;
	v28 =	vld [tilespmem:s31+$0x7450]  }
0x121: {  	s7 =	smul.u32 $0x3000, s7;
	v20 =	vadd.f32 v26, v20;
	v24 =	vmul.f32 v24, v5;
	v26 =	vld [tilespmem:s31+$0x7460]  }
0x122: {  	s30 =	sadd.s32 $0x80, s30;
	v19 =	vadd.f32 v25, v19;
	v22 =	vmul.f32 v22, v5;
	v25 =	vld [tilespmem:s31+$0x7800]  }
0x123: {  	s9 =	sand.u32 $0x380, s30;
	s7 =	sshra.s32 s7, $0x2;
	v18 =	vadd.f32 v24, v18;
	v23 =	vmul.f32 v23, v5;
	v24 =	vld [tilespmem:s31+$0x7810]  }
0x124: {  	s31 =	sor.u32 s9, s7;
	v29 =	vld.idx.msk [tilespmem:v29+s11+$0x0], $0xffff;
	v13 =	vadd.f32 v22, v13;
	v22 =	vmul.f32 v27, v5  }
0x125: {  	v27 =	vld [tilespmem:s31+$0x7470];
	v10 =	vadd.f32 v23, v10;
	v23 =	vmul.f32 v28, v5  }
0x126: {  	v28 =	vld [tilespmem:s31+$0x7000];
	v9 =	vadd.f32 v22, v9;
	v5 =	vmul.f32 v26, v5  }
0x127: {  	v22 =	vld [tilespmem:s31+$0x7010];
	v8 =	vadd.f32 v23, v8;
	v3 =	vmax.f32 v3, v25  }
0x128: {  	v23 =	vld [tilespmem:s31+$0x7020];
	v7 =	vadd.f32 v5, v7;
	v6 =	vmax.f32 v6, v24  }
0x129: {  	v24 =	vld [tilespmem:s31+$0x7030]  }
0x12a: {  	v30 =	vld [tilespmem:s31+$0x7040];
	v25 =	vmul.f32 v27, v29;
	v5 =	vmov v29  }
0x12b: {  	v26 =	vmul.f32 v28, v5;
	v27 =	vld [tilespmem:s31+$0x7050]  }
0x12c: {  	v22 =	vmul.f32 v22, v5;
	v28 =	vld [tilespmem:s31+$0x7060];
	v4 =	vadd.f32 v25, v4  }
.Ltmp1:
0x12d: {  	v16 =	vadd.f32 v26, v16;
	v23 =	vmul.f32 v23, v5;
	v26 =	vld [tilespmem:s31+$0x7070];
	(pc) =	sbr.rel @p0 .LBB2_5-.Ltmp1, $4  }
0x12e: {  	v15 =	vadd.f32 v22, v15;
	v22 =	vmul.f32 v24, v5;
	v25 =	vld [tilespmem:s31+$0x7400]  }
0x12f: {  	v14 =	vadd.f32 v23, v14;
	v23 =	vmul.f32 v30, v5;
	v24 =	vld [tilespmem:s31+$0x7410]  }
0x130: {  	v12 =	vadd.f32 v22, v12;
	v27 =	vmul.f32 v27, v5;
	v22 =	vld [tilespmem:s31+$0x7420]  }
0x131: {  	s6 =	sadd.s32 $0x1, s6;
	s7 =	sadd.s32 s1, s22;
	v11 =	vadd.f32 v23, v11;
	v28 =	vmul.f32 v28, v5;
	v23 =	vld [tilespmem:s31+$0x7430]  }
0x132: {  	v29 =	vmov s7;
	v30 =	vld [tilespmem:s31+$0x7440]  }
0x133: {  	s1 =	sshrl.u32 s1, $0x3;
	v31 =	vld [tilespmem:s31+$0x7450]  }
0x134: {  	v32 =	vld [tilespmem:s31+$0x7460];
	s1 =	smul.u32 $0x3000, s1  }
0x135: {  	v33 =	vld [tilespmem:s31+$0x7800];
	s6 =	sadd.s32 $0x80, s30  }
0x136: {  	v34 =	vld [tilespmem:s31+$0x7810];
	s6 =	sand.u32 $0x380, s6;
	s1 =	sshra.s32 s1, $0x2  }
0x137: {  	s1 =	sor.u32 s6, s1;
	v29 =	vld.idx.msk [tilespmem:v29+s11+$0x0], $0xffff  }
0x138: {  	v35 =	vld [tilespmem:s1+$0x7470]  }
0x139: {  	v36 =	vld [tilespmem:s1+$0x7000]  }
0x13a: {  	v37 =	vld [tilespmem:s1+$0x7010]  }
0x13b: {  	v38 =	vld [tilespmem:s1+$0x7020]  }
0x13c: {  	v39 =	vld [tilespmem:s1+$0x7030]  }
0x13d: {  	v40 =	vld [tilespmem:s1+$0x7040]  }
0x13e: {  	v41 =	vld [tilespmem:s1+$0x7050]  }
0x13f: {  	v42 =	vld [tilespmem:s1+$0x7060]  }
0x140: {  	v43 =	vld [tilespmem:s1+$0x7070]  }
0x141: {  	v44 =	vld [tilespmem:s1+$0x7400]  }
0x142: {  	v45 =	vld [tilespmem:s1+$0x7410]  }
0x143: {  	v46 =	vld [tilespmem:s1+$0x7420]  }
0x144: {  	v26 =	vmul.f32 v26, v5;
	v47 =	vld [tilespmem:s1+$0x7430]  }
0x145: {  	v17 =	vadd.f32 v27, v17;
	v21 =	vadd.f32 v28, v21;
	v48 =	vld [tilespmem:s1+$0x7440];
	v27 =	vmul.f32 v36, v29  }
0x146: {  	s0 =	sand.u32 $0x1D, s0;
	v25 =	vmul.f32 v25, v5;
	v20 =	vadd.f32 v26, v20;
	v28 =	vld [tilespmem:s1+$0x7450];
	v26 =	vmul.f32 v37, v29  }
0x147: {  	s0 =	smul.u32 $0x120, s0;
	v24 =	vmul.f32 v24, v5;
	v62 =	vld [tilespmem:s1+$0x7460];
	v16 =	vadd.f32 v27, v16;
	v27 =	vmul.f32 v38, v29  }
0x148: {  	v19 =	vadd.f32 v25, v19;
	v63 =	vld [tilespmem:s1+$0x7800];
	v25 =	vmul.f32 v39, v29;
	v15 =	vadd.f32 v26, v15  }
0x149: {  	v18 =	vadd.f32 v24, v18;
	s6 =	sor.u32 $0x10030, s0;
	v26 =	vld [tilespmem:s1+$0x7810];
	v14 =	vadd.f32 v27, v14;
	[tilespmem:s0+$0x10000] =	vst v16;
	v16 =	vmul.f32 v40, v29  }
0x14a: {  	s7 =	sadd.s32 $0x20, s0;
	v12 =	vadd.f32 v25, v12;
	[tilespmem:s6+$0x0] =	vst v15;
	v15 =	vmul.f32 v22, v5;
	v22 =	vmul.f32 v41, v29  }
0x14b: {  	s1 =	sor.u32 $0x10050, s7;
	v11 =	vadd.f32 v16, v11;
	[tilespmem:s0+$0x10020] =	vst v14;
	v14 =	vmul.f32 v23, v5;
	v16 =	vmul.f32 v42, v29  }
0x14c: {  	s9 =	sor.u32 $0x10060, s0;
	v13 =	vadd.f32 v15, v13;
	v15 =	vadd.f32 v22, v17;
	[tilespmem:s1+$0x0] =	vst v12;
	v12 =	vmul.f32 v43, v29  }
0x14d: {  	s6 =	sor.u32 $0x10070, s0;
	v10 =	vadd.f32 v14, v10;
	v14 =	vadd.f32 v16, v21;
	[tilespmem:s9+$0x0] =	vst v11;
	v11 =	vmul.f32 v44, v29  }
0x14e: {  	v16 =	vmul.f32 v45, v29;
	v12 =	vadd.f32 v12, v20;
	[tilespmem:s6+$0x0] =	vst v15;
	v15 =	vmul.f32 v30, v5  }
0x14f: {  	v17 =	vmul.f32 v46, v29;
	v11 =	vadd.f32 v11, v19;
	[tilespmem:s0+$0x10060] =	vst v14;
	v14 =	vmul.f32 v31, v5  }
0x150: {  	v9 =	vadd.f32 v15, v9;
	v15 =	vadd.f32 v16, v18;
	v16 =	vmul.f32 v47, v29;
	[tilespmem:s0+$0x10070] =	vst v12  }
0x151: {  	s1 =	sor.u32 $0x30, s0;
	v5 =	vmul.f32 v32, v5;
	v12 =	vadd.f32 v17, v13;
	v13 =	vmul.f32 v48, v29;
	[tilespmem:s0+$0x10080] =	vst v11  }
0x152: {  	s7 =	sadd.s32 $0xA0, s0;
	v8 =	vadd.f32 v14, v8;
	v11 =	vmul.f32 v28, v29;
	v10 =	vadd.f32 v16, v10;
	[tilespmem:s1+$0x10080] =	vst v15  }
0x153: {  	s6 =	sor.u32 $0x10050, s7;
	v5 =	vadd.f32 v5, v7;
	v7 =	vadd.f32 v13, v9;
	v9 =	vmul.f32 v62, v29;
	[tilespmem:s0+$0x100A0] =	vst v12  }
0x154: {  	s9 =	sadd.s32 $0xC0, s0;
	v12 =	vmul.f32 v35, v29;
	v8 =	vadd.f32 v11, v8;
	[tilespmem:s6+$0x0] =	vst v10  }
0x155: {  	v5 =	vadd.f32 v9, v5;
	s6 =	sor.u32 $0x10070, s9;
	[tilespmem:s0+$0x100C0] =	vst v7  }
0x156: {  	v4 =	vadd.f32 v12, v4;
	[tilespmem:s6+$0x0] =	vst v8  }
0x157: {  	v3 =	vmax.f32 v3, v33;
	[tilespmem:s0+$0x100E0] =	vst v5  }
0x158: {  	v3 =	vmax.f32 v3, v63;
	v5 =	vmax.f32 v6, v34;
	[tilespmem:s0+$0x100F0] =	vst v4  }
0x159: {  	s7 =	smin.u32 s28, $0xFA;
	[tilespmem:s0+$0x10100] =	vst v3;
	v4 =	vmax.f32 v5, v26  }
0x15a: {  	s0 =	sshll.u32 s7, $0x5;
	[tilespmem:s1+$0x10100] =	vst v4  }
0x15b: {  	v3 =	vld [tilespmem:s0+$0xA0];
	_ =	sdelay $0x4  }
0x15c: {  	v4 =	vshrl.u32 v3, $0x3  }
0x15d: {  	v4 =	vmul.u32 $0x18, v4  }
0x15e: {  	v3 =	vand.u32 $0x7, v3  }
0x15f: {  	v3 =	vor.u32 v3, v4  }
0x160: {  	v4 =	vperm.xlane v3, v0;
	_ =	sdelay $0x1  }
0x161: {  	v4 =	vadd.s32 v1, v4;
	_ =	sdelay $0x1  }
0x162: {  	v3 =	vperm.xlane v3, v2;
	_ =	sdelay $0x1  }
0x163: {  	s30 =	simm.s32 $0x0;
	s9 =	simm.s32 $0x7000;
	v3 =	vadd.s32 v1, v3  }
0x164: {  	[tilespmem:s9], [sflag:$0x2] =	stream.indirect_vreg.gather [hbm4b:s4+s30], $0x80, v4, vm0, $0xb8;
	[tilespmem:$0x12400] =	vst v63  }
0x165: {  	s6 =	simm.s32 $0x7800  }
0x166: {  	[tilespmem:s6], [sflag:$0x2] =	stream.indirect_vreg.gather [hbm4b:s8+s30], $0x80, v4, vm1, $0xb8;
	[tilespmem:$0x12400] =	vst v63  }
0x167: {  	s7 =	simm.s32 $0x7C00  }
0x168: {  	[tilespmem:s7], [sflag:$0x2] =	stream.indirect_vreg.gather [hbm4b:s4+s30], $0x80, v3, vm0, $0xb8;
	[tilespmem:$0x12400] =	vst v63  }
0x169: {  	s9 =	simm.s32 $0x8400  }
0x16a: {  	[tilespmem:s9], [sflag:$0x2] =	stream.indirect_vreg.gather [hbm4b:s8+s30], $0x80, v3, vm1, $0xb8;
	[tilespmem:$0x12400] =	vst v63  }
0x16b: {  	v3 =	vld [tilespmem:s0+$0xB0];
	_ =	sdelay $0x4  }
0x16c: {  	v4 =	vshrl.u32 v3, $0x3  }
0x16d: {  	v4 =	vmul.u32 $0x18, v4  }
0x16e: {  	v3 =	vand.u32 $0x7, v3  }
0x16f: {  	v3 =	vor.u32 v3, v4  }
0x170: {  	v4 =	vperm.xlane v3, v0;
	_ =	sdelay $0x1  }
0x171: {  	v4 =	vadd.s32 v1, v4;
	_ =	sdelay $0x1  }
0x172: {  	v3 =	vperm.xlane v3, v2;
	_ =	sdelay $0x1  }
0x173: {  	s1 =	simm.s32 $0x8800;
	v3 =	vadd.s32 v1, v3  }
0x174: {  	[tilespmem:s1], [sflag:$0x2] =	stream.indirect_vreg.gather [hbm4b:s4+s30], $0x80, v4, vm0, $0xb8;
	[tilespmem:$0x12400] =	vst v63  }
0x175: {  	s6 =	simm.s32 $0x9000  }
0x176: {  	[tilespmem:s6], [sflag:$0x2] =	stream.indirect_vreg.gather [hbm4b:s8+s30], $0x80, v4, vm1, $0xb8;
	[tilespmem:$0x12400] =	vst v63  }
0x177: {  	s7 =	simm.s32 $0x9400  }
0x178: {  	[tilespmem:s7], [sflag:$0x2] =	stream.indirect_vreg.gather [hbm4b:s4+s30], $0x80, v3, vm0, $0xb8;
	[tilespmem:$0x12400] =	vst v63  }
0x179: {  	s7 =	simm.s32 $0x0  }
0x17a: {  	s6 =	simm.s32 $0x9C00;
	s0 =	smul.u32 $0x3000, s7  }
0x17b: {  	[tilespmem:s6], [sflag:$0x2] =	stream.indirect_vreg.gather [hbm4b:s8+s30], $0x80, v3, vm1, $0xb8;
	[tilespmem:$0x12400] =	vst v63  }
0x17c: {  	s9 =	sadd.s32 $0x0, s23;
	_ =	swait.ge [sflag:s20], $0x3000  }
0x17d: {  	v3 =	vmov s9;
	s9 =	sand.u32 $0x380, s30;
	s0 =	sshra.s32 s0, $0x2;
	[sflag:s20] =	ssyncset.done $0x0  }
0x17e: {  	s31 =	sor.u32 s9, s0;
	[sflag:s20] =	ssyncadd.s32 $0xFFFFD000  }
0x17f: {  	v4 =	vld [tilespmem:s31+$0xA000]  }
0x180: {  	v6 =	vld [tilespmem:s31+$0xA010]  }
0x181: {  	v7 =	vld [tilespmem:s31+$0xA020]  }
0x182: {  	v5 =	vld.idx.msk [tilespmem:v3+s11+$0x0], $0xffff  }
0x183: {  	v3 =	vld [tilespmem:s31+$0xA470]  }
0x184: {  	v8 =	vld [tilespmem:s31+$0xA030]  }
0x185: {  	v10 =	vld [tilespmem:s31+$0xA050]  }
0x186: {  	v13 =	vld [tilespmem:s31+$0xA060]  }
0x187: {  	v21 =	vimm.f32 $0.0e+00;
	v20 =	vimm.f32 $0.0e+00  }
0x188: {  	v19 =	vimm.f32 $0.0e+00;
	v17 =	vimm.f32 $0.0e+00;
	v9 =	vld [tilespmem:s31+$0xA040];
	v11 =	vmul.f32 v3, v5  }
0x189: {  	v18 =	vimm.f32 $0.0e+00;
	v12 =	vmul.f32 v4, v5;
	v6 =	vmul.f32 v6, v5  }
0x18a: {  	v3 =	vimm.f32 $-Inf;
	v7 =	vmul.f32 v7, v5;
	v8 =	vmul.f32 v8, v5  }
0x18b: {  	v26 =	vld [tilespmem:s31+$0xA070];
	v27 =	vmul.f32 v10, v5;
	v28 =	vmul.f32 v13, v5;
	v4 =	vadd.f32 v11, v17  }
0x18c: {  	v25 =	vld [tilespmem:s31+$0xA400];
	v13 =	vimm.f32 $0.0e+00;
	v16 =	vadd.f32 v12, v17;
	v15 =	vadd.f32 v6, v17  }
0x18d: {  	v24 =	vld [tilespmem:s31+$0xA410];
	v6 =	vmul.f32 v9, v5;
	v14 =	vadd.f32 v7, v17;
	v12 =	vadd.f32 v8, v17  }
0x18e: {  	s1 =	simm.s32 $0x1;
	v22 =	vld [tilespmem:s31+$0xA420];
	v11 =	vimm.f32 $0.0e+00;
	v9 =	vimm.f32 $0.0e+00;
	v8 =	vimm.f32 $0.0e+00  }
0x18f: {  	s7 =	sadd.s32 $0x1, s23;
	s6 =	simm.s32 $0x2;
	s0 =	sor.u32 $0x2, s28;
	v23 =	vld [tilespmem:s31+$0xA430];
	v7 =	vimm.f32 $0.0e+00;
	v10 =	vadd.f32 v6, v17;
	v6 =	vimm.f32 $-Inf  }
.LBB2_7:
0x190: {  	p0 =	sne.s32 s6, $0x1F;
	v29 =	vmov s7;
	v17 =	vadd.f32 v27, v17;
	v26 =	vmul.f32 v26, v5;
	v27 =	vld [tilespmem:s31+$0xA440]  }
0x191: {  	s7 =	sshrl.u32 s1, $0x3;
	s1 =	smov.u32 s6;
	v21 =	vadd.f32 v28, v21;
	v25 =	vmul.f32 v25, v5;
	v28 =	vld [tilespmem:s31+$0xA450]  }
0x192: {  	s7 =	smul.u32 $0x3000, s7;
	v20 =	vadd.f32 v26, v20;
	v24 =	vmul.f32 v24, v5;
	v26 =	vld [tilespmem:s31+$0xA460]  }
0x193: {  	s30 =	sadd.s32 $0x80, s30;
	v19 =	vadd.f32 v25, v19;
	v22 =	vmul.f32 v22, v5;
	v25 =	vld [tilespmem:s31+$0xA800]  }
0x194: {  	s9 =	sand.u32 $0x380, s30;
	s7 =	sshra.s32 s7, $0x2;
	v18 =	vadd.f32 v24, v18;
	v23 =	vmul.f32 v23, v5;
	v24 =	vld [tilespmem:s31+$0xA810]  }
0x195: {  	s31 =	sor.u32 s9, s7;
	v29 =	vld.idx.msk [tilespmem:v29+s11+$0x0], $0xffff;
	v13 =	vadd.f32 v22, v13;
	v22 =	vmul.f32 v27, v5  }
0x196: {  	v27 =	vld [tilespmem:s31+$0xA470];
	v11 =	vadd.f32 v23, v11;
	v23 =	vmul.f32 v28, v5  }
0x197: {  	v28 =	vld [tilespmem:s31+$0xA000];
	v9 =	vadd.f32 v22, v9;
	v5 =	vmul.f32 v26, v5  }
0x198: {  	v22 =	vld [tilespmem:s31+$0xA010];
	v8 =	vadd.f32 v23, v8;
	v3 =	vmax.f32 v3, v25  }
0x199: {  	v23 =	vld [tilespmem:s31+$0xA020];
	v7 =	vadd.f32 v5, v7;
	v6 =	vmax.f32 v6, v24  }
0x19a: {  	v24 =	vld [tilespmem:s31+$0xA030]  }
0x19b: {  	v30 =	vld [tilespmem:s31+$0xA040];
	v25 =	vmul.f32 v27, v29;
	v5 =	vmov v29  }
0x19c: {  	v26 =	vmul.f32 v28, v5;
	v27 =	vld [tilespmem:s31+$0xA050]  }
0x19d: {  	v22 =	vmul.f32 v22, v5;
	v28 =	vld [tilespmem:s31+$0xA060];
	v4 =	vadd.f32 v25, v4  }
.Ltmp2:
0x19e: {  	v16 =	vadd.f32 v26, v16;
	v23 =	vmul.f32 v23, v5;
	v26 =	vld [tilespmem:s31+$0xA070];
	(pc) =	sbr.rel @p0 .LBB2_7-.Ltmp2, $4  }
0x19f: {  	v15 =	vadd.f32 v22, v15;
	v22 =	vmul.f32 v24, v5;
	v25 =	vld [tilespmem:s31+$0xA400]  }
0x1a0: {  	v14 =	vadd.f32 v23, v14;
	v23 =	vmul.f32 v30, v5;
	v24 =	vld [tilespmem:s31+$0xA410]  }
0x1a1: {  	v12 =	vadd.f32 v22, v12;
	v27 =	vmul.f32 v27, v5;
	v22 =	vld [tilespmem:s31+$0xA420]  }
0x1a2: {  	s6 =	sadd.s32 $0x1, s6;
	s7 =	sadd.s32 s1, s23;
	v10 =	vadd.f32 v23, v10;
	v28 =	vmul.f32 v28, v5;
	v23 =	vld [tilespmem:s31+$0xA430]  }
0x1a3: {  	v29 =	vmov s7;
	v30 =	vld [tilespmem:s31+$0xA440]  }
0x1a4: {  	s1 =	sshrl.u32 s1, $0x3;
	v31 =	vld [tilespmem:s31+$0xA450]  }
0x1a5: {  	v32 =	vld [tilespmem:s31+$0xA460];
	s1 =	smul.u32 $0x3000, s1  }
0x1a6: {  	v33 =	vld [tilespmem:s31+$0xA800];
	s6 =	sadd.s32 $0x80, s30  }
0x1a7: {  	v34 =	vld [tilespmem:s31+$0xA810];
	s6 =	sand.u32 $0x380, s6;
	s1 =	sshra.s32 s1, $0x2  }
0x1a8: {  	s1 =	sor.u32 s6, s1;
	v29 =	vld.idx.msk [tilespmem:v29+s11+$0x0], $0xffff  }
0x1a9: {  	v35 =	vld [tilespmem:s1+$0xA470]  }
0x1aa: {  	v36 =	vld [tilespmem:s1+$0xA000]  }
0x1ab: {  	v37 =	vld [tilespmem:s1+$0xA010]  }
0x1ac: {  	v38 =	vld [tilespmem:s1+$0xA020]  }
0x1ad: {  	v39 =	vld [tilespmem:s1+$0xA030]  }
0x1ae: {  	v40 =	vld [tilespmem:s1+$0xA040]  }
0x1af: {  	v41 =	vld [tilespmem:s1+$0xA050]  }
0x1b0: {  	v42 =	vld [tilespmem:s1+$0xA060]  }
0x1b1: {  	v43 =	vld [tilespmem:s1+$0xA070]  }
0x1b2: {  	v44 =	vld [tilespmem:s1+$0xA400]  }
0x1b3: {  	v45 =	vld [tilespmem:s1+$0xA410]  }
0x1b4: {  	v46 =	vld [tilespmem:s1+$0xA420]  }
0x1b5: {  	v26 =	vmul.f32 v26, v5;
	v47 =	vld [tilespmem:s1+$0xA430]  }
0x1b6: {  	v17 =	vadd.f32 v27, v17;
	v21 =	vadd.f32 v28, v21;
	v48 =	vld [tilespmem:s1+$0xA440];
	v27 =	vmul.f32 v36, v29  }
0x1b7: {  	s0 =	sand.u32 $0x1E, s0;
	v25 =	vmul.f32 v25, v5;
	v20 =	vadd.f32 v26, v20;
	v28 =	vld [tilespmem:s1+$0xA450];
	v26 =	vmul.f32 v37, v29  }
0x1b8: {  	s0 =	smul.u32 $0x120, s0;
	v24 =	vmul.f32 v24, v5;
	v62 =	vld [tilespmem:s1+$0xA460];
	v16 =	vadd.f32 v27, v16;
	v27 =	vmul.f32 v38, v29  }
0x1b9: {  	v19 =	vadd.f32 v25, v19;
	v63 =	vld [tilespmem:s1+$0xA800];
	v25 =	vmul.f32 v39, v29;
	v15 =	vadd.f32 v26, v15  }
0x1ba: {  	s7 =	sor.u32 $0x10050, s0;
	v18 =	vadd.f32 v24, v18;
	v26 =	vld [tilespmem:s1+$0xA810];
	v14 =	vadd.f32 v27, v14;
	[tilespmem:s0+$0x10000] =	vst v16;
	v16 =	vmul.f32 v40, v29  }
0x1bb: {  	s9 =	sor.u32 $0x10060, s0;
	v12 =	vadd.f32 v25, v12;
	[tilespmem:s7+$0x0] =	vst v15;
	v15 =	vmul.f32 v22, v5;
	v22 =	vmul.f32 v41, v29  }
0x1bc: {  	s6 =	sor.u32 $0x10070, s0;
	v10 =	vadd.f32 v16, v10;
	[tilespmem:s9+$0x0] =	vst v14;
	v14 =	vmul.f32 v23, v5;
	v16 =	vmul.f32 v42, v29  }
0x1bd: {  	v13 =	vadd.f32 v15, v13;
	v15 =	vadd.f32 v22, v17;
	[tilespmem:s6+$0x0] =	vst v12;
	v12 =	vmul.f32 v43, v29  }
0x1be: {  	v11 =	vadd.f32 v14, v11;
	v14 =	vadd.f32 v16, v21;
	[tilespmem:s0+$0x10040] =	vst v10;
	v10 =	vmul.f32 v44, v29  }
0x1bf: {  	v16 =	vmul.f32 v45, v29;
	v12 =	vadd.f32 v12, v20;
	[tilespmem:s0+$0x10050] =	vst v15;
	v15 =	vmul.f32 v30, v5  }
0x1c0: {  	v17 =	vmul.f32 v46, v29;
	v10 =	vadd.f32 v10, v19;
	[tilespmem:s0+$0x10060] =	vst v14;
	v14 =	vmul.f32 v31, v5  }
0x1c1: {  	v9 =	vadd.f32 v15, v9;
	v15 =	vadd.f32 v16, v18;
	v16 =	vmul.f32 v47, v29;
	[tilespmem:s0+$0x10070] =	vst v12  }
0x1c2: {  	s1 =	sor.u32 $0x50, s0;
	v5 =	vmul.f32 v32, v5;
	v12 =	vadd.f32 v17, v13;
	v13 =	vmul.f32 v48, v29;
	[tilespmem:s0+$0x10080] =	vst v10  }
0x1c3: {  	s7 =	sor.u32 $0x60, s0;
	v8 =	vadd.f32 v14, v8;
	v10 =	vadd.f32 v16, v11;
	[tilespmem:s1+$0x10080] =	vst v15  }
0x1c4: {  	s9 =	sor.u32 $0x70, s0;
	v5 =	vadd.f32 v5, v7;
	v11 =	vmul.f32 v28, v29;
	v7 =	vadd.f32 v13, v9;
	[tilespmem:s7+$0x10080] =	vst v12  }
0x1c5: {  	v3 =	vmax.f32 v3, v33;
	v9 =	vmul.f32 v62, v29;
	[tilespmem:s9+$0x10080] =	vst v10  }
0x1c6: {  	v3 =	vmax.f32 v3, v63;
	v12 =	vmul.f32 v35, v29;
	v8 =	vadd.f32 v11, v8;
	[tilespmem:s0+$0x100C0] =	vst v7  }
0x1c7: {  	v5 =	vadd.f32 v9, v5;
	[tilespmem:s0+$0x10100] =	vst v3  }
0x1c8: {  	v4 =	vadd.f32 v12, v4;
	[tilespmem:s0+$0x100D0] =	vst v8  }
0x1c9: {  	[tilespmem:s0+$0x100E0] =	vst v5;
	v5 =	vmax.f32 v6, v34  }
0x1ca: {  	s7 =	smin.u32 s28, $0xF9;
	[tilespmem:s0+$0x100F0] =	vst v4;
	v4 =	vmax.f32 v5, v26  }
0x1cb: {  	s0 =	sshll.u32 s7, $0x5;
	[tilespmem:s1+$0x10100] =	vst v4  }
0x1cc: {  	v3 =	vld [tilespmem:s0+$0xC0];
	_ =	sdelay $0x4  }
0x1cd: {  	v4 =	vshrl.u32 v3, $0x3  }
0x1ce: {  	v4 =	vmul.u32 $0x18, v4  }
0x1cf: {  	v3 =	vand.u32 $0x7, v3  }
0x1d0: {  	v3 =	vor.u32 v3, v4  }
0x1d1: {  	v4 =	vperm.xlane v3, v0;
	_ =	sdelay $0x1  }
0x1d2: {  	v4 =	vadd.s32 v1, v4;
	_ =	sdelay $0x1  }
0x1d3: {  	v3 =	vperm.xlane v3, v2;
	_ =	sdelay $0x1  }
0x1d4: {  	s30 =	simm.s32 $0x0;
	s9 =	simm.s32 $0xA000;
	v3 =	vadd.s32 v1, v3  }
0x1d5: {  	[tilespmem:s9], [sflag:$0x3] =	stream.indirect_vreg.gather [hbm4b:s4+s30], $0x80, v4, vm0, $0xb8;
	[tilespmem:$0x12400] =	vst v63  }
0x1d6: {  	s6 =	simm.s32 $0xA800  }
0x1d7: {  	[tilespmem:s6], [sflag:$0x3] =	stream.indirect_vreg.gather [hbm4b:s8+s30], $0x80, v4, vm1, $0xb8;
	[tilespmem:$0x12400] =	vst v63  }
0x1d8: {  	s7 =	simm.s32 $0xAC00  }
0x1d9: {  	[tilespmem:s7], [sflag:$0x3] =	stream.indirect_vreg.gather [hbm4b:s4+s30], $0x80, v3, vm0, $0xb8;
	[tilespmem:$0x12400] =	vst v63  }
0x1da: {  	s9 =	simm.s32 $0xB400  }
0x1db: {  	[tilespmem:s9], [sflag:$0x3] =	stream.indirect_vreg.gather [hbm4b:s8+s30], $0x80, v3, vm1, $0xb8;
	[tilespmem:$0x12400] =	vst v63  }
0x1dc: {  	v3 =	vld [tilespmem:s0+$0xD0];
	_ =	sdelay $0x4  }
0x1dd: {  	v4 =	vshrl.u32 v3, $0x3  }
0x1de: {  	v4 =	vmul.u32 $0x18, v4  }
0x1df: {  	v3 =	vand.u32 $0x7, v3  }
0x1e0: {  	v3 =	vor.u32 v3, v4  }
0x1e1: {  	v4 =	vperm.xlane v3, v0;
	_ =	sdelay $0x1  }
0x1e2: {  	v4 =	vadd.s32 v1, v4;
	_ =	sdelay $0x1  }
0x1e3: {  	v3 =	vperm.xlane v3, v2;
	_ =	sdelay $0x1  }
0x1e4: {  	s1 =	simm.s32 $0xB800;
	v3 =	vadd.s32 v1, v3  }
0x1e5: {  	[tilespmem:s1], [sflag:$0x3] =	stream.indirect_vreg.gather [hbm4b:s4+s30], $0x80, v4, vm0, $0xb8;
	[tilespmem:$0x12400] =	vst v63  }
0x1e6: {  	s6 =	simm.s32 $0xC000  }
0x1e7: {  	[tilespmem:s6], [sflag:$0x3] =	stream.indirect_vreg.gather [hbm4b:s8+s30], $0x80, v4, vm1, $0xb8;
	[tilespmem:$0x12400] =	vst v63  }
0x1e8: {  	s7 =	simm.s32 $0xC400  }
0x1e9: {  	[tilespmem:s7], [sflag:$0x3] =	stream.indirect_vreg.gather [hbm4b:s4+s30], $0x80, v3, vm0, $0xb8;
	[tilespmem:$0x12400] =	vst v63  }
0x1ea: {  	s7 =	simm.s32 $0x0  }
0x1eb: {  	s6 =	simm.s32 $0xCC00;
	s0 =	smul.u32 $0x3000, s7  }
0x1ec: {  	[tilespmem:s6], [sflag:$0x3] =	stream.indirect_vreg.gather [hbm4b:s8+s30], $0x80, v3, vm1, $0xb8;
	[tilespmem:$0x12400] =	vst v63  }
0x1ed: {  	s9 =	sadd.s32 $0x0, s24;
	_ =	swait.ge [sflag:s21], $0x3000  }
0x1ee: {  	v3 =	vmov s9;
	s9 =	sand.u32 $0x380, s30;
	s0 =	sshra.s32 s0, $0x2;
	[sflag:s21] =	ssyncset.done $0x0  }
0x1ef: {  	s31 =	sor.u32 s9, s0;
	[sflag:s21] =	ssyncadd.s32 $0xFFFFD000  }
0x1f0: {  	v4 =	vld [tilespmem:s31+$0xD000]  }
0x1f1: {  	v6 =	vld [tilespmem:s31+$0xD010]  }
0x1f2: {  	v7 =	vld [tilespmem:s31+$0xD020]  }
0x1f3: {  	v5 =	vld.idx.msk [tilespmem:v3+s11+$0x0], $0xffff  }
0x1f4: {  	v3 =	vld [tilespmem:s31+$0xD470]  }
0x1f5: {  	v8 =	vld [tilespmem:s31+$0xD030]  }
0x1f6: {  	v10 =	vld [tilespmem:s31+$0xD050]  }
0x1f7: {  	v12 =	vld [tilespmem:s31+$0xD060]  }
0x1f8: {  	v21 =	vimm.f32 $0.0e+00;
	v20 =	vimm.f32 $0.0e+00  }
0x1f9: {  	v19 =	vimm.f32 $0.0e+00;
	v17 =	vimm.f32 $0.0e+00;
	v9 =	vld [tilespmem:s31+$0xD040];
	v11 =	vmul.f32 v3, v5  }
0x1fa: {  	v18 =	vimm.f32 $0.0e+00;
	v13 =	vmul.f32 v4, v5;
	v6 =	vmul.f32 v6, v5  }
0x1fb: {  	v14 =	vimm.f32 $0.0e+00;
	v7 =	vmul.f32 v7, v5;
	v8 =	vmul.f32 v8, v5  }
0x1fc: {  	v26 =	vld [tilespmem:s31+$0xD070];
	v3 =	vimm.f32 $-Inf;
	v27 =	vmul.f32 v10, v5;
	v28 =	vmul.f32 v12, v5  }
0x1fd: {  	v25 =	vld [tilespmem:s31+$0xD400];
	v12 =	vimm.f32 $0.0e+00;
	v4 =	vadd.f32 v11, v17;
	v16 =	vadd.f32 v13, v17  }
0x1fe: {  	v24 =	vld [tilespmem:s31+$0xD410];
	v15 =	vadd.f32 v6, v17;
	v6 =	vmul.f32 v9, v5;
	v13 =	vadd.f32 v7, v17  }
0x1ff: {  	s1 =	simm.s32 $0x1;
	v22 =	vld [tilespmem:s31+$0xD420];
	v11 =	vadd.f32 v8, v17;
	v9 =	vimm.f32 $0.0e+00;
	v8 =	vimm.f32 $0.0e+00  }
0x200: {  	s7 =	sadd.s32 $0x1, s24;
	s6 =	simm.s32 $0x2;
	s0 =	sor.u32 $0x3, s28;
	v23 =	vld [tilespmem:s31+$0xD430];
	v7 =	vimm.f32 $0.0e+00;
	v10 =	vadd.f32 v6, v17;
	v6 =	vimm.f32 $-Inf  }
.LBB2_9:
0x201: {  	p0 =	sne.s32 s6, $0x1F;
	v29 =	vmov s7;
	v17 =	vadd.f32 v27, v17;
	v26 =	vmul.f32 v26, v5;
	v27 =	vld [tilespmem:s31+$0xD440]  }
0x202: {  	s7 =	sshrl.u32 s1, $0x3;
	s1 =	smov.u32 s6;
	v21 =	vadd.f32 v28, v21;
	v25 =	vmul.f32 v25, v5;
	v28 =	vld [tilespmem:s31+$0xD450]  }
0x203: {  	s7 =	smul.u32 $0x3000, s7;
	v20 =	vadd.f32 v26, v20;
	v24 =	vmul.f32 v24, v5;
	v26 =	vld [tilespmem:s31+$0xD460]  }
0x204: {  	s30 =	sadd.s32 $0x80, s30;
	v19 =	vadd.f32 v25, v19;
	v22 =	vmul.f32 v22, v5;
	v25 =	vld [tilespmem:s31+$0xD800]  }
0x205: {  	s9 =	sand.u32 $0x380, s30;
	s7 =	sshra.s32 s7, $0x2;
	v18 =	vadd.f32 v24, v18;
	v23 =	vmul.f32 v23, v5;
	v24 =	vld [tilespmem:s31+$0xD810]  }
0x206: {  	s31 =	sor.u32 s9, s7;
	v29 =	vld.idx.msk [tilespmem:v29+s11+$0x0], $0xffff;
	v14 =	vadd.f32 v22, v14;
	v22 =	vmul.f32 v27, v5  }
0x207: {  	v27 =	vld [tilespmem:s31+$0xD470];
	v12 =	vadd.f32 v23, v12;
	v23 =	vmul.f32 v28, v5  }
0x208: {  	v28 =	vld [tilespmem:s31+$0xD000];
	v9 =	vadd.f32 v22, v9;
	v5 =	vmul.f32 v26, v5  }
0x209: {  	v22 =	vld [tilespmem:s31+$0xD010];
	v8 =	vadd.f32 v23, v8;
	v3 =	vmax.f32 v3, v25  }
0x20a: {  	v23 =	vld [tilespmem:s31+$0xD020];
	v7 =	vadd.f32 v5, v7;
	v6 =	vmax.f32 v6, v24  }
0x20b: {  	v24 =	vld [tilespmem:s31+$0xD030]  }
0x20c: {  	v30 =	vld [tilespmem:s31+$0xD040];
	v25 =	vmul.f32 v27, v29;
	v5 =	vmov v29  }
0x20d: {  	v26 =	vmul.f32 v28, v5;
	v27 =	vld [tilespmem:s31+$0xD050]  }
0x20e: {  	v22 =	vmul.f32 v22, v5;
	v28 =	vld [tilespmem:s31+$0xD060];
	v4 =	vadd.f32 v25, v4  }
.Ltmp3:
0x20f: {  	v16 =	vadd.f32 v26, v16;
	v23 =	vmul.f32 v23, v5;
	v26 =	vld [tilespmem:s31+$0xD070];
	(pc) =	sbr.rel @p0 .LBB2_9-.Ltmp3, $4  }
0x210: {  	v15 =	vadd.f32 v22, v15;
	v22 =	vmul.f32 v24, v5;
	v25 =	vld [tilespmem:s31+$0xD400]  }
0x211: {  	v13 =	vadd.f32 v23, v13;
	v23 =	vmul.f32 v30, v5;
	v24 =	vld [tilespmem:s31+$0xD410]  }
0x212: {  	v11 =	vadd.f32 v22, v11;
	v27 =	vmul.f32 v27, v5;
	v22 =	vld [tilespmem:s31+$0xD420]  }
0x213: {  	s6 =	sadd.s32 $0x1, s6;
	s7 =	sadd.s32 s1, s24;
	v10 =	vadd.f32 v23, v10;
	v28 =	vmul.f32 v28, v5;
	v23 =	vld [tilespmem:s31+$0xD430]  }
0x214: {  	v29 =	vmov s7;
	v30 =	vld [tilespmem:s31+$0xD440]  }
0x215: {  	s1 =	sshrl.u32 s1, $0x3;
	v31 =	vld [tilespmem:s31+$0xD450]  }
0x216: {  	v32 =	vld [tilespmem:s31+$0xD460];
	s1 =	smul.u32 $0x3000, s1  }
0x217: {  	v33 =	vld [tilespmem:s31+$0xD800];
	s6 =	sadd.s32 $0x80, s30  }
0x218: {  	v34 =	vld [tilespmem:s31+$0xD810];
	s6 =	sand.u32 $0x380, s6;
	s1 =	sshra.s32 s1, $0x2  }
0x219: {  	s1 =	sor.u32 s6, s1;
	v29 =	vld.idx.msk [tilespmem:v29+s11+$0x0], $0xffff  }
0x21a: {  	v35 =	vld [tilespmem:s1+$0xD470]  }
0x21b: {  	v36 =	vld [tilespmem:s1+$0xD000]  }
0x21c: {  	v37 =	vld [tilespmem:s1+$0xD010]  }
0x21d: {  	v38 =	vld [tilespmem:s1+$0xD020]  }
0x21e: {  	v39 =	vld [tilespmem:s1+$0xD030]  }
0x21f: {  	v40 =	vld [tilespmem:s1+$0xD040]  }
0x220: {  	v41 =	vld [tilespmem:s1+$0xD050]  }
0x221: {  	v42 =	vld [tilespmem:s1+$0xD060]  }
0x222: {  	v43 =	vld [tilespmem:s1+$0xD070]  }
0x223: {  	v44 =	vld [tilespmem:s1+$0xD400]  }
0x224: {  	v45 =	vld [tilespmem:s1+$0xD410]  }
0x225: {  	v46 =	vld [tilespmem:s1+$0xD420]  }
0x226: {  	v26 =	vmul.f32 v26, v5;
	v47 =	vld [tilespmem:s1+$0xD430]  }
0x227: {  	v17 =	vadd.f32 v27, v17;
	v21 =	vadd.f32 v28, v21;
	v48 =	vld [tilespmem:s1+$0xD440];
	v56 =	vmul.f32 v36, v29  }
0x228: {  	s0 =	sand.u32 $0x1F, s0;
	v25 =	vmul.f32 v25, v5;
	v20 =	vadd.f32 v26, v20;
	v57 =	vld [tilespmem:s1+$0xD450];
	v58 =	vmul.f32 v37, v29  }
0x229: {  	s0 =	smul.u32 $0x120, s0;
	v24 =	vmul.f32 v24, v5;
	v59 =	vld [tilespmem:s1+$0xD460];
	v60 =	vmul.f32 v38, v29;
	v16 =	vadd.f32 v56, v16  }
0x22a: {  	v19 =	vadd.f32 v25, v19;
	v62 =	vld [tilespmem:s1+$0xD810];
	v61 =	vmul.f32 v39, v29;
	v15 =	vadd.f32 v58, v15  }
0x22b: {  	s30 =	sor.u32 $0x10070, s0;
	v18 =	vadd.f32 v24, v18;
	v37 =	vld [tilespmem:s1+$0xD800];
	v63 =	vmul.f32 v40, v29;
	v13 =	vadd.f32 v60, v13;
	[tilespmem:s0+$0x10000] =	vst v16  }
0x22c: {  	v24 =	vmul.f32 v22, v5;
	v25 =	vmul.f32 v41, v29;
	v11 =	vadd.f32 v61, v11;
	[tilespmem:s30+$0x0] =	vst v15  }
0x22d: {  	v27 =	vmul.f32 v23, v5;
	v38 =	vmul.f32 v42, v29;
	v10 =	vadd.f32 v63, v10;
	[tilespmem:s0+$0x10020] =	vst v13  }
0x22e: {  	v52 =	vmul.f32 v32, v5;
	v40 =	vmul.f32 v43, v29;
	v39 =	vadd.f32 v25, v17;
	[tilespmem:s0+$0x10030] =	vst v11  }
0x22f: {  	s31 =	sor.u32 $0x30, s0;
	v14 =	vadd.f32 v24, v14;
	v42 =	vmul.f32 v44, v29;
	v41 =	vadd.f32 v38, v21;
	[tilespmem:s0+$0x10040] =	vst v10  }
0x230: {  	s7 =	sadd.s32 $0x60, s0;
	v12 =	vadd.f32 v27, v12;
	v44 =	vmul.f32 v45, v29;
	v11 =	vadd.f32 v40, v20;
	[tilespmem:s31+$0x10040] =	vst v39  }
0x231: {  	s6 =	sor.u32 $0x10050, s7;
	v43 =	vmul.f32 v30, v5;
	v49 =	vmul.f32 v46, v29;
	v10 =	vadd.f32 v42, v19;
	[tilespmem:s0+$0x10060] =	vst v41  }
0x232: {  	v45 =	vmul.f32 v31, v5;
	v51 =	vmul.f32 v47, v29;
	v50 =	vadd.f32 v44, v18;
	[tilespmem:s6+$0x0] =	vst v11  }
0x233: {  	s9 =	sor.u32 $0x70, s0;
	v54 =	vmul.f32 v48, v29;
	v9 =	vadd.f32 v43, v9;
	v53 =	vadd.f32 v49, v14;
	[tilespmem:s0+$0x10080] =	vst v10  }
0x234: {  	v8 =	vadd.f32 v45, v8;
	v55 =	vadd.f32 v51, v12;
	v56 =	vmul.f32 v57, v29;
	[tilespmem:s9+$0x10080] =	vst v50  }
0x235: {  	v5 =	vadd.f32 v52, v7;
	v58 =	vmul.f32 v59, v29;
	v57 =	vadd.f32 v54, v9;
	[tilespmem:s0+$0x100A0] =	vst v53  }
0x236: {  	v59 =	vmul.f32 v35, v29;
	v8 =	vadd.f32 v56, v8;
	[tilespmem:s0+$0x100B0] =	vst v55  }
0x237: {  	v5 =	vadd.f32 v58, v5;
	[tilespmem:s0+$0x100C0] =	vst v57  }
0x238: {  	v4 =	vadd.f32 v59, v4;
	s30 =	sadd.s32 $0xE0, s0;
	[tilespmem:s31+$0x100C0] =	vst v8  }
0x239: {  	v3 =	vmax.f32 v3, v33;
	s1 =	sor.u32 $0x10050, s30;
	[tilespmem:s0+$0x100E0] =	vst v5  }
0x23a: {  	v60 =	vmax.f32 v6, v34;
	v3 =	vmax.f32 v3, v37;
	[tilespmem:s1+$0x0] =	vst v4  }
0x23b: {  	v61 =	vmax.f32 v60, v62;
	s31 =	smin.u32 s28, $0xF8;
	[tilespmem:s0+$0x10100] =	vst v3  }
0x23c: {  	s0 =	sshll.u32 s31, $0x5;
	[tilespmem:s9+$0x10100] =	vst v61  }
0x23d: {  	v3 =	vld [tilespmem:s0+$0xE0];
	_ =	sdelay $0x4  }
0x23e: {  	v62 =	vshrl.u32 v3, $0x3  }
0x23f: {  	v4 =	vmul.u32 $0x18, v62  }
0x240: {  	v3 =	vand.u32 $0x7, v3  }
0x241: {  	v3 =	vor.u32 v3, v4  }
0x242: {  	v4 =	vperm.xlane v3, v0;
	_ =	sdelay $0x1  }
0x243: {  	v4 =	vadd.s32 v1, v4;
	_ =	sdelay $0x1  }
0x244: {  	v3 =	vperm.xlane v3, v2;
	_ =	sdelay $0x1  }
0x245: {  	v3 =	vadd.s32 v1, v3  }
0x246: {  	[tilespmem:s10], [sflag:$0x4] =	stream.indirect_vreg.gather [hbm4b:s4+s3], $0x80, v4, vm0, $0xb8;
	[tilespmem:$0x12400] =	vst v63  }
0x247: {  	_ = 	snop  }
0x248: {  	[tilespmem:s2], [sflag:$0x4] =	stream.indirect_vreg.gather [hbm4b:s8+s3], $0x80, v4, vm1, $0xb8;
	[tilespmem:$0x12400] =	vst v63  }
0x249: {  	_ = 	snop  }
0x24a: {  	[tilespmem:s12], [sflag:$0x4] =	stream.indirect_vreg.gather [hbm4b:s4+s3], $0x80, v3, vm0, $0xb8;
	[tilespmem:$0x12400] =	vst v63  }
0x24b: {  	_ = 	snop  }
0x24c: {  	[tilespmem:s13], [sflag:$0x4] =	stream.indirect_vreg.gather [hbm4b:s8+s3], $0x80, v3, vm1, $0xb8;
	[tilespmem:$0x12400] =	vst v63  }
0x24d: {  	v3 =	vld [tilespmem:s0+$0xF0];
	_ =	sdelay $0x4  }
0x24e: {  	v63 =	vshrl.u32 v3, $0x3  }
0x24f: {  	v4 =	vmul.u32 $0x18, v63  }
0x250: {  	v3 =	vand.u32 $0x7, v3  }
0x251: {  	v3 =	vor.u32 v3, v4  }
0x252: {  	v4 =	vperm.xlane v3, v0;
	_ =	sdelay $0x1  }
0x253: {  	v4 =	vadd.s32 v1, v4;
	_ =	sdelay $0x1  }
0x254: {  	v3 =	vperm.xlane v3, v2  }
0x255: {  	p0 =	sne.s32 s29, $0x1C  }
0x256: {  	s0 =	sadd.s32 @!p0 s5, s28;
	v3 =	vadd.s32 v1, v3  }
0x257: {  	[tilespmem:s14], [sflag:$0x4] =	stream.indirect_vreg.gather [hbm4b:s4+s3], $0x80, v4, vm0, $0xb8;
	[tilespmem:$0x12400] =	vst v63  }
0x258: {  	s0 =	smul.u32 @!p0 $0x120, s0  }
0x259: {  	[tilespmem:s15], [sflag:$0x4] =	stream.indirect_vreg.gather [hbm4b:s8+s3], $0x80, v4, vm1, $0xb8;
	[tilespmem:$0x12400] =	vst v63  }
0x25a: {  	s0 =	sadd.s32 @!p0 $0xFFFFE080, s0  }
0x25b: {  	[tilespmem:s16], [sflag:$0x4] =	stream.indirect_vreg.gather [hbm4b:s4+s3], $0x80, v3, vm0, $0xb8;
	[tilespmem:$0x12400] =	vst v63  }
0x25c: {  	s1 =	rddreg [dreg:$0x1];
	s0 =	sshrl.u32 @!p0 s0, $0x3  }
0x25d: {  	[tilespmem:s17], [sflag:$0x4] =	stream.indirect_vreg.gather [hbm4b:s8+s3], $0x80, v3, vm1, $0xb8;
	[tilespmem:$0x12400] =	vst v63  }
0x25e: {  	s6 =	simm.s32 @!p0 $0x10000;
	s0 =	sadd.s32 @!p0 s1, s0;
	s1 =	simm.s32 @!p0 $0x0  }
0x25f: {  	[hbm4b:s0+s1] =	stream.linear.scatter @!p0 [tilespmem:s6], [sflag:$0x5], $0x2400, $0x38;
	[tilespmem:$0x12400] =	vst v63  }
0x260: {  	s0 =	simm.s32 @!p0 $0x5  }
0x261: {  	_ =	swait.ge @!p0 [sflag:s0], $0x2400  }
0x262: {  	s26 =	sadd.s32 $0x1, s26;
	[sflag:s0] =	ssyncset.done @!p0 $0x0  }
0x263: {  	[sflag:s0] =	ssyncadd.s32 @!p0 $0xFFFFDC00;
	p0 =	sne.s32 s26, $0x40  }
.Ltmp4:
0x264: {  	_ = 	snop;
	(pc) =	sbr.rel @p0 .LBB2_2-.Ltmp4, $3  }
0x265: {  	_ =	sdelay $0x1  }
0x266: {  	s25 =	sadd.s32 $0x80, s25  }
0x267: {  	s22 =	sadd.s32 $0x80, s22;
	s23 =	sadd.s32 $0x80, s23;
	s24 =	sadd.s32 $0x80, s24  }
0x268: {  	_ =	swait.ge [sflag:s18], $0x3000  }
0x269: {  	[sflag:s18] =	ssyncset.done $0x0  }
0x26a: {  	[sflag:s18] =	ssyncadd.s32 $0xFFFFD000  }
0x26b: {  	_ =	swait.ge [sflag:s19], $0x3000  }
0x26c: {  	[sflag:s19] =	ssyncset.done $0x0  }
0x26d: {  	[sflag:s19] =	ssyncadd.s32 $0xFFFFD000  }
0x26e: {  	_ =	swait.ge [sflag:s20], $0x3000  }
0x26f: {  	[sflag:s20] =	ssyncset.done $0x0  }
0x270: {  	[sflag:s20] =	ssyncadd.s32 $0xFFFFD000  }
0x271: {  	_ =	swait.ge [sflag:s21], $0x3000  }
0x272: {  	s1 =	rddreg [dreg:$0x6]  }
0x273: {  	s0 =	rddreg [dreg:$0x5];
	s1 =	sadd.s32 $0x1, s1  }
0x274: {  	p0 =	sne.s32 s1, s0  }
.Ltmp5:
0x275: {  	_ = 	snop;
	(pc) =	sbr.rel @p0 .LBB2_1-.Ltmp5, $3  }
0x276: {  	_ =	sdelay $0x1  }
0x277: {  	[sflag:s21] =	ssyncset.done $0x0  }
0x278: {  	[sflag:s21] =	ssyncadd.s32 $0xFFFFD000  }
0x279: {  	_ =	sfence.sel $0x180000  }
0x27a: {  	[bflag:$0x0] =	sbarrier.arrive $0xFFFF  }
0x27b: {  	_ =	strace $0x9000004A  }
0x27c: {  	s0 =	stileid.u32;
	[bflag:$0x2] =	sbarrier.arrive $0xFFFF  }
0x27d: {  	p0 =	sne.s32 s0, $0x0;
	s0 =	rddreg [dreg:$0x2]  }
0x27e: {  	s0 =	sadd.s32 @!p0 $0x100000, s0  }
0x27f: {  	[sflag:s0] =	ssyncadd.tile.s32 @!p0 $0x1;
	_ =	shalt  }
.Lfunc_end2:
_tile_overlayer_lowered:
.L_overlay_start_2:
0x280: {  	(tag) =	ssettag $0x2  }
0x281: {  	s0 =	rddreg [dreg:$0x0];
	s2 =	stileid.u32  }
0x282: {  	s1 =	rddreg [dreg:$0x1];
	p0 =	sne.s32 s2, $0x0  }
0x283: {  	s3 =	rddreg [dreg:$0x2];
	[bflag:$0x3] =	sbarrier.arrive $0xFFFF;
	s2 =	simm.s32 @!p0 $0x1C05  }
0x284: {  	[timem:s3], [sflag:s2] =	dma.local @!p0 [hbm:s0], s1  }
0x285: {  	s0 =	simm.s32 @!p0 $0x5  }
0x286: {  	_ =	swait.ge @!p0 [sflag:s0], s1  }
0x287: {  	s1 =	ssub.s32 @!p0 $0x0, s1;
	[sflag:s0] =	ssyncset.done @!p0 $0x0  }
0x288: {  	[sflag:s0] =	ssyncadd.s32 @!p0 s1  }
0x289: {  	[bflag:$0x3] =	sbarrier.arrive $0xFFFF  }
0x28a: {  	_ =	shalt  }

</sc_bundles>
